<compile_context>
chip_gen: v7x
topology: tpu7x:2x2x1
jax: 0.10.2.dev20260603
libtpu: 0.0.44.dev20260713+nightly
codegen_flags: <defaults>
</compile_context>

<pallas_src>
import functools

import jax
import jax.numpy as jnp
from jax import lax
from jax.experimental import pallas as pl
from jax.experimental.pallas import tpu as pltpu
from jax.experimental.pallas import tpu_sc as plsc

GRID_SIZE = 4
SPLINE_ORDER = 3
COEFF = GRID_SIZE + SPLINE_ORDER
NKNOT = GRID_SIZE + 2 * SPLINE_ORDER + 1
H = 2.0 / GRID_SIZE
G0 = -1.0 - SPLINE_ORDER * H

NC = 2
NS = 16
NW = NC * NS
L = 16


def _knot(j):
    return G0 + H * j


def _bspline_features(u):
    tc = (u - G0) * (1.0 / H)
    i = jnp.floor(tc)
    t = (tc - i).astype(jnp.bfloat16)
    t2 = t * t
    t3 = t2 * t
    sixth = jnp.bfloat16(1.0 / 6.0)
    c0 = t3 * sixth
    c1 = (jnp.bfloat16(-3.0) * t3 + jnp.bfloat16(3.0) * t2
          + jnp.bfloat16(3.0) * t + jnp.bfloat16(1.0)) * sixth
    c2 = (jnp.bfloat16(3.0) * t3 - jnp.bfloat16(6.0) * t2
          + jnp.bfloat16(4.0)) * sixth
    c3 = (jnp.bfloat16(1.0) - t)
    c3 = c3 * c3 * c3 * sixth
    cs = (c0, c1, c2, c3)
    ib = i.astype(jnp.bfloat16)
    zero = jnp.zeros_like(c0)
    out = []
    for j in range(COEFF):
        b = zero
        for d in range(4):
            b = jnp.where(ib == jnp.bfloat16(j + d), cs[d], b)
        out.append(b)
    return out




def _ctx_kernel_body(ctx_ref, aw_ref, ncw_t_ref, cb_ref, wu_t_ref, ub_ref,
                     out_ref, acc_ref):
    i = pl.program_id(0)
    n = pl.num_programs(0)

    @pl.when(i == 0)
    def _():
        acc_ref[...] = jnp.zeros_like(acc_ref)

    acc_ref[...] += jnp.sum(ctx_ref[...] * aw_ref[...], axis=0,
                            keepdims=True)

    @pl.when(i == n - 1)
    def _():
        p_total = n * ctx_ref.shape[0]
        agg = acc_ref[...] / jnp.float32(p_total)
        ctx_t = jnp.dot(agg, ncw_t_ref[...],
                        preferred_element_type=jnp.float32) + cb_ref[...]
        out_ref[...] = jnp.dot(ctx_t, wu_t_ref[...],
                               preferred_element_type=jnp.float32) + ub_ref[...]


def _ctx_reduce(ctx, aw, ncw_t, cb, wu_t, ub):
    P = ctx.shape[0]
    blk = 2048
    grid = P // blk
    return pl.pallas_call(
        _ctx_kernel_body,
        grid=(grid,),
        in_specs=[
            pl.BlockSpec((blk, 256), lambda i: (i, 0)),
            pl.BlockSpec((blk, 1), lambda i: (i, 0)),
            pl.BlockSpec((256, 512), lambda i: (0, 0)),
            pl.BlockSpec((1, 512), lambda i: (0, 0)),
            pl.BlockSpec((512, 256), lambda i: (0, 0)),
            pl.BlockSpec((1, 256), lambda i: (0, 0)),
        ],
        out_specs=pl.BlockSpec((1, 256), lambda i: (0, 0)),
        out_shape=jax.ShapeDtypeStruct((1, 256), jnp.float32),
        scratch_shapes=[pltpu.VMEM((1, 256), jnp.float32)],
        compiler_params=pltpu.CompilerParams(
            dimension_semantics=("arbitrary",)),
    )(ctx, aw, ncw_t, cb, wu_t, ub)


def _node_kernel_body(x_ref, w2_ref, c2_ref, wcat_ref, out_ref):
    u = jnp.dot(x_ref[...], w2_ref[...],
                preferred_element_type=jnp.float32) + c2_ref[...]
    sil = (u * jax.nn.sigmoid(u)).astype(jnp.bfloat16)
    feats = jnp.concatenate([sil] + _bspline_features(u), axis=1)
    out_ref[...] = jnp.dot(feats, wcat_ref[...],
                           preferred_element_type=jnp.float32)


def _node_dense(x, w2, c2, wcat):
    B = x.shape[0]
    bm = 512
    grid = B // bm
    return pl.pallas_call(
        _node_kernel_body,
        grid=(grid,),
        in_specs=[
            pl.BlockSpec((bm, 256), lambda i: (i, 0)),
            pl.BlockSpec((256, 256), lambda i: (0, 0)),
            pl.BlockSpec((1, 256), lambda i: (0, 0)),
            pl.BlockSpec((2048, 256), lambda i: (0, 0)),
        ],
        out_specs=pl.BlockSpec((bm, 256), lambda i: (i, 0)),
        out_shape=jax.ShapeDtypeStruct((B, 256), jnp.float32),
        compiler_params=pltpu.CompilerParams(
            dimension_semantics=("arbitrary",)),
    )(x, w2, c2, wcat)


def _pair_kernel_body(s_ref, o_ref, ctx_ref, pcw_t_ref, pcb_ref, wcat_ref,
                      out_ref):
    ct = jnp.dot(ctx_ref[...], pcw_t_ref[...],
                 preferred_element_type=jnp.float32) + pcb_ref[...]
    p_in = jnp.concatenate([s_ref[...], o_ref[...], ct], axis=1)
    sil = (p_in * jax.nn.sigmoid(p_in)).astype(jnp.bfloat16)
    feats = jnp.concatenate([sil] + _bspline_features(p_in), axis=1)
    out_ref[...] = jnp.dot(feats, wcat_ref[...],
                           preferred_element_type=jnp.float32)


def _pair_dense(subj, obj, ctx, pcw_t, pcb, wcat):
    P = subj.shape[0]
    bm = 512
    grid = P // bm
    return pl.pallas_call(
        _pair_kernel_body,
        grid=(grid,),
        in_specs=[
            pl.BlockSpec((bm, 256), lambda i: (i, 0)),
            pl.BlockSpec((bm, 256), lambda i: (i, 0)),
            pl.BlockSpec((bm, 256), lambda i: (i, 0)),
            pl.BlockSpec((256, 256), lambda i: (0, 0)),
            pl.BlockSpec((1, 256), lambda i: (0, 0)),
            pl.BlockSpec((6144, 256), lambda i: (0, 0)),
        ],
        out_specs=pl.BlockSpec((bm, 256), lambda i: (i, 0)),
        out_shape=jax.ShapeDtypeStruct((P, 256), jnp.float32),
        compiler_params=pltpu.CompilerParams(
            dimension_semantics=("arbitrary",)),
    )(subj, obj, ctx, pcw_t, pcb, wcat)



@functools.cache
def _sc_mesh():
    return plsc.VectorSubcoreMesh(core_axis_name="c", subcore_axis_name="s")


_GCHUNK = 128


def _sc_gather2(table, idx_a, idx_b):
    B = idx_a.shape[0]
    D = table.shape[1]
    b_per_w = B // NW
    n_chunks = b_per_w // _GCHUNK

    @functools.partial(
        pl.kernel, mesh=_sc_mesh(),
        out_type=(jax.ShapeDtypeStruct((B, D), jnp.float32),
                  jax.ShapeDtypeStruct((B, D), jnp.float32)),
        scratch_types=[
            pltpu.VMEM((_GCHUNK,), jnp.int32),
            pltpu.VMEM((_GCHUNK, D), jnp.float32),
            pltpu.SemaphoreType.DMA,
        ],
    )
    def k(table_hbm, ia_hbm, ib_hbm, oa_hbm, ob_hbm, idx_v, rows_v, sem):
        wid = lax.axis_index("s") * NC + lax.axis_index("c")
        base = wid * b_per_w

        def one(i_hbm, o_hbm):
            def body(c, _):
                off = base + c * _GCHUNK
                pltpu.sync_copy(i_hbm.at[pl.ds(off, _GCHUNK)], idx_v)
                pltpu.async_copy(table_hbm.at[idx_v], rows_v, sem).wait()
                pltpu.sync_copy(rows_v, o_hbm.at[pl.ds(off, _GCHUNK)])
                return 0
            lax.fori_loop(0, n_chunks, body, 0)

        one(ia_hbm, oa_hbm)
        one(ib_hbm, ob_hbm)

    return k(table, idx_a, idx_b)


def _sc_gather1(table, idx):
    B = idx.shape[0]
    D = table.shape[1]
    b_per_w = B // NW
    n_chunks = b_per_w // _GCHUNK

    @functools.partial(
        pl.kernel, mesh=_sc_mesh(),
        out_type=jax.ShapeDtypeStruct((B, D), jnp.float32),
        scratch_types=[
            pltpu.VMEM((_GCHUNK,), jnp.int32),
            pltpu.VMEM((_GCHUNK, D), jnp.float32),
            pltpu.SemaphoreType.DMA,
        ],
    )
    def k(table_hbm, idx_hbm, out_hbm, idx_v, rows_v, sem):
        wid = lax.axis_index("s") * NC + lax.axis_index("c")
        base = wid * b_per_w

        def body(c, _):
            off = base + c * _GCHUNK
            pltpu.sync_copy(idx_hbm.at[pl.ds(off, _GCHUNK)], idx_v)
            pltpu.async_copy(table_hbm.at[idx_v], rows_v, sem).wait()
            pltpu.sync_copy(rows_v, out_hbm.at[pl.ds(off, _GCHUNK)])
            return 0
        lax.fori_loop(0, n_chunks, body, 0)

    return k(table, idx)


_SCHUNK = 128


def _sc_ownership_scatter(src, data, idx, src_is_zero=False):
    N, D = src.shape
    P = idx.shape[0]
    assert N % 8 == 0
    nb_all = N // 8
    nb_base = nb_all // NW
    nb_rem = nb_all % NW
    r_max = (nb_base + (1 if nb_rem else 0)) * 8
    assert nb_base * 8 >= _SCHUNK
    r_pad = ((r_max + L - 1) // L) * L
    max_c = (r_max + _SCHUNK - 1) // _SCHUNK
    cap = max_c * _SCHUNK + 2 * L
    n_scan = P // L
    n_tblc = r_pad // L
    ch = _SCHUNK
    assert nb_base * 8 >= ch
    n_cf = (nb_base * 8) // ch
    assert ((nb_base + 1) * 8) // ch == n_cf

    @functools.partial(
        pl.kernel, mesh=_sc_mesh(),
        out_type=jax.ShapeDtypeStruct((N, D), jnp.float32),
        scratch_types=[
            pltpu.VMEM((P,), jnp.int32),
            pltpu.VMEM((r_pad,), jnp.int32),
            pltpu.VMEM((cap,), jnp.int32),
            pltpu.VMEM((cap,), jnp.int32),
            pltpu.VMEM((max_c, _SCHUNK), jnp.int32),
            pltpu.VMEM((max_c, _SCHUNK), jnp.int32),
            pltpu.VMEM((_SCHUNK, D), jnp.float32),
            pltpu.VMEM((_SCHUNK, D), jnp.float32),
            pltpu.VMEM((L,), jnp.int32),
            pltpu.SemaphoreType.DMA,
            pltpu.SemaphoreType.DMA,
        ],
        compiler_params=pltpu.CompilerParams(needs_layout_passes=False),
    )
    def k(src_hbm, data_hbm, idx_hbm, out_hbm,
          idx_v, tbl, rows_f, pos_f, rows2, pos2, buf, buf2, bounce,
          sem, csem):
        wid = lax.axis_index("s") * NC + lax.axis_index("c")
        lo = (wid * nb_base + jnp.minimum(wid, nb_rem)) * 8
        r_w = (nb_base + (wid < nb_rem).astype(jnp.int32)) * 8
        rem = r_w - n_cf * ch

        def wait_write():
            pltpu.make_async_copy(buf, out_hbm.at[pl.ds(lo, ch)],
                                  csem).wait()

        assert n_cf >= 4
        if src_is_zero:
            zero16 = jnp.zeros((L,), jnp.float32)
            wpr = D // L

            def zfill(c, _):
                buf[c // wpr, pl.ds((c % wpr) * L, L)] = zero16
                return 0
            lax.fori_loop(0, _SCHUNK * wpr, zfill, 0)

            def fire_body(c, _):
                @pl.when(c >= 4)
                def _():
                    wait_write()
                pltpu.async_copy(buf, out_hbm.at[pl.ds(lo + c * ch, ch)],
                                 csem)
                return 0
            lax.fori_loop(0, n_cf, fire_body, 0)

            @pl.when(rem != 0)
            def _():
                pltpu.async_copy(buf, out_hbm.at[pl.ds(lo + r_w - ch, ch)],
                                 csem)
            n_out = 4 + (rem != 0).astype(jnp.int32)
        else:
            bufs = (buf, buf2)
            for c in range(n_cf):
                bslot = bufs[c % 2]
                if c >= 2:
                    wait_write()
                pltpu.sync_copy(src_hbm.at[pl.ds(lo + c * ch, ch)], bslot)
                pltpu.async_copy(bslot, out_hbm.at[pl.ds(lo + c * ch, ch)],
                                 csem)

            @pl.when(rem != 0)
            def _():
                wait_write()
                off = lo + r_w - ch
                pltpu.sync_copy(src_hbm.at[pl.ds(off, ch)], buf)
                pltpu.async_copy(buf, out_hbm.at[pl.ds(off, ch)], csem)
            n_out = 2

        pltpu.sync_copy(idx_hbm, idx_v)
        neg1 = jnp.full((L,), -1, jnp.int32)

        def init_body(c, _):
            tbl[pl.ds(c * L, L)] = neg1
            return 0
        lax.fori_loop(0, n_tblc, init_body, 0)

        lanes = lax.iota(jnp.int32, L)
        nxt_idx = jnp.minimum(lanes + 1, L - 1)
        last_lane = lanes == L - 1
        big = jnp.int32(0x7FFFFFFF)

        def scan_body(c, _):
            v = idx_v[pl.ds(c * L, L)]
            pos = c * L + lanes
            m = (v >= lo) & (v < lo + r_w)
            key = jnp.where(m, (v - lo) * (1 << 15) + pos, big)
            ks, _ = plsc.sort_key_val(key, key)
            loc_s = lax.shift_right_logical(ks, 15)
            pos_s = ks & jnp.int32(0x7FFF)
            bounce[...] = ks
            nxt_loc = lax.shift_right_logical(
                plsc.load_gather(bounce, [nxt_idx]), 15)
            winner = (ks != big) & ((nxt_loc != loc_s) | last_lane)
            plsc.store_scatter(tbl, [loc_s], pos_s, mask=winner)
            return 0
        lax.fori_loop(0, n_scan, scan_body, 0)

        def compact_body(c, off):
            t = tbl[pl.ds(c * L, L)]
            m = t >= 0
            pc = jnp.cumsum(m.astype(jnp.int32))
            tgt = off + pc - 1
            absrow = lo + c * L + lanes
            plsc.store_scatter(rows_f, [tgt], absrow, mask=m)
            plsc.store_scatter(pos_f, [tgt], t, mask=m)
            return off + jnp.sum(m.astype(jnp.int32))
        n_w = lax.fori_loop(0, n_tblc, compact_body, jnp.int32(0))

        def drain_body(c, _):
            wait_write()
            return 0
        lax.fori_loop(0, n_out, drain_body, 0)

        @pl.when(n_w > 0)
        def _():
            row0 = rows_f[pl.ds(0, L)][0]
            pos0 = pos_f[pl.ds(0, L)][0]
            pad_r = jnp.full((L,), row0, jnp.int32)
            pad_p = jnp.full((L,), pos0, jnp.int32)
            for t in range(_SCHUNK // L):
                rows_f[pl.ds(n_w + t * L, L)] = pad_r
                pos_f[pl.ds(n_w + t * L, L)] = pad_p

            n_chunks = (n_w + _SCHUNK - 1) // _SCHUNK

            def relay_body(c, _):
                for t in range(_SCHUNK // L):
                    rows2[c, pl.ds(t * L, L)] = \
                        rows_f[pl.ds(c * _SCHUNK + t * L, L)]
                    pos2[c, pl.ds(t * L, L)] = \
                        pos_f[pl.ds(c * _SCHUNK + t * L, L)]
                return 0
            lax.fori_loop(0, n_chunks, relay_body, 0)

            def move_body(c, _):
                pltpu.async_copy(data_hbm.at[pos2.at[c]], buf, sem).wait()
                pltpu.async_copy(buf, out_hbm.at[rows2.at[c]], sem).wait()
                return 0
            lax.fori_loop(0, n_chunks, move_body, 0)

    return k(src, data, idx)




def kernel(entity_indices, pair_indices, mem_pair_indices,
           context_embeddings, attention_weights, node_memory, pair_memory,
           node_transform_w, node_transform_b, node_ctx_w, node_ctx_b,
           update_w, update_b, node_kan_base_w, node_kan_spline_w,
           pair_ctx_w, pair_ctx_b, pair_kan_base_w, pair_kan_spline_w):
    ent_idx = entity_indices.astype(jnp.int32)
    subj_idx = pair_indices[:, 0].astype(jnp.int32)
    obj_idx = pair_indices[:, 1].astype(jnp.int32)
    mem_idx = mem_pair_indices.astype(jnp.int32)

    wt_t = node_transform_w.T
    wu_t = update_w.T
    w2 = wt_t @ wu_t
    ncw_t = node_ctx_w.T
    cb = (node_ctx_b + node_transform_b)[None, :]
    ub = update_b[None, :]
    wcat_n = jnp.concatenate(
        [node_kan_base_w.T,
         node_kan_spline_w.transpose(2, 1, 0).reshape(COEFF * 256, 256)],
        axis=0).astype(jnp.bfloat16)
    pcw_t = pair_ctx_w.T
    pcb = pair_ctx_b[None, :]
    wcat_p = jnp.concatenate(
        [pair_kan_base_w.T,
         pair_kan_spline_w.transpose(2, 1, 0).reshape(COEFF * 768, 256)],
        axis=0).astype(jnp.bfloat16)
    aw = attention_weights[:, None]

    c2 = _ctx_reduce(context_embeddings, aw, ncw_t, cb, wu_t, ub)
    x = _sc_gather1(node_memory, ent_idx)
    node_emb = _node_dense(x, w2, c2, wcat_n)
    new_node_memory = _sc_ownership_scatter(node_memory, node_emb, ent_idx)
    subj, obj = _sc_gather2(node_emb, subj_idx, obj_idx)
    pair_emb = _pair_dense(subj, obj, context_embeddings, pcw_t, pcb, wcat_p)
    new_pair_memory = _sc_ownership_scatter(pair_memory, pair_emb, mem_idx,
                                            src_is_zero=True)
    return (node_emb, pair_emb, new_node_memory, new_pair_memory)

# --- scband reference (transcript-rebuilt; emitter-appended) ---
"""Pipeline reference for scband-two-layer-kan-19559281066591 (READ-ONLY COPY).

The authoritative reference and input builder live on the scoring server;
editing this copy changes nothing except your own understanding.
"""

import jax, jax.numpy as jnp
import numpy as np

GRID_SIZE = 4
SPLINE_ORDER = 3


def make_grid(in_features, grid_size=GRID_SIZE, spline_order=SPLINE_ORDER, grid_range=(-1.0, 1.0)):
    h = (grid_range[1] - grid_range[0]) / grid_size
    pts = jnp.arange(-spline_order, grid_size + spline_order + 1, dtype=jnp.float32) * h + grid_range[0]
    return jnp.tile(pts[None, :], (in_features, 1))


def b_splines(x, grid, spline_order=SPLINE_ORDER):
    # x: [B, in], grid: [in, grid_size + 2*spline_order + 1]
    x = x[..., None]
    bases = ((x >= grid[:, :-1]) & (x < grid[:, 1:])).astype(x.dtype)
    for k in range(1, spline_order + 1):
        left = (x - grid[:, :-(k + 1)]) / (grid[:, k:-1] - grid[:, :-(k + 1)])
        right = (grid[:, k + 1:] - x) / (grid[:, k + 1:] - grid[:, 1:-k])
        bases = left * bases[..., :-1] + right * bases[..., 1:]
    return bases  # [B, in, grid_size + spline_order]


def kan_linear(x, base_w, spline_w):
    # efficient-KAN style KANLinear: silu base branch + B-spline branch
    grid = make_grid(x.shape[-1])
    base_out = jax.nn.silu(x) @ base_w.T
    b = b_splines(x, grid)
    spline_out = b.reshape(x.shape[0], -1) @ spline_w.reshape(spline_w.shape[0], -1).T
    return base_out + spline_out


def setup_inputs(seed: int = 0) -> dict:
    key = jax.random.key(seed)
    ks = jax.random.split(key, 16)
    num_nodes, node_dim = 100000, 256
    num_pairs, pair_dim = 200000, 256
    hidden_dim, context_dim = 512, 256
    B, P = 16384, 32768
    coeff = GRID_SIZE + SPLINE_ORDER
    s = lambda k, shape: jax.random.normal(k, shape, jnp.float32) * 0.02
    inp = {}
    inp["entity_indices"] = jax.random.randint(ks[0], (B,), 0, num_nodes)
    inp["pair_indices"] = jax.random.randint(ks[1], (P, 2), 0, B)
    inp["mem_pair_indices"] = jax.random.randint(ks[2], (P,), 0, num_pairs)
    inp["context_embeddings"] = jax.random.normal(ks[3], (P, context_dim), jnp.float32)
    inp["attention_weights"] = jax.random.uniform(ks[4], (P,), jnp.float32)
    inp["node_memory"] = jax.random.normal(ks[5], (num_nodes, node_dim), jnp.float32) * 0.02
    inp["pair_memory"] = jnp.zeros((num_pairs, pair_dim), jnp.float32)
    inp["node_transform_w"] = s(ks[6], (hidden_dim, node_dim))
    inp["node_transform_b"] = jnp.zeros((hidden_dim,), jnp.float32)
    inp["node_ctx_w"] = s(ks[7], (hidden_dim, node_dim))
    inp["node_ctx_b"] = jnp.zeros((hidden_dim,), jnp.float32)
    inp["update_w"] = s(ks[8], (node_dim, hidden_dim))
    inp["update_b"] = jnp.zeros((node_dim,), jnp.float32)
    inp["node_kan_base_w"] = s(ks[9], (node_dim, node_dim))
    inp["node_kan_spline_w"] = s(ks[10], (node_dim, node_dim, coeff))
    inp["pair_ctx_w"] = s(ks[11], (node_dim, context_dim))
    inp["pair_ctx_b"] = jnp.zeros((node_dim,), jnp.float32)
    inp["pair_kan_base_w"] = s(ks[12], (pair_dim, node_dim * 3))
    inp["pair_kan_spline_w"] = s(ks[13], (pair_dim, node_dim * 3, coeff))
    return inp


def reference(entity_indices, pair_indices, mem_pair_indices, context_embeddings,
              attention_weights, node_memory, pair_memory,
              node_transform_w, node_transform_b, node_ctx_w, node_ctx_b,
              update_w, update_b, node_kan_base_w, node_kan_spline_w,
              pair_ctx_w, pair_ctx_b, pair_kan_base_w, pair_kan_spline_w):
    # MemoryBank.get_node_embeddings: gather
    x = node_memory[entity_indices]
    # NodeEmbeddingLayer
    x_t = x @ node_transform_w.T + node_transform_b
    # torch.stack([ctx*w ...]).mean(dim=0) over the P context rows
    ctx_agg = (context_embeddings * attention_weights[:, None]).mean(axis=0)
    ctx_t = ctx_agg @ node_ctx_w.T + node_ctx_b
    updated = (x_t + ctx_t) @ update_w.T + update_b
    node_emb = kan_linear(updated, node_kan_base_w, node_kan_spline_w)
    # MemoryBank.update_node_embeddings: scatter-overwrite
    new_node_memory = node_memory.at[entity_indices].set(node_emb)
    # PairEmbeddingLayer
    subj = node_emb[pair_indices[:, 0]]
    obj = node_emb[pair_indices[:, 1]]
    ctx_tr = context_embeddings @ pair_ctx_w.T + pair_ctx_b
    pair_input = jnp.concatenate([subj, obj, ctx_tr], axis=1)
    pair_emb = kan_linear(pair_input, pair_kan_base_w, pair_kan_spline_w)
    # MemoryBank.update_pair_embeddings: scatter-overwrite
    new_pair_memory = pair_memory.at[mem_pair_indices].set(pair_emb)
    return (node_emb, pair_emb, new_node_memory, new_pair_memory)

if __name__ == "__main__":
    import jax
    _d = setup_inputs()
    print(jax.jit(kernel)(*tuple(_d.values())))

</pallas_src>

<mosaic_0001>
#map = affine_map<(d0, d1) -> (0, 0)>
#map1 = affine_map<(d0, d1) -> (0)>
module attributes {stable_mosaic.version = 14 : i64} {
  func.func @k(%arg0: i32, %arg1: i32, %arg2: memref<100000x256xf32, #tpu.memory_space<hbm>>, %arg3: memref<16384x256xf32, #tpu.memory_space<hbm>>, %arg4: memref<16384xi32, #tpu.memory_space<hbm>>, %arg5: memref<100000x256xf32, #tpu.memory_space<hbm>>, %arg6: memref<16384xi32, #tpu.memory_space<vmem>>, %arg7: memref<3136xi32, #tpu.memory_space<vmem>>, %arg8: memref<3232xi32, #tpu.memory_space<vmem>>, %arg9: memref<3232xi32, #tpu.memory_space<vmem>>, %arg10: memref<25x128xi32, #tpu.memory_space<vmem>>, %arg11: memref<25x128xi32, #tpu.memory_space<vmem>>, %arg12: memref<128x256xf32, #tpu.memory_space<vmem>>, %arg13: memref<128x256xf32, #tpu.memory_space<vmem>>, %arg14: memref<16xi32, #tpu.memory_space<vmem>>, %arg15: memref<!tpu.dma_semaphore, #tpu.memory_space<semaphore_mem>>, %arg16: memref<!tpu.dma_semaphore, #tpu.memory_space<semaphore_mem>>) attributes {dimension_semantics = [#tpu.dimension_semantics<core_parallel>, #tpu.dimension_semantics<subcore_parallel>], iteration_bounds = array<i64: 2, 16>, scalar_prefetch = 0 : i64, scratch_operands = 11 : i64, tpu.core_type = #tpu.core_type<sc_vector_subcore>, window_params = [{transform_indices = #map}, {transform_indices = #map}, {transform_indices = #map1}, {transform_indices = #map}]} {
    %mul3A = arith.constant 2 : i32
    %mul3A_0 = arith.muli %arg1, %mul3A : i32
    %add3A = arith.addi %mul3A_0, %arg0 : i32
    %mul3A_1 = arith.constant 390 : i32
    %mul3A_2 = arith.muli %add3A, %mul3A_1 : i32
    %min3A = arith.constant 20 : i32
    %min3A_3 = arith.minsi %add3A, %min3A : i32
    %add3A_4 = arith.addi %mul3A_2, %min3A_3 : i32
    %mul3A_5 = arith.constant 8 : i32
    %mul3A_6 = arith.muli %add3A_4, %mul3A_5 : i32
    %lt3A = arith.constant 20 : i32
    %lt3A_7 = arith.cmpi slt, %add3A, %lt3A : i32
    %convert_element_type3A = arith.extui %lt3A_7 : i1 to i32
    %add3A_8 = arith.constant 390 : i32
    %add3A_9 = arith.addi %add3A_8, %convert_element_type3A : i32
    %mul3A_10 = arith.constant 8 : i32
    %mul3A_11 = arith.muli %add3A_9, %mul3A_10 : i32
    %sub3A = arith.constant 3072 : i32
    %sub3A_12 = arith.subi %mul3A_11, %sub3A : i32
    %add3A_13 = arith.constant 0 : i32
    %add3A_14 = arith.addi %mul3A_6, %add3A_13 : i32
    "tpu.region"() ({
      %run_scoped3A = tpu.sem_alloc : memref<!tpu.dma_semaphore, #tpu.memory_space<semaphore_mem>>
      %dma_start3A_335 = arith.constant 0 : i32
      %dma_start3A_336 = tpu.memref_slice %arg2[%add3A_14, %dma_start3A_335] : memref<100000x256xf32, #tpu.memory_space<hbm>> -> memref<128x256xf32, #tpu.memory_space<hbm>>
      %dma_start3A_337 = arith.constant 0 : i32
      %dma_start3A_338 = tpu.memref_slice %arg2[%add3A_14, %dma_start3A_337] : memref<100000x256xf32, #tpu.memory_space<hbm>> -> memref<128x256xf32, #tpu.memory_space<hbm>>
      tpu.enqueue_dma source(%dma_start3A_338 : memref<128x256xf32, #tpu.memory_space<hbm>>) target(%arg12 : memref<128x256xf32, #tpu.memory_space<vmem>>) target_semaphore(%run_scoped3A : memref<!tpu.dma_semaphore, #tpu.memory_space<semaphore_mem>>)
      %dma_wait3A_339 = arith.constant 0 : i32
      %dma_wait3A_340 = tpu.memref_slice %arg2[%add3A_14, %dma_wait3A_339] : memref<100000x256xf32, #tpu.memory_space<hbm>> -> memref<128x256xf32, #tpu.memory_space<hbm>>
      %dma_wait3A_341 = arith.constant 0 : i32
      %dma_wait3A_342 = tpu.memref_slice %arg2[%add3A_14, %dma_wait3A_341] : memref<100000x256xf32, #tpu.memory_space<hbm>> -> memref<128x256xf32, #tpu.memory_space<hbm>>
      tpu.wait_dma2 semaphore(%run_scoped3A : memref<!tpu.dma_semaphore, #tpu.memory_space<semaphore_mem>>) src(%dma_wait3A_342 : memref<128x256xf32, #tpu.memory_space<hbm>>) dst(%arg12 : memref<128x256xf32, #tpu.memory_space<vmem>>)
      tpu.yield
    }) : () -> ()
    %add3A_15 = arith.constant 0 : i32
    %add3A_16 = arith.addi %mul3A_6, %add3A_15 : i32
    %dma_start3A = arith.constant 0 : i32
    %dma_start3A_17 = tpu.memref_slice %arg5[%add3A_16, %dma_start3A] : memref<100000x256xf32, #tpu.memory_space<hbm>> -> memref<128x256xf32, #tpu.memory_space<hbm>>
    %dma_start3A_18 = arith.constant 0 : i32
    %dma_start3A_19 = tpu.memref_slice %arg5[%add3A_16, %dma_start3A_18] : memref<100000x256xf32, #tpu.memory_space<hbm>> -> memref<128x256xf32, #tpu.memory_space<hbm>>
    tpu.enqueue_dma source(%arg12 : memref<128x256xf32, #tpu.memory_space<vmem>>) target(%dma_start3A_19 : memref<128x256xf32, #tpu.memory_space<hbm>>) target_semaphore(%arg16 : memref<!tpu.dma_semaphore, #tpu.memory_space<semaphore_mem>>)
    %add3A_20 = arith.constant 128 : i32
    %add3A_21 = arith.addi %mul3A_6, %add3A_20 : i32
    "tpu.region"() ({
      %run_scoped3A = tpu.sem_alloc : memref<!tpu.dma_semaphore, #tpu.memory_space<semaphore_mem>>
      %dma_start3A_335 = arith.constant 0 : i32
      %dma_start3A_336 = tpu.memref_slice %arg2[%add3A_21, %dma_start3A_335] : memref<100000x256xf32, #tpu.memory_space<hbm>> -> memref<128x256xf32, #tpu.memory_space<hbm>>
      %dma_start3A_337 = arith.constant 0 : i32
      %dma_start3A_338 = tpu.memref_slice %arg2[%add3A_21, %dma_start3A_337] : memref<100000x256xf32, #tpu.memory_space<hbm>> -> memref<128x256xf32, #tpu.memory_space<hbm>>
      tpu.enqueue_dma source(%dma_start3A_338 : memref<128x256xf32, #tpu.memory_space<hbm>>) target(%arg13 : memref<128x256xf32, #tpu.memory_space<vmem>>) target_semaphore(%run_scoped3A : memref<!tpu.dma_semaphore, #tpu.memory_space<semaphore_mem>>)
      %dma_wait3A_339 = arith.constant 0 : i32
      %dma_wait3A_340 = tpu.memref_slice %arg2[%add3A_21, %dma_wait3A_339] : memref<100000x256xf32, #tpu.memory_space<hbm>> -> memref<128x256xf32, #tpu.memory_space<hbm>>
      %dma_wait3A_341 = arith.constant 0 : i32
      %dma_wait3A_342 = tpu.memref_slice %arg2[%add3A_21, %dma_wait3A_341] : memref<100000x256xf32, #tpu.memory_space<hbm>> -> memref<128x256xf32, #tpu.memory_space<hbm>>
      tpu.wait_dma2 semaphore(%run_scoped3A : memref<!tpu.dma_semaphore, #tpu.memory_space<semaphore_mem>>) src(%dma_wait3A_342 : memref<128x256xf32, #tpu.memory_space<hbm>>) dst(%arg13 : memref<128x256xf32, #tpu.memory_space<vmem>>)
      tpu.yield
    }) : () -> ()
    %add3A_22 = arith.constant 128 : i32
    %add3A_23 = arith.addi %mul3A_6, %add3A_22 : i32
    %dma_start3A_24 = arith.constant 0 : i32
    %dma_start3A_25 = tpu.memref_slice %arg5[%add3A_23, %dma_start3A_24] : memref<100000x256xf32, #tpu.memory_space<hbm>> -> memref<128x256xf32, #tpu.memory_space<hbm>>
    %dma_start3A_26 = arith.constant 0 : i32
    %dma_start3A_27 = tpu.memref_slice %arg5[%add3A_23, %dma_start3A_26] : memref<100000x256xf32, #tpu.memory_space<hbm>> -> memref<128x256xf32, #tpu.memory_space<hbm>>
    tpu.enqueue_dma source(%arg13 : memref<128x256xf32, #tpu.memory_space<vmem>>) target(%dma_start3A_27 : memref<128x256xf32, #tpu.memory_space<hbm>>) target_semaphore(%arg16 : memref<!tpu.dma_semaphore, #tpu.memory_space<semaphore_mem>>)
    %dma_wait3A = arith.constant 0 : i32
    %dma_wait3A_28 = tpu.memref_slice %arg5[%mul3A_6, %dma_wait3A] : memref<100000x256xf32, #tpu.memory_space<hbm>> -> memref<128x256xf32, #tpu.memory_space<hbm>>
    %dma_wait3A_29 = arith.constant 0 : i32
    %dma_wait3A_30 = tpu.memref_slice %arg5[%mul3A_6, %dma_wait3A_29] : memref<100000x256xf32, #tpu.memory_space<hbm>> -> memref<128x256xf32, #tpu.memory_space<hbm>>
    tpu.wait_dma2 semaphore(%arg16 : memref<!tpu.dma_semaphore, #tpu.memory_space<semaphore_mem>>) src(%arg12 : memref<128x256xf32, #tpu.memory_space<vmem>>) dst(%dma_wait3A_30 : memref<128x256xf32, #tpu.memory_space<hbm>>)
    %add3A_31 = arith.constant 256 : i32
    %add3A_32 = arith.addi %mul3A_6, %add3A_31 : i32
    "tpu.region"() ({
      %run_scoped3A = tpu.sem_alloc : memref<!tpu.dma_semaphore, #tpu.memory_space<semaphore_mem>>
      %dma_start3A_335 = arith.constant 0 : i32
      %dma_start3A_336 = tpu.memref_slice %arg2[%add3A_32, %dma_start3A_335] : memref<100000x256xf32, #tpu.memory_space<hbm>> -> memref<128x256xf32, #tpu.memory_space<hbm>>
      %dma_start3A_337 = arith.constant 0 : i32
      %dma_start3A_338 = tpu.memref_slice %arg2[%add3A_32, %dma_start3A_337] : memref<100000x256xf32, #tpu.memory_space<hbm>> -> memref<128x256xf32, #tpu.memory_space<hbm>>
      tpu.enqueue_dma source(%dma_start3A_338 : memref<128x256xf32, #tpu.memory_space<hbm>>) target(%arg12 : memref<128x256xf32, #tpu.memory_space<vmem>>) target_semaphore(%run_scoped3A : memref<!tpu.dma_semaphore, #tpu.memory_space<semaphore_mem>>)
      %dma_wait3A_339 = arith.constant 0 : i32
      %dma_wait3A_340 = tpu.memref_slice %arg2[%add3A_32, %dma_wait3A_339] : memref<100000x256xf32, #tpu.memory_space<hbm>> -> memref<128x256xf32, #tpu.memory_space<hbm>>
      %dma_wait3A_341 = arith.constant 0 : i32
      %dma_wait3A_342 = tpu.memref_slice %arg2[%add3A_32, %dma_wait3A_341] : memref<100000x256xf32, #tpu.memory_space<hbm>> -> memref<128x256xf32, #tpu.memory_space<hbm>>
      tpu.wait_dma2 semaphore(%run_scoped3A : memref<!tpu.dma_semaphore, #tpu.memory_space<semaphore_mem>>) src(%dma_wait3A_342 : memref<128x256xf32, #tpu.memory_space<hbm>>) dst(%arg12 : memref<128x256xf32, #tpu.memory_space<vmem>>)
      tpu.yield
    }) : () -> ()
    %add3A_33 = arith.constant 256 : i32
    %add3A_34 = arith.addi %mul3A_6, %add3A_33 : i32
    %dma_start3A_35 = arith.constant 0 : i32
    %dma_start3A_36 = tpu.memref_slice %arg5[%add3A_34, %dma_start3A_35] : memref<100000x256xf32, #tpu.memory_space<hbm>> -> memref<128x256xf32, #tpu.memory_space<hbm>>
    %dma_start3A_37 = arith.constant 0 : i32
    %dma_start3A_38 = tpu.memref_slice %arg5[%add3A_34, %dma_start3A_37] : memref<100000x256xf32, #tpu.memory_space<hbm>> -> memref<128x256xf32, #tpu.memory_space<hbm>>
    tpu.enqueue_dma source(%arg12 : memref<128x256xf32, #tpu.memory_space<vmem>>) target(%dma_start3A_38 : memref<128x256xf32, #tpu.memory_space<hbm>>) target_semaphore(%arg16 : memref<!tpu.dma_semaphore, #tpu.memory_space<semaphore_mem>>)
    %dma_wait3A_39 = arith.constant 0 : i32
    %dma_wait3A_40 = tpu.memref_slice %arg5[%mul3A_6, %dma_wait3A_39] : memref<100000x256xf32, #tpu.memory_space<hbm>> -> memref<128x256xf32, #tpu.memory_space<hbm>>
    %dma_wait3A_41 = arith.constant 0 : i32
    %dma_wait3A_42 = tpu.memref_slice %arg5[%mul3A_6, %dma_wait3A_41] : memref<100000x256xf32, #tpu.memory_space<hbm>> -> memref<128x256xf32, #tpu.memory_space<hbm>>
    tpu.wait_dma2 semaphore(%arg16 : memref<!tpu.dma_semaphore, #tpu.memory_space<semaphore_mem>>) src(%arg12 : memref<128x256xf32, #tpu.memory_space<vmem>>) dst(%dma_wait3A_42 : memref<128x256xf32, #tpu.memory_space<hbm>>)
    %add3A_43 = arith.constant 384 : i32
    %add3A_44 = arith.addi %mul3A_6, %add3A_43 : i32
    "tpu.region"() ({
      %run_scoped3A = tpu.sem_alloc : memref<!tpu.dma_semaphore, #tpu.memory_space<semaphore_mem>>
      %dma_start3A_335 = arith.constant 0 : i32
      %dma_start3A_336 = tpu.memref_slice %arg2[%add3A_44, %dma_start3A_335] : memref<100000x256xf32, #tpu.memory_space<hbm>> -> memref<128x256xf32, #tpu.memory_space<hbm>>
      %dma_start3A_337 = arith.constant 0 : i32
      %dma_start3A_338 = tpu.memref_slice %arg2[%add3A_44, %dma_start3A_337] : memref<100000x256xf32, #tpu.memory_space<hbm>> -> memref<128x256xf32, #tpu.memory_space<hbm>>
      tpu.enqueue_dma source(%dma_start3A_338 : memref<128x256xf32, #tpu.memory_space<hbm>>) target(%arg13 : memref<128x256xf32, #tpu.memory_space<vmem>>) target_semaphore(%run_scoped3A : memref<!tpu.dma_semaphore, #tpu.memory_space<semaphore_mem>>)
      %dma_wait3A_339 = arith.constant 0 : i32
      %dma_wait3A_340 = tpu.memref_slice %arg2[%add3A_44, %dma_wait3A_339] : memref<100000x256xf32, #tpu.memory_space<hbm>> -> memref<128x256xf32, #tpu.memory_space<hbm>>
      %dma_wait3A_341 = arith.constant 0 : i32
      %dma_wait3A_342 = tpu.memref_slice %arg2[%add3A_44, %dma_wait3A_341] : memref<100000x256xf32, #tpu.memory_space<hbm>> -> memref<128x256xf32, #tpu.memory_space<hbm>>
      tpu.wait_dma2 semaphore(%run_scoped3A : memref<!tpu.dma_semaphore, #tpu.memory_space<semaphore_mem>>) src(%dma_wait3A_342 : memref<128x256xf32, #tpu.memory_space<hbm>>) dst(%arg13 : memref<128x256xf32, #tpu.memory_space<vmem>>)
      tpu.yield
    }) : () -> ()
    %add3A_45 = arith.constant 384 : i32
    %add3A_46 = arith.addi %mul3A_6, %add3A_45 : i32
    %dma_start3A_47 = arith.constant 0 : i32
    %dma_start3A_48 = tpu.memref_slice %arg5[%add3A_46, %dma_start3A_47] : memref<100000x256xf32, #tpu.memory_space<hbm>> -> memref<128x256xf32, #tpu.memory_space<hbm>>
    %dma_start3A_49 = arith.constant 0 : i32
    %dma_start3A_50 = tpu.memref_slice %arg5[%add3A_46, %dma_start3A_49] : memref<100000x256xf32, #tpu.memory_space<hbm>> -> memref<128x256xf32, #tpu.memory_space<hbm>>
    tpu.enqueue_dma source(%arg13 : memref<128x256xf32, #tpu.memory_space<vmem>>) target(%dma_start3A_50 : memref<128x256xf32, #tpu.memory_space<hbm>>) target_semaphore(%arg16 : memref<!tpu.dma_semaphore, #tpu.memory_space<semaphore_mem>>)
    %dma_wait3A_51 = arith.constant 0 : i32
    %dma_wait3A_52 = tpu.memref_slice %arg5[%mul3A_6, %dma_wait3A_51] : memref<100000x256xf32, #tpu.memory_space<hbm>> -> memref<128x256xf32, #tpu.memory_space<hbm>>
    %dma_wait3A_53 = arith.constant 0 : i32
    %dma_wait3A_54 = tpu.memref_slice %arg5[%mul3A_6, %dma_wait3A_53] : memref<100000x256xf32, #tpu.memory_space<hbm>> -> memref<128x256xf32, #tpu.memory_space<hbm>>
    tpu.wait_dma2 semaphore(%arg16 : memref<!tpu.dma_semaphore, #tpu.memory_space<semaphore_mem>>) src(%arg12 : memref<128x256xf32, #tpu.memory_space<vmem>>) dst(%dma_wait3A_54 : memref<128x256xf32, #tpu.memory_space<hbm>>)
    %add3A_55 = arith.constant 512 : i32
    %add3A_56 = arith.addi %mul3A_6, %add3A_55 : i32
    "tpu.region"() ({
      %run_scoped3A = tpu.sem_alloc : memref<!tpu.dma_semaphore, #tpu.memory_space<semaphore_mem>>
      %dma_start3A_335 = arith.constant 0 : i32
      %dma_start3A_336 = tpu.memref_slice %arg2[%add3A_56, %dma_start3A_335] : memref<100000x256xf32, #tpu.memory_space<hbm>> -> memref<128x256xf32, #tpu.memory_space<hbm>>
      %dma_start3A_337 = arith.constant 0 : i32
      %dma_start3A_338 = tpu.memref_slice %arg2[%add3A_56, %dma_start3A_337] : memref<100000x256xf32, #tpu.memory_space<hbm>> -> memref<128x256xf32, #tpu.memory_space<hbm>>
      tpu.enqueue_dma source(%dma_start3A_338 : memref<128x256xf32, #tpu.memory_space<hbm>>) target(%arg12 : memref<128x256xf32, #tpu.memory_space<vmem>>) target_semaphore(%run_scoped3A : memref<!tpu.dma_semaphore, #tpu.memory_space<semaphore_mem>>)
      %dma_wait3A_339 = arith.constant 0 : i32
      %dma_wait3A_340 = tpu.memref_slice %arg2[%add3A_56, %dma_wait3A_339] : memref<100000x256xf32, #tpu.memory_space<hbm>> -> memref<128x256xf32, #tpu.memory_space<hbm>>
      %dma_wait3A_341 = arith.constant 0 : i32
      %dma_wait3A_342 = tpu.memref_slice %arg2[%add3A_56, %dma_wait3A_341] : memref<100000x256xf32, #tpu.memory_space<hbm>> -> memref<128x256xf32, #tpu.memory_space<hbm>>
      tpu.wait_dma2 semaphore(%run_scoped3A : memref<!tpu.dma_semaphore, #tpu.memory_space<semaphore_mem>>) src(%dma_wait3A_342 : memref<128x256xf32, #tpu.memory_space<hbm>>) dst(%arg12 : memref<128x256xf32, #tpu.memory_space<vmem>>)
      tpu.yield
    }) : () -> ()
    %add3A_57 = arith.constant 512 : i32
    %add3A_58 = arith.addi %mul3A_6, %add3A_57 : i32
    %dma_start3A_59 = arith.constant 0 : i32
    %dma_start3A_60 = tpu.memref_slice %arg5[%add3A_58, %dma_start3A_59] : memref<100000x256xf32, #tpu.memory_space<hbm>> -> memref<128x256xf32, #tpu.memory_space<hbm>>
    %dma_start3A_61 = arith.constant 0 : i32
    %dma_start3A_62 = tpu.memref_slice %arg5[%add3A_58, %dma_start3A_61] : memref<100000x256xf32, #tpu.memory_space<hbm>> -> memref<128x256xf32, #tpu.memory_space<hbm>>
    tpu.enqueue_dma source(%arg12 : memref<128x256xf32, #tpu.memory_space<vmem>>) target(%dma_start3A_62 : memref<128x256xf32, #tpu.memory_space<hbm>>) target_semaphore(%arg16 : memref<!tpu.dma_semaphore, #tpu.memory_space<semaphore_mem>>)
    %dma_wait3A_63 = arith.constant 0 : i32
    %dma_wait3A_64 = tpu.memref_slice %arg5[%mul3A_6, %dma_wait3A_63] : memref<100000x256xf32, #tpu.memory_space<hbm>> -> memref<128x256xf32, #tpu.memory_space<hbm>>
    %dma_wait3A_65 = arith.constant 0 : i32
    %dma_wait3A_66 = tpu.memref_slice %arg5[%mul3A_6, %dma_wait3A_65] : memref<100000x256xf32, #tpu.memory_space<hbm>> -> memref<128x256xf32, #tpu.memory_space<hbm>>
    tpu.wait_dma2 semaphore(%arg16 : memref<!tpu.dma_semaphore, #tpu.memory_space<semaphore_mem>>) src(%arg12 : memref<128x256xf32, #tpu.memory_space<vmem>>) dst(%dma_wait3A_66 : memref<128x256xf32, #tpu.memory_space<hbm>>)
    %add3A_67 = arith.constant 640 : i32
    %add3A_68 = arith.addi %mul3A_6, %add3A_67 : i32
    "tpu.region"() ({
      %run_scoped3A = tpu.sem_alloc : memref<!tpu.dma_semaphore, #tpu.memory_space<semaphore_mem>>
      %dma_start3A_335 = arith.constant 0 : i32
      %dma_start3A_336 = tpu.memref_slice %arg2[%add3A_68, %dma_start3A_335] : memref<100000x256xf32, #tpu.memory_space<hbm>> -> memref<128x256xf32, #tpu.memory_space<hbm>>
      %dma_start3A_337 = arith.constant 0 : i32
      %dma_start3A_338 = tpu.memref_slice %arg2[%add3A_68, %dma_start3A_337] : memref<100000x256xf32, #tpu.memory_space<hbm>> -> memref<128x256xf32, #tpu.memory_space<hbm>>
      tpu.enqueue_dma source(%dma_start3A_338 : memref<128x256xf32, #tpu.memory_space<hbm>>) target(%arg13 : memref<128x256xf32, #tpu.memory_space<vmem>>) target_semaphore(%run_scoped3A : memref<!tpu.dma_semaphore, #tpu.memory_space<semaphore_mem>>)
      %dma_wait3A_339 = arith.constant 0 : i32
      %dma_wait3A_340 = tpu.memref_slice %arg2[%add3A_68, %dma_wait3A_339] : memref<100000x256xf32, #tpu.memory_space<hbm>> -> memref<128x256xf32, #tpu.memory_space<hbm>>
      %dma_wait3A_341 = arith.constant 0 : i32
      %dma_wait3A_342 = tpu.memref_slice %arg2[%add3A_68, %dma_wait3A_341] : memref<100000x256xf32, #tpu.memory_space<hbm>> -> memref<128x256xf32, #tpu.memory_space<hbm>>
      tpu.wait_dma2 semaphore(%run_scoped3A : memref<!tpu.dma_semaphore, #tpu.memory_space<semaphore_mem>>) src(%dma_wait3A_342 : memref<128x256xf32, #tpu.memory_space<hbm>>) dst(%arg13 : memref<128x256xf32, #tpu.memory_space<vmem>>)
      tpu.yield
    }) : () -> ()
    %add3A_69 = arith.constant 640 : i32
    %add3A_70 = arith.addi %mul3A_6, %add3A_69 : i32
    %dma_start3A_71 = arith.constant 0 : i32
    %dma_start3A_72 = tpu.memref_slice %arg5[%add3A_70, %dma_start3A_71] : memref<100000x256xf32, #tpu.memory_space<hbm>> -> memref<128x256xf32, #tpu.memory_space<hbm>>
    %dma_start3A_73 = arith.constant 0 : i32
    %dma_start3A_74 = tpu.memref_slice %arg5[%add3A_70, %dma_start3A_73] : memref<100000x256xf32, #tpu.memory_space<hbm>> -> memref<128x256xf32, #tpu.memory_space<hbm>>
    tpu.enqueue_dma source(%arg13 : memref<128x256xf32, #tpu.memory_space<vmem>>) target(%dma_start3A_74 : memref<128x256xf32, #tpu.memory_space<hbm>>) target_semaphore(%arg16 : memref<!tpu.dma_semaphore, #tpu.memory_space<semaphore_mem>>)
    %dma_wait3A_75 = arith.constant 0 : i32
    %dma_wait3A_76 = tpu.memref_slice %arg5[%mul3A_6, %dma_wait3A_75] : memref<100000x256xf32, #tpu.memory_space<hbm>> -> memref<128x256xf32, #tpu.memory_space<hbm>>
    %dma_wait3A_77 = arith.constant 0 : i32
    %dma_wait3A_78 = tpu.memref_slice %arg5[%mul3A_6, %dma_wait3A_77] : memref<100000x256xf32, #tpu.memory_space<hbm>> -> memref<128x256xf32, #tpu.memory_space<hbm>>
    tpu.wait_dma2 semaphore(%arg16 : memref<!tpu.dma_semaphore, #tpu.memory_space<semaphore_mem>>) src(%arg12 : memref<128x256xf32, #tpu.memory_space<vmem>>) dst(%dma_wait3A_78 : memref<128x256xf32, #tpu.memory_space<hbm>>)
    %add3A_79 = arith.constant 768 : i32
    %add3A_80 = arith.addi %mul3A_6, %add3A_79 : i32
    "tpu.region"() ({
      %run_scoped3A = tpu.sem_alloc : memref<!tpu.dma_semaphore, #tpu.memory_space<semaphore_mem>>
      %dma_start3A_335 = arith.constant 0 : i32
      %dma_start3A_336 = tpu.memref_slice %arg2[%add3A_80, %dma_start3A_335] : memref<100000x256xf32, #tpu.memory_space<hbm>> -> memref<128x256xf32, #tpu.memory_space<hbm>>
      %dma_start3A_337 = arith.constant 0 : i32
      %dma_start3A_338 = tpu.memref_slice %arg2[%add3A_80, %dma_start3A_337] : memref<100000x256xf32, #tpu.memory_space<hbm>> -> memref<128x256xf32, #tpu.memory_space<hbm>>
      tpu.enqueue_dma source(%dma_start3A_338 : memref<128x256xf32, #tpu.memory_space<hbm>>) target(%arg12 : memref<128x256xf32, #tpu.memory_space<vmem>>) target_semaphore(%run_scoped3A : memref<!tpu.dma_semaphore, #tpu.memory_space<semaphore_mem>>)
      %dma_wait3A_339 = arith.constant 0 : i32
      %dma_wait3A_340 = tpu.memref_slice %arg2[%add3A_80, %dma_wait3A_339] : memref<100000x256xf32, #tpu.memory_space<hbm>> -> memref<128x256xf32, #tpu.memory_space<hbm>>
      %dma_wait3A_341 = arith.constant 0 : i32
      %dma_wait3A_342 = tpu.memref_slice %arg2[%add3A_80, %dma_wait3A_341] : memref<100000x256xf32, #tpu.memory_space<hbm>> -> memref<128x256xf32, #tpu.memory_space<hbm>>
      tpu.wait_dma2 semaphore(%run_scoped3A : memref<!tpu.dma_semaphore, #tpu.memory_space<semaphore_mem>>) src(%dma_wait3A_342 : memref<128x256xf32, #tpu.memory_space<hbm>>) dst(%arg12 : memref<128x256xf32, #tpu.memory_space<vmem>>)
      tpu.yield
    }) : () -> ()
    %add3A_81 = arith.constant 768 : i32
    %add3A_82 = arith.addi %mul3A_6, %add3A_81 : i32
    %dma_start3A_83 = arith.constant 0 : i32
    %dma_start3A_84 = tpu.memref_slice %arg5[%add3A_82, %dma_start3A_83] : memref<100000x256xf32, #tpu.memory_space<hbm>> -> memref<128x256xf32, #tpu.memory_space<hbm>>
    %dma_start3A_85 = arith.constant 0 : i32
    %dma_start3A_86 = tpu.memref_slice %arg5[%add3A_82, %dma_start3A_85] : memref<100000x256xf32, #tpu.memory_space<hbm>> -> memref<128x256xf32, #tpu.memory_space<hbm>>
    tpu.enqueue_dma source(%arg12 : memref<128x256xf32, #tpu.memory_space<vmem>>) target(%dma_start3A_86 : memref<128x256xf32, #tpu.memory_space<hbm>>) target_semaphore(%arg16 : memref<!tpu.dma_semaphore, #tpu.memory_space<semaphore_mem>>)
    %dma_wait3A_87 = arith.constant 0 : i32
    %dma_wait3A_88 = tpu.memref_slice %arg5[%mul3A_6, %dma_wait3A_87] : memref<100000x256xf32, #tpu.memory_space<hbm>> -> memref<128x256xf32, #tpu.memory_space<hbm>>
    %dma_wait3A_89 = arith.constant 0 : i32
    %dma_wait3A_90 = tpu.memref_slice %arg5[%mul3A_6, %dma_wait3A_89] : memref<100000x256xf32, #tpu.memory_space<hbm>> -> memref<128x256xf32, #tpu.memory_space<hbm>>
    tpu.wait_dma2 semaphore(%arg16 : memref<!tpu.dma_semaphore, #tpu.memory_space<semaphore_mem>>) src(%arg12 : memref<128x256xf32, #tpu.memory_space<vmem>>) dst(%dma_wait3A_90 : memref<128x256xf32, #tpu.memory_space<hbm>>)
    %add3A_91 = arith.constant 896 : i32
    %add3A_92 = arith.addi %mul3A_6, %add3A_91 : i32
    "tpu.region"() ({
      %run_scoped3A = tpu.sem_alloc : memref<!tpu.dma_semaphore, #tpu.memory_space<semaphore_mem>>
      %dma_start3A_335 = arith.constant 0 : i32
      %dma_start3A_336 = tpu.memref_slice %arg2[%add3A_92, %dma_start3A_335] : memref<100000x256xf32, #tpu.memory_space<hbm>> -> memref<128x256xf32, #tpu.memory_space<hbm>>
      %dma_start3A_337 = arith.constant 0 : i32
      %dma_start3A_338 = tpu.memref_slice %arg2[%add3A_92, %dma_start3A_337] : memref<100000x256xf32, #tpu.memory_space<hbm>> -> memref<128x256xf32, #tpu.memory_space<hbm>>
      tpu.enqueue_dma source(%dma_start3A_338 : memref<128x256xf32, #tpu.memory_space<hbm>>) target(%arg13 : memref<128x256xf32, #tpu.memory_space<vmem>>) target_semaphore(%run_scoped3A : memref<!tpu.dma_semaphore, #tpu.memory_space<semaphore_mem>>)
      %dma_wait3A_339 = arith.constant 0 : i32
      %dma_wait3A_340 = tpu.memref_slice %arg2[%add3A_92, %dma_wait3A_339] : memref<100000x256xf32, #tpu.memory_space<hbm>> -> memref<128x256xf32, #tpu.memory_space<hbm>>
      %dma_wait3A_341 = arith.constant 0 : i32
      %dma_wait3A_342 = tpu.memref_slice %arg2[%add3A_92, %dma_wait3A_341] : memref<100000x256xf32, #tpu.memory_space<hbm>> -> memref<128x256xf32, #tpu.memory_space<hbm>>
      tpu.wait_dma2 semaphore(%run_scoped3A : memref<!tpu.dma_semaphore, #tpu.memory_space<semaphore_mem>>) src(%dma_wait3A_342 : memref<128x256xf32, #tpu.memory_space<hbm>>) dst(%arg13 : memref<128x256xf32, #tpu.memory_space<vmem>>)
      tpu.yield
    }) : () -> ()
    %add3A_93 = arith.constant 896 : i32
    %add3A_94 = arith.addi %mul3A_6, %add3A_93 : i32
    %dma_start3A_95 = arith.constant 0 : i32
    %dma_start3A_96 = tpu.memref_slice %arg5[%add3A_94, %dma_start3A_95] : memref<100000x256xf32, #tpu.memory_space<hbm>> -> memref<128x256xf32, #tpu.memory_space<hbm>>
    %dma_start3A_97 = arith.constant 0 : i32
    %dma_start3A_98 = tpu.memref_slice %arg5[%add3A_94, %dma_start3A_97] : memref<100000x256xf32, #tpu.memory_space<hbm>> -> memref<128x256xf32, #tpu.memory_space<hbm>>
    tpu.enqueue_dma source(%arg13 : memref<128x256xf32, #tpu.memory_space<vmem>>) target(%dma_start3A_98 : memref<128x256xf32, #tpu.memory_space<hbm>>) target_semaphore(%arg16 : memref<!tpu.dma_semaphore, #tpu.memory_space<semaphore_mem>>)
    %dma_wait3A_99 = arith.constant 0 : i32
    %dma_wait3A_100 = tpu.memref_slice %arg5[%mul3A_6, %dma_wait3A_99] : memref<100000x256xf32, #tpu.memory_space<hbm>> -> memref<128x256xf32, #tpu.memory_space<hbm>>
    %dma_wait3A_101 = arith.constant 0 : i32
    %dma_wait3A_102 = tpu.memref_slice %arg5[%mul3A_6, %dma_wait3A_101] : memref<100000x256xf32, #tpu.memory_space<hbm>> -> memref<128x256xf32, #tpu.memory_space<hbm>>
    tpu.wait_dma2 semaphore(%arg16 : memref<!tpu.dma_semaphore, #tpu.memory_space<semaphore_mem>>) src(%arg12 : memref<128x256xf32, #tpu.memory_space<vmem>>) dst(%dma_wait3A_102 : memref<128x256xf32, #tpu.memory_space<hbm>>)
    %add3A_103 = arith.constant 1024 : i32
    %add3A_104 = arith.addi %mul3A_6, %add3A_103 : i32
    "tpu.region"() ({
      %run_scoped3A = tpu.sem_alloc : memref<!tpu.dma_semaphore, #tpu.memory_space<semaphore_mem>>
      %dma_start3A_335 = arith.constant 0 : i32
      %dma_start3A_336 = tpu.memref_slice %arg2[%add3A_104, %dma_start3A_335] : memref<100000x256xf32, #tpu.memory_space<hbm>> -> memref<128x256xf32, #tpu.memory_space<hbm>>
      %dma_start3A_337 = arith.constant 0 : i32
      %dma_start3A_338 = tpu.memref_slice %arg2[%add3A_104, %dma_start3A_337] : memref<100000x256xf32, #tpu.memory_space<hbm>> -> memref<128x256xf32, #tpu.memory_space<hbm>>
      tpu.enqueue_dma source(%dma_start3A_338 : memref<128x256xf32, #tpu.memory_space<hbm>>) target(%arg12 : memref<128x256xf32, #tpu.memory_space<vmem>>) target_semaphore(%run_scoped3A : memref<!tpu.dma_semaphore, #tpu.memory_space<semaphore_mem>>)
      %dma_wait3A_339 = arith.constant 0 : i32
      %dma_wait3A_340 = tpu.memref_slice %arg2[%add3A_104, %dma_wait3A_339] : memref<100000x256xf32, #tpu.memory_space<hbm>> -> memref<128x256xf32, #tpu.memory_space<hbm>>
      %dma_wait3A_341 = arith.constant 0 : i32
      %dma_wait3A_342 = tpu.memref_slice %arg2[%add3A_104, %dma_wait3A_341] : memref<100000x256xf32, #tpu.memory_space<hbm>> -> memref<128x256xf32, #tpu.memory_space<hbm>>
      tpu.wait_dma2 semaphore(%run_scoped3A : memref<!tpu.dma_semaphore, #tpu.memory_space<semaphore_mem>>) src(%dma_wait3A_342 : memref<128x256xf32, #tpu.memory_space<hbm>>) dst(%arg12 : memref<128x256xf32, #tpu.memory_space<vmem>>)
      tpu.yield
    }) : () -> ()
    %add3A_105 = arith.constant 1024 : i32
    %add3A_106 = arith.addi %mul3A_6, %add3A_105 : i32
    %dma_start3A_107 = arith.constant 0 : i32
    %dma_start3A_108 = tpu.memref_slice %arg5[%add3A_106, %dma_start3A_107] : memref<100000x256xf32, #tpu.memory_space<hbm>> -> memref<128x256xf32, #tpu.memory_space<hbm>>
    %dma_start3A_109 = arith.constant 0 : i32
    %dma_start3A_110 = tpu.memref_slice %arg5[%add3A_106, %dma_start3A_109] : memref<100000x256xf32, #tpu.memory_space<hbm>> -> memref<128x256xf32, #tpu.memory_space<hbm>>
    tpu.enqueue_dma source(%arg12 : memref<128x256xf32, #tpu.memory_space<vmem>>) target(%dma_start3A_110 : memref<128x256xf32, #tpu.memory_space<hbm>>) target_semaphore(%arg16 : memref<!tpu.dma_semaphore, #tpu.memory_space<semaphore_mem>>)
    %dma_wait3A_111 = arith.constant 0 : i32
    %dma_wait3A_112 = tpu.memref_slice %arg5[%mul3A_6, %dma_wait3A_111] : memref<100000x256xf32, #tpu.memory_space<hbm>> -> memref<128x256xf32, #tpu.memory_space<hbm>>
    %dma_wait3A_113 = arith.constant 0 : i32
    %dma_wait3A_114 = tpu.memref_slice %arg5[%mul3A_6, %dma_wait3A_113] : memref<100000x256xf32, #tpu.memory_space<hbm>> -> memref<128x256xf32, #tpu.memory_space<hbm>>
    tpu.wait_dma2 semaphore(%arg16 : memref<!tpu.dma_semaphore, #tpu.memory_space<semaphore_mem>>) src(%arg12 : memref<128x256xf32, #tpu.memory_space<vmem>>) dst(%dma_wait3A_114 : memref<128x256xf32, #tpu.memory_space<hbm>>)
    %add3A_115 = arith.constant 1152 : i32
    %add3A_116 = arith.addi %mul3A_6, %add3A_115 : i32
    "tpu.region"() ({
      %run_scoped3A = tpu.sem_alloc : memref<!tpu.dma_semaphore, #tpu.memory_space<semaphore_mem>>
      %dma_start3A_335 = arith.constant 0 : i32
      %dma_start3A_336 = tpu.memref_slice %arg2[%add3A_116, %dma_start3A_335] : memref<100000x256xf32, #tpu.memory_space<hbm>> -> memref<128x256xf32, #tpu.memory_space<hbm>>
      %dma_start3A_337 = arith.constant 0 : i32
      %dma_start3A_338 = tpu.memref_slice %arg2[%add3A_116, %dma_start3A_337] : memref<100000x256xf32, #tpu.memory_space<hbm>> -> memref<128x256xf32, #tpu.memory_space<hbm>>
      tpu.enqueue_dma source(%dma_start3A_338 : memref<128x256xf32, #tpu.memory_space<hbm>>) target(%arg13 : memref<128x256xf32, #tpu.memory_space<vmem>>) target_semaphore(%run_scoped3A : memref<!tpu.dma_semaphore, #tpu.memory_space<semaphore_mem>>)
      %dma_wait3A_339 = arith.constant 0 : i32
      %dma_wait3A_340 = tpu.memref_slice %arg2[%add3A_116, %dma_wait3A_339] : memref<100000x256xf32, #tpu.memory_space<hbm>> -> memref<128x256xf32, #tpu.memory_space<hbm>>
      %dma_wait3A_341 = arith.constant 0 : i32
      %dma_wait3A_342 = tpu.memref_slice %arg2[%add3A_116, %dma_wait3A_341] : memref<100000x256xf32, #tpu.memory_space<hbm>> -> memref<128x256xf32, #tpu.memory_space<hbm>>
      tpu.wait_dma2 semaphore(%run_scoped3A : memref<!tpu.dma_semaphore, #tpu.memory_space<semaphore_mem>>) src(%dma_wait3A_342 : memref<128x256xf32, #tpu.memory_space<hbm>>) dst(%arg13 : memref<128x256xf32, #tpu.memory_space<vmem>>)
      tpu.yield
    }) : () -> ()
    %add3A_117 = arith.constant 1152 : i32
    %add3A_118 = arith.addi %mul3A_6, %add3A_117 : i32
    %dma_start3A_119 = arith.constant 0 : i32
    %dma_start3A_120 = tpu.memref_slice %arg5[%add3A_118, %dma_start3A_119] : memref<100000x256xf32, #tpu.memory_space<hbm>> -> memref<128x256xf32, #tpu.memory_space<hbm>>
    %dma_start3A_121 = arith.constant 0 : i32
    %dma_start3A_122 = tpu.memref_slice %arg5[%add3A_118, %dma_start3A_121] : memref<100000x256xf32, #tpu.memory_space<hbm>> -> memref<128x256xf32, #tpu.memory_space<hbm>>
    tpu.enqueue_dma source(%arg13 : memref<128x256xf32, #tpu.memory_space<vmem>>) target(%dma_start3A_122 : memref<128x256xf32, #tpu.memory_space<hbm>>) target_semaphore(%arg16 : memref<!tpu.dma_semaphore, #tpu.memory_space<semaphore_mem>>)
    %dma_wait3A_123 = arith.constant 0 : i32
    %dma_wait3A_124 = tpu.memref_slice %arg5[%mul3A_6, %dma_wait3A_123] : memref<100000x256xf32, #tpu.memory_space<hbm>> -> memref<128x256xf32, #tpu.memory_space<hbm>>
    %dma_wait3A_125 = arith.constant 0 : i32
    %dma_wait3A_126 = tpu.memref_slice %arg5[%mul3A_6, %dma_wait3A_125] : memref<100000x256xf32, #tpu.memory_space<hbm>> -> memref<128x256xf32, #tpu.memory_space<hbm>>
    tpu.wait_dma2 semaphore(%arg16 : memref<!tpu.dma_semaphore, #tpu.memory_space<semaphore_mem>>) src(%arg12 : memref<128x256xf32, #tpu.memory_space<vmem>>) dst(%dma_wait3A_126 : memref<128x256xf32, #tpu.memory_space<hbm>>)
    %add3A_127 = arith.constant 1280 : i32
    %add3A_128 = arith.addi %mul3A_6, %add3A_127 : i32
    "tpu.region"() ({
      %run_scoped3A = tpu.sem_alloc : memref<!tpu.dma_semaphore, #tpu.memory_space<semaphore_mem>>
      %dma_start3A_335 = arith.constant 0 : i32
      %dma_start3A_336 = tpu.memref_slice %arg2[%add3A_128, %dma_start3A_335] : memref<100000x256xf32, #tpu.memory_space<hbm>> -> memref<128x256xf32, #tpu.memory_space<hbm>>
      %dma_start3A_337 = arith.constant 0 : i32
      %dma_start3A_338 = tpu.memref_slice %arg2[%add3A_128, %dma_start3A_337] : memref<100000x256xf32, #tpu.memory_space<hbm>> -> memref<128x256xf32, #tpu.memory_space<hbm>>
      tpu.enqueue_dma source(%dma_start3A_338 : memref<128x256xf32, #tpu.memory_space<hbm>>) target(%arg12 : memref<128x256xf32, #tpu.memory_space<vmem>>) target_semaphore(%run_scoped3A : memref<!tpu.dma_semaphore, #tpu.memory_space<semaphore_mem>>)
      %dma_wait3A_339 = arith.constant 0 : i32
      %dma_wait3A_340 = tpu.memref_slice %arg2[%add3A_128, %dma_wait3A_339] : memref<100000x256xf32, #tpu.memory_space<hbm>> -> memref<128x256xf32, #tpu.memory_space<hbm>>
      %dma_wait3A_341 = arith.constant 0 : i32
      %dma_wait3A_342 = tpu.memref_slice %arg2[%add3A_128, %dma_wait3A_341] : memref<100000x256xf32, #tpu.memory_space<hbm>> -> memref<128x256xf32, #tpu.memory_space<hbm>>
      tpu.wait_dma2 semaphore(%run_scoped3A : memref<!tpu.dma_semaphore, #tpu.memory_space<semaphore_mem>>) src(%dma_wait3A_342 : memref<128x256xf32, #tpu.memory_space<hbm>>) dst(%arg12 : memref<128x256xf32, #tpu.memory_space<vmem>>)
      tpu.yield
    }) : () -> ()
    %add3A_129 = arith.constant 1280 : i32
    %add3A_130 = arith.addi %mul3A_6, %add3A_129 : i32
    %dma_start3A_131 = arith.constant 0 : i32
    %dma_start3A_132 = tpu.memref_slice %arg5[%add3A_130, %dma_start3A_131] : memref<100000x256xf32, #tpu.memory_space<hbm>> -> memref<128x256xf32, #tpu.memory_space<hbm>>
    %dma_start3A_133 = arith.constant 0 : i32
    %dma_start3A_134 = tpu.memref_slice %arg5[%add3A_130, %dma_start3A_133] : memref<100000x256xf32, #tpu.memory_space<hbm>> -> memref<128x256xf32, #tpu.memory_space<hbm>>
    tpu.enqueue_dma source(%arg12 : memref<128x256xf32, #tpu.memory_space<vmem>>) target(%dma_start3A_134 : memref<128x256xf32, #tpu.memory_space<hbm>>) target_semaphore(%arg16 : memref<!tpu.dma_semaphore, #tpu.memory_space<semaphore_mem>>)
    %dma_wait3A_135 = arith.constant 0 : i32
    %dma_wait3A_136 = tpu.memref_slice %arg5[%mul3A_6, %dma_wait3A_135] : memref<100000x256xf32, #tpu.memory_space<hbm>> -> memref<128x256xf32, #tpu.memory_space<hbm>>
    %dma_wait3A_137 = arith.constant 0 : i32
    %dma_wait3A_138 = tpu.memref_slice %arg5[%mul3A_6, %dma_wait3A_137] : memref<100000x256xf32, #tpu.memory_space<hbm>> -> memref<128x256xf32, #tpu.memory_space<hbm>>
    tpu.wait_dma2 semaphore(%arg16 : memref<!tpu.dma_semaphore, #tpu.memory_space<semaphore_mem>>) src(%arg12 : memref<128x256xf32, #tpu.memory_space<vmem>>) dst(%dma_wait3A_138 : memref<128x256xf32, #tpu.memory_space<hbm>>)
    %add3A_139 = arith.constant 1408 : i32
    %add3A_140 = arith.addi %mul3A_6, %add3A_139 : i32
    "tpu.region"() ({
      %run_scoped3A = tpu.sem_alloc : memref<!tpu.dma_semaphore, #tpu.memory_space<semaphore_mem>>
      %dma_start3A_335 = arith.constant 0 : i32
      %dma_start3A_336 = tpu.memref_slice %arg2[%add3A_140, %dma_start3A_335] : memref<100000x256xf32, #tpu.memory_space<hbm>> -> memref<128x256xf32, #tpu.memory_space<hbm>>
      %dma_start3A_337 = arith.constant 0 : i32
      %dma_start3A_338 = tpu.memref_slice %arg2[%add3A_140, %dma_start3A_337] : memref<100000x256xf32, #tpu.memory_space<hbm>> -> memref<128x256xf32, #tpu.memory_space<hbm>>
      tpu.enqueue_dma source(%dma_start3A_338 : memref<128x256xf32, #tpu.memory_space<hbm>>) target(%arg13 : memref<128x256xf32, #tpu.memory_space<vmem>>) target_semaphore(%run_scoped3A : memref<!tpu.dma_semaphore, #tpu.memory_space<semaphore_mem>>)
      %dma_wait3A_339 = arith.constant 0 : i32
      %dma_wait3A_340 = tpu.memref_slice %arg2[%add3A_140, %dma_wait3A_339] : memref<100000x256xf32, #tpu.memory_space<hbm>> -> memref<128x256xf32, #tpu.memory_space<hbm>>
      %dma_wait3A_341 = arith.constant 0 : i32
      %dma_wait3A_342 = tpu.memref_slice %arg2[%add3A_140, %dma_wait3A_341] : memref<100000x256xf32, #tpu.memory_space<hbm>> -> memref<128x256xf32, #tpu.memory_space<hbm>>
      tpu.wait_dma2 semaphore(%run_scoped3A : memref<!tpu.dma_semaphore, #tpu.memory_space<semaphore_mem>>) src(%dma_wait3A_342 : memref<128x256xf32, #tpu.memory_space<hbm>>) dst(%arg13 : memref<128x256xf32, #tpu.memory_space<vmem>>)
      tpu.yield
    }) : () -> ()
    %add3A_141 = arith.constant 1408 : i32
    %add3A_142 = arith.addi %mul3A_6, %add3A_141 : i32
    %dma_start3A_143 = arith.constant 0 : i32
    %dma_start3A_144 = tpu.memref_slice %arg5[%add3A_142, %dma_start3A_143] : memref<100000x256xf32, #tpu.memory_space<hbm>> -> memref<128x256xf32, #tpu.memory_space<hbm>>
    %dma_start3A_145 = arith.constant 0 : i32
    %dma_start3A_146 = tpu.memref_slice %arg5[%add3A_142, %dma_start3A_145] : memref<100000x256xf32, #tpu.memory_space<hbm>> -> memref<128x256xf32, #tpu.memory_space<hbm>>
    tpu.enqueue_dma source(%arg13 : memref<128x256xf32, #tpu.memory_space<vmem>>) target(%dma_start3A_146 : memref<128x256xf32, #tpu.memory_space<hbm>>) target_semaphore(%arg16 : memref<!tpu.dma_semaphore, #tpu.memory_space<semaphore_mem>>)
    %dma_wait3A_147 = arith.constant 0 : i32
    %dma_wait3A_148 = tpu.memref_slice %arg5[%mul3A_6, %dma_wait3A_147] : memref<100000x256xf32, #tpu.memory_space<hbm>> -> memref<128x256xf32, #tpu.memory_space<hbm>>
    %dma_wait3A_149 = arith.constant 0 : i32
    %dma_wait3A_150 = tpu.memref_slice %arg5[%mul3A_6, %dma_wait3A_149] : memref<100000x256xf32, #tpu.memory_space<hbm>> -> memref<128x256xf32, #tpu.memory_space<hbm>>
    tpu.wait_dma2 semaphore(%arg16 : memref<!tpu.dma_semaphore, #tpu.memory_space<semaphore_mem>>) src(%arg12 : memref<128x256xf32, #tpu.memory_space<vmem>>) dst(%dma_wait3A_150 : memref<128x256xf32, #tpu.memory_space<hbm>>)
    %add3A_151 = arith.constant 1536 : i32
    %add3A_152 = arith.addi %mul3A_6, %add3A_151 : i32
    "tpu.region"() ({
      %run_scoped3A = tpu.sem_alloc : memref<!tpu.dma_semaphore, #tpu.memory_space<semaphore_mem>>
      %dma_start3A_335 = arith.constant 0 : i32
      %dma_start3A_336 = tpu.memref_slice %arg2[%add3A_152, %dma_start3A_335] : memref<100000x256xf32, #tpu.memory_space<hbm>> -> memref<128x256xf32, #tpu.memory_space<hbm>>
      %dma_start3A_337 = arith.constant 0 : i32
      %dma_start3A_338 = tpu.memref_slice %arg2[%add3A_152, %dma_start3A_337] : memref<100000x256xf32, #tpu.memory_space<hbm>> -> memref<128x256xf32, #tpu.memory_space<hbm>>
      tpu.enqueue_dma source(%dma_start3A_338 : memref<128x256xf32, #tpu.memory_space<hbm>>) target(%arg12 : memref<128x256xf32, #tpu.memory_space<vmem>>) target_semaphore(%run_scoped3A : memref<!tpu.dma_semaphore, #tpu.memory_space<semaphore_mem>>)
      %dma_wait3A_339 = arith.constant 0 : i32
      %dma_wait3A_340 = tpu.memref_slice %arg2[%add3A_152, %dma_wait3A_339] : memref<100000x256xf32, #tpu.memory_space<hbm>> -> memref<128x256xf32, #tpu.memory_space<hbm>>
      %dma_wait3A_341 = arith.constant 0 : i32
      %dma_wait3A_342 = tpu.memref_slice %arg2[%add3A_152, %dma_wait3A_341] : memref<100000x256xf32, #tpu.memory_space<hbm>> -> memref<128x256xf32, #tpu.memory_space<hbm>>
      tpu.wait_dma2 semaphore(%run_scoped3A : memref<!tpu.dma_semaphore, #tpu.memory_space<semaphore_mem>>) src(%dma_wait3A_342 : memref<128x256xf32, #tpu.memory_space<hbm>>) dst(%arg12 : memref<128x256xf32, #tpu.memory_space<vmem>>)
      tpu.yield
    }) : () -> ()
    %add3A_153 = arith.constant 1536 : i32
    %add3A_154 = arith.addi %mul3A_6, %add3A_153 : i32
    %dma_start3A_155 = arith.constant 0 : i32
    %dma_start3A_156 = tpu.memref_slice %arg5[%add3A_154, %dma_start3A_155] : memref<100000x256xf32, #tpu.memory_space<hbm>> -> memref<128x256xf32, #tpu.memory_space<hbm>>
    %dma_start3A_157 = arith.constant 0 : i32
    %dma_start3A_158 = tpu.memref_slice %arg5[%add3A_154, %dma_start3A_157] : memref<100000x256xf32, #tpu.memory_space<hbm>> -> memref<128x256xf32, #tpu.memory_space<hbm>>
    tpu.enqueue_dma source(%arg12 : memref<128x256xf32, #tpu.memory_space<vmem>>) target(%dma_start3A_158 : memref<128x256xf32, #tpu.memory_space<hbm>>) target_semaphore(%arg16 : memref<!tpu.dma_semaphore, #tpu.memory_space<semaphore_mem>>)
    %dma_wait3A_159 = arith.constant 0 : i32
    %dma_wait3A_160 = tpu.memref_slice %arg5[%mul3A_6, %dma_wait3A_159] : memref<100000x256xf32, #tpu.memory_space<hbm>> -> memref<128x256xf32, #tpu.memory_space<hbm>>
    %dma_wait3A_161 = arith.constant 0 : i32
    %dma_wait3A_162 = tpu.memref_slice %arg5[%mul3A_6, %dma_wait3A_161] : memref<100000x256xf32, #tpu.memory_space<hbm>> -> memref<128x256xf32, #tpu.memory_space<hbm>>
    tpu.wait_dma2 semaphore(%arg16 : memref<!tpu.dma_semaphore, #tpu.memory_space<semaphore_mem>>) src(%arg12 : memref<128x256xf32, #tpu.memory_space<vmem>>) dst(%dma_wait3A_162 : memref<128x256xf32, #tpu.memory_space<hbm>>)
    %add3A_163 = arith.constant 1664 : i32
    %add3A_164 = arith.addi %mul3A_6, %add3A_163 : i32
    "tpu.region"() ({
      %run_scoped3A = tpu.sem_alloc : memref<!tpu.dma_semaphore, #tpu.memory_space<semaphore_mem>>
      %dma_start3A_335 = arith.constant 0 : i32
      %dma_start3A_336 = tpu.memref_slice %arg2[%add3A_164, %dma_start3A_335] : memref<100000x256xf32, #tpu.memory_space<hbm>> -> memref<128x256xf32, #tpu.memory_space<hbm>>
      %dma_start3A_337 = arith.constant 0 : i32
      %dma_start3A_338 = tpu.memref_slice %arg2[%add3A_164, %dma_start3A_337] : memref<100000x256xf32, #tpu.memory_space<hbm>> -> memref<128x256xf32, #tpu.memory_space<hbm>>
      tpu.enqueue_dma source(%dma_start3A_338 : memref<128x256xf32, #tpu.memory_space<hbm>>) target(%arg13 : memref<128x256xf32, #tpu.memory_space<vmem>>) target_semaphore(%run_scoped3A : memref<!tpu.dma_semaphore, #tpu.memory_space<semaphore_mem>>)
      %dma_wait3A_339 = arith.constant 0 : i32
      %dma_wait3A_340 = tpu.memref_slice %arg2[%add3A_164, %dma_wait3A_339] : memref<100000x256xf32, #tpu.memory_space<hbm>> -> memref<128x256xf32, #tpu.memory_space<hbm>>
      %dma_wait3A_341 = arith.constant 0 : i32
      %dma_wait3A_342 = tpu.memref_slice %arg2[%add3A_164, %dma_wait3A_341] : memref<100000x256xf32, #tpu.memory_space<hbm>> -> memref<128x256xf32, #tpu.memory_space<hbm>>
      tpu.wait_dma2 semaphore(%run_scoped3A : memref<!tpu.dma_semaphore, #tpu.memory_space<semaphore_mem>>) src(%dma_wait3A_342 : memref<128x256xf32, #tpu.memory_space<hbm>>) dst(%arg13 : memref<128x256xf32, #tpu.memory_space<vmem>>)
      tpu.yield
    }) : () -> ()
    %add3A_165 = arith.constant 1664 : i32
    %add3A_166 = arith.addi %mul3A_6, %add3A_165 : i32
    %dma_start3A_167 = arith.constant 0 : i32
    %dma_start3A_168 = tpu.memref_slice %arg5[%add3A_166, %dma_start3A_167] : memref<100000x256xf32, #tpu.memory_space<hbm>> -> memref<128x256xf32, #tpu.memory_space<hbm>>
    %dma_start3A_169 = arith.constant 0 : i32
    %dma_start3A_170 = tpu.memref_slice %arg5[%add3A_166, %dma_start3A_169] : memref<100000x256xf32, #tpu.memory_space<hbm>> -> memref<128x256xf32, #tpu.memory_space<hbm>>
    tpu.enqueue_dma source(%arg13 : memref<128x256xf32, #tpu.memory_space<vmem>>) target(%dma_start3A_170 : memref<128x256xf32, #tpu.memory_space<hbm>>) target_semaphore(%arg16 : memref<!tpu.dma_semaphore, #tpu.memory_space<semaphore_mem>>)
    %dma_wait3A_171 = arith.constant 0 : i32
    %dma_wait3A_172 = tpu.memref_slice %arg5[%mul3A_6, %dma_wait3A_171] : memref<100000x256xf32, #tpu.memory_space<hbm>> -> memref<128x256xf32, #tpu.memory_space<hbm>>
    %dma_wait3A_173 = arith.constant 0 : i32
    %dma_wait3A_174 = tpu.memref_slice %arg5[%mul3A_6, %dma_wait3A_173] : memref<100000x256xf32, #tpu.memory_space<hbm>> -> memref<128x256xf32, #tpu.memory_space<hbm>>
    tpu.wait_dma2 semaphore(%arg16 : memref<!tpu.dma_semaphore, #tpu.memory_space<semaphore_mem>>) src(%arg12 : memref<128x256xf32, #tpu.memory_space<vmem>>) dst(%dma_wait3A_174 : memref<128x256xf32, #tpu.memory_space<hbm>>)
    %add3A_175 = arith.constant 1792 : i32
    %add3A_176 = arith.addi %mul3A_6, %add3A_175 : i32
    "tpu.region"() ({
      %run_scoped3A = tpu.sem_alloc : memref<!tpu.dma_semaphore, #tpu.memory_space<semaphore_mem>>
      %dma_start3A_335 = arith.constant 0 : i32
      %dma_start3A_336 = tpu.memref_slice %arg2[%add3A_176, %dma_start3A_335] : memref<100000x256xf32, #tpu.memory_space<hbm>> -> memref<128x256xf32, #tpu.memory_space<hbm>>
      %dma_start3A_337 = arith.constant 0 : i32
      %dma_start3A_338 = tpu.memref_slice %arg2[%add3A_176, %dma_start3A_337] : memref<100000x256xf32, #tpu.memory_space<hbm>> -> memref<128x256xf32, #tpu.memory_space<hbm>>
      tpu.enqueue_dma source(%dma_start3A_338 : memref<128x256xf32, #tpu.memory_space<hbm>>) target(%arg12 : memref<128x256xf32, #tpu.memory_space<vmem>>) target_semaphore(%run_scoped3A : memref<!tpu.dma_semaphore, #tpu.memory_space<semaphore_mem>>)
      %dma_wait3A_339 = arith.constant 0 : i32
      %dma_wait3A_340 = tpu.memref_slice %arg2[%add3A_176, %dma_wait3A_339] : memref<100000x256xf32, #tpu.memory_space<hbm>> -> memref<128x256xf32, #tpu.memory_space<hbm>>
      %dma_wait3A_341 = arith.constant 0 : i32
      %dma_wait3A_342 = tpu.memref_slice %arg2[%add3A_176, %dma_wait3A_341] : memref<100000x256xf32, #tpu.memory_space<hbm>> -> memref<128x256xf32, #tpu.memory_space<hbm>>
      tpu.wait_dma2 semaphore(%run_scoped3A : memref<!tpu.dma_semaphore, #tpu.memory_space<semaphore_mem>>) src(%dma_wait3A_342 : memref<128x256xf32, #tpu.memory_space<hbm>>) dst(%arg12 : memref<128x256xf32, #tpu.memory_space<vmem>>)
      tpu.yield
    }) : () -> ()
    %add3A_177 = arith.constant 1792 : i32
    %add3A_178 = arith.addi %mul3A_6, %add3A_177 : i32
    %dma_start3A_179 = arith.constant 0 : i32
    %dma_start3A_180 = tpu.memref_slice %arg5[%add3A_178, %dma_start3A_179] : memref<100000x256xf32, #tpu.memory_space<hbm>> -> memref<128x256xf32, #tpu.memory_space<hbm>>
    %dma_start3A_181 = arith.constant 0 : i32
    %dma_start3A_182 = tpu.memref_slice %arg5[%add3A_178, %dma_start3A_181] : memref<100000x256xf32, #tpu.memory_space<hbm>> -> memref<128x256xf32, #tpu.memory_space<hbm>>
    tpu.enqueue_dma source(%arg12 : memref<128x256xf32, #tpu.memory_space<vmem>>) target(%dma_start3A_182 : memref<128x256xf32, #tpu.memory_space<hbm>>) target_semaphore(%arg16 : memref<!tpu.dma_semaphore, #tpu.memory_space<semaphore_mem>>)
    %dma_wait3A_183 = arith.constant 0 : i32
    %dma_wait3A_184 = tpu.memref_slice %arg5[%mul3A_6, %dma_wait3A_183] : memref<100000x256xf32, #tpu.memory_space<hbm>> -> memref<128x256xf32, #tpu.memory_space<hbm>>
    %dma_wait3A_185 = arith.constant 0 : i32
    %dma_wait3A_186 = tpu.memref_slice %arg5[%mul3A_6, %dma_wait3A_185] : memref<100000x256xf32, #tpu.memory_space<hbm>> -> memref<128x256xf32, #tpu.memory_space<hbm>>
    tpu.wait_dma2 semaphore(%arg16 : memref<!tpu.dma_semaphore, #tpu.memory_space<semaphore_mem>>) src(%arg12 : memref<128x256xf32, #tpu.memory_space<vmem>>) dst(%dma_wait3A_186 : memref<128x256xf32, #tpu.memory_space<hbm>>)
    %add3A_187 = arith.constant 1920 : i32
    %add3A_188 = arith.addi %mul3A_6, %add3A_187 : i32
    "tpu.region"() ({
      %run_scoped3A = tpu.sem_alloc : memref<!tpu.dma_semaphore, #tpu.memory_space<semaphore_mem>>
      %dma_start3A_335 = arith.constant 0 : i32
      %dma_start3A_336 = tpu.memref_slice %arg2[%add3A_188, %dma_start3A_335] : memref<100000x256xf32, #tpu.memory_space<hbm>> -> memref<128x256xf32, #tpu.memory_space<hbm>>
      %dma_start3A_337 = arith.constant 0 : i32
      %dma_start3A_338 = tpu.memref_slice %arg2[%add3A_188, %dma_start3A_337] : memref<100000x256xf32, #tpu.memory_space<hbm>> -> memref<128x256xf32, #tpu.memory_space<hbm>>
      tpu.enqueue_dma source(%dma_start3A_338 : memref<128x256xf32, #tpu.memory_space<hbm>>) target(%arg13 : memref<128x256xf32, #tpu.memory_space<vmem>>) target_semaphore(%run_scoped3A : memref<!tpu.dma_semaphore, #tpu.memory_space<semaphore_mem>>)
      %dma_wait3A_339 = arith.constant 0 : i32
      %dma_wait3A_340 = tpu.memref_slice %arg2[%add3A_188, %dma_wait3A_339] : memref<100000x256xf32, #tpu.memory_space<hbm>> -> memref<128x256xf32, #tpu.memory_space<hbm>>
      %dma_wait3A_341 = arith.constant 0 : i32
      %dma_wait3A_342 = tpu.memref_slice %arg2[%add3A_188, %dma_wait3A_341] : memref<100000x256xf32, #tpu.memory_space<hbm>> -> memref<128x256xf32, #tpu.memory_space<hbm>>
      tpu.wait_dma2 semaphore(%run_scoped3A : memref<!tpu.dma_semaphore, #tpu.memory_space<semaphore_mem>>) src(%dma_wait3A_342 : memref<128x256xf32, #tpu.memory_space<hbm>>) dst(%arg13 : memref<128x256xf32, #tpu.memory_space<vmem>>)
      tpu.yield
    }) : () -> ()
    %add3A_189 = arith.constant 1920 : i32
    %add3A_190 = arith.addi %mul3A_6, %add3A_189 : i32
    %dma_start3A_191 = arith.constant 0 : i32
    %dma_start3A_192 = tpu.memref_slice %arg5[%add3A_190, %dma_start3A_191] : memref<100000x256xf32, #tpu.memory_space<hbm>> -> memref<128x256xf32, #tpu.memory_space<hbm>>
    %dma_start3A_193 = arith.constant 0 : i32
    %dma_start3A_194 = tpu.memref_slice %arg5[%add3A_190, %dma_start3A_193] : memref<100000x256xf32, #tpu.memory_space<hbm>> -> memref<128x256xf32, #tpu.memory_space<hbm>>
    tpu.enqueue_dma source(%arg13 : memref<128x256xf32, #tpu.memory_space<vmem>>) target(%dma_start3A_194 : memref<128x256xf32, #tpu.memory_space<hbm>>) target_semaphore(%arg16 : memref<!tpu.dma_semaphore, #tpu.memory_space<semaphore_mem>>)
    %dma_wait3A_195 = arith.constant 0 : i32
    %dma_wait3A_196 = tpu.memref_slice %arg5[%mul3A_6, %dma_wait3A_195] : memref<100000x256xf32, #tpu.memory_space<hbm>> -> memref<128x256xf32, #tpu.memory_space<hbm>>
    %dma_wait3A_197 = arith.constant 0 : i32
    %dma_wait3A_198 = tpu.memref_slice %arg5[%mul3A_6, %dma_wait3A_197] : memref<100000x256xf32, #tpu.memory_space<hbm>> -> memref<128x256xf32, #tpu.memory_space<hbm>>
    tpu.wait_dma2 semaphore(%arg16 : memref<!tpu.dma_semaphore, #tpu.memory_space<semaphore_mem>>) src(%arg12 : memref<128x256xf32, #tpu.memory_space<vmem>>) dst(%dma_wait3A_198 : memref<128x256xf32, #tpu.memory_space<hbm>>)
    %add3A_199 = arith.constant 2048 : i32
    %add3A_200 = arith.addi %mul3A_6, %add3A_199 : i32
    "tpu.region"() ({
      %run_scoped3A = tpu.sem_alloc : memref<!tpu.dma_semaphore, #tpu.memory_space<semaphore_mem>>
      %dma_start3A_335 = arith.constant 0 : i32
      %dma_start3A_336 = tpu.memref_slice %arg2[%add3A_200, %dma_start3A_335] : memref<100000x256xf32, #tpu.memory_space<hbm>> -> memref<128x256xf32, #tpu.memory_space<hbm>>
      %dma_start3A_337 = arith.constant 0 : i32
      %dma_start3A_338 = tpu.memref_slice %arg2[%add3A_200, %dma_start3A_337] : memref<100000x256xf32, #tpu.memory_space<hbm>> -> memref<128x256xf32, #tpu.memory_space<hbm>>
      tpu.enqueue_dma source(%dma_start3A_338 : memref<128x256xf32, #tpu.memory_space<hbm>>) target(%arg12 : memref<128x256xf32, #tpu.memory_space<vmem>>) target_semaphore(%run_scoped3A : memref<!tpu.dma_semaphore, #tpu.memory_space<semaphore_mem>>)
      %dma_wait3A_339 = arith.constant 0 : i32
      %dma_wait3A_340 = tpu.memref_slice %arg2[%add3A_200, %dma_wait3A_339] : memref<100000x256xf32, #tpu.memory_space<hbm>> -> memref<128x256xf32, #tpu.memory_space<hbm>>
      %dma_wait3A_341 = arith.constant 0 : i32
      %dma_wait3A_342 = tpu.memref_slice %arg2[%add3A_200, %dma_wait3A_341] : memref<100000x256xf32, #tpu.memory_space<hbm>> -> memref<128x256xf32, #tpu.memory_space<hbm>>
      tpu.wait_dma2 semaphore(%run_scoped3A : memref<!tpu.dma_semaphore, #tpu.memory_space<semaphore_mem>>) src(%dma_wait3A_342 : memref<128x256xf32, #tpu.memory_space<hbm>>) dst(%arg12 : memref<128x256xf32, #tpu.memory_space<vmem>>)
      tpu.yield
    }) : () -> ()
    %add3A_201 = arith.constant 2048 : i32
    %add3A_202 = arith.addi %mul3A_6, %add3A_201 : i32
    %dma_start3A_203 = arith.constant 0 : i32
    %dma_start3A_204 = tpu.memref_slice %arg5[%add3A_202, %dma_start3A_203] : memref<100000x256xf32, #tpu.memory_space<hbm>> -> memref<128x256xf32, #tpu.memory_space<hbm>>
    %dma_start3A_205 = arith.constant 0 : i32
    %dma_start3A_206 = tpu.memref_slice %arg5[%add3A_202, %dma_start3A_205] : memref<100000x256xf32, #tpu.memory_space<hbm>> -> memref<128x256xf32, #tpu.memory_space<hbm>>
    tpu.enqueue_dma source(%arg12 : memref<128x256xf32, #tpu.memory_space<vmem>>) target(%dma_start3A_206 : memref<128x256xf32, #tpu.memory_space<hbm>>) target_semaphore(%arg16 : memref<!tpu.dma_semaphore, #tpu.memory_space<semaphore_mem>>)
    %dma_wait3A_207 = arith.constant 0 : i32
    %dma_wait3A_208 = tpu.memref_slice %arg5[%mul3A_6, %dma_wait3A_207] : memref<100000x256xf32, #tpu.memory_space<hbm>> -> memref<128x256xf32, #tpu.memory_space<hbm>>
    %dma_wait3A_209 = arith.constant 0 : i32
    %dma_wait3A_210 = tpu.memref_slice %arg5[%mul3A_6, %dma_wait3A_209] : memref<100000x256xf32, #tpu.memory_space<hbm>> -> memref<128x256xf32, #tpu.memory_space<hbm>>
    tpu.wait_dma2 semaphore(%arg16 : memref<!tpu.dma_semaphore, #tpu.memory_space<semaphore_mem>>) src(%arg12 : memref<128x256xf32, #tpu.memory_space<vmem>>) dst(%dma_wait3A_210 : memref<128x256xf32, #tpu.memory_space<hbm>>)
    %add3A_211 = arith.constant 2176 : i32
    %add3A_212 = arith.addi %mul3A_6, %add3A_211 : i32
    "tpu.region"() ({
      %run_scoped3A = tpu.sem_alloc : memref<!tpu.dma_semaphore, #tpu.memory_space<semaphore_mem>>
      %dma_start3A_335 = arith.constant 0 : i32
      %dma_start3A_336 = tpu.memref_slice %arg2[%add3A_212, %dma_start3A_335] : memref<100000x256xf32, #tpu.memory_space<hbm>> -> memref<128x256xf32, #tpu.memory_space<hbm>>
      %dma_start3A_337 = arith.constant 0 : i32
      %dma_start3A_338 = tpu.memref_slice %arg2[%add3A_212, %dma_start3A_337] : memref<100000x256xf32, #tpu.memory_space<hbm>> -> memref<128x256xf32, #tpu.memory_space<hbm>>
      tpu.enqueue_dma source(%dma_start3A_338 : memref<128x256xf32, #tpu.memory_space<hbm>>) target(%arg13 : memref<128x256xf32, #tpu.memory_space<vmem>>) target_semaphore(%run_scoped3A : memref<!tpu.dma_semaphore, #tpu.memory_space<semaphore_mem>>)
      %dma_wait3A_339 = arith.constant 0 : i32
      %dma_wait3A_340 = tpu.memref_slice %arg2[%add3A_212, %dma_wait3A_339] : memref<100000x256xf32, #tpu.memory_space<hbm>> -> memref<128x256xf32, #tpu.memory_space<hbm>>
      %dma_wait3A_341 = arith.constant 0 : i32
      %dma_wait3A_342 = tpu.memref_slice %arg2[%add3A_212, %dma_wait3A_341] : memref<100000x256xf32, #tpu.memory_space<hbm>> -> memref<128x256xf32, #tpu.memory_space<hbm>>
      tpu.wait_dma2 semaphore(%run_scoped3A : memref<!tpu.dma_semaphore, #tpu.memory_space<semaphore_mem>>) src(%dma_wait3A_342 : memref<128x256xf32, #tpu.memory_space<hbm>>) dst(%arg13 : memref<128x256xf32, #tpu.memory_space<vmem>>)
      tpu.yield
    }) : () -> ()
    %add3A_213 = arith.constant 2176 : i32
    %add3A_214 = arith.addi %mul3A_6, %add3A_213 : i32
    %dma_start3A_215 = arith.constant 0 : i32
    %dma_start3A_216 = tpu.memref_slice %arg5[%add3A_214, %dma_start3A_215] : memref<100000x256xf32, #tpu.memory_space<hbm>> -> memref<128x256xf32, #tpu.memory_space<hbm>>
    %dma_start3A_217 = arith.constant 0 : i32
    %dma_start3A_218 = tpu.memref_slice %arg5[%add3A_214, %dma_start3A_217] : memref<100000x256xf32, #tpu.memory_space<hbm>> -> memref<128x256xf32, #tpu.memory_space<hbm>>
    tpu.enqueue_dma source(%arg13 : memref<128x256xf32, #tpu.memory_space<vmem>>) target(%dma_start3A_218 : memref<128x256xf32, #tpu.memory_space<hbm>>) target_semaphore(%arg16 : memref<!tpu.dma_semaphore, #tpu.memory_space<semaphore_mem>>)
    %dma_wait3A_219 = arith.constant 0 : i32
    %dma_wait3A_220 = tpu.memref_slice %arg5[%mul3A_6, %dma_wait3A_219] : memref<100000x256xf32, #tpu.memory_space<hbm>> -> memref<128x256xf32, #tpu.memory_space<hbm>>
    %dma_wait3A_221 = arith.constant 0 : i32
    %dma_wait3A_222 = tpu.memref_slice %arg5[%mul3A_6, %dma_wait3A_221] : memref<100000x256xf32, #tpu.memory_space<hbm>> -> memref<128x256xf32, #tpu.memory_space<hbm>>
    tpu.wait_dma2 semaphore(%arg16 : memref<!tpu.dma_semaphore, #tpu.memory_space<semaphore_mem>>) src(%arg12 : memref<128x256xf32, #tpu.memory_space<vmem>>) dst(%dma_wait3A_222 : memref<128x256xf32, #tpu.memory_space<hbm>>)
    %add3A_223 = arith.constant 2304 : i32
    %add3A_224 = arith.addi %mul3A_6, %add3A_223 : i32
    "tpu.region"() ({
      %run_scoped3A = tpu.sem_alloc : memref<!tpu.dma_semaphore, #tpu.memory_space<semaphore_mem>>
      %dma_start3A_335 = arith.constant 0 : i32
      %dma_start3A_336 = tpu.memref_slice %arg2[%add3A_224, %dma_start3A_335] : memref<100000x256xf32, #tpu.memory_space<hbm>> -> memref<128x256xf32, #tpu.memory_space<hbm>>
      %dma_start3A_337 = arith.constant 0 : i32
      %dma_start3A_338 = tpu.memref_slice %arg2[%add3A_224, %dma_start3A_337] : memref<100000x256xf32, #tpu.memory_space<hbm>> -> memref<128x256xf32, #tpu.memory_space<hbm>>
      tpu.enqueue_dma source(%dma_start3A_338 : memref<128x256xf32, #tpu.memory_space<hbm>>) target(%arg12 : memref<128x256xf32, #tpu.memory_space<vmem>>) target_semaphore(%run_scoped3A : memref<!tpu.dma_semaphore, #tpu.memory_space<semaphore_mem>>)
      %dma_wait3A_339 = arith.constant 0 : i32
      %dma_wait3A_340 = tpu.memref_slice %arg2[%add3A_224, %dma_wait3A_339] : memref<100000x256xf32, #tpu.memory_space<hbm>> -> memref<128x256xf32, #tpu.memory_space<hbm>>
      %dma_wait3A_341 = arith.constant 0 : i32
      %dma_wait3A_342 = tpu.memref_slice %arg2[%add3A_224, %dma_wait3A_341] : memref<100000x256xf32, #tpu.memory_space<hbm>> -> memref<128x256xf32, #tpu.memory_space<hbm>>
      tpu.wait_dma2 semaphore(%run_scoped3A : memref<!tpu.dma_semaphore, #tpu.memory_space<semaphore_mem>>) src(%dma_wait3A_342 : memref<128x256xf32, #tpu.memory_space<hbm>>) dst(%arg12 : memref<128x256xf32, #tpu.memory_space<vmem>>)
      tpu.yield
    }) : () -> ()
    %add3A_225 = arith.constant 2304 : i32
    %add3A_226 = arith.addi %mul3A_6, %add3A_225 : i32
    %dma_start3A_227 = arith.constant 0 : i32
    %dma_start3A_228 = tpu.memref_slice %arg5[%add3A_226, %dma_start3A_227] : memref<100000x256xf32, #tpu.memory_space<hbm>> -> memref<128x256xf32, #tpu.memory_space<hbm>>
    %dma_start3A_229 = arith.constant 0 : i32
    %dma_start3A_230 = tpu.memref_slice %arg5[%add3A_226, %dma_start3A_229] : memref<100000x256xf32, #tpu.memory_space<hbm>> -> memref<128x256xf32, #tpu.memory_space<hbm>>
    tpu.enqueue_dma source(%arg12 : memref<128x256xf32, #tpu.memory_space<vmem>>) target(%dma_start3A_230 : memref<128x256xf32, #tpu.memory_space<hbm>>) target_semaphore(%arg16 : memref<!tpu.dma_semaphore, #tpu.memory_space<semaphore_mem>>)
    %dma_wait3A_231 = arith.constant 0 : i32
    %dma_wait3A_232 = tpu.memref_slice %arg5[%mul3A_6, %dma_wait3A_231] : memref<100000x256xf32, #tpu.memory_space<hbm>> -> memref<128x256xf32, #tpu.memory_space<hbm>>
    %dma_wait3A_233 = arith.constant 0 : i32
    %dma_wait3A_234 = tpu.memref_slice %arg5[%mul3A_6, %dma_wait3A_233] : memref<100000x256xf32, #tpu.memory_space<hbm>> -> memref<128x256xf32, #tpu.memory_space<hbm>>
    tpu.wait_dma2 semaphore(%arg16 : memref<!tpu.dma_semaphore, #tpu.memory_space<semaphore_mem>>) src(%arg12 : memref<128x256xf32, #tpu.memory_space<vmem>>) dst(%dma_wait3A_234 : memref<128x256xf32, #tpu.memory_space<hbm>>)
    %add3A_235 = arith.constant 2432 : i32
    %add3A_236 = arith.addi %mul3A_6, %add3A_235 : i32
    "tpu.region"() ({
      %run_scoped3A = tpu.sem_alloc : memref<!tpu.dma_semaphore, #tpu.memory_space<semaphore_mem>>
      %dma_start3A_335 = arith.constant 0 : i32
      %dma_start3A_336 = tpu.memref_slice %arg2[%add3A_236, %dma_start3A_335] : memref<100000x256xf32, #tpu.memory_space<hbm>> -> memref<128x256xf32, #tpu.memory_space<hbm>>
      %dma_start3A_337 = arith.constant 0 : i32
      %dma_start3A_338 = tpu.memref_slice %arg2[%add3A_236, %dma_start3A_337] : memref<100000x256xf32, #tpu.memory_space<hbm>> -> memref<128x256xf32, #tpu.memory_space<hbm>>
      tpu.enqueue_dma source(%dma_start3A_338 : memref<128x256xf32, #tpu.memory_space<hbm>>) target(%arg13 : memref<128x256xf32, #tpu.memory_space<vmem>>) target_semaphore(%run_scoped3A : memref<!tpu.dma_semaphore, #tpu.memory_space<semaphore_mem>>)
      %dma_wait3A_339 = arith.constant 0 : i32
      %dma_wait3A_340 = tpu.memref_slice %arg2[%add3A_236, %dma_wait3A_339] : memref<100000x256xf32, #tpu.memory_space<hbm>> -> memref<128x256xf32, #tpu.memory_space<hbm>>
      %dma_wait3A_341 = arith.constant 0 : i32
      %dma_wait3A_342 = tpu.memref_slice %arg2[%add3A_236, %dma_wait3A_341] : memref<100000x256xf32, #tpu.memory_space<hbm>> -> memref<128x256xf32, #tpu.memory_space<hbm>>
      tpu.wait_dma2 semaphore(%run_scoped3A : memref<!tpu.dma_semaphore, #tpu.memory_space<semaphore_mem>>) src(%dma_wait3A_342 : memref<128x256xf32, #tpu.memory_space<hbm>>) dst(%arg13 : memref<128x256xf32, #tpu.memory_space<vmem>>)
      tpu.yield
    }) : () -> ()
    %add3A_237 = arith.constant 2432 : i32
    %add3A_238 = arith.addi %mul3A_6, %add3A_237 : i32
    %dma_start3A_239 = arith.constant 0 : i32
    %dma_start3A_240 = tpu.memref_slice %arg5[%add3A_238, %dma_start3A_239] : memref<100000x256xf32, #tpu.memory_space<hbm>> -> memref<128x256xf32, #tpu.memory_space<hbm>>
    %dma_start3A_241 = arith.constant 0 : i32
    %dma_start3A_242 = tpu.memref_slice %arg5[%add3A_238, %dma_start3A_241] : memref<100000x256xf32, #tpu.memory_space<hbm>> -> memref<128x256xf32, #tpu.memory_space<hbm>>
    tpu.enqueue_dma source(%arg13 : memref<128x256xf32, #tpu.memory_space<vmem>>) target(%dma_start3A_242 : memref<128x256xf32, #tpu.memory_space<hbm>>) target_semaphore(%arg16 : memref<!tpu.dma_semaphore, #tpu.memory_space<semaphore_mem>>)
    %dma_wait3A_243 = arith.constant 0 : i32
    %dma_wait3A_244 = tpu.memref_slice %arg5[%mul3A_6, %dma_wait3A_243] : memref<100000x256xf32, #tpu.memory_space<hbm>> -> memref<128x256xf32, #tpu.memory_space<hbm>>
    %dma_wait3A_245 = arith.constant 0 : i32
    %dma_wait3A_246 = tpu.memref_slice %arg5[%mul3A_6, %dma_wait3A_245] : memref<100000x256xf32, #tpu.memory_space<hbm>> -> memref<128x256xf32, #tpu.memory_space<hbm>>
    tpu.wait_dma2 semaphore(%arg16 : memref<!tpu.dma_semaphore, #tpu.memory_space<semaphore_mem>>) src(%arg12 : memref<128x256xf32, #tpu.memory_space<vmem>>) dst(%dma_wait3A_246 : memref<128x256xf32, #tpu.memory_space<hbm>>)
    %add3A_247 = arith.constant 2560 : i32
    %add3A_248 = arith.addi %mul3A_6, %add3A_247 : i32
    "tpu.region"() ({
      %run_scoped3A = tpu.sem_alloc : memref<!tpu.dma_semaphore, #tpu.memory_space<semaphore_mem>>
      %dma_start3A_335 = arith.constant 0 : i32
      %dma_start3A_336 = tpu.memref_slice %arg2[%add3A_248, %dma_start3A_335] : memref<100000x256xf32, #tpu.memory_space<hbm>> -> memref<128x256xf32, #tpu.memory_space<hbm>>
      %dma_start3A_337 = arith.constant 0 : i32
      %dma_start3A_338 = tpu.memref_slice %arg2[%add3A_248, %dma_start3A_337] : memref<100000x256xf32, #tpu.memory_space<hbm>> -> memref<128x256xf32, #tpu.memory_space<hbm>>
      tpu.enqueue_dma source(%dma_start3A_338 : memref<128x256xf32, #tpu.memory_space<hbm>>) target(%arg12 : memref<128x256xf32, #tpu.memory_space<vmem>>) target_semaphore(%run_scoped3A : memref<!tpu.dma_semaphore, #tpu.memory_space<semaphore_mem>>)
      %dma_wait3A_339 = arith.constant 0 : i32
      %dma_wait3A_340 = tpu.memref_slice %arg2[%add3A_248, %dma_wait3A_339] : memref<100000x256xf32, #tpu.memory_space<hbm>> -> memref<128x256xf32, #tpu.memory_space<hbm>>
      %dma_wait3A_341 = arith.constant 0 : i32
      %dma_wait3A_342 = tpu.memref_slice %arg2[%add3A_248, %dma_wait3A_341] : memref<100000x256xf32, #tpu.memory_space<hbm>> -> memref<128x256xf32, #tpu.memory_space<hbm>>
      tpu.wait_dma2 semaphore(%run_scoped3A : memref<!tpu.dma_semaphore, #tpu.memory_space<semaphore_mem>>) src(%dma_wait3A_342 : memref<128x256xf32, #tpu.memory_space<hbm>>) dst(%arg12 : memref<128x256xf32, #tpu.memory_space<vmem>>)
      tpu.yield
    }) : () -> ()
    %add3A_249 = arith.constant 2560 : i32
    %add3A_250 = arith.addi %mul3A_6, %add3A_249 : i32
    %dma_start3A_251 = arith.constant 0 : i32
    %dma_start3A_252 = tpu.memref_slice %arg5[%add3A_250, %dma_start3A_251] : memref<100000x256xf32, #tpu.memory_space<hbm>> -> memref<128x256xf32, #tpu.memory_space<hbm>>
    %dma_start3A_253 = arith.constant 0 : i32
    %dma_start3A_254 = tpu.memref_slice %arg5[%add3A_250, %dma_start3A_253] : memref<100000x256xf32, #tpu.memory_space<hbm>> -> memref<128x256xf32, #tpu.memory_space<hbm>>
    tpu.enqueue_dma source(%arg12 : memref<128x256xf32, #tpu.memory_space<vmem>>) target(%dma_start3A_254 : memref<128x256xf32, #tpu.memory_space<hbm>>) target_semaphore(%arg16 : memref<!tpu.dma_semaphore, #tpu.memory_space<semaphore_mem>>)
    %dma_wait3A_255 = arith.constant 0 : i32
    %dma_wait3A_256 = tpu.memref_slice %arg5[%mul3A_6, %dma_wait3A_255] : memref<100000x256xf32, #tpu.memory_space<hbm>> -> memref<128x256xf32, #tpu.memory_space<hbm>>
    %dma_wait3A_257 = arith.constant 0 : i32
    %dma_wait3A_258 = tpu.memref_slice %arg5[%mul3A_6, %dma_wait3A_257] : memref<100000x256xf32, #tpu.memory_space<hbm>> -> memref<128x256xf32, #tpu.memory_space<hbm>>
    tpu.wait_dma2 semaphore(%arg16 : memref<!tpu.dma_semaphore, #tpu.memory_space<semaphore_mem>>) src(%arg12 : memref<128x256xf32, #tpu.memory_space<vmem>>) dst(%dma_wait3A_258 : memref<128x256xf32, #tpu.memory_space<hbm>>)
    %add3A_259 = arith.constant 2688 : i32
    %add3A_260 = arith.addi %mul3A_6, %add3A_259 : i32
    "tpu.region"() ({
      %run_scoped3A = tpu.sem_alloc : memref<!tpu.dma_semaphore, #tpu.memory_space<semaphore_mem>>
      %dma_start3A_335 = arith.constant 0 : i32
      %dma_start3A_336 = tpu.memref_slice %arg2[%add3A_260, %dma_start3A_335] : memref<100000x256xf32, #tpu.memory_space<hbm>> -> memref<128x256xf32, #tpu.memory_space<hbm>>
      %dma_start3A_337 = arith.constant 0 : i32
      %dma_start3A_338 = tpu.memref_slice %arg2[%add3A_260, %dma_start3A_337] : memref<100000x256xf32, #tpu.memory_space<hbm>> -> memref<128x256xf32, #tpu.memory_space<hbm>>
      tpu.enqueue_dma source(%dma_start3A_338 : memref<128x256xf32, #tpu.memory_space<hbm>>) target(%arg13 : memref<128x256xf32, #tpu.memory_space<vmem>>) target_semaphore(%run_scoped3A : memref<!tpu.dma_semaphore, #tpu.memory_space<semaphore_mem>>)
      %dma_wait3A_339 = arith.constant 0 : i32
      %dma_wait3A_340 = tpu.memref_slice %arg2[%add3A_260, %dma_wait3A_339] : memref<100000x256xf32, #tpu.memory_space<hbm>> -> memref<128x256xf32, #tpu.memory_space<hbm>>
      %dma_wait3A_341 = arith.constant 0 : i32
      %dma_wait3A_342 = tpu.memref_slice %arg2[%add3A_260, %dma_wait3A_341] : memref<100000x256xf32, #tpu.memory_space<hbm>> -> memref<128x256xf32, #tpu.memory_space<hbm>>
      tpu.wait_dma2 semaphore(%run_scoped3A : memref<!tpu.dma_semaphore, #tpu.memory_space<semaphore_mem>>) src(%dma_wait3A_342 : memref<128x256xf32, #tpu.memory_space<hbm>>) dst(%arg13 : memref<128x256xf32, #tpu.memory_space<vmem>>)
      tpu.yield
    }) : () -> ()
    %add3A_261 = arith.constant 2688 : i32
    %add3A_262 = arith.addi %mul3A_6, %add3A_261 : i32
    %dma_start3A_263 = arith.constant 0 : i32
    %dma_start3A_264 = tpu.memref_slice %arg5[%add3A_262, %dma_start3A_263] : memref<100000x256xf32, #tpu.memory_space<hbm>> -> memref<128x256xf32, #tpu.memory_space<hbm>>
    %dma_start3A_265 = arith.constant 0 : i32
    %dma_start3A_266 = tpu.memref_slice %arg5[%add3A_262, %dma_start3A_265] : memref<100000x256xf32, #tpu.memory_space<hbm>> -> memref<128x256xf32, #tpu.memory_space<hbm>>
    tpu.enqueue_dma source(%arg13 : memref<128x256xf32, #tpu.memory_space<vmem>>) target(%dma_start3A_266 : memref<128x256xf32, #tpu.memory_space<hbm>>) target_semaphore(%arg16 : memref<!tpu.dma_semaphore, #tpu.memory_space<semaphore_mem>>)
    %dma_wait3A_267 = arith.constant 0 : i32
    %dma_wait3A_268 = tpu.memref_slice %arg5[%mul3A_6, %dma_wait3A_267] : memref<100000x256xf32, #tpu.memory_space<hbm>> -> memref<128x256xf32, #tpu.memory_space<hbm>>
    %dma_wait3A_269 = arith.constant 0 : i32
    %dma_wait3A_270 = tpu.memref_slice %arg5[%mul3A_6, %dma_wait3A_269] : memref<100000x256xf32, #tpu.memory_space<hbm>> -> memref<128x256xf32, #tpu.memory_space<hbm>>
    tpu.wait_dma2 semaphore(%arg16 : memref<!tpu.dma_semaphore, #tpu.memory_space<semaphore_mem>>) src(%arg12 : memref<128x256xf32, #tpu.memory_space<vmem>>) dst(%dma_wait3A_270 : memref<128x256xf32, #tpu.memory_space<hbm>>)
    %add3A_271 = arith.constant 2816 : i32
    %add3A_272 = arith.addi %mul3A_6, %add3A_271 : i32
    "tpu.region"() ({
      %run_scoped3A = tpu.sem_alloc : memref<!tpu.dma_semaphore, #tpu.memory_space<semaphore_mem>>
      %dma_start3A_335 = arith.constant 0 : i32
      %dma_start3A_336 = tpu.memref_slice %arg2[%add3A_272, %dma_start3A_335] : memref<100000x256xf32, #tpu.memory_space<hbm>> -> memref<128x256xf32, #tpu.memory_space<hbm>>
      %dma_start3A_337 = arith.constant 0 : i32
      %dma_start3A_338 = tpu.memref_slice %arg2[%add3A_272, %dma_start3A_337] : memref<100000x256xf32, #tpu.memory_space<hbm>> -> memref<128x256xf32, #tpu.memory_space<hbm>>
      tpu.enqueue_dma source(%dma_start3A_338 : memref<128x256xf32, #tpu.memory_space<hbm>>) target(%arg12 : memref<128x256xf32, #tpu.memory_space<vmem>>) target_semaphore(%run_scoped3A : memref<!tpu.dma_semaphore, #tpu.memory_space<semaphore_mem>>)
      %dma_wait3A_339 = arith.constant 0 : i32
      %dma_wait3A_340 = tpu.memref_slice %arg2[%add3A_272, %dma_wait3A_339] : memref<100000x256xf32, #tpu.memory_space<hbm>> -> memref<128x256xf32, #tpu.memory_space<hbm>>
      %dma_wait3A_341 = arith.constant 0 : i32
      %dma_wait3A_342 = tpu.memref_slice %arg2[%add3A_272, %dma_wait3A_341] : memref<100000x256xf32, #tpu.memory_space<hbm>> -> memref<128x256xf32, #tpu.memory_space<hbm>>
      tpu.wait_dma2 semaphore(%run_scoped3A : memref<!tpu.dma_semaphore, #tpu.memory_space<semaphore_mem>>) src(%dma_wait3A_342 : memref<128x256xf32, #tpu.memory_space<hbm>>) dst(%arg12 : memref<128x256xf32, #tpu.memory_space<vmem>>)
      tpu.yield
    }) : () -> ()
    %add3A_273 = arith.constant 2816 : i32
    %add3A_274 = arith.addi %mul3A_6, %add3A_273 : i32
    %dma_start3A_275 = arith.constant 0 : i32
    %dma_start3A_276 = tpu.memref_slice %arg5[%add3A_274, %dma_start3A_275] : memref<100000x256xf32, #tpu.memory_space<hbm>> -> memref<128x256xf32, #tpu.memory_space<hbm>>
    %dma_start3A_277 = arith.constant 0 : i32
    %dma_start3A_278 = tpu.memref_slice %arg5[%add3A_274, %dma_start3A_277] : memref<100000x256xf32, #tpu.memory_space<hbm>> -> memref<128x256xf32, #tpu.memory_space<hbm>>
    tpu.enqueue_dma source(%arg12 : memref<128x256xf32, #tpu.memory_space<vmem>>) target(%dma_start3A_278 : memref<128x256xf32, #tpu.memory_space<hbm>>) target_semaphore(%arg16 : memref<!tpu.dma_semaphore, #tpu.memory_space<semaphore_mem>>)
    %dma_wait3A_279 = arith.constant 0 : i32
    %dma_wait3A_280 = tpu.memref_slice %arg5[%mul3A_6, %dma_wait3A_279] : memref<100000x256xf32, #tpu.memory_space<hbm>> -> memref<128x256xf32, #tpu.memory_space<hbm>>
    %dma_wait3A_281 = arith.constant 0 : i32
    %dma_wait3A_282 = tpu.memref_slice %arg5[%mul3A_6, %dma_wait3A_281] : memref<100000x256xf32, #tpu.memory_space<hbm>> -> memref<128x256xf32, #tpu.memory_space<hbm>>
    tpu.wait_dma2 semaphore(%arg16 : memref<!tpu.dma_semaphore, #tpu.memory_space<semaphore_mem>>) src(%arg12 : memref<128x256xf32, #tpu.memory_space<vmem>>) dst(%dma_wait3A_282 : memref<128x256xf32, #tpu.memory_space<hbm>>)
    %add3A_283 = arith.constant 2944 : i32
    %add3A_284 = arith.addi %mul3A_6, %add3A_283 : i32
    "tpu.region"() ({
      %run_scoped3A = tpu.sem_alloc : memref<!tpu.dma_semaphore, #tpu.memory_space<semaphore_mem>>
      %dma_start3A_335 = arith.constant 0 : i32
      %dma_start3A_336 = tpu.memref_slice %arg2[%add3A_284, %dma_start3A_335] : memref<100000x256xf32, #tpu.memory_space<hbm>> -> memref<128x256xf32, #tpu.memory_space<hbm>>
      %dma_start3A_337 = arith.constant 0 : i32
      %dma_start3A_338 = tpu.memref_slice %arg2[%add3A_284, %dma_start3A_337] : memref<100000x256xf32, #tpu.memory_space<hbm>> -> memref<128x256xf32, #tpu.memory_space<hbm>>
      tpu.enqueue_dma source(%dma_start3A_338 : memref<128x256xf32, #tpu.memory_space<hbm>>) target(%arg13 : memref<128x256xf32, #tpu.memory_space<vmem>>) target_semaphore(%run_scoped3A : memref<!tpu.dma_semaphore, #tpu.memory_space<semaphore_mem>>)
      %dma_wait3A_339 = arith.constant 0 : i32
      %dma_wait3A_340 = tpu.memref_slice %arg2[%add3A_284, %dma_wait3A_339] : memref<100000x256xf32, #tpu.memory_space<hbm>> -> memref<128x256xf32, #tpu.memory_space<hbm>>
      %dma_wait3A_341 = arith.constant 0 : i32
      %dma_wait3A_342 = tpu.memref_slice %arg2[%add3A_284, %dma_wait3A_341] : memref<100000x256xf32, #tpu.memory_space<hbm>> -> memref<128x256xf32, #tpu.memory_space<hbm>>
      tpu.wait_dma2 semaphore(%run_scoped3A : memref<!tpu.dma_semaphore, #tpu.memory_space<semaphore_mem>>) src(%dma_wait3A_342 : memref<128x256xf32, #tpu.memory_space<hbm>>) dst(%arg13 : memref<128x256xf32, #tpu.memory_space<vmem>>)
      tpu.yield
    }) : () -> ()
    %add3A_285 = arith.constant 2944 : i32
    %add3A_286 = arith.addi %mul3A_6, %add3A_285 : i32
    %dma_start3A_287 = arith.constant 0 : i32
    %dma_start3A_288 = tpu.memref_slice %arg5[%add3A_286, %dma_start3A_287] : memref<100000x256xf32, #tpu.memory_space<hbm>> -> memref<128x256xf32, #tpu.memory_space<hbm>>
    %dma_start3A_289 = arith.constant 0 : i32
    %dma_start3A_290 = tpu.memref_slice %arg5[%add3A_286, %dma_start3A_289] : memref<100000x256xf32, #tpu.memory_space<hbm>> -> memref<128x256xf32, #tpu.memory_space<hbm>>
    tpu.enqueue_dma source(%arg13 : memref<128x256xf32, #tpu.memory_space<vmem>>) target(%dma_start3A_290 : memref<128x256xf32, #tpu.memory_space<hbm>>) target_semaphore(%arg16 : memref<!tpu.dma_semaphore, #tpu.memory_space<semaphore_mem>>)
    %ne3A = arith.constant 0 : i32
    %ne3A_291 = arith.cmpi ne, %sub3A_12, %ne3A : i32
    %convert_element_type3A_292 = arith.extui %ne3A_291 : i1 to i32
    %cond3A = arith.constant 0 : i32
    %cond3A_293 = arith.cmpi ne, %convert_element_type3A_292, %cond3A : i32
    scf.if %cond3A_293 {
      %dma_wait3A_335 = arith.constant 0 : i32
      %dma_wait3A_336 = tpu.memref_slice %arg5[%mul3A_6, %dma_wait3A_335] : memref<100000x256xf32, #tpu.memory_space<hbm>> -> memref<128x256xf32, #tpu.memory_space<hbm>>
      %dma_wait3A_337 = arith.constant 0 : i32
      %dma_wait3A_338 = tpu.memref_slice %arg5[%mul3A_6, %dma_wait3A_337] : memref<100000x256xf32, #tpu.memory_space<hbm>> -> memref<128x256xf32, #tpu.memory_space<hbm>>
      tpu.wait_dma2 semaphore(%arg16 : memref<!tpu.dma_semaphore, #tpu.memory_space<semaphore_mem>>) src(%arg12 : memref<128x256xf32, #tpu.memory_space<vmem>>) dst(%dma_wait3A_338 : memref<128x256xf32, #tpu.memory_space<hbm>>)
      %add3A_339 = arith.addi %mul3A_6, %mul3A_11 : i32
      %sub3A_340 = arith.constant 128 : i32
      %sub3A_341 = arith.subi %add3A_339, %sub3A_340 : i32
      "tpu.region"() ({
        %run_scoped3A = tpu.sem_alloc : memref<!tpu.dma_semaphore, #tpu.memory_space<semaphore_mem>>
        %dma_start3A_346 = arith.constant 0 : i32
        %dma_start3A_347 = tpu.memref_slice %arg2[%sub3A_341, %dma_start3A_346] : memref<100000x256xf32, #tpu.memory_space<hbm>> -> memref<128x256xf32, #tpu.memory_space<hbm>>
        %dma_start3A_348 = arith.constant 0 : i32
        %dma_start3A_349 = tpu.memref_slice %arg2[%sub3A_341, %dma_start3A_348] : memref<100000x256xf32, #tpu.memory_space<hbm>> -> memref<128x256xf32, #tpu.memory_space<hbm>>
        tpu.enqueue_dma source(%dma_start3A_349 : memref<128x256xf32, #tpu.memory_space<hbm>>) target(%arg12 : memref<128x256xf32, #tpu.memory_space<vmem>>) target_semaphore(%run_scoped3A : memref<!tpu.dma_semaphore, #tpu.memory_space<semaphore_mem>>)
        %dma_wait3A_350 = arith.constant 0 : i32
        %dma_wait3A_351 = tpu.memref_slice %arg2[%sub3A_341, %dma_wait3A_350] : memref<100000x256xf32, #tpu.memory_space<hbm>> -> memref<128x256xf32, #tpu.memory_space<hbm>>
        %dma_wait3A_352 = arith.constant 0 : i32
        %dma_wait3A_353 = tpu.memref_slice %arg2[%sub3A_341, %dma_wait3A_352] : memref<100000x256xf32, #tpu.memory_space<hbm>> -> memref<128x256xf32, #tpu.memory_space<hbm>>
        tpu.wait_dma2 semaphore(%run_scoped3A : memref<!tpu.dma_semaphore, #tpu.memory_space<semaphore_mem>>) src(%dma_wait3A_353 : memref<128x256xf32, #tpu.memory_space<hbm>>) dst(%arg12 : memref<128x256xf32, #tpu.memory_space<vmem>>)
        tpu.yield
      }) : () -> ()
      %dma_start3A_342 = arith.constant 0 : i32
      %dma_start3A_343 = tpu.memref_slice %arg5[%sub3A_341, %dma_start3A_342] : memref<100000x256xf32, #tpu.memory_space<hbm>> -> memref<128x256xf32, #tpu.memory_space<hbm>>
      %dma_start3A_344 = arith.constant 0 : i32
      %dma_start3A_345 = tpu.memref_slice %arg5[%sub3A_341, %dma_start3A_344] : memref<100000x256xf32, #tpu.memory_space<hbm>> -> memref<128x256xf32, #tpu.memory_space<hbm>>
      tpu.enqueue_dma source(%arg12 : memref<128x256xf32, #tpu.memory_space<vmem>>) target(%dma_start3A_345 : memref<128x256xf32, #tpu.memory_space<hbm>>) target_semaphore(%arg16 : memref<!tpu.dma_semaphore, #tpu.memory_space<semaphore_mem>>)
    } else {
    }
    "tpu.region"() ({
      %run_scoped3A = tpu.sem_alloc : memref<!tpu.dma_semaphore, #tpu.memory_space<semaphore_mem>>
      tpu.enqueue_dma source(%arg4 : memref<16384xi32, #tpu.memory_space<hbm>>) target(%arg6 : memref<16384xi32, #tpu.memory_space<vmem>>) target_semaphore(%run_scoped3A : memref<!tpu.dma_semaphore, #tpu.memory_space<semaphore_mem>>)
      tpu.wait_dma2 semaphore(%run_scoped3A : memref<!tpu.dma_semaphore, #tpu.memory_space<semaphore_mem>>) src(%arg4 : memref<16384xi32, #tpu.memory_space<hbm>>) dst(%arg6 : memref<16384xi32, #tpu.memory_space<vmem>>)
      tpu.yield
    }) : () -> ()
    %broadcast_in_dim3A = arith.constant -1 : i32
    %broadcast_in_dim3A_294 = vector.broadcast %broadcast_in_dim3A : i32 to vector<16xi32>
    %scan3A = arith.constant 0 : i32
    %scan3A_295 = arith.constant 0 : i32
    %scan3A_296 = arith.constant 196 : i32
    %scan3A_297 = arith.addi %scan3A_295, %scan3A_296 : i32
    %scan3A_298 = arith.constant 1 : i32
    %scan3A_299 = scf.for %scan3A_335 = %scan3A_295 to %scan3A_297 step %scan3A_298 iter_args(%scan3A_336 = %scan3A) -> (i32)  : i32 {
      %mul3A_337 = arith.constant 16 : i32
      %mul3A_338 = arith.muli %scan3A_335, %mul3A_337 : i32
      %swap3A = arith.index_cast %mul3A_338 : i32 to index
      %swap3A_339 = tpu.vector_load %arg7[%swap3A] {strides = array<i32>} : memref<3136xi32, #tpu.memory_space<vmem>>, vector<16xi32>,
      tpu.vector_store %arg7[%swap3A], %broadcast_in_dim3A_294 {strides = array<i32>} : memref<3136xi32, #tpu.memory_space<vmem>>, vector<16xi32>,
      %scan3A_340 = arith.constant 0 : i32
      scf.yield %scan3A_340 : i32
    }
    %scan3A_300 = arith.constant 196 : i32
    %iota3A = tpu.iota {dimensions = array<i32: 0>} : vector<16xi32>
    %add3A_301 = arith.constant 1 : i32
    %add3A_302 = vector.broadcast %add3A_301 : i32 to vector<16xi32>
    %add3A_303 = arith.addi %iota3A, %add3A_302 : vector<16xi32>
    %min3A_304 = arith.constant 15 : i32
    %min3A_305 = vector.broadcast %min3A_304 : i32 to vector<16xi32>
    %min3A_306 = arith.minsi %add3A_303, %min3A_305 : vector<16xi32>
    %eq3A = arith.constant 15 : i32
    %eq3A_307 = vector.broadcast %eq3A : i32 to vector<16xi32>
    %eq3A_308 = arith.cmpi eq, %iota3A, %eq3A_307 : vector<16xi32>
    %scan3A_309 = arith.constant 2147483647 : i32
    %scan3A_310 = arith.constant 0 : i32
    %scan3A_311 = arith.constant 0 : i32
    %scan3A_312 = arith.constant 1024 : i32
    %scan3A_313 = arith.addi %scan3A_311, %scan3A_312 : i32
    %scan3A_314 = arith.constant 1 : i32
    %scan3A_315 = scf.for %scan3A_335 = %scan3A_311 to %scan3A_313 step %scan3A_314 iter_args(%scan3A_336 = %scan3A_310) -> (i32)  : i32 {
      %mul3A_337 = arith.constant 16 : i32
      %mul3A_338 = arith.muli %scan3A_335, %mul3A_337 : i32
      %get3A = arith.index_cast %mul3A_338 : i32 to index
      %get3A_339 = tpu.vector_load %arg6[%get3A] {strides = array<i32>} : memref<16384xi32, #tpu.memory_space<vmem>>, vector<16xi32>,
      %mul3A_340 = arith.constant 16 : i32
      %mul3A_341 = arith.muli %scan3A_335, %mul3A_340 : i32
      %add3A_342 = vector.broadcast %mul3A_341 : i32 to vector<16xi32>
      %add3A_343 = arith.addi %add3A_342, %iota3A : vector<16xi32>
      %ge3A = vector.broadcast %mul3A_6 : i32 to vector<16xi32>
      %ge3A_344 = arith.cmpi sge, %get3A_339, %ge3A : vector<16xi32>
      %add3A_345 = arith.addi %mul3A_6, %mul3A_11 : i32
      %lt3A_346 = vector.broadcast %add3A_345 : i32 to vector<16xi32>
      %lt3A_347 = arith.cmpi slt, %get3A_339, %lt3A_346 : vector<16xi32>
      %and3A = arith.andi %ge3A_344, %lt3A_347 : vector<16xi1>
      %sub3A_348 = vector.broadcast %mul3A_6 : i32 to vector<16xi32>
      %sub3A_349 = arith.subi %get3A_339, %sub3A_348 : vector<16xi32>
      %mul3A_350 = arith.constant 32768 : i32
      %mul3A_351 = vector.broadcast %mul3A_350 : i32 to vector<16xi32>
      %mul3A_352 = arith.muli %sub3A_349, %mul3A_351 : vector<16xi32>
      %add3A_353 = arith.addi %mul3A_352, %add3A_343 : vector<16xi32>
      %broadcast_in_dim3A_354 = vector.broadcast %scan3A_309 : i32 to vector<16xi32>
      %select_n3A = arith.select %and3A, %add3A_353, %broadcast_in_dim3A_354 : vector<16xi1>, vector<16xi32>
      %masked_sort3A = arith.constant dense<true> : vector<16xi1>
      %masked_sort3A_355 = arith.constant -2147483648 : i32
      %masked_sort3A_356 = vector.broadcast %masked_sort3A_355 : i32 to vector<16xi32>
      %masked_sort3A_357 = arith.xori %select_n3A, %masked_sort3A_356 : vector<16xi32>
      %masked_sort3A_358, %masked_sort3A_359, %masked_sort3A_360 = tpu.sort %masked_sort3A_357, %select_n3A masked %masked_sort3A : (vector<16xi32>, vector<16xi32>, vector<16xi1>) -> (vector<16xi1>, vector<16xi32>, vector<16xi32>)
      %masked_sort3A_361 = arith.xori %masked_sort3A_359, %masked_sort3A_356 : vector<16xi32>
      %shift_right_logical3A = arith.constant 15 : i32
      %shift_right_logical3A_362 = vector.broadcast %shift_right_logical3A : i32 to vector<16xi32>
      %shift_right_logical3A_363 = arith.shrui %masked_sort3A_361, %shift_right_logical3A_362 : vector<16xi32>
      %and3A_364 = arith.constant 32767 : i32
      %and3A_365 = vector.broadcast %and3A_364 : i32 to vector<16xi32>
      %and3A_366 = arith.andi %masked_sort3A_361, %and3A_365 : vector<16xi32>
      %swap3A = arith.constant 0 : index
      %swap3A_367 = tpu.vector_load %arg14[%swap3A] {strides = array<i32>} : memref<16xi32, #tpu.memory_space<vmem>>, vector<16xi32>,
      tpu.vector_store %arg14[%swap3A], %masked_sort3A_361 {strides = array<i32>} : memref<16xi32, #tpu.memory_space<vmem>>, vector<16xi32>,
      %gather3A = tpu.vector_load_idx %arg14[%min3A_306] : memref<16xi32, #tpu.memory_space<vmem>>[vector<16xi32>], vector<16xi32>,
      %shift_right_logical3A_368 = arith.constant 15 : i32
      %shift_right_logical3A_369 = vector.broadcast %shift_right_logical3A_368 : i32 to vector<16xi32>
      %shift_right_logical3A_370 = arith.shrui %gather3A, %shift_right_logical3A_369 : vector<16xi32>
      %ne3A_371 = vector.broadcast %scan3A_309 : i32 to vector<16xi32>
      %ne3A_372 = arith.cmpi ne, %masked_sort3A_361, %ne3A_371 : vector<16xi32>
      %ne3A_373 = arith.cmpi ne, %shift_right_logical3A_370, %shift_right_logical3A_363 : vector<16xi32>
      %or3A = arith.ori %ne3A_373, %eq3A_308 : vector<16xi1>
      %and3A_374 = arith.andi %ne3A_372, %or3A : vector<16xi1>
      tpu.vector_store_idx %arg7[%shift_right_logical3A_363], %and3A_366 masked %and3A_374 : memref<3136xi32, #tpu.memory_space<vmem>>[vector<16xi32>], vector<16xi32>, vector<16xi1>
      %scan3A_375 = arith.constant 0 : i32
      scf.yield %scan3A_375 : i32
    }
    %scan3A_316 = arith.constant 1024 : i32
    %scan3A_317 = arith.constant 0 : i32
    %scan3A_318 = arith.constant 0 : i32
    %scan3A_319 = arith.constant 196 : i32
    %scan3A_320 = arith.addi %scan3A_318, %scan3A_319 : i32
    %scan3A_321 = arith.constant 1 : i32
    %scan3A_322 = scf.for %scan3A_335 = %scan3A_318 to %scan3A_320 step %scan3A_321 iter_args(%scan3A_336 = %scan3A_317) -> (i32)  : i32 {
      %mul3A_337 = arith.constant 16 : i32
      %mul3A_338 = arith.muli %scan3A_335, %mul3A_337 : i32
      %get3A = arith.index_cast %mul3A_338 : i32 to index
      %get3A_339 = tpu.vector_load %arg7[%get3A] {strides = array<i32>} : memref<3136xi32, #tpu.memory_space<vmem>>, vector<16xi32>,
      %ge3A = arith.constant 0 : i32
      %ge3A_340 = vector.broadcast %ge3A : i32 to vector<16xi32>
      %ge3A_341 = arith.cmpi sge, %get3A_339, %ge3A_340 : vector<16xi32>
      %convert_element_type3A_342 = arith.extui %ge3A_341 : vector<16xi1> to vector<16xi32>
      %cumsum3A = arith.constant true
      %cumsum3A_343 = vector.broadcast %cumsum3A : i1 to vector<16xi1>
      %cumsum3A_344 = tpu.scan <sum>, %convert_element_type3A_342 masked %cumsum3A_343 : vector<16xi32>, vector<16xi1> -> vector<16xi32>
      %add3A_345 = vector.broadcast %scan3A_336 : i32 to vector<16xi32>
      %add3A_346 = arith.addi %add3A_345, %cumsum3A_344 : vector<16xi32>
      %sub3A_347 = arith.constant 1 : i32
      %sub3A_348 = vector.broadcast %sub3A_347 : i32 to vector<16xi32>
      %sub3A_349 = arith.subi %add3A_346, %sub3A_348 : vector<16xi32>
      %mul3A_350 = arith.constant 16 : i32
      %mul3A_351 = arith.muli %scan3A_335, %mul3A_350 : i32
      %add3A_352 = arith.addi %mul3A_6, %mul3A_351 : i32
      %add3A_353 = vector.broadcast %add3A_352 : i32 to vector<16xi32>
      %add3A_354 = arith.addi %add3A_353, %iota3A : vector<16xi32>
      tpu.vector_store_idx %arg8[%sub3A_349], %add3A_354 masked %ge3A_341 : memref<3232xi32, #tpu.memory_space<vmem>>[vector<16xi32>], vector<16xi32>, vector<16xi1>
      tpu.vector_store_idx %arg9[%sub3A_349], %get3A_339 masked %ge3A_341 : memref<3232xi32, #tpu.memory_space<vmem>>[vector<16xi32>], vector<16xi32>, vector<16xi1>
      %convert_element_type3A_355 = arith.extui %ge3A_341 : vector<16xi1> to vector<16xi32>
      %reduce_sum3A = arith.constant true
      %reduce_sum3A_356 = vector.broadcast %reduce_sum3A : i1 to vector<16xi1>
      %reduce_sum3A_357 = tpu.scan <sum>, %convert_element_type3A_355 masked %reduce_sum3A_356 : vector<16xi32>, vector<16xi1> -> vector<16xi32>
      %reduce_sum3A_358 = vector.extract %reduce_sum3A_357[15] : i32 from vector<16xi32>
      %add3A_359 = arith.addi %scan3A_336, %reduce_sum3A_358 : i32
      scf.yield %add3A_359 : i32
    }
    %scan3A_323 = arith.constant 196 : i32
    %scan3A_324 = arith.constant 0 : i32
    %scan3A_325 = arith.constant 0 : i32
    %scan3A_326 = arith.constant 2 : i32
    %scan3A_327 = arith.addi %scan3A_325, %scan3A_326 : i32
    %scan3A_328 = arith.constant 1 : i32
    %scan3A_329 = scf.for %scan3A_335 = %scan3A_325 to %scan3A_327 step %scan3A_328 iter_args(%scan3A_336 = %scan3A_324) -> (i32)  : i32 {
      %dma_wait3A_337 = arith.constant 0 : i32
      %dma_wait3A_338 = tpu.memref_slice %arg5[%mul3A_6, %dma_wait3A_337] : memref<100000x256xf32, #tpu.memory_space<hbm>> -> memref<128x256xf32, #tpu.memory_space<hbm>>
      %dma_wait3A_339 = arith.constant 0 : i32
      %dma_wait3A_340 = tpu.memref_slice %arg5[%mul3A_6, %dma_wait3A_339] : memref<100000x256xf32, #tpu.memory_space<hbm>> -> memref<128x256xf32, #tpu.memory_space<hbm>>
      tpu.wait_dma2 semaphore(%arg16 : memref<!tpu.dma_semaphore, #tpu.memory_space<semaphore_mem>>) src(%arg12 : memref<128x256xf32, #tpu.memory_space<vmem>>) dst(%dma_wait3A_340 : memref<128x256xf32, #tpu.memory_space<hbm>>)
      %scan3A_341 = arith.constant 0 : i32
      scf.yield %scan3A_341 : i32
    }
    %scan3A_330 = arith.constant 2 : i32
    %gt3A = arith.constant 0 : i32
    %gt3A_331 = arith.cmpi sgt, %scan3A_322, %gt3A : i32
    %convert_element_type3A_332 = arith.extui %gt3A_331 : i1 to i32
    %cond3A_333 = arith.constant 0 : i32
    %cond3A_334 = arith.cmpi ne, %convert_element_type3A_332, %cond3A_333 : i32
    scf.if %cond3A_334 {
      %get3A = arith.constant 0 : index
      %get3A_335 = tpu.vector_load %arg8[%get3A] {strides = array<i32>} : memref<3232xi32, #tpu.memory_space<vmem>>, vector<16xi32>,
      %slice3A = vector.extract_strided_slice %get3A_335 {offsets = [0], sizes = [1], strides = [1]} : vector<16xi32> to vector<1xi32>
      %squeeze3A = vector.extract %slice3A[0] : i32 from vector<1xi32>
      %get3A_336 = arith.constant 0 : index
      %get3A_337 = tpu.vector_load %arg9[%get3A_336] {strides = array<i32>} : memref<3232xi32, #tpu.memory_space<vmem>>, vector<16xi32>,
      %slice3A_338 = vector.extract_strided_slice %get3A_337 {offsets = [0], sizes = [1], strides = [1]} : vector<16xi32> to vector<1xi32>
      %squeeze3A_339 = vector.extract %slice3A_338[0] : i32 from vector<1xi32>
      %broadcast_in_dim3A_340 = vector.broadcast %squeeze3A : i32 to vector<16xi32>
      %broadcast_in_dim3A_341 = vector.broadcast %squeeze3A_339 : i32 to vector<16xi32>
      %add3A_342 = arith.constant 0 : i32
      %add3A_343 = arith.addi %scan3A_322, %add3A_342 : i32
      %swap3A = arith.index_cast %add3A_343 : i32 to index
      %swap3A_344 = tpu.vector_load %arg8[%swap3A] {strides = array<i32>} : memref<3232xi32, #tpu.memory_space<vmem>>, vector<16xi32>,
      tpu.vector_store %arg8[%swap3A], %broadcast_in_dim3A_340 {strides = array<i32>} : memref<3232xi32, #tpu.memory_space<vmem>>, vector<16xi32>,
      %add3A_345 = arith.constant 0 : i32
      %add3A_346 = arith.addi %scan3A_322, %add3A_345 : i32
      %swap3A_347 = arith.index_cast %add3A_346 : i32 to index
      %swap3A_348 = tpu.vector_load %arg9[%swap3A_347] {strides = array<i32>} : memref<3232xi32, #tpu.memory_space<vmem>>, vector<16xi32>,
      tpu.vector_store %arg9[%swap3A_347], %broadcast_in_dim3A_341 {strides = array<i32>} : memref<3232xi32, #tpu.memory_space<vmem>>, vector<16xi32>,
      %add3A_349 = arith.constant 16 : i32
      %add3A_350 = arith.addi %scan3A_322, %add3A_349 : i32
      %swap3A_351 = arith.index_cast %add3A_350 : i32 to index
      %swap3A_352 = tpu.vector_load %arg8[%swap3A_351] {strides = array<i32>} : memref<3232xi32, #tpu.memory_space<vmem>>, vector<16xi32>,
      tpu.vector_store %arg8[%swap3A_351], %broadcast_in_dim3A_340 {strides = array<i32>} : memref<3232xi32, #tpu.memory_space<vmem>>, vector<16xi32>,
      %add3A_353 = arith.constant 16 : i32
      %add3A_354 = arith.addi %scan3A_322, %add3A_353 : i32
      %swap3A_355 = arith.index_cast %add3A_354 : i32 to index
      %swap3A_356 = tpu.vector_load %arg9[%swap3A_355] {strides = array<i32>} : memref<3232xi32, #tpu.memory_space<vmem>>, vector<16xi32>,
      tpu.vector_store %arg9[%swap3A_355], %broadcast_in_dim3A_341 {strides = array<i32>} : memref<3232xi32, #tpu.memory_space<vmem>>, vector<16xi32>,
      %add3A_357 = arith.constant 32 : i32
      %add3A_358 = arith.addi %scan3A_322, %add3A_357 : i32
      %swap3A_359 = arith.index_cast %add3A_358 : i32 to index
      %swap3A_360 = tpu.vector_load %arg8[%swap3A_359] {strides = array<i32>} : memref<3232xi32, #tpu.memory_space<vmem>>, vector<16xi32>,
      tpu.vector_store %arg8[%swap3A_359], %broadcast_in_dim3A_340 {strides = array<i32>} : memref<3232xi32, #tpu.memory_space<vmem>>, vector<16xi32>,
      %add3A_361 = arith.constant 32 : i32
      %add3A_362 = arith.addi %scan3A_322, %add3A_361 : i32
      %swap3A_363 = arith.index_cast %add3A_362 : i32 to index
      %swap3A_364 = tpu.vector_load %arg9[%swap3A_363] {strides = array<i32>} : memref<3232xi32, #tpu.memory_space<vmem>>, vector<16xi32>,
      tpu.vector_store %arg9[%swap3A_363], %broadcast_in_dim3A_341 {strides = array<i32>} : memref<3232xi32, #tpu.memory_space<vmem>>, vector<16xi32>,
      %add3A_365 = arith.constant 48 : i32
      %add3A_366 = arith.addi %scan3A_322, %add3A_365 : i32
      %swap3A_367 = arith.index_cast %add3A_366 : i32 to index
      %swap3A_368 = tpu.vector_load %arg8[%swap3A_367] {strides = array<i32>} : memref<3232xi32, #tpu.memory_space<vmem>>, vector<16xi32>,
      tpu.vector_store %arg8[%swap3A_367], %broadcast_in_dim3A_340 {strides = array<i32>} : memref<3232xi32, #tpu.memory_space<vmem>>, vector<16xi32>,
      %add3A_369 = arith.constant 48 : i32
      %add3A_370 = arith.addi %scan3A_322, %add3A_369 : i32
      %swap3A_371 = arith.index_cast %add3A_370 : i32 to index
      %swap3A_372 = tpu.vector_load %arg9[%swap3A_371] {strides = array<i32>} : memref<3232xi32, #tpu.memory_space<vmem>>, vector<16xi32>,
      tpu.vector_store %arg9[%swap3A_371], %broadcast_in_dim3A_341 {strides = array<i32>} : memref<3232xi32, #tpu.memory_space<vmem>>, vector<16xi32>,
      %add3A_373 = arith.constant 64 : i32
      %add3A_374 = arith.addi %scan3A_322, %add3A_373 : i32
      %swap3A_375 = arith.index_cast %add3A_374 : i32 to index
      %swap3A_376 = tpu.vector_load %arg8[%swap3A_375] {strides = array<i32>} : memref<3232xi32, #tpu.memory_space<vmem>>, vector<16xi32>,
      tpu.vector_store %arg8[%swap3A_375], %broadcast_in_dim3A_340 {strides = array<i32>} : memref<3232xi32, #tpu.memory_space<vmem>>, vector<16xi32>,
      %add3A_377 = arith.constant 64 : i32
      %add3A_378 = arith.addi %scan3A_322, %add3A_377 : i32
      %swap3A_379 = arith.index_cast %add3A_378 : i32 to index
      %swap3A_380 = tpu.vector_load %arg9[%swap3A_379] {strides = array<i32>} : memref<3232xi32, #tpu.memory_space<vmem>>, vector<16xi32>,
      tpu.vector_store %arg9[%swap3A_379], %broadcast_in_dim3A_341 {strides = array<i32>} : memref<3232xi32, #tpu.memory_space<vmem>>, vector<16xi32>,
      %add3A_381 = arith.constant 80 : i32
      %add3A_382 = arith.addi %scan3A_322, %add3A_381 : i32
      %swap3A_383 = arith.index_cast %add3A_382 : i32 to index
      %swap3A_384 = tpu.vector_load %arg8[%swap3A_383] {strides = array<i32>} : memref<3232xi32, #tpu.memory_space<vmem>>, vector<16xi32>,
      tpu.vector_store %arg8[%swap3A_383], %broadcast_in_dim3A_340 {strides = array<i32>} : memref<3232xi32, #tpu.memory_space<vmem>>, vector<16xi32>,
      %add3A_385 = arith.constant 80 : i32
      %add3A_386 = arith.addi %scan3A_322, %add3A_385 : i32
      %swap3A_387 = arith.index_cast %add3A_386 : i32 to index
      %swap3A_388 = tpu.vector_load %arg9[%swap3A_387] {strides = array<i32>} : memref<3232xi32, #tpu.memory_space<vmem>>, vector<16xi32>,
      tpu.vector_store %arg9[%swap3A_387], %broadcast_in_dim3A_341 {strides = array<i32>} : memref<3232xi32, #tpu.memory_space<vmem>>, vector<16xi32>,
      %add3A_389 = arith.constant 96 : i32
      %add3A_390 = arith.addi %scan3A_322, %add3A_389 : i32
      %swap3A_391 = arith.index_cast %add3A_390 : i32 to index
      %swap3A_392 = tpu.vector_load %arg8[%swap3A_391] {strides = array<i32>} : memref<3232xi32, #tpu.memory_space<vmem>>, vector<16xi32>,
      tpu.vector_store %arg8[%swap3A_391], %broadcast_in_dim3A_340 {strides = array<i32>} : memref<3232xi32, #tpu.memory_space<vmem>>, vector<16xi32>,
      %add3A_393 = arith.constant 96 : i32
      %add3A_394 = arith.addi %scan3A_322, %add3A_393 : i32
      %swap3A_395 = arith.index_cast %add3A_394 : i32 to index
      %swap3A_396 = tpu.vector_load %arg9[%swap3A_395] {strides = array<i32>} : memref<3232xi32, #tpu.memory_space<vmem>>, vector<16xi32>,
      tpu.vector_store %arg9[%swap3A_395], %broadcast_in_dim3A_341 {strides = array<i32>} : memref<3232xi32, #tpu.memory_space<vmem>>, vector<16xi32>,
      %add3A_397 = arith.constant 112 : i32
      %add3A_398 = arith.addi %scan3A_322, %add3A_397 : i32
      %swap3A_399 = arith.index_cast %add3A_398 : i32 to index
      %swap3A_400 = tpu.vector_load %arg8[%swap3A_399] {strides = array<i32>} : memref<3232xi32, #tpu.memory_space<vmem>>, vector<16xi32>,
      tpu.vector_store %arg8[%swap3A_399], %broadcast_in_dim3A_340 {strides = array<i32>} : memref<3232xi32, #tpu.memory_space<vmem>>, vector<16xi32>,
      %add3A_401 = arith.constant 112 : i32
      %add3A_402 = arith.addi %scan3A_322, %add3A_401 : i32
      %swap3A_403 = arith.index_cast %add3A_402 : i32 to index
      %swap3A_404 = tpu.vector_load %arg9[%swap3A_403] {strides = array<i32>} : memref<3232xi32, #tpu.memory_space<vmem>>, vector<16xi32>,
      tpu.vector_store %arg9[%swap3A_403], %broadcast_in_dim3A_341 {strides = array<i32>} : memref<3232xi32, #tpu.memory_space<vmem>>, vector<16xi32>,
      %add3A_405 = arith.constant 128 : i32
      %add3A_406 = arith.addi %scan3A_322, %add3A_405 : i32
      %sub3A_407 = arith.constant 1 : i32
      %sub3A_408 = arith.subi %add3A_406, %sub3A_407 : i32
      %jit3A = arith.constant 128 : i32
      %div3A = arith.divsi %sub3A_408, %jit3A : i32
      %sign3A = arith.constant 0 : i32
      %sign3A_409 = arith.cmpi sgt, %sub3A_408, %sign3A : i32
      %sign3A_410 = arith.extui %sign3A_409 : i1 to i32
      %sign3A_411 = arith.constant 0 : i32
      %sign3A_412 = arith.cmpi slt, %sub3A_408, %sign3A_411 : i32
      %sign3A_413 = arith.extui %sign3A_412 : i1 to i32
      %sign3A_414 = arith.subi %sign3A_410, %sign3A_413 : i32
      %sign3A_415 = arith.constant 0 : i32
      %sign3A_416 = arith.cmpi sgt, %jit3A, %sign3A_415 : i32
      %sign3A_417 = arith.extui %sign3A_416 : i1 to i32
      %sign3A_418 = arith.constant 0 : i32
      %sign3A_419 = arith.cmpi slt, %jit3A, %sign3A_418 : i32
      %sign3A_420 = arith.extui %sign3A_419 : i1 to i32
      %sign3A_421 = arith.subi %sign3A_417, %sign3A_420 : i32
      %ne3A_422 = arith.cmpi ne, %sign3A_414, %sign3A_421 : i32
      %rem3A = arith.remsi %sub3A_408, %jit3A : i32
      %ne3A_423 = arith.constant 0 : i32
      %ne3A_424 = arith.cmpi ne, %rem3A, %ne3A_423 : i32
      %and3A = arith.andi %ne3A_422, %ne3A_424 : i1
      %sub3A_425 = arith.constant 1 : i32
      %sub3A_426 = arith.subi %div3A, %sub3A_425 : i32
      %select_n3A = arith.select %and3A, %sub3A_426, %div3A : i32
      %while3A = arith.constant 0 : i32
      %while3A_427 = arith.constant 0 : i32
      %while3A_428 = arith.subi %select_n3A, %while3A : i32
      %while3A_429 = arith.addi %while3A, %while3A_428 : i32
      %while3A_430 = arith.constant 1 : i32
      %while3A_431 = arith.divsi %while3A_428, %while3A_430 : i32
      %while3A_432 = arith.muli %while3A_431, %while3A_430 : i32
      %while3A_433 = arith.addi %while3A, %while3A_432 : i32
      %while3A_434 = arith.constant 1 : i32
      %while3A_435 = scf.for %while3A_450 = %while3A to %while3A_433 step %while3A_434 iter_args(%while3A_451 = %while3A_427) -> (i32)  : i32 {
        %mul3A_452 = arith.constant 128 : i32
        %mul3A_453 = arith.muli %while3A_450, %mul3A_452 : i32
        %add3A_454 = arith.constant 0 : i32
        %add3A_455 = arith.addi %mul3A_453, %add3A_454 : i32
        %get3A_456 = arith.index_cast %add3A_455 : i32 to index
        %get3A_457 = tpu.vector_load %arg8[%get3A_456] {strides = array<i32>} : memref<3232xi32, #tpu.memory_space<vmem>>, vector<16xi32>,
        %swap3A_458 = arith.index_cast %while3A_450 : i32 to index
        %swap3A_459 = arith.constant 0 : index
        %swap3A_460 = tpu.vector_load %arg10[%swap3A_458, %swap3A_459] {strides = array<i32>} : memref<25x128xi32, #tpu.memory_space<vmem>>, vector<16xi32>,
        tpu.vector_store %arg10[%swap3A_458, %swap3A_459], %get3A_457 {strides = array<i32>} : memref<25x128xi32, #tpu.memory_space<vmem>>, vector<16xi32>,
        %mul3A_461 = arith.constant 128 : i32
        %mul3A_462 = arith.muli %while3A_450, %mul3A_461 : i32
        %add3A_463 = arith.constant 0 : i32
        %add3A_464 = arith.addi %mul3A_462, %add3A_463 : i32
        %get3A_465 = arith.index_cast %add3A_464 : i32 to index
        %get3A_466 = tpu.vector_load %arg9[%get3A_465] {strides = array<i32>} : memref<3232xi32, #tpu.memory_space<vmem>>, vector<16xi32>,
        %swap3A_467 = arith.index_cast %while3A_450 : i32 to index
        %swap3A_468 = arith.constant 0 : index
        %swap3A_469 = tpu.vector_load %arg11[%swap3A_467, %swap3A_468] {strides = array<i32>} : memref<25x128xi32, #tpu.memory_space<vmem>>, vector<16xi32>,
        tpu.vector_store %arg11[%swap3A_467, %swap3A_468], %get3A_466 {strides = array<i32>} : memref<25x128xi32, #tpu.memory_space<vmem>>, vector<16xi32>,
        %mul3A_470 = arith.constant 128 : i32
        %mul3A_471 = arith.muli %while3A_450, %mul3A_470 : i32
        %add3A_472 = arith.constant 16 : i32
        %add3A_473 = arith.addi %mul3A_471, %add3A_472 : i32
        %get3A_474 = arith.index_cast %add3A_473 : i32 to index
        %get3A_475 = tpu.vector_load %arg8[%get3A_474] {strides = array<i32>} : memref<3232xi32, #tpu.memory_space<vmem>>, vector<16xi32>,
        %swap3A_476 = arith.index_cast %while3A_450 : i32 to index
        %swap3A_477 = arith.constant 16 : index
        %swap3A_478 = tpu.vector_load %arg10[%swap3A_476, %swap3A_477] {strides = array<i32>} : memref<25x128xi32, #tpu.memory_space<vmem>>, vector<16xi32>,
        tpu.vector_store %arg10[%swap3A_476, %swap3A_477], %get3A_475 {strides = array<i32>} : memref<25x128xi32, #tpu.memory_space<vmem>>, vector<16xi32>,
        %mul3A_479 = arith.constant 128 : i32
        %mul3A_480 = arith.muli %while3A_450, %mul3A_479 : i32
        %add3A_481 = arith.constant 16 : i32
        %add3A_482 = arith.addi %mul3A_480, %add3A_481 : i32
        %get3A_483 = arith.index_cast %add3A_482 : i32 to index
        %get3A_484 = tpu.vector_load %arg9[%get3A_483] {strides = array<i32>} : memref<3232xi32, #tpu.memory_space<vmem>>, vector<16xi32>,
        %swap3A_485 = arith.index_cast %while3A_450 : i32 to index
        %swap3A_486 = arith.constant 16 : index
        %swap3A_487 = tpu.vector_load %arg11[%swap3A_485, %swap3A_486] {strides = array<i32>} : memref<25x128xi32, #tpu.memory_space<vmem>>, vector<16xi32>,
        tpu.vector_store %arg11[%swap3A_485, %swap3A_486], %get3A_484 {strides = array<i32>} : memref<25x128xi32, #tpu.memory_space<vmem>>, vector<16xi32>,
        %mul3A_488 = arith.constant 128 : i32
        %mul3A_489 = arith.muli %while3A_450, %mul3A_488 : i32
        %add3A_490 = arith.constant 32 : i32
        %add3A_491 = arith.addi %mul3A_489, %add3A_490 : i32
        %get3A_492 = arith.index_cast %add3A_491 : i32 to index
        %get3A_493 = tpu.vector_load %arg8[%get3A_492] {strides = array<i32>} : memref<3232xi32, #tpu.memory_space<vmem>>, vector<16xi32>,
        %swap3A_494 = arith.index_cast %while3A_450 : i32 to index
        %swap3A_495 = arith.constant 32 : index
        %swap3A_496 = tpu.vector_load %arg10[%swap3A_494, %swap3A_495] {strides = array<i32>} : memref<25x128xi32, #tpu.memory_space<vmem>>, vector<16xi32>,
        tpu.vector_store %arg10[%swap3A_494, %swap3A_495], %get3A_493 {strides = array<i32>} : memref<25x128xi32, #tpu.memory_space<vmem>>, vector<16xi32>,
        %mul3A_497 = arith.constant 128 : i32
        %mul3A_498 = arith.muli %while3A_450, %mul3A_497 : i32
        %add3A_499 = arith.constant 32 : i32
        %add3A_500 = arith.addi %mul3A_498, %add3A_499 : i32
        %get3A_501 = arith.index_cast %add3A_500 : i32 to index
        %get3A_502 = tpu.vector_load %arg9[%get3A_501] {strides = array<i32>} : memref<3232xi32, #tpu.memory_space<vmem>>, vector<16xi32>,
        %swap3A_503 = arith.index_cast %while3A_450 : i32 to index
        %swap3A_504 = arith.constant 32 : index
        %swap3A_505 = tpu.vector_load %arg11[%swap3A_503, %swap3A_504] {strides = array<i32>} : memref<25x128xi32, #tpu.memory_space<vmem>>, vector<16xi32>,
        tpu.vector_store %arg11[%swap3A_503, %swap3A_504], %get3A_502 {strides = array<i32>} : memref<25x128xi32, #tpu.memory_space<vmem>>, vector<16xi32>,
        %mul3A_506 = arith.constant 128 : i32
        %mul3A_507 = arith.muli %while3A_450, %mul3A_506 : i32
        %add3A_508 = arith.constant 48 : i32
        %add3A_509 = arith.addi %mul3A_507, %add3A_508 : i32
        %get3A_510 = arith.index_cast %add3A_509 : i32 to index
        %get3A_511 = tpu.vector_load %arg8[%get3A_510] {strides = array<i32>} : memref<3232xi32, #tpu.memory_space<vmem>>, vector<16xi32>,
        %swap3A_512 = arith.index_cast %while3A_450 : i32 to index
        %swap3A_513 = arith.constant 48 : index
        %swap3A_514 = tpu.vector_load %arg10[%swap3A_512, %swap3A_513] {strides = array<i32>} : memref<25x128xi32, #tpu.memory_space<vmem>>, vector<16xi32>,
        tpu.vector_store %arg10[%swap3A_512, %swap3A_513], %get3A_511 {strides = array<i32>} : memref<25x128xi32, #tpu.memory_space<vmem>>, vector<16xi32>,
        %mul3A_515 = arith.constant 128 : i32
        %mul3A_516 = arith.muli %while3A_450, %mul3A_515 : i32
        %add3A_517 = arith.constant 48 : i32
        %add3A_518 = arith.addi %mul3A_516, %add3A_517 : i32
        %get3A_519 = arith.index_cast %add3A_518 : i32 to index
        %get3A_520 = tpu.vector_load %arg9[%get3A_519] {strides = array<i32>} : memref<3232xi32, #tpu.memory_space<vmem>>, vector<16xi32>,
        %swap3A_521 = arith.index_cast %while3A_450 : i32 to index
        %swap3A_522 = arith.constant 48 : index
        %swap3A_523 = tpu.vector_load %arg11[%swap3A_521, %swap3A_522] {strides = array<i32>} : memref<25x128xi32, #tpu.memory_space<vmem>>, vector<16xi32>,
        tpu.vector_store %arg11[%swap3A_521, %swap3A_522], %get3A_520 {strides = array<i32>} : memref<25x128xi32, #tpu.memory_space<vmem>>, vector<16xi32>,
        %mul3A_524 = arith.constant 128 : i32
        %mul3A_525 = arith.muli %while3A_450, %mul3A_524 : i32
        %add3A_526 = arith.constant 64 : i32
        %add3A_527 = arith.addi %mul3A_525, %add3A_526 : i32
        %get3A_528 = arith.index_cast %add3A_527 : i32 to index
        %get3A_529 = tpu.vector_load %arg8[%get3A_528] {strides = array<i32>} : memref<3232xi32, #tpu.memory_space<vmem>>, vector<16xi32>,
        %swap3A_530 = arith.index_cast %while3A_450 : i32 to index
        %swap3A_531 = arith.constant 64 : index
        %swap3A_532 = tpu.vector_load %arg10[%swap3A_530, %swap3A_531] {strides = array<i32>} : memref<25x128xi32, #tpu.memory_space<vmem>>, vector<16xi32>,
        tpu.vector_store %arg10[%swap3A_530, %swap3A_531], %get3A_529 {strides = array<i32>} : memref<25x128xi32, #tpu.memory_space<vmem>>, vector<16xi32>,
        %mul3A_533 = arith.constant 128 : i32
        %mul3A_534 = arith.muli %while3A_450, %mul3A_533 : i32
        %add3A_535 = arith.constant 64 : i32
        %add3A_536 = arith.addi %mul3A_534, %add3A_535 : i32
        %get3A_537 = arith.index_cast %add3A_536 : i32 to index
        %get3A_538 = tpu.vector_load %arg9[%get3A_537] {strides = array<i32>} : memref<3232xi32, #tpu.memory_space<vmem>>, vector<16xi32>,
        %swap3A_539 = arith.index_cast %while3A_450 : i32 to index
        %swap3A_540 = arith.constant 64 : index
        %swap3A_541 = tpu.vector_load %arg11[%swap3A_539, %swap3A_540] {strides = array<i32>} : memref<25x128xi32, #tpu.memory_space<vmem>>, vector<16xi32>,
        tpu.vector_store %arg11[%swap3A_539, %swap3A_540], %get3A_538 {strides = array<i32>} : memref<25x128xi32, #tpu.memory_space<vmem>>, vector<16xi32>,
        %mul3A_542 = arith.constant 128 : i32
        %mul3A_543 = arith.muli %while3A_450, %mul3A_542 : i32
        %add3A_544 = arith.constant 80 : i32
        %add3A_545 = arith.addi %mul3A_543, %add3A_544 : i32
        %get3A_546 = arith.index_cast %add3A_545 : i32 to index
        %get3A_547 = tpu.vector_load %arg8[%get3A_546] {strides = array<i32>} : memref<3232xi32, #tpu.memory_space<vmem>>, vector<16xi32>,
        %swap3A_548 = arith.index_cast %while3A_450 : i32 to index
        %swap3A_549 = arith.constant 80 : index
        %swap3A_550 = tpu.vector_load %arg10[%swap3A_548, %swap3A_549] {strides = array<i32>} : memref<25x128xi32, #tpu.memory_space<vmem>>, vector<16xi32>,
        tpu.vector_store %arg10[%swap3A_548, %swap3A_549], %get3A_547 {strides = array<i32>} : memref<25x128xi32, #tpu.memory_space<vmem>>, vector<16xi32>,
        %mul3A_551 = arith.constant 128 : i32
        %mul3A_552 = arith.muli %while3A_450, %mul3A_551 : i32
        %add3A_553 = arith.constant 80 : i32
        %add3A_554 = arith.addi %mul3A_552, %add3A_553 : i32
        %get3A_555 = arith.index_cast %add3A_554 : i32 to index
        %get3A_556 = tpu.vector_load %arg9[%get3A_555] {strides = array<i32>} : memref<3232xi32, #tpu.memory_space<vmem>>, vector<16xi32>,
        %swap3A_557 = arith.index_cast %while3A_450 : i32 to index
        %swap3A_558 = arith.constant 80 : index
        %swap3A_559 = tpu.vector_load %arg11[%swap3A_557, %swap3A_558] {strides = array<i32>} : memref<25x128xi32, #tpu.memory_space<vmem>>, vector<16xi32>,
        tpu.vector_store %arg11[%swap3A_557, %swap3A_558], %get3A_556 {strides = array<i32>} : memref<25x128xi32, #tpu.memory_space<vmem>>, vector<16xi32>,
        %mul3A_560 = arith.constant 128 : i32
        %mul3A_561 = arith.muli %while3A_450, %mul3A_560 : i32
        %add3A_562 = arith.constant 96 : i32
        %add3A_563 = arith.addi %mul3A_561, %add3A_562 : i32
        %get3A_564 = arith.index_cast %add3A_563 : i32 to index
        %get3A_565 = tpu.vector_load %arg8[%get3A_564] {strides = array<i32>} : memref<3232xi32, #tpu.memory_space<vmem>>, vector<16xi32>,
        %swap3A_566 = arith.index_cast %while3A_450 : i32 to index
        %swap3A_567 = arith.constant 96 : index
        %swap3A_568 = tpu.vector_load %arg10[%swap3A_566, %swap3A_567] {strides = array<i32>} : memref<25x128xi32, #tpu.memory_space<vmem>>, vector<16xi32>,
        tpu.vector_store %arg10[%swap3A_566, %swap3A_567], %get3A_565 {strides = array<i32>} : memref<25x128xi32, #tpu.memory_space<vmem>>, vector<16xi32>,
        %mul3A_569 = arith.constant 128 : i32
        %mul3A_570 = arith.muli %while3A_450, %mul3A_569 : i32
        %add3A_571 = arith.constant 96 : i32
        %add3A_572 = arith.addi %mul3A_570, %add3A_571 : i32
        %get3A_573 = arith.index_cast %add3A_572 : i32 to index
        %get3A_574 = tpu.vector_load %arg9[%get3A_573] {strides = array<i32>} : memref<3232xi32, #tpu.memory_space<vmem>>, vector<16xi32>,
        %swap3A_575 = arith.index_cast %while3A_450 : i32 to index
        %swap3A_576 = arith.constant 96 : index
        %swap3A_577 = tpu.vector_load %arg11[%swap3A_575, %swap3A_576] {strides = array<i32>} : memref<25x128xi32, #tpu.memory_space<vmem>>, vector<16xi32>,
        tpu.vector_store %arg11[%swap3A_575, %swap3A_576], %get3A_574 {strides = array<i32>} : memref<25x128xi32, #tpu.memory_space<vmem>>, vector<16xi32>,
        %mul3A_578 = arith.constant 128 : i32
        %mul3A_579 = arith.muli %while3A_450, %mul3A_578 : i32
        %add3A_580 = arith.constant 112 : i32
        %add3A_581 = arith.addi %mul3A_579, %add3A_580 : i32
        %get3A_582 = arith.index_cast %add3A_581 : i32 to index
        %get3A_583 = tpu.vector_load %arg8[%get3A_582] {strides = array<i32>} : memref<3232xi32, #tpu.memory_space<vmem>>, vector<16xi32>,
        %swap3A_584 = arith.index_cast %while3A_450 : i32 to index
        %swap3A_585 = arith.constant 112 : index
        %swap3A_586 = tpu.vector_load %arg10[%swap3A_584, %swap3A_585] {strides = array<i32>} : memref<25x128xi32, #tpu.memory_space<vmem>>, vector<16xi32>,
        tpu.vector_store %arg10[%swap3A_584, %swap3A_585], %get3A_583 {strides = array<i32>} : memref<25x128xi32, #tpu.memory_space<vmem>>, vector<16xi32>,
        %mul3A_587 = arith.constant 128 : i32
        %mul3A_588 = arith.muli %while3A_450, %mul3A_587 : i32
        %add3A_589 = arith.constant 112 : i32
        %add3A_590 = arith.addi %mul3A_588, %add3A_589 : i32
        %get3A_591 = arith.index_cast %add3A_590 : i32 to index
        %get3A_592 = tpu.vector_load %arg9[%get3A_591] {strides = array<i32>} : memref<3232xi32, #tpu.memory_space<vmem>>, vector<16xi32>,
        %swap3A_593 = arith.index_cast %while3A_450 : i32 to index
        %swap3A_594 = arith.constant 112 : index
        %swap3A_595 = tpu.vector_load %arg11[%swap3A_593, %swap3A_594] {strides = array<i32>} : memref<25x128xi32, #tpu.memory_space<vmem>>, vector<16xi32>,
        tpu.vector_store %arg11[%swap3A_593, %swap3A_594], %get3A_592 {strides = array<i32>} : memref<25x128xi32, #tpu.memory_space<vmem>>, vector<16xi32>,
        %while3A_596 = arith.constant 0 : i32
        scf.yield %while3A_596 : i32
      }
      %while3A_436 = arith.constant 1 : i32
      %while3A_437 = scf.for %while3A_450 = %while3A_433 to %while3A_429 step %while3A_436 iter_args(%while3A_451 = %while3A_435) -> (i32)  : i32 {
        %mul3A_452 = arith.constant 128 : i32
        %mul3A_453 = arith.muli %while3A_450, %mul3A_452 : i32
        %add3A_454 = arith.constant 0 : i32
        %add3A_455 = arith.addi %mul3A_453, %add3A_454 : i32
        %get3A_456 = arith.index_cast %add3A_455 : i32 to index
        %get3A_457 = tpu.vector_load %arg8[%get3A_456] {strides = array<i32>} : memref<3232xi32, #tpu.memory_space<vmem>>, vector<16xi32>,
        %swap3A_458 = arith.index_cast %while3A_450 : i32 to index
        %swap3A_459 = arith.constant 0 : index
        %swap3A_460 = tpu.vector_load %arg10[%swap3A_458, %swap3A_459] {strides = array<i32>} : memref<25x128xi32, #tpu.memory_space<vmem>>, vector<16xi32>,
        tpu.vector_store %arg10[%swap3A_458, %swap3A_459], %get3A_457 {strides = array<i32>} : memref<25x128xi32, #tpu.memory_space<vmem>>, vector<16xi32>,
        %mul3A_461 = arith.constant 128 : i32
        %mul3A_462 = arith.muli %while3A_450, %mul3A_461 : i32
        %add3A_463 = arith.constant 0 : i32
        %add3A_464 = arith.addi %mul3A_462, %add3A_463 : i32
        %get3A_465 = arith.index_cast %add3A_464 : i32 to index
        %get3A_466 = tpu.vector_load %arg9[%get3A_465] {strides = array<i32>} : memref<3232xi32, #tpu.memory_space<vmem>>, vector<16xi32>,
        %swap3A_467 = arith.index_cast %while3A_450 : i32 to index
        %swap3A_468 = arith.constant 0 : index
        %swap3A_469 = tpu.vector_load %arg11[%swap3A_467, %swap3A_468] {strides = array<i32>} : memref<25x128xi32, #tpu.memory_space<vmem>>, vector<16xi32>,
        tpu.vector_store %arg11[%swap3A_467, %swap3A_468], %get3A_466 {strides = array<i32>} : memref<25x128xi32, #tpu.memory_space<vmem>>, vector<16xi32>,
        %mul3A_470 = arith.constant 128 : i32
        %mul3A_471 = arith.muli %while3A_450, %mul3A_470 : i32
        %add3A_472 = arith.constant 16 : i32
        %add3A_473 = arith.addi %mul3A_471, %add3A_472 : i32
        %get3A_474 = arith.index_cast %add3A_473 : i32 to index
        %get3A_475 = tpu.vector_load %arg8[%get3A_474] {strides = array<i32>} : memref<3232xi32, #tpu.memory_space<vmem>>, vector<16xi32>,
        %swap3A_476 = arith.index_cast %while3A_450 : i32 to index
        %swap3A_477 = arith.constant 16 : index
        %swap3A_478 = tpu.vector_load %arg10[%swap3A_476, %swap3A_477] {strides = array<i32>} : memref<25x128xi32, #tpu.memory_space<vmem>>, vector<16xi32>,
        tpu.vector_store %arg10[%swap3A_476, %swap3A_477], %get3A_475 {strides = array<i32>} : memref<25x128xi32, #tpu.memory_space<vmem>>, vector<16xi32>,
        %mul3A_479 = arith.constant 128 : i32
        %mul3A_480 = arith.muli %while3A_450, %mul3A_479 : i32
        %add3A_481 = arith.constant 16 : i32
        %add3A_482 = arith.addi %mul3A_480, %add3A_481 : i32
        %get3A_483 = arith.index_cast %add3A_482 : i32 to index
        %get3A_484 = tpu.vector_load %arg9[%get3A_483] {strides = array<i32>} : memref<3232xi32, #tpu.memory_space<vmem>>, vector<16xi32>,
        %swap3A_485 = arith.index_cast %while3A_450 : i32 to index
        %swap3A_486 = arith.constant 16 : index
        %swap3A_487 = tpu.vector_load %arg11[%swap3A_485, %swap3A_486] {strides = array<i32>} : memref<25x128xi32, #tpu.memory_space<vmem>>, vector<16xi32>,
        tpu.vector_store %arg11[%swap3A_485, %swap3A_486], %get3A_484 {strides = array<i32>} : memref<25x128xi32, #tpu.memory_space<vmem>>, vector<16xi32>,
        %mul3A_488 = arith.constant 128 : i32
        %mul3A_489 = arith.muli %while3A_450, %mul3A_488 : i32
        %add3A_490 = arith.constant 32 : i32
        %add3A_491 = arith.addi %mul3A_489, %add3A_490 : i32
        %get3A_492 = arith.index_cast %add3A_491 : i32 to index
        %get3A_493 = tpu.vector_load %arg8[%get3A_492] {strides = array<i32>} : memref<3232xi32, #tpu.memory_space<vmem>>, vector<16xi32>,
        %swap3A_494 = arith.index_cast %while3A_450 : i32 to index
        %swap3A_495 = arith.constant 32 : index
        %swap3A_496 = tpu.vector_load %arg10[%swap3A_494, %swap3A_495] {strides = array<i32>} : memref<25x128xi32, #tpu.memory_space<vmem>>, vector<16xi32>,
        tpu.vector_store %arg10[%swap3A_494, %swap3A_495], %get3A_493 {strides = array<i32>} : memref<25x128xi32, #tpu.memory_space<vmem>>, vector<16xi32>,
        %mul3A_497 = arith.constant 128 : i32
        %mul3A_498 = arith.muli %while3A_450, %mul3A_497 : i32
        %add3A_499 = arith.constant 32 : i32
        %add3A_500 = arith.addi %mul3A_498, %add3A_499 : i32
        %get3A_501 = arith.index_cast %add3A_500 : i32 to index
        %get3A_502 = tpu.vector_load %arg9[%get3A_501] {strides = array<i32>} : memref<3232xi32, #tpu.memory_space<vmem>>, vector<16xi32>,
        %swap3A_503 = arith.index_cast %while3A_450 : i32 to index
        %swap3A_504 = arith.constant 32 : index
        %swap3A_505 = tpu.vector_load %arg11[%swap3A_503, %swap3A_504] {strides = array<i32>} : memref<25x128xi32, #tpu.memory_space<vmem>>, vector<16xi32>,
        tpu.vector_store %arg11[%swap3A_503, %swap3A_504], %get3A_502 {strides = array<i32>} : memref<25x128xi32, #tpu.memory_space<vmem>>, vector<16xi32>,
        %mul3A_506 = arith.constant 128 : i32
        %mul3A_507 = arith.muli %while3A_450, %mul3A_506 : i32
        %add3A_508 = arith.constant 48 : i32
        %add3A_509 = arith.addi %mul3A_507, %add3A_508 : i32
        %get3A_510 = arith.index_cast %add3A_509 : i32 to index
        %get3A_511 = tpu.vector_load %arg8[%get3A_510] {strides = array<i32>} : memref<3232xi32, #tpu.memory_space<vmem>>, vector<16xi32>,
        %swap3A_512 = arith.index_cast %while3A_450 : i32 to index
        %swap3A_513 = arith.constant 48 : index
        %swap3A_514 = tpu.vector_load %arg10[%swap3A_512, %swap3A_513] {strides = array<i32>} : memref<25x128xi32, #tpu.memory_space<vmem>>, vector<16xi32>,
        tpu.vector_store %arg10[%swap3A_512, %swap3A_513], %get3A_511 {strides = array<i32>} : memref<25x128xi32, #tpu.memory_space<vmem>>, vector<16xi32>,
        %mul3A_515 = arith.constant 128 : i32
        %mul3A_516 = arith.muli %while3A_450, %mul3A_515 : i32
        %add3A_517 = arith.constant 48 : i32
        %add3A_518 = arith.addi %mul3A_516, %add3A_517 : i32
        %get3A_519 = arith.index_cast %add3A_518 : i32 to index
        %get3A_520 = tpu.vector_load %arg9[%get3A_519] {strides = array<i32>} : memref<3232xi32, #tpu.memory_space<vmem>>, vector<16xi32>,
        %swap3A_521 = arith.index_cast %while3A_450 : i32 to index
        %swap3A_522 = arith.constant 48 : index
        %swap3A_523 = tpu.vector_load %arg11[%swap3A_521, %swap3A_522] {strides = array<i32>} : memref<25x128xi32, #tpu.memory_space<vmem>>, vector<16xi32>,
        tpu.vector_store %arg11[%swap3A_521, %swap3A_522], %get3A_520 {strides = array<i32>} : memref<25x128xi32, #tpu.memory_space<vmem>>, vector<16xi32>,
        %mul3A_524 = arith.constant 128 : i32
        %mul3A_525 = arith.muli %while3A_450, %mul3A_524 : i32
        %add3A_526 = arith.constant 64 : i32
        %add3A_527 = arith.addi %mul3A_525, %add3A_526 : i32
        %get3A_528 = arith.index_cast %add3A_527 : i32 to index
        %get3A_529 = tpu.vector_load %arg8[%get3A_528] {strides = array<i32>} : memref<3232xi32, #tpu.memory_space<vmem>>, vector<16xi32>,
        %swap3A_530 = arith.index_cast %while3A_450 : i32 to index
        %swap3A_531 = arith.constant 64 : index
        %swap3A_532 = tpu.vector_load %arg10[%swap3A_530, %swap3A_531] {strides = array<i32>} : memref<25x128xi32, #tpu.memory_space<vmem>>, vector<16xi32>,
        tpu.vector_store %arg10[%swap3A_530, %swap3A_531], %get3A_529 {strides = array<i32>} : memref<25x128xi32, #tpu.memory_space<vmem>>, vector<16xi32>,
        %mul3A_533 = arith.constant 128 : i32
        %mul3A_534 = arith.muli %while3A_450, %mul3A_533 : i32
        %add3A_535 = arith.constant 64 : i32
        %add3A_536 = arith.addi %mul3A_534, %add3A_535 : i32
        %get3A_537 = arith.index_cast %add3A_536 : i32 to index
        %get3A_538 = tpu.vector_load %arg9[%get3A_537] {strides = array<i32>} : memref<3232xi32, #tpu.memory_space<vmem>>, vector<16xi32>,
        %swap3A_539 = arith.index_cast %while3A_450 : i32 to index
        %swap3A_540 = arith.constant 64 : index
        %swap3A_541 = tpu.vector_load %arg11[%swap3A_539, %swap3A_540] {strides = array<i32>} : memref<25x128xi32, #tpu.memory_space<vmem>>, vector<16xi32>,
        tpu.vector_store %arg11[%swap3A_539, %swap3A_540], %get3A_538 {strides = array<i32>} : memref<25x128xi32, #tpu.memory_space<vmem>>, vector<16xi32>,
        %mul3A_542 = arith.constant 128 : i32
        %mul3A_543 = arith.muli %while3A_450, %mul3A_542 : i32
        %add3A_544 = arith.constant 80 : i32
        %add3A_545 = arith.addi %mul3A_543, %add3A_544 : i32
        %get3A_546 = arith.index_cast %add3A_545 : i32 to index
        %get3A_547 = tpu.vector_load %arg8[%get3A_546] {strides = array<i32>} : memref<3232xi32, #tpu.memory_space<vmem>>, vector<16xi32>,
        %swap3A_548 = arith.index_cast %while3A_450 : i32 to index
        %swap3A_549 = arith.constant 80 : index
        %swap3A_550 = tpu.vector_load %arg10[%swap3A_548, %swap3A_549] {strides = array<i32>} : memref<25x128xi32, #tpu.memory_space<vmem>>, vector<16xi32>,
        tpu.vector_store %arg10[%swap3A_548, %swap3A_549], %get3A_547 {strides = array<i32>} : memref<25x128xi32, #tpu.memory_space<vmem>>, vector<16xi32>,
        %mul3A_551 = arith.constant 128 : i32
        %mul3A_552 = arith.muli %while3A_450, %mul3A_551 : i32
        %add3A_553 = arith.constant 80 : i32
        %add3A_554 = arith.addi %mul3A_552, %add3A_553 : i32
        %get3A_555 = arith.index_cast %add3A_554 : i32 to index
        %get3A_556 = tpu.vector_load %arg9[%get3A_555] {strides = array<i32>} : memref<3232xi32, #tpu.memory_space<vmem>>, vector<16xi32>,
        %swap3A_557 = arith.index_cast %while3A_450 : i32 to index
        %swap3A_558 = arith.constant 80 : index
        %swap3A_559 = tpu.vector_load %arg11[%swap3A_557, %swap3A_558] {strides = array<i32>} : memref<25x128xi32, #tpu.memory_space<vmem>>, vector<16xi32>,
        tpu.vector_store %arg11[%swap3A_557, %swap3A_558], %get3A_556 {strides = array<i32>} : memref<25x128xi32, #tpu.memory_space<vmem>>, vector<16xi32>,
        %mul3A_560 = arith.constant 128 : i32
        %mul3A_561 = arith.muli %while3A_450, %mul3A_560 : i32
        %add3A_562 = arith.constant 96 : i32
        %add3A_563 = arith.addi %mul3A_561, %add3A_562 : i32
        %get3A_564 = arith.index_cast %add3A_563 : i32 to index
        %get3A_565 = tpu.vector_load %arg8[%get3A_564] {strides = array<i32>} : memref<3232xi32, #tpu.memory_space<vmem>>, vector<16xi32>,
        %swap3A_566 = arith.index_cast %while3A_450 : i32 to index
        %swap3A_567 = arith.constant 96 : index
        %swap3A_568 = tpu.vector_load %arg10[%swap3A_566, %swap3A_567] {strides = array<i32>} : memref<25x128xi32, #tpu.memory_space<vmem>>, vector<16xi32>,
        tpu.vector_store %arg10[%swap3A_566, %swap3A_567], %get3A_565 {strides = array<i32>} : memref<25x128xi32, #tpu.memory_space<vmem>>, vector<16xi32>,
        %mul3A_569 = arith.constant 128 : i32
        %mul3A_570 = arith.muli %while3A_450, %mul3A_569 : i32
        %add3A_571 = arith.constant 96 : i32
        %add3A_572 = arith.addi %mul3A_570, %add3A_571 : i32
        %get3A_573 = arith.index_cast %add3A_572 : i32 to index
        %get3A_574 = tpu.vector_load %arg9[%get3A_573] {strides = array<i32>} : memref<3232xi32, #tpu.memory_space<vmem>>, vector<16xi32>,
        %swap3A_575 = arith.index_cast %while3A_450 : i32 to index
        %swap3A_576 = arith.constant 96 : index
        %swap3A_577 = tpu.vector_load %arg11[%swap3A_575, %swap3A_576] {strides = array<i32>} : memref<25x128xi32, #tpu.memory_space<vmem>>, vector<16xi32>,
        tpu.vector_store %arg11[%swap3A_575, %swap3A_576], %get3A_574 {strides = array<i32>} : memref<25x128xi32, #tpu.memory_space<vmem>>, vector<16xi32>,
        %mul3A_578 = arith.constant 128 : i32
        %mul3A_579 = arith.muli %while3A_450, %mul3A_578 : i32
        %add3A_580 = arith.constant 112 : i32
        %add3A_581 = arith.addi %mul3A_579, %add3A_580 : i32
        %get3A_582 = arith.index_cast %add3A_581 : i32 to index
        %get3A_583 = tpu.vector_load %arg8[%get3A_582] {strides = array<i32>} : memref<3232xi32, #tpu.memory_space<vmem>>, vector<16xi32>,
        %swap3A_584 = arith.index_cast %while3A_450 : i32 to index
        %swap3A_585 = arith.constant 112 : index
        %swap3A_586 = tpu.vector_load %arg10[%swap3A_584, %swap3A_585] {strides = array<i32>} : memref<25x128xi32, #tpu.memory_space<vmem>>, vector<16xi32>,
        tpu.vector_store %arg10[%swap3A_584, %swap3A_585], %get3A_583 {strides = array<i32>} : memref<25x128xi32, #tpu.memory_space<vmem>>, vector<16xi32>,
        %mul3A_587 = arith.constant 128 : i32
        %mul3A_588 = arith.muli %while3A_450, %mul3A_587 : i32
        %add3A_589 = arith.constant 112 : i32
        %add3A_590 = arith.addi %mul3A_588, %add3A_589 : i32
        %get3A_591 = arith.index_cast %add3A_590 : i32 to index
        %get3A_592 = tpu.vector_load %arg9[%get3A_591] {strides = array<i32>} : memref<3232xi32, #tpu.memory_space<vmem>>, vector<16xi32>,
        %swap3A_593 = arith.index_cast %while3A_450 : i32 to index
        %swap3A_594 = arith.constant 112 : index
        %swap3A_595 = tpu.vector_load %arg11[%swap3A_593, %swap3A_594] {strides = array<i32>} : memref<25x128xi32, #tpu.memory_space<vmem>>, vector<16xi32>,
        tpu.vector_store %arg11[%swap3A_593, %swap3A_594], %get3A_592 {strides = array<i32>} : memref<25x128xi32, #tpu.memory_space<vmem>>, vector<16xi32>,
        %while3A_596 = arith.constant 0 : i32
        scf.yield %while3A_596 : i32
      }
      %while3A_438 = arith.constant 0 : i32
      %while3A_439 = arith.constant 0 : i32
      %while3A_440 = arith.subi %select_n3A, %while3A_438 : i32
      %while3A_441 = arith.addi %while3A_438, %while3A_440 : i32
      %while3A_442 = arith.constant 1 : i32
      %while3A_443 = arith.divsi %while3A_440, %while3A_442 : i32
      %while3A_444 = arith.muli %while3A_443, %while3A_442 : i32
      %while3A_445 = arith.addi %while3A_438, %while3A_444 : i32
      %while3A_446 = arith.constant 1 : i32
      %while3A_447 = scf.for %while3A_450 = %while3A_438 to %while3A_445 step %while3A_446 iter_args(%while3A_451 = %while3A_439) -> (i32)  : i32 {
        %dma_start3A_452 = arith.constant 0 : i32
        %dma_start3A_453 = tpu.memref_slice %arg11[%while3A_450, %dma_start3A_452] : memref<25x128xi32, #tpu.memory_space<vmem>> -> memref<1x128xi32, #tpu.memory_space<vmem>>
        %dma_start3A_454 = tpu.memref_squeeze %dma_start3A_453 : memref<1x128xi32, #tpu.memory_space<vmem>> -> memref<128xi32, #tpu.memory_space<vmem>>
        %dma_start3A_455 = arith.constant 0 : i32
        %dma_start3A_456 = arith.constant 0 : i32
        %dma_start3A_457 = tpu.memref_slice %arg3[%dma_start3A_455, %dma_start3A_456] : memref<16384x256xf32, #tpu.memory_space<hbm>> -> memref<16384x256xf32, #tpu.memory_space<hbm>>
        tpu.enqueue_indirect_dma source(%dma_start3A_457 : memref<16384x256xf32, #tpu.memory_space<hbm>>) target(%arg12 : memref<128x256xf32, #tpu.memory_space<vmem>>) offsets(%dma_start3A_454 : memref<128xi32, #tpu.memory_space<vmem>>) semaphore(%arg15 : memref<!tpu.dma_semaphore, #tpu.memory_space<semaphore_mem>>)
        %dma_wait3A_458 = arith.constant 0 : i32
        %dma_wait3A_459 = tpu.memref_slice %arg11[%while3A_450, %dma_wait3A_458] : memref<25x128xi32, #tpu.memory_space<vmem>> -> memref<1x128xi32, #tpu.memory_space<vmem>>
        %dma_wait3A_460 = tpu.memref_squeeze %dma_wait3A_459 : memref<1x128xi32, #tpu.memory_space<vmem>> -> memref<128xi32, #tpu.memory_space<vmem>>
        %dma_wait3A_461 = arith.constant 0 : i32
        %dma_wait3A_462 = arith.constant 0 : i32
        %dma_wait3A_463 = tpu.memref_slice %arg3[%dma_wait3A_461, %dma_wait3A_462] : memref<16384x256xf32, #tpu.memory_space<hbm>> -> memref<16384x256xf32, #tpu.memory_space<hbm>>
        tpu.wait_indirect_dma semaphore(%arg15 : memref<!tpu.dma_semaphore, #tpu.memory_space<semaphore_mem>>) src(%dma_wait3A_463 : memref<16384x256xf32, #tpu.memory_space<hbm>>) dst(%arg12 : memref<128x256xf32, #tpu.memory_space<vmem>>)
        %dma_start3A_464 = arith.constant 0 : i32
        %dma_start3A_465 = tpu.memref_slice %arg10[%while3A_450, %dma_start3A_464] : memref<25x128xi32, #tpu.memory_space<vmem>> -> memref<1x128xi32, #tpu.memory_space<vmem>>
        %dma_start3A_466 = tpu.memref_squeeze %dma_start3A_465 : memref<1x128xi32, #tpu.memory_space<vmem>> -> memref<128xi32, #tpu.memory_space<vmem>>
        %dma_start3A_467 = arith.constant 0 : i32
        %dma_start3A_468 = arith.constant 0 : i32
        %dma_start3A_469 = tpu.memref_slice %arg5[%dma_start3A_467, %dma_start3A_468] : memref<100000x256xf32, #tpu.memory_space<hbm>> -> memref<100000x256xf32, #tpu.memory_space<hbm>>
        tpu.enqueue_indirect_dma source(%arg12 : memref<128x256xf32, #tpu.memory_space<vmem>>) target(%dma_start3A_469 : memref<100000x256xf32, #tpu.memory_space<hbm>>) offsets(%dma_start3A_466 : memref<128xi32, #tpu.memory_space<vmem>>) semaphore(%arg15 : memref<!tpu.dma_semaphore, #tpu.memory_space<semaphore_mem>>)
        %dma_wait3A_470 = arith.constant 0 : i32
        %dma_wait3A_471 = tpu.memref_slice %arg10[%while3A_450, %dma_wait3A_470] : memref<25x128xi32, #tpu.memory_space<vmem>> -> memref<1x128xi32, #tpu.memory_space<vmem>>
        %dma_wait3A_472 = tpu.memref_squeeze %dma_wait3A_471 : memref<1x128xi32, #tpu.memory_space<vmem>> -> memref<128xi32, #tpu.memory_space<vmem>>
        %dma_wait3A_473 = arith.constant 0 : i32
        %dma_wait3A_474 = arith.constant 0 : i32
        %dma_wait3A_475 = tpu.memref_slice %arg5[%dma_wait3A_473, %dma_wait3A_474] : memref<100000x256xf32, #tpu.memory_space<hbm>> -> memref<100000x256xf32, #tpu.memory_space<hbm>>
        tpu.wait_indirect_dma semaphore(%arg15 : memref<!tpu.dma_semaphore, #tpu.memory_space<semaphore_mem>>) src(%arg12 : memref<128x256xf32, #tpu.memory_space<vmem>>) dst(%dma_wait3A_475 : memref<100000x256xf32, #tpu.memory_space<hbm>>)
        %while3A_476 = arith.constant 0 : i32
        scf.yield %while3A_476 : i32
      }
      %while3A_448 = arith.constant 1 : i32
      %while3A_449 = scf.for %while3A_450 = %while3A_445 to %while3A_441 step %while3A_448 iter_args(%while3A_451 = %while3A_447) -> (i32)  : i32 {
        %dma_start3A_452 = arith.constant 0 : i32
        %dma_start3A_453 = tpu.memref_slice %arg11[%while3A_450, %dma_start3A_452] : memref<25x128xi32, #tpu.memory_space<vmem>> -> memref<1x128xi32, #tpu.memory_space<vmem>>
        %dma_start3A_454 = tpu.memref_squeeze %dma_start3A_453 : memref<1x128xi32, #tpu.memory_space<vmem>> -> memref<128xi32, #tpu.memory_space<vmem>>
        %dma_start3A_455 = arith.constant 0 : i32
        %dma_start3A_456 = arith.constant 0 : i32
        %dma_start3A_457 = tpu.memref_slice %arg3[%dma_start3A_455, %dma_start3A_456] : memref<16384x256xf32, #tpu.memory_space<hbm>> -> memref<16384x256xf32, #tpu.memory_space<hbm>>
        tpu.enqueue_indirect_dma source(%dma_start3A_457 : memref<16384x256xf32, #tpu.memory_space<hbm>>) target(%arg12 : memref<128x256xf32, #tpu.memory_space<vmem>>) offsets(%dma_start3A_454 : memref<128xi32, #tpu.memory_space<vmem>>) semaphore(%arg15 : memref<!tpu.dma_semaphore, #tpu.memory_space<semaphore_mem>>)
        %dma_wait3A_458 = arith.constant 0 : i32
        %dma_wait3A_459 = tpu.memref_slice %arg11[%while3A_450, %dma_wait3A_458] : memref<25x128xi32, #tpu.memory_space<vmem>> -> memref<1x128xi32, #tpu.memory_space<vmem>>
        %dma_wait3A_460 = tpu.memref_squeeze %dma_wait3A_459 : memref<1x128xi32, #tpu.memory_space<vmem>> -> memref<128xi32, #tpu.memory_space<vmem>>
        %dma_wait3A_461 = arith.constant 0 : i32
        %dma_wait3A_462 = arith.constant 0 : i32
        %dma_wait3A_463 = tpu.memref_slice %arg3[%dma_wait3A_461, %dma_wait3A_462] : memref<16384x256xf32, #tpu.memory_space<hbm>> -> memref<16384x256xf32, #tpu.memory_space<hbm>>
        tpu.wait_indirect_dma semaphore(%arg15 : memref<!tpu.dma_semaphore, #tpu.memory_space<semaphore_mem>>) src(%dma_wait3A_463 : memref<16384x256xf32, #tpu.memory_space<hbm>>) dst(%arg12 : memref<128x256xf32, #tpu.memory_space<vmem>>)
        %dma_start3A_464 = arith.constant 0 : i32
        %dma_start3A_465 = tpu.memref_slice %arg10[%while3A_450, %dma_start3A_464] : memref<25x128xi32, #tpu.memory_space<vmem>> -> memref<1x128xi32, #tpu.memory_space<vmem>>
        %dma_start3A_466 = tpu.memref_squeeze %dma_start3A_465 : memref<1x128xi32, #tpu.memory_space<vmem>> -> memref<128xi32, #tpu.memory_space<vmem>>
        %dma_start3A_467 = arith.constant 0 : i32
        %dma_start3A_468 = arith.constant 0 : i32
        %dma_start3A_469 = tpu.memref_slice %arg5[%dma_start3A_467, %dma_start3A_468] : memref<100000x256xf32, #tpu.memory_space<hbm>> -> memref<100000x256xf32, #tpu.memory_space<hbm>>
        tpu.enqueue_indirect_dma source(%arg12 : memref<128x256xf32, #tpu.memory_space<vmem>>) target(%dma_start3A_469 : memref<100000x256xf32, #tpu.memory_space<hbm>>) offsets(%dma_start3A_466 : memref<128xi32, #tpu.memory_space<vmem>>) semaphore(%arg15 : memref<!tpu.dma_semaphore, #tpu.memory_space<semaphore_mem>>)
        %dma_wait3A_470 = arith.constant 0 : i32
        %dma_wait3A_471 = tpu.memref_slice %arg10[%while3A_450, %dma_wait3A_470] : memref<25x128xi32, #tpu.memory_space<vmem>> -> memref<1x128xi32, #tpu.memory_space<vmem>>
        %dma_wait3A_472 = tpu.memref_squeeze %dma_wait3A_471 : memref<1x128xi32, #tpu.memory_space<vmem>> -> memref<128xi32, #tpu.memory_space<vmem>>
        %dma_wait3A_473 = arith.constant 0 : i32
        %dma_wait3A_474 = arith.constant 0 : i32
        %dma_wait3A_475 = tpu.memref_slice %arg5[%dma_wait3A_473, %dma_wait3A_474] : memref<100000x256xf32, #tpu.memory_space<hbm>> -> memref<100000x256xf32, #tpu.memory_space<hbm>>
        tpu.wait_indirect_dma semaphore(%arg15 : memref<!tpu.dma_semaphore, #tpu.memory_space<semaphore_mem>>) src(%arg12 : memref<128x256xf32, #tpu.memory_space<vmem>>) dst(%dma_wait3A_475 : memref<100000x256xf32, #tpu.memory_space<hbm>>)
        %while3A_476 = arith.constant 0 : i32
        scf.yield %while3A_476 : i32
      }
    } else {
    }
    return
  }
}

#map = affine_map<(d0, d1) -> (0, 0)>
#map1 = affine_map<(d0, d1) -> (0)>
module attributes {stable_mosaic.version = 14 : i64} {
  func.func @k(%arg0: i32, %arg1: i32, %arg2: memref<100000x256xf32, #tpu.memory_space<hbm>>, %arg3: memref<16384xi32, #tpu.memory_space<hbm>>, %arg4: memref<16384x256xf32, #tpu.memory_space<hbm>>, %arg5: memref<128xi32, #tpu.memory_space<vmem>>, %arg6: memref<128x256xf32, #tpu.memory_space<vmem>>, %arg7: memref<!tpu.dma_semaphore, #tpu.memory_space<semaphore_mem>>) attributes {dimension_semantics = [#tpu.dimension_semantics<core_parallel>, #tpu.dimension_semantics<subcore_parallel>], iteration_bounds = array<i64: 2, 16>, scalar_prefetch = 0 : i64, scratch_operands = 3 : i64, tpu.core_type = #tpu.core_type<sc_vector_subcore>, window_params = [{transform_indices = #map}, {transform_indices = #map1}, {transform_indices = #map}]} {
    %mul3A = arith.constant 2 : i32
    %mul3A_0 = arith.muli %arg1, %mul3A : i32
    %add3A = arith.addi %mul3A_0, %arg0 : i32
    %mul3A_1 = arith.constant 512 : i32
    %mul3A_2 = arith.muli %add3A, %mul3A_1 : i32
    %scan3A = arith.constant 0 : i32
    %scan3A_3 = arith.constant 0 : i32
    %scan3A_4 = arith.constant 4 : i32
    %scan3A_5 = arith.addi %scan3A_3, %scan3A_4 : i32
    %scan3A_6 = arith.constant 1 : i32
    %scan3A_7 = scf.for %scan3A_9 = %scan3A_3 to %scan3A_5 step %scan3A_6 iter_args(%scan3A_10 = %scan3A) -> (i32)  : i32 {
      %mul3A_11 = arith.constant 128 : i32
      %mul3A_12 = arith.muli %scan3A_9, %mul3A_11 : i32
      %add3A_13 = arith.addi %mul3A_2, %mul3A_12 : i32
      "tpu.region"() ({
        %run_scoped3A = tpu.sem_alloc : memref<!tpu.dma_semaphore, #tpu.memory_space<semaphore_mem>>
        %dma_start3A_19 = tpu.memref_slice %arg3[%add3A_13] : memref<16384xi32, #tpu.memory_space<hbm>> -> memref<128xi32, #tpu.memory_space<hbm>>
        %dma_start3A_20 = tpu.memref_slice %arg3[%add3A_13] : memref<16384xi32, #tpu.memory_space<hbm>> -> memref<128xi32, #tpu.memory_space<hbm>>
        tpu.enqueue_dma source(%dma_start3A_20 : memref<128xi32, #tpu.memory_space<hbm>>) target(%arg5 : memref<128xi32, #tpu.memory_space<vmem>>) target_semaphore(%run_scoped3A : memref<!tpu.dma_semaphore, #tpu.memory_space<semaphore_mem>>)
        %dma_wait3A_21 = tpu.memref_slice %arg3[%add3A_13] : memref<16384xi32, #tpu.memory_space<hbm>> -> memref<128xi32, #tpu.memory_space<hbm>>
        %dma_wait3A_22 = tpu.memref_slice %arg3[%add3A_13] : memref<16384xi32, #tpu.memory_space<hbm>> -> memref<128xi32, #tpu.memory_space<hbm>>
        tpu.wait_dma2 semaphore(%run_scoped3A : memref<!tpu.dma_semaphore, #tpu.memory_space<semaphore_mem>>) src(%dma_wait3A_22 : memref<128xi32, #tpu.memory_space<hbm>>) dst(%arg5 : memref<128xi32, #tpu.memory_space<vmem>>)
        tpu.yield
      }) : () -> ()
      %dma_start3A = arith.constant 0 : i32
      %dma_start3A_14 = arith.constant 0 : i32
      %dma_start3A_15 = tpu.memref_slice %arg2[%dma_start3A, %dma_start3A_14] : memref<100000x256xf32, #tpu.memory_space<hbm>> -> memref<100000x256xf32, #tpu.memory_space<hbm>>
      tpu.enqueue_indirect_dma source(%dma_start3A_15 : memref<100000x256xf32, #tpu.memory_space<hbm>>) target(%arg6 : memref<128x256xf32, #tpu.memory_space<vmem>>) offsets(%arg5 : memref<128xi32, #tpu.memory_space<vmem>>) semaphore(%arg7 : memref<!tpu.dma_semaphore, #tpu.memory_space<semaphore_mem>>)
      %dma_wait3A = arith.constant 0 : i32
      %dma_wait3A_16 = arith.constant 0 : i32
      %dma_wait3A_17 = tpu.memref_slice %arg2[%dma_wait3A, %dma_wait3A_16] : memref<100000x256xf32, #tpu.memory_space<hbm>> -> memref<100000x256xf32, #tpu.memory_space<hbm>>
      tpu.wait_indirect_dma semaphore(%arg7 : memref<!tpu.dma_semaphore, #tpu.memory_space<semaphore_mem>>) src(%dma_wait3A_17 : memref<100000x256xf32, #tpu.memory_space<hbm>>) dst(%arg6 : memref<128x256xf32, #tpu.memory_space<vmem>>)
      "tpu.region"() ({
        %run_scoped3A = tpu.sem_alloc : memref<!tpu.dma_semaphore, #tpu.memory_space<semaphore_mem>>
        %dma_start3A_19 = arith.constant 0 : i32
        %dma_start3A_20 = tpu.memref_slice %arg4[%add3A_13, %dma_start3A_19] : memref<16384x256xf32, #tpu.memory_space<hbm>> -> memref<128x256xf32, #tpu.memory_space<hbm>>
        %dma_start3A_21 = arith.constant 0 : i32
        %dma_start3A_22 = tpu.memref_slice %arg4[%add3A_13, %dma_start3A_21] : memref<16384x256xf32, #tpu.memory_space<hbm>> -> memref<128x256xf32, #tpu.memory_space<hbm>>
        tpu.enqueue_dma source(%arg6 : memref<128x256xf32, #tpu.memory_space<vmem>>) target(%dma_start3A_22 : memref<128x256xf32, #tpu.memory_space<hbm>>) target_semaphore(%run_scoped3A : memref<!tpu.dma_semaphore, #tpu.memory_space<semaphore_mem>>)
        %dma_wait3A_23 = arith.constant 0 : i32
        %dma_wait3A_24 = tpu.memref_slice %arg4[%add3A_13, %dma_wait3A_23] : memref<16384x256xf32, #tpu.memory_space<hbm>> -> memref<128x256xf32, #tpu.memory_space<hbm>>
        %dma_wait3A_25 = arith.constant 0 : i32
        %dma_wait3A_26 = tpu.memref_slice %arg4[%add3A_13, %dma_wait3A_25] : memref<16384x256xf32, #tpu.memory_space<hbm>> -> memref<128x256xf32, #tpu.memory_space<hbm>>
        tpu.wait_dma2 semaphore(%run_scoped3A : memref<!tpu.dma_semaphore, #tpu.memory_space<semaphore_mem>>) src(%arg6 : memref<128x256xf32, #tpu.memory_space<vmem>>) dst(%dma_wait3A_26 : memref<128x256xf32, #tpu.memory_space<hbm>>)
        tpu.yield
      }) : () -> ()
      %scan3A_18 = arith.constant 0 : i32
      scf.yield %scan3A_18 : i32
    }
    %scan3A_8 = arith.constant 4 : i32
    return
  }
}

#map = affine_map<(d0, d1) -> (0, 0)>
#map1 = affine_map<(d0, d1) -> (0)>
module attributes {stable_mosaic.version = 14 : i64} {
  func.func @k(%arg0: i32, %arg1: i32, %arg2: memref<16384x256xf32, #tpu.memory_space<hbm>>, %arg3: memref<32768xi32, #tpu.memory_space<hbm>>, %arg4: memref<32768xi32, #tpu.memory_space<hbm>>, %arg5: memref<32768x256xf32, #tpu.memory_space<hbm>>, %arg6: memref<32768x256xf32, #tpu.memory_space<hbm>>, %arg7: memref<128xi32, #tpu.memory_space<vmem>>, %arg8: memref<128x256xf32, #tpu.memory_space<vmem>>, %arg9: memref<!tpu.dma_semaphore, #tpu.memory_space<semaphore_mem>>) attributes {dimension_semantics = [#tpu.dimension_semantics<core_parallel>, #tpu.dimension_semantics<subcore_parallel>], iteration_bounds = array<i64: 2, 16>, scalar_prefetch = 0 : i64, scratch_operands = 3 : i64, tpu.core_type = #tpu.core_type<sc_vector_subcore>, window_params = [{transform_indices = #map}, {transform_indices = #map1}, {transform_indices = #map1}, {transform_indices = #map}, {transform_indices = #map}]} {
    %mul3A = arith.constant 2 : i32
    %mul3A_0 = arith.muli %arg1, %mul3A : i32
    %add3A = arith.addi %mul3A_0, %arg0 : i32
    %mul3A_1 = arith.constant 1024 : i32
    %mul3A_2 = arith.muli %add3A, %mul3A_1 : i32
    %scan3A = arith.constant 0 : i32
    %scan3A_3 = arith.constant 0 : i32
    %scan3A_4 = arith.constant 8 : i32
    %scan3A_5 = arith.addi %scan3A_3, %scan3A_4 : i32
    %scan3A_6 = arith.constant 1 : i32
    %scan3A_7 = scf.for %scan3A_16 = %scan3A_3 to %scan3A_5 step %scan3A_6 iter_args(%scan3A_17 = %scan3A) -> (i32)  : i32 {
      %mul3A_18 = arith.constant 128 : i32
      %mul3A_19 = arith.muli %scan3A_16, %mul3A_18 : i32
      %add3A_20 = arith.addi %mul3A_2, %mul3A_19 : i32
      "tpu.region"() ({
        %run_scoped3A = tpu.sem_alloc : memref<!tpu.dma_semaphore, #tpu.memory_space<semaphore_mem>>
        %dma_start3A_26 = tpu.memref_slice %arg3[%add3A_20] : memref<32768xi32, #tpu.memory_space<hbm>> -> memref<128xi32, #tpu.memory_space<hbm>>
        %dma_start3A_27 = tpu.memref_slice %arg3[%add3A_20] : memref<32768xi32, #tpu.memory_space<hbm>> -> memref<128xi32, #tpu.memory_space<hbm>>
        tpu.enqueue_dma source(%dma_start3A_27 : memref<128xi32, #tpu.memory_space<hbm>>) target(%arg7 : memref<128xi32, #tpu.memory_space<vmem>>) target_semaphore(%run_scoped3A : memref<!tpu.dma_semaphore, #tpu.memory_space<semaphore_mem>>)
        %dma_wait3A_28 = tpu.memref_slice %arg3[%add3A_20] : memref<32768xi32, #tpu.memory_space<hbm>> -> memref<128xi32, #tpu.memory_space<hbm>>
        %dma_wait3A_29 = tpu.memref_slice %arg3[%add3A_20] : memref<32768xi32, #tpu.memory_space<hbm>> -> memref<128xi32, #tpu.memory_space<hbm>>
        tpu.wait_dma2 semaphore(%run_scoped3A : memref<!tpu.dma_semaphore, #tpu.memory_space<semaphore_mem>>) src(%dma_wait3A_29 : memref<128xi32, #tpu.memory_space<hbm>>) dst(%arg7 : memref<128xi32, #tpu.memory_space<vmem>>)
        tpu.yield
      }) : () -> ()
      %dma_start3A = arith.constant 0 : i32
      %dma_start3A_21 = arith.constant 0 : i32
      %dma_start3A_22 = tpu.memref_slice %arg2[%dma_start3A, %dma_start3A_21] : memref<16384x256xf32, #tpu.memory_space<hbm>> -> memref<16384x256xf32, #tpu.memory_space<hbm>>
      tpu.enqueue_indirect_dma source(%dma_start3A_22 : memref<16384x256xf32, #tpu.memory_space<hbm>>) target(%arg8 : memref<128x256xf32, #tpu.memory_space<vmem>>) offsets(%arg7 : memref<128xi32, #tpu.memory_space<vmem>>) semaphore(%arg9 : memref<!tpu.dma_semaphore, #tpu.memory_space<semaphore_mem>>)
      %dma_wait3A = arith.constant 0 : i32
      %dma_wait3A_23 = arith.constant 0 : i32
      %dma_wait3A_24 = tpu.memref_slice %arg2[%dma_wait3A, %dma_wait3A_23] : memref<16384x256xf32, #tpu.memory_space<hbm>> -> memref<16384x256xf32, #tpu.memory_space<hbm>>
      tpu.wait_indirect_dma semaphore(%arg9 : memref<!tpu.dma_semaphore, #tpu.memory_space<semaphore_mem>>) src(%dma_wait3A_24 : memref<16384x256xf32, #tpu.memory_space<hbm>>) dst(%arg8 : memref<128x256xf32, #tpu.memory_space<vmem>>)
      "tpu.region"() ({
        %run_scoped3A = tpu.sem_alloc : memref<!tpu.dma_semaphore, #tpu.memory_space<semaphore_mem>>
        %dma_start3A_26 = arith.constant 0 : i32
        %dma_start3A_27 = tpu.memref_slice %arg5[%add3A_20, %dma_start3A_26] : memref<32768x256xf32, #tpu.memory_space<hbm>> -> memref<128x256xf32, #tpu.memory_space<hbm>>
        %dma_start3A_28 = arith.constant 0 : i32
        %dma_start3A_29 = tpu.memref_slice %arg5[%add3A_20, %dma_start3A_28] : memref<32768x256xf32, #tpu.memory_space<hbm>> -> memref<128x256xf32, #tpu.memory_space<hbm>>
        tpu.enqueue_dma source(%arg8 : memref<128x256xf32, #tpu.memory_space<vmem>>) target(%dma_start3A_29 : memref<128x256xf32, #tpu.memory_space<hbm>>) target_semaphore(%run_scoped3A : memref<!tpu.dma_semaphore, #tpu.memory_space<semaphore_mem>>)
        %dma_wait3A_30 = arith.constant 0 : i32
        %dma_wait3A_31 = tpu.memref_slice %arg5[%add3A_20, %dma_wait3A_30] : memref<32768x256xf32, #tpu.memory_space<hbm>> -> memref<128x256xf32, #tpu.memory_space<hbm>>
        %dma_wait3A_32 = arith.constant 0 : i32
        %dma_wait3A_33 = tpu.memref_slice %arg5[%add3A_20, %dma_wait3A_32] : memref<32768x256xf32, #tpu.memory_space<hbm>> -> memref<128x256xf32, #tpu.memory_space<hbm>>
        tpu.wait_dma2 semaphore(%run_scoped3A : memref<!tpu.dma_semaphore, #tpu.memory_space<semaphore_mem>>) src(%arg8 : memref<128x256xf32, #tpu.memory_space<vmem>>) dst(%dma_wait3A_33 : memref<128x256xf32, #tpu.memory_space<hbm>>)
        tpu.yield
      }) : () -> ()
      %scan3A_25 = arith.constant 0 : i32
      scf.yield %scan3A_25 : i32
    }
    %scan3A_8 = arith.constant 8 : i32
    %scan3A_9 = arith.constant 0 : i32
    %scan3A_10 = arith.constant 0 : i32
    %scan3A_11 = arith.constant 8 : i32
    %scan3A_12 = arith.addi %scan3A_10, %scan3A_11 : i32
    %scan3A_13 = arith.constant 1 : i32
    %scan3A_14 = scf.for %scan3A_16 = %scan3A_10 to %scan3A_12 step %scan3A_13 iter_args(%scan3A_17 = %scan3A_9) -> (i32)  : i32 {
      %mul3A_18 = arith.constant 128 : i32
      %mul3A_19 = arith.muli %scan3A_16, %mul3A_18 : i32
      %add3A_20 = arith.addi %mul3A_2, %mul3A_19 : i32
      "tpu.region"() ({
        %run_scoped3A = tpu.sem_alloc : memref<!tpu.dma_semaphore, #tpu.memory_space<semaphore_mem>>
        %dma_start3A_26 = tpu.memref_slice %arg4[%add3A_20] : memref<32768xi32, #tpu.memory_space<hbm>> -> memref<128xi32, #tpu.memory_space<hbm>>
        %dma_start3A_27 = tpu.memref_slice %arg4[%add3A_20] : memref<32768xi32, #tpu.memory_space<hbm>> -> memref<128xi32, #tpu.memory_space<hbm>>
        tpu.enqueue_dma source(%dma_start3A_27 : memref<128xi32, #tpu.memory_space<hbm>>) target(%arg7 : memref<128xi32, #tpu.memory_space<vmem>>) target_semaphore(%run_scoped3A : memref<!tpu.dma_semaphore, #tpu.memory_space<semaphore_mem>>)
        %dma_wait3A_28 = tpu.memref_slice %arg4[%add3A_20] : memref<32768xi32, #tpu.memory_space<hbm>> -> memref<128xi32, #tpu.memory_space<hbm>>
        %dma_wait3A_29 = tpu.memref_slice %arg4[%add3A_20] : memref<32768xi32, #tpu.memory_space<hbm>> -> memref<128xi32, #tpu.memory_space<hbm>>
        tpu.wait_dma2 semaphore(%run_scoped3A : memref<!tpu.dma_semaphore, #tpu.memory_space<semaphore_mem>>) src(%dma_wait3A_29 : memref<128xi32, #tpu.memory_space<hbm>>) dst(%arg7 : memref<128xi32, #tpu.memory_space<vmem>>)
        tpu.yield
      }) : () -> ()
      %dma_start3A = arith.constant 0 : i32
      %dma_start3A_21 = arith.constant 0 : i32
      %dma_start3A_22 = tpu.memref_slice %arg2[%dma_start3A, %dma_start3A_21] : memref<16384x256xf32, #tpu.memory_space<hbm>> -> memref<16384x256xf32, #tpu.memory_space<hbm>>
      tpu.enqueue_indirect_dma source(%dma_start3A_22 : memref<16384x256xf32, #tpu.memory_space<hbm>>) target(%arg8 : memref<128x256xf32, #tpu.memory_space<vmem>>) offsets(%arg7 : memref<128xi32, #tpu.memory_space<vmem>>) semaphore(%arg9 : memref<!tpu.dma_semaphore, #tpu.memory_space<semaphore_mem>>)
      %dma_wait3A = arith.constant 0 : i32
      %dma_wait3A_23 = arith.constant 0 : i32
      %dma_wait3A_24 = tpu.memref_slice %arg2[%dma_wait3A, %dma_wait3A_23] : memref<16384x256xf32, #tpu.memory_space<hbm>> -> memref<16384x256xf32, #tpu.memory_space<hbm>>
      tpu.wait_indirect_dma semaphore(%arg9 : memref<!tpu.dma_semaphore, #tpu.memory_space<semaphore_mem>>) src(%dma_wait3A_24 : memref<16384x256xf32, #tpu.memory_space<hbm>>) dst(%arg8 : memref<128x256xf32, #tpu.memory_space<vmem>>)
      "tpu.region"() ({
        %run_scoped3A = tpu.sem_alloc : memref<!tpu.dma_semaphore, #tpu.memory_space<semaphore_mem>>
        %dma_start3A_26 = arith.constant 0 : i32
        %dma_start3A_27 = tpu.memref_slice %arg6[%add3A_20, %dma_start3A_26] : memref<32768x256xf32, #tpu.memory_space<hbm>> -> memref<128x256xf32, #tpu.memory_space<hbm>>
        %dma_start3A_28 = arith.constant 0 : i32
        %dma_start3A_29 = tpu.memref_slice %arg6[%add3A_20, %dma_start3A_28] : memref<32768x256xf32, #tpu.memory_space<hbm>> -> memref<128x256xf32, #tpu.memory_space<hbm>>
        tpu.enqueue_dma source(%arg8 : memref<128x256xf32, #tpu.memory_space<vmem>>) target(%dma_start3A_29 : memref<128x256xf32, #tpu.memory_space<hbm>>) target_semaphore(%run_scoped3A : memref<!tpu.dma_semaphore, #tpu.memory_space<semaphore_mem>>)
        %dma_wait3A_30 = arith.constant 0 : i32
        %dma_wait3A_31 = tpu.memref_slice %arg6[%add3A_20, %dma_wait3A_30] : memref<32768x256xf32, #tpu.memory_space<hbm>> -> memref<128x256xf32, #tpu.memory_space<hbm>>
        %dma_wait3A_32 = arith.constant 0 : i32
        %dma_wait3A_33 = tpu.memref_slice %arg6[%add3A_20, %dma_wait3A_32] : memref<32768x256xf32, #tpu.memory_space<hbm>> -> memref<128x256xf32, #tpu.memory_space<hbm>>
        tpu.wait_dma2 semaphore(%run_scoped3A : memref<!tpu.dma_semaphore, #tpu.memory_space<semaphore_mem>>) src(%arg8 : memref<128x256xf32, #tpu.memory_space<vmem>>) dst(%dma_wait3A_33 : memref<128x256xf32, #tpu.memory_space<hbm>>)
        tpu.yield
      }) : () -> ()
      %scan3A_25 = arith.constant 0 : i32
      scf.yield %scan3A_25 : i32
    }
    %scan3A_15 = arith.constant 8 : i32
    return
  }
}

#map = affine_map<(d0, d1) -> (0, 0)>
#map1 = affine_map<(d0, d1) -> (0)>
module attributes {stable_mosaic.version = 14 : i64} {
  func.func @k(%arg0: i32, %arg1: i32, %arg2: memref<200000x256xf32, #tpu.memory_space<hbm>>, %arg3: memref<32768x256xf32, #tpu.memory_space<hbm>>, %arg4: memref<32768xi32, #tpu.memory_space<hbm>>, %arg5: memref<200000x256xf32, #tpu.memory_space<hbm>>, %arg6: memref<32768xi32, #tpu.memory_space<vmem>>, %arg7: memref<6256xi32, #tpu.memory_space<vmem>>, %arg8: memref<6304xi32, #tpu.memory_space<vmem>>, %arg9: memref<6304xi32, #tpu.memory_space<vmem>>, %arg10: memref<49x128xi32, #tpu.memory_space<vmem>>, %arg11: memref<49x128xi32, #tpu.memory_space<vmem>>, %arg12: memref<128x256xf32, #tpu.memory_space<vmem>>, %arg13: memref<128x256xf32, #tpu.memory_space<vmem>>, %arg14: memref<16xi32, #tpu.memory_space<vmem>>, %arg15: memref<!tpu.dma_semaphore, #tpu.memory_space<semaphore_mem>>, %arg16: memref<!tpu.dma_semaphore, #tpu.memory_space<semaphore_mem>>) attributes {dimension_semantics = [#tpu.dimension_semantics<core_parallel>, #tpu.dimension_semantics<subcore_parallel>], iteration_bounds = array<i64: 2, 16>, scalar_prefetch = 0 : i64, scratch_operands = 11 : i64, tpu.core_type = #tpu.core_type<sc_vector_subcore>, window_params = [{transform_indices = #map}, {transform_indices = #map}, {transform_indices = #map1}, {transform_indices = #map}]} {
    %mul3A = arith.constant 2 : i32
    %mul3A_0 = arith.muli %arg1, %mul3A : i32
    %add3A = arith.addi %mul3A_0, %arg0 : i32
    %mul3A_1 = arith.constant 781 : i32
    %mul3A_2 = arith.muli %add3A, %mul3A_1 : i32
    %min3A = arith.constant 8 : i32
    %min3A_3 = arith.minsi %add3A, %min3A : i32
    %add3A_4 = arith.addi %mul3A_2, %min3A_3 : i32
    %mul3A_5 = arith.constant 8 : i32
    %mul3A_6 = arith.muli %add3A_4, %mul3A_5 : i32
    %lt3A = arith.constant 8 : i32
    %lt3A_7 = arith.cmpi slt, %add3A, %lt3A : i32
    %convert_element_type3A = arith.extui %lt3A_7 : i1 to i32
    %add3A_8 = arith.constant 781 : i32
    %add3A_9 = arith.addi %add3A_8, %convert_element_type3A : i32
    %mul3A_10 = arith.constant 8 : i32
    %mul3A_11 = arith.muli %add3A_9, %mul3A_10 : i32
    %sub3A = arith.constant 6144 : i32
    %sub3A_12 = arith.subi %mul3A_11, %sub3A : i32
    %broadcast_in_dim3A = arith.constant 0.000000e+00 : f32
    %broadcast_in_dim3A_13 = vector.broadcast %broadcast_in_dim3A : f32 to vector<16xf32>
    %scan3A = arith.constant 0 : i32
    %scan3A_14 = arith.constant 0 : i32
    %scan3A_15 = arith.constant 2048 : i32
    %scan3A_16 = arith.addi %scan3A_14, %scan3A_15 : i32
    %scan3A_17 = arith.constant 1 : i32
    %scan3A_18 = scf.for %scan3A_82 = %scan3A_14 to %scan3A_16 step %scan3A_17 iter_args(%scan3A_83 = %scan3A) -> (i32)  : i32 {
      %jit3A = arith.constant 16 : i32
      %div3A = arith.divsi %scan3A_82, %jit3A : i32
      %sign3A = arith.constant 0 : i32
      %sign3A_84 = arith.cmpi sgt, %scan3A_82, %sign3A : i32
      %sign3A_85 = arith.extui %sign3A_84 : i1 to i32
      %sign3A_86 = arith.constant 0 : i32
      %sign3A_87 = arith.cmpi slt, %scan3A_82, %sign3A_86 : i32
      %sign3A_88 = arith.extui %sign3A_87 : i1 to i32
      %sign3A_89 = arith.subi %sign3A_85, %sign3A_88 : i32
      %sign3A_90 = arith.constant 0 : i32
      %sign3A_91 = arith.cmpi sgt, %jit3A, %sign3A_90 : i32
      %sign3A_92 = arith.extui %sign3A_91 : i1 to i32
      %sign3A_93 = arith.constant 0 : i32
      %sign3A_94 = arith.cmpi slt, %jit3A, %sign3A_93 : i32
      %sign3A_95 = arith.extui %sign3A_94 : i1 to i32
      %sign3A_96 = arith.subi %sign3A_92, %sign3A_95 : i32
      %ne3A_97 = arith.cmpi ne, %sign3A_89, %sign3A_96 : i32
      %rem3A = arith.remsi %scan3A_82, %jit3A : i32
      %ne3A_98 = arith.constant 0 : i32
      %ne3A_99 = arith.cmpi ne, %rem3A, %ne3A_98 : i32
      %and3A = arith.andi %ne3A_97, %ne3A_99 : i1
      %sub3A_100 = arith.constant 1 : i32
      %sub3A_101 = arith.subi %div3A, %sub3A_100 : i32
      %select_n3A = arith.select %and3A, %sub3A_101, %div3A : i32
      %jit3A_102 = arith.constant 16 : i32
      %eq3A_103 = arith.constant 0 : i32
      %eq3A_104 = arith.cmpi eq, %jit3A_102, %eq3A_103 : i32
      %jit3A_105 = arith.constant 1 : i32
      %select_n3A_106 = arith.select %eq3A_104, %jit3A_105, %jit3A_102 : i32
      %rem3A_107 = arith.remsi %scan3A_82, %select_n3A_106 : i32
      %ne3A_108 = arith.constant 0 : i32
      %ne3A_109 = arith.cmpi ne, %rem3A_107, %ne3A_108 : i32
      %lt3A_110 = arith.constant 0 : i32
      %lt3A_111 = arith.cmpi slt, %rem3A_107, %lt3A_110 : i32
      %lt3A_112 = arith.constant 0 : i32
      %lt3A_113 = arith.cmpi slt, %select_n3A_106, %lt3A_112 : i32
      %ne3A_114 = arith.xori %lt3A_111, %lt3A_113 : i1
      %and3A_115 = arith.andi %ne3A_114, %ne3A_109 : i1
      %add3A_116 = arith.addi %rem3A_107, %select_n3A_106 : i32
      %select_n3A_117 = arith.select %and3A_115, %add3A_116, %rem3A_107 : i32
      %mul3A_118 = arith.constant 16 : i32
      %mul3A_119 = arith.muli %select_n3A_117, %mul3A_118 : i32
      %swap3A = arith.index_cast %select_n3A : i32 to index
      %swap3A_120 = arith.index_cast %mul3A_119 : i32 to index
      %swap3A_121 = tpu.vector_load %arg12[%swap3A, %swap3A_120] {strides = array<i32>} : memref<128x256xf32, #tpu.memory_space<vmem>>, vector<16xf32>,
      tpu.vector_store %arg12[%swap3A, %swap3A_120], %broadcast_in_dim3A_13 {strides = array<i32>} : memref<128x256xf32, #tpu.memory_space<vmem>>, vector<16xf32>,
      %scan3A_122 = arith.constant 0 : i32
      scf.yield %scan3A_122 : i32
    }
    %scan3A_19 = arith.constant 2048 : i32
    %scan3A_20 = arith.constant 0 : i32
    %scan3A_21 = arith.constant 0 : i32
    %scan3A_22 = arith.constant 48 : i32
    %scan3A_23 = arith.addi %scan3A_21, %scan3A_22 : i32
    %scan3A_24 = arith.constant 1 : i32
    %scan3A_25 = scf.for %scan3A_82 = %scan3A_21 to %scan3A_23 step %scan3A_24 iter_args(%scan3A_83 = %scan3A_20) -> (i32)  : i32 {
      %ge3A = arith.constant 4 : i32
      %ge3A_84 = arith.cmpi sge, %scan3A_82, %ge3A : i32
      %convert_element_type3A_85 = arith.extui %ge3A_84 : i1 to i32
      %cond3A_86 = arith.constant 0 : i32
      %cond3A_87 = arith.cmpi ne, %convert_element_type3A_85, %cond3A_86 : i32
      scf.if %cond3A_87 {
        %dma_wait3A = arith.constant 0 : i32
        %dma_wait3A_95 = tpu.memref_slice %arg5[%mul3A_6, %dma_wait3A] : memref<200000x256xf32, #tpu.memory_space<hbm>> -> memref<128x256xf32, #tpu.memory_space<hbm>>
        %dma_wait3A_96 = arith.constant 0 : i32
        %dma_wait3A_97 = tpu.memref_slice %arg5[%mul3A_6, %dma_wait3A_96] : memref<200000x256xf32, #tpu.memory_space<hbm>> -> memref<128x256xf32, #tpu.memory_space<hbm>>
        tpu.wait_dma2 semaphore(%arg16 : memref<!tpu.dma_semaphore, #tpu.memory_space<semaphore_mem>>) src(%arg12 : memref<128x256xf32, #tpu.memory_space<vmem>>) dst(%dma_wait3A_97 : memref<128x256xf32, #tpu.memory_space<hbm>>)
      } else {
      }
      %mul3A_88 = arith.constant 128 : i32
      %mul3A_89 = arith.muli %scan3A_82, %mul3A_88 : i32
      %add3A_90 = arith.addi %mul3A_6, %mul3A_89 : i32
      %dma_start3A = arith.constant 0 : i32
      %dma_start3A_91 = tpu.memref_slice %arg5[%add3A_90, %dma_start3A] : memref<200000x256xf32, #tpu.memory_space<hbm>> -> memref<128x256xf32, #tpu.memory_space<hbm>>
      %dma_start3A_92 = arith.constant 0 : i32
      %dma_start3A_93 = tpu.memref_slice %arg5[%add3A_90, %dma_start3A_92] : memref<200000x256xf32, #tpu.memory_space<hbm>> -> memref<128x256xf32, #tpu.memory_space<hbm>>
      tpu.enqueue_dma source(%arg12 : memref<128x256xf32, #tpu.memory_space<vmem>>) target(%dma_start3A_93 : memref<128x256xf32, #tpu.memory_space<hbm>>) target_semaphore(%arg16 : memref<!tpu.dma_semaphore, #tpu.memory_space<semaphore_mem>>)
      %scan3A_94 = arith.constant 0 : i32
      scf.yield %scan3A_94 : i32
    }
    %scan3A_26 = arith.constant 48 : i32
    %ne3A = arith.constant 0 : i32
    %ne3A_27 = arith.cmpi ne, %sub3A_12, %ne3A : i32
    %convert_element_type3A_28 = arith.extui %ne3A_27 : i1 to i32
    %cond3A = arith.constant 0 : i32
    %cond3A_29 = arith.cmpi ne, %convert_element_type3A_28, %cond3A : i32
    scf.if %cond3A_29 {
      %add3A_82 = arith.addi %mul3A_6, %mul3A_11 : i32
      %sub3A_83 = arith.constant 128 : i32
      %sub3A_84 = arith.subi %add3A_82, %sub3A_83 : i32
      %dma_start3A = arith.constant 0 : i32
      %dma_start3A_85 = tpu.memref_slice %arg5[%sub3A_84, %dma_start3A] : memref<200000x256xf32, #tpu.memory_space<hbm>> -> memref<128x256xf32, #tpu.memory_space<hbm>>
      %dma_start3A_86 = arith.constant 0 : i32
      %dma_start3A_87 = tpu.memref_slice %arg5[%sub3A_84, %dma_start3A_86] : memref<200000x256xf32, #tpu.memory_space<hbm>> -> memref<128x256xf32, #tpu.memory_space<hbm>>
      tpu.enqueue_dma source(%arg12 : memref<128x256xf32, #tpu.memory_space<vmem>>) target(%dma_start3A_87 : memref<128x256xf32, #tpu.memory_space<hbm>>) target_semaphore(%arg16 : memref<!tpu.dma_semaphore, #tpu.memory_space<semaphore_mem>>)
    } else {
    }
    %ne3A_30 = arith.constant 0 : i32
    %ne3A_31 = arith.cmpi ne, %sub3A_12, %ne3A_30 : i32
    %convert_element_type3A_32 = arith.extui %ne3A_31 : i1 to i32
    %add3A_33 = arith.constant 4 : i32
    %add3A_34 = arith.addi %add3A_33, %convert_element_type3A_32 : i32
    "tpu.region"() ({
      %run_scoped3A = tpu.sem_alloc : memref<!tpu.dma_semaphore, #tpu.memory_space<semaphore_mem>>
      tpu.enqueue_dma source(%arg4 : memref<32768xi32, #tpu.memory_space<hbm>>) target(%arg6 : memref<32768xi32, #tpu.memory_space<vmem>>) target_semaphore(%run_scoped3A : memref<!tpu.dma_semaphore, #tpu.memory_space<semaphore_mem>>)
      tpu.wait_dma2 semaphore(%run_scoped3A : memref<!tpu.dma_semaphore, #tpu.memory_space<semaphore_mem>>) src(%arg4 : memref<32768xi32, #tpu.memory_space<hbm>>) dst(%arg6 : memref<32768xi32, #tpu.memory_space<vmem>>)
      tpu.yield
    }) : () -> ()
    %broadcast_in_dim3A_35 = arith.constant -1 : i32
    %broadcast_in_dim3A_36 = vector.broadcast %broadcast_in_dim3A_35 : i32 to vector<16xi32>
    %scan3A_37 = arith.constant 0 : i32
    %scan3A_38 = arith.constant 0 : i32
    %scan3A_39 = arith.constant 391 : i32
    %scan3A_40 = arith.addi %scan3A_38, %scan3A_39 : i32
    %scan3A_41 = arith.constant 1 : i32
    %scan3A_42 = scf.for %scan3A_82 = %scan3A_38 to %scan3A_40 step %scan3A_41 iter_args(%scan3A_83 = %scan3A_37) -> (i32)  : i32 {
      %mul3A_84 = arith.constant 16 : i32
      %mul3A_85 = arith.muli %scan3A_82, %mul3A_84 : i32
      %swap3A = arith.index_cast %mul3A_85 : i32 to index
      %swap3A_86 = tpu.vector_load %arg7[%swap3A] {strides = array<i32>} : memref<6256xi32, #tpu.memory_space<vmem>>, vector<16xi32>,
      tpu.vector_store %arg7[%swap3A], %broadcast_in_dim3A_36 {strides = array<i32>} : memref<6256xi32, #tpu.memory_space<vmem>>, vector<16xi32>,
      %scan3A_87 = arith.constant 0 : i32
      scf.yield %scan3A_87 : i32
    }
    %scan3A_43 = arith.constant 391 : i32
    %iota3A = tpu.iota {dimensions = array<i32: 0>} : vector<16xi32>
    %add3A_44 = arith.constant 1 : i32
    %add3A_45 = vector.broadcast %add3A_44 : i32 to vector<16xi32>
    %add3A_46 = arith.addi %iota3A, %add3A_45 : vector<16xi32>
    %min3A_47 = arith.constant 15 : i32
    %min3A_48 = vector.broadcast %min3A_47 : i32 to vector<16xi32>
    %min3A_49 = arith.minsi %add3A_46, %min3A_48 : vector<16xi32>
    %eq3A = arith.constant 15 : i32
    %eq3A_50 = vector.broadcast %eq3A : i32 to vector<16xi32>
    %eq3A_51 = arith.cmpi eq, %iota3A, %eq3A_50 : vector<16xi32>
    %scan3A_52 = arith.constant 2147483647 : i32
    %scan3A_53 = arith.constant 0 : i32
    %scan3A_54 = arith.constant 0 : i32
    %scan3A_55 = arith.constant 2048 : i32
    %scan3A_56 = arith.addi %scan3A_54, %scan3A_55 : i32
    %scan3A_57 = arith.constant 1 : i32
    %scan3A_58 = scf.for %scan3A_82 = %scan3A_54 to %scan3A_56 step %scan3A_57 iter_args(%scan3A_83 = %scan3A_53) -> (i32)  : i32 {
      %mul3A_84 = arith.constant 16 : i32
      %mul3A_85 = arith.muli %scan3A_82, %mul3A_84 : i32
      %get3A = arith.index_cast %mul3A_85 : i32 to index
      %get3A_86 = tpu.vector_load %arg6[%get3A] {strides = array<i32>} : memref<32768xi32, #tpu.memory_space<vmem>>, vector<16xi32>,
      %mul3A_87 = arith.constant 16 : i32
      %mul3A_88 = arith.muli %scan3A_82, %mul3A_87 : i32
      %add3A_89 = vector.broadcast %mul3A_88 : i32 to vector<16xi32>
      %add3A_90 = arith.addi %add3A_89, %iota3A : vector<16xi32>
      %ge3A = vector.broadcast %mul3A_6 : i32 to vector<16xi32>
      %ge3A_91 = arith.cmpi sge, %get3A_86, %ge3A : vector<16xi32>
      %add3A_92 = arith.addi %mul3A_6, %mul3A_11 : i32
      %lt3A_93 = vector.broadcast %add3A_92 : i32 to vector<16xi32>
      %lt3A_94 = arith.cmpi slt, %get3A_86, %lt3A_93 : vector<16xi32>
      %and3A = arith.andi %ge3A_91, %lt3A_94 : vector<16xi1>
      %sub3A_95 = vector.broadcast %mul3A_6 : i32 to vector<16xi32>
      %sub3A_96 = arith.subi %get3A_86, %sub3A_95 : vector<16xi32>
      %mul3A_97 = arith.constant 32768 : i32
      %mul3A_98 = vector.broadcast %mul3A_97 : i32 to vector<16xi32>
      %mul3A_99 = arith.muli %sub3A_96, %mul3A_98 : vector<16xi32>
      %add3A_100 = arith.addi %mul3A_99, %add3A_90 : vector<16xi32>
      %broadcast_in_dim3A_101 = vector.broadcast %scan3A_52 : i32 to vector<16xi32>
      %select_n3A = arith.select %and3A, %add3A_100, %broadcast_in_dim3A_101 : vector<16xi1>, vector<16xi32>
      %masked_sort3A = arith.constant dense<true> : vector<16xi1>
      %masked_sort3A_102 = arith.constant -2147483648 : i32
      %masked_sort3A_103 = vector.broadcast %masked_sort3A_102 : i32 to vector<16xi32>
      %masked_sort3A_104 = arith.xori %select_n3A, %masked_sort3A_103 : vector<16xi32>
      %masked_sort3A_105, %masked_sort3A_106, %masked_sort3A_107 = tpu.sort %masked_sort3A_104, %select_n3A masked %masked_sort3A : (vector<16xi32>, vector<16xi32>, vector<16xi1>) -> (vector<16xi1>, vector<16xi32>, vector<16xi32>)
      %masked_sort3A_108 = arith.xori %masked_sort3A_106, %masked_sort3A_103 : vector<16xi32>
      %shift_right_logical3A = arith.constant 15 : i32
      %shift_right_logical3A_109 = vector.broadcast %shift_right_logical3A : i32 to vector<16xi32>
      %shift_right_logical3A_110 = arith.shrui %masked_sort3A_108, %shift_right_logical3A_109 : vector<16xi32>
      %and3A_111 = arith.constant 32767 : i32
      %and3A_112 = vector.broadcast %and3A_111 : i32 to vector<16xi32>
      %and3A_113 = arith.andi %masked_sort3A_108, %and3A_112 : vector<16xi32>
      %swap3A = arith.constant 0 : index
      %swap3A_114 = tpu.vector_load %arg14[%swap3A] {strides = array<i32>} : memref<16xi32, #tpu.memory_space<vmem>>, vector<16xi32>,
      tpu.vector_store %arg14[%swap3A], %masked_sort3A_108 {strides = array<i32>} : memref<16xi32, #tpu.memory_space<vmem>>, vector<16xi32>,
      %gather3A = tpu.vector_load_idx %arg14[%min3A_49] : memref<16xi32, #tpu.memory_space<vmem>>[vector<16xi32>], vector<16xi32>,
      %shift_right_logical3A_115 = arith.constant 15 : i32
      %shift_right_logical3A_116 = vector.broadcast %shift_right_logical3A_115 : i32 to vector<16xi32>
      %shift_right_logical3A_117 = arith.shrui %gather3A, %shift_right_logical3A_116 : vector<16xi32>
      %ne3A_118 = vector.broadcast %scan3A_52 : i32 to vector<16xi32>
      %ne3A_119 = arith.cmpi ne, %masked_sort3A_108, %ne3A_118 : vector<16xi32>
      %ne3A_120 = arith.cmpi ne, %shift_right_logical3A_117, %shift_right_logical3A_110 : vector<16xi32>
      %or3A = arith.ori %ne3A_120, %eq3A_51 : vector<16xi1>
      %and3A_121 = arith.andi %ne3A_119, %or3A : vector<16xi1>
      tpu.vector_store_idx %arg7[%shift_right_logical3A_110], %and3A_113 masked %and3A_121 : memref<6256xi32, #tpu.memory_space<vmem>>[vector<16xi32>], vector<16xi32>, vector<16xi1>
      %scan3A_122 = arith.constant 0 : i32
      scf.yield %scan3A_122 : i32
    }
    %scan3A_59 = arith.constant 2048 : i32
    %scan3A_60 = arith.constant 0 : i32
    %scan3A_61 = arith.constant 0 : i32
    %scan3A_62 = arith.constant 391 : i32
    %scan3A_63 = arith.addi %scan3A_61, %scan3A_62 : i32
    %scan3A_64 = arith.constant 1 : i32
    %scan3A_65 = scf.for %scan3A_82 = %scan3A_61 to %scan3A_63 step %scan3A_64 iter_args(%scan3A_83 = %scan3A_60) -> (i32)  : i32 {
      %mul3A_84 = arith.constant 16 : i32
      %mul3A_85 = arith.muli %scan3A_82, %mul3A_84 : i32
      %get3A = arith.index_cast %mul3A_85 : i32 to index
      %get3A_86 = tpu.vector_load %arg7[%get3A] {strides = array<i32>} : memref<6256xi32, #tpu.memory_space<vmem>>, vector<16xi32>,
      %ge3A = arith.constant 0 : i32
      %ge3A_87 = vector.broadcast %ge3A : i32 to vector<16xi32>
      %ge3A_88 = arith.cmpi sge, %get3A_86, %ge3A_87 : vector<16xi32>
      %convert_element_type3A_89 = arith.extui %ge3A_88 : vector<16xi1> to vector<16xi32>
      %cumsum3A = arith.constant true
      %cumsum3A_90 = vector.broadcast %cumsum3A : i1 to vector<16xi1>
      %cumsum3A_91 = tpu.scan <sum>, %convert_element_type3A_89 masked %cumsum3A_90 : vector<16xi32>, vector<16xi1> -> vector<16xi32>
      %add3A_92 = vector.broadcast %scan3A_83 : i32 to vector<16xi32>
      %add3A_93 = arith.addi %add3A_92, %cumsum3A_91 : vector<16xi32>
      %sub3A_94 = arith.constant 1 : i32
      %sub3A_95 = vector.broadcast %sub3A_94 : i32 to vector<16xi32>
      %sub3A_96 = arith.subi %add3A_93, %sub3A_95 : vector<16xi32>
      %mul3A_97 = arith.constant 16 : i32
      %mul3A_98 = arith.muli %scan3A_82, %mul3A_97 : i32
      %add3A_99 = arith.addi %mul3A_6, %mul3A_98 : i32
      %add3A_100 = vector.broadcast %add3A_99 : i32 to vector<16xi32>
      %add3A_101 = arith.addi %add3A_100, %iota3A : vector<16xi32>
      tpu.vector_store_idx %arg8[%sub3A_96], %add3A_101 masked %ge3A_88 : memref<6304xi32, #tpu.memory_space<vmem>>[vector<16xi32>], vector<16xi32>, vector<16xi1>
      tpu.vector_store_idx %arg9[%sub3A_96], %get3A_86 masked %ge3A_88 : memref<6304xi32, #tpu.memory_space<vmem>>[vector<16xi32>], vector<16xi32>, vector<16xi1>
      %convert_element_type3A_102 = arith.extui %ge3A_88 : vector<16xi1> to vector<16xi32>
      %reduce_sum3A = arith.constant true
      %reduce_sum3A_103 = vector.broadcast %reduce_sum3A : i1 to vector<16xi1>
      %reduce_sum3A_104 = tpu.scan <sum>, %convert_element_type3A_102 masked %reduce_sum3A_103 : vector<16xi32>, vector<16xi1> -> vector<16xi32>
      %reduce_sum3A_105 = vector.extract %reduce_sum3A_104[15] : i32 from vector<16xi32>
      %add3A_106 = arith.addi %scan3A_83, %reduce_sum3A_105 : i32
      scf.yield %add3A_106 : i32
    }
    %scan3A_66 = arith.constant 391 : i32
    %while3A = arith.constant 0 : i32
    %while3A_67 = arith.constant 0 : i32
    %while3A_68 = arith.subi %add3A_34, %while3A : i32
    %while3A_69 = arith.addi %while3A, %while3A_68 : i32
    %while3A_70 = arith.constant 1 : i32
    %while3A_71 = arith.divsi %while3A_68, %while3A_70 : i32
    %while3A_72 = arith.muli %while3A_71, %while3A_70 : i32
    %while3A_73 = arith.addi %while3A, %while3A_72 : i32
    %while3A_74 = arith.constant 1 : i32
    %while3A_75 = scf.for %while3A_82 = %while3A to %while3A_73 step %while3A_74 iter_args(%while3A_83 = %while3A_67) -> (i32)  : i32 {
      %dma_wait3A = arith.constant 0 : i32
      %dma_wait3A_84 = tpu.memref_slice %arg5[%mul3A_6, %dma_wait3A] : memref<200000x256xf32, #tpu.memory_space<hbm>> -> memref<128x256xf32, #tpu.memory_space<hbm>>
      %dma_wait3A_85 = arith.constant 0 : i32
      %dma_wait3A_86 = tpu.memref_slice %arg5[%mul3A_6, %dma_wait3A_85] : memref<200000x256xf32, #tpu.memory_space<hbm>> -> memref<128x256xf32, #tpu.memory_space<hbm>>
      tpu.wait_dma2 semaphore(%arg16 : memref<!tpu.dma_semaphore, #tpu.memory_space<semaphore_mem>>) src(%arg12 : memref<128x256xf32, #tpu.memory_space<vmem>>) dst(%dma_wait3A_86 : memref<128x256xf32, #tpu.memory_space<hbm>>)
      %while3A_87 = arith.constant 0 : i32
      scf.yield %while3A_87 : i32
    }
    %while3A_76 = arith.constant 1 : i32
    %while3A_77 = scf.for %while3A_82 = %while3A_73 to %while3A_69 step %while3A_76 iter_args(%while3A_83 = %while3A_75) -> (i32)  : i32 {
      %dma_wait3A = arith.constant 0 : i32
      %dma_wait3A_84 = tpu.memref_slice %arg5[%mul3A_6, %dma_wait3A] : memref<200000x256xf32, #tpu.memory_space<hbm>> -> memref<128x256xf32, #tpu.memory_space<hbm>>
      %dma_wait3A_85 = arith.constant 0 : i32
      %dma_wait3A_86 = tpu.memref_slice %arg5[%mul3A_6, %dma_wait3A_85] : memref<200000x256xf32, #tpu.memory_space<hbm>> -> memref<128x256xf32, #tpu.memory_space<hbm>>
      tpu.wait_dma2 semaphore(%arg16 : memref<!tpu.dma_semaphore, #tpu.memory_space<semaphore_mem>>) src(%arg12 : memref<128x256xf32, #tpu.memory_space<vmem>>) dst(%dma_wait3A_86 : memref<128x256xf32, #tpu.memory_space<hbm>>)
      %while3A_87 = arith.constant 0 : i32
      scf.yield %while3A_87 : i32
    }
    %gt3A = arith.constant 0 : i32
    %gt3A_78 = arith.cmpi sgt, %scan3A_65, %gt3A : i32
    %convert_element_type3A_79 = arith.extui %gt3A_78 : i1 to i32
    %cond3A_80 = arith.constant 0 : i32
    %cond3A_81 = arith.cmpi ne, %convert_element_type3A_79, %cond3A_80 : i32
    scf.if %cond3A_81 {
      %get3A = arith.constant 0 : index
      %get3A_82 = tpu.vector_load %arg8[%get3A] {strides = array<i32>} : memref<6304xi32, #tpu.memory_space<vmem>>, vector<16xi32>,
      %slice3A = vector.extract_strided_slice %get3A_82 {offsets = [0], sizes = [1], strides = [1]} : vector<16xi32> to vector<1xi32>
      %squeeze3A = vector.extract %slice3A[0] : i32 from vector<1xi32>
      %get3A_83 = arith.constant 0 : index
      %get3A_84 = tpu.vector_load %arg9[%get3A_83] {strides = array<i32>} : memref<6304xi32, #tpu.memory_space<vmem>>, vector<16xi32>,
      %slice3A_85 = vector.extract_strided_slice %get3A_84 {offsets = [0], sizes = [1], strides = [1]} : vector<16xi32> to vector<1xi32>
      %squeeze3A_86 = vector.extract %slice3A_85[0] : i32 from vector<1xi32>
      %broadcast_in_dim3A_87 = vector.broadcast %squeeze3A : i32 to vector<16xi32>
      %broadcast_in_dim3A_88 = vector.broadcast %squeeze3A_86 : i32 to vector<16xi32>
      %add3A_89 = arith.constant 0 : i32
      %add3A_90 = arith.addi %scan3A_65, %add3A_89 : i32
      %swap3A = arith.index_cast %add3A_90 : i32 to index
      %swap3A_91 = tpu.vector_load %arg8[%swap3A] {strides = array<i32>} : memref<6304xi32, #tpu.memory_space<vmem>>, vector<16xi32>,
      tpu.vector_store %arg8[%swap3A], %broadcast_in_dim3A_87 {strides = array<i32>} : memref<6304xi32, #tpu.memory_space<vmem>>, vector<16xi32>,
      %add3A_92 = arith.constant 0 : i32
      %add3A_93 = arith.addi %scan3A_65, %add3A_92 : i32
      %swap3A_94 = arith.index_cast %add3A_93 : i32 to index
      %swap3A_95 = tpu.vector_load %arg9[%swap3A_94] {strides = array<i32>} : memref<6304xi32, #tpu.memory_space<vmem>>, vector<16xi32>,
      tpu.vector_store %arg9[%swap3A_94], %broadcast_in_dim3A_88 {strides = array<i32>} : memref<6304xi32, #tpu.memory_space<vmem>>, vector<16xi32>,
      %add3A_96 = arith.constant 16 : i32
      %add3A_97 = arith.addi %scan3A_65, %add3A_96 : i32
      %swap3A_98 = arith.index_cast %add3A_97 : i32 to index
      %swap3A_99 = tpu.vector_load %arg8[%swap3A_98] {strides = array<i32>} : memref<6304xi32, #tpu.memory_space<vmem>>, vector<16xi32>,
      tpu.vector_store %arg8[%swap3A_98], %broadcast_in_dim3A_87 {strides = array<i32>} : memref<6304xi32, #tpu.memory_space<vmem>>, vector<16xi32>,
      %add3A_100 = arith.constant 16 : i32
      %add3A_101 = arith.addi %scan3A_65, %add3A_100 : i32
      %swap3A_102 = arith.index_cast %add3A_101 : i32 to index
      %swap3A_103 = tpu.vector_load %arg9[%swap3A_102] {strides = array<i32>} : memref<6304xi32, #tpu.memory_space<vmem>>, vector<16xi32>,
      tpu.vector_store %arg9[%swap3A_102], %broadcast_in_dim3A_88 {strides = array<i32>} : memref<6304xi32, #tpu.memory_space<vmem>>, vector<16xi32>,
      %add3A_104 = arith.constant 32 : i32
      %add3A_105 = arith.addi %scan3A_65, %add3A_104 : i32
      %swap3A_106 = arith.index_cast %add3A_105 : i32 to index
      %swap3A_107 = tpu.vector_load %arg8[%swap3A_106] {strides = array<i32>} : memref<6304xi32, #tpu.memory_space<vmem>>, vector<16xi32>,
      tpu.vector_store %arg8[%swap3A_106], %broadcast_in_dim3A_87 {strides = array<i32>} : memref<6304xi32, #tpu.memory_space<vmem>>, vector<16xi32>,
      %add3A_108 = arith.constant 32 : i32
      %add3A_109 = arith.addi %scan3A_65, %add3A_108 : i32
      %swap3A_110 = arith.index_cast %add3A_109 : i32 to index
      %swap3A_111 = tpu.vector_load %arg9[%swap3A_110] {strides = array<i32>} : memref<6304xi32, #tpu.memory_space<vmem>>, vector<16xi32>,
      tpu.vector_store %arg9[%swap3A_110], %broadcast_in_dim3A_88 {strides = array<i32>} : memref<6304xi32, #tpu.memory_space<vmem>>, vector<16xi32>,
      %add3A_112 = arith.constant 48 : i32
      %add3A_113 = arith.addi %scan3A_65, %add3A_112 : i32
      %swap3A_114 = arith.index_cast %add3A_113 : i32 to index
      %swap3A_115 = tpu.vector_load %arg8[%swap3A_114] {strides = array<i32>} : memref<6304xi32, #tpu.memory_space<vmem>>, vector<16xi32>,
      tpu.vector_store %arg8[%swap3A_114], %broadcast_in_dim3A_87 {strides = array<i32>} : memref<6304xi32, #tpu.memory_space<vmem>>, vector<16xi32>,
      %add3A_116 = arith.constant 48 : i32
      %add3A_117 = arith.addi %scan3A_65, %add3A_116 : i32
      %swap3A_118 = arith.index_cast %add3A_117 : i32 to index
      %swap3A_119 = tpu.vector_load %arg9[%swap3A_118] {strides = array<i32>} : memref<6304xi32, #tpu.memory_space<vmem>>, vector<16xi32>,
      tpu.vector_store %arg9[%swap3A_118], %broadcast_in_dim3A_88 {strides = array<i32>} : memref<6304xi32, #tpu.memory_space<vmem>>, vector<16xi32>,
      %add3A_120 = arith.constant 64 : i32
      %add3A_121 = arith.addi %scan3A_65, %add3A_120 : i32
      %swap3A_122 = arith.index_cast %add3A_121 : i32 to index
      %swap3A_123 = tpu.vector_load %arg8[%swap3A_122] {strides = array<i32>} : memref<6304xi32, #tpu.memory_space<vmem>>, vector<16xi32>,
      tpu.vector_store %arg8[%swap3A_122], %broadcast_in_dim3A_87 {strides = array<i32>} : memref<6304xi32, #tpu.memory_space<vmem>>, vector<16xi32>,
      %add3A_124 = arith.constant 64 : i32
      %add3A_125 = arith.addi %scan3A_65, %add3A_124 : i32
      %swap3A_126 = arith.index_cast %add3A_125 : i32 to index
      %swap3A_127 = tpu.vector_load %arg9[%swap3A_126] {strides = array<i32>} : memref<6304xi32, #tpu.memory_space<vmem>>, vector<16xi32>,
      tpu.vector_store %arg9[%swap3A_126], %broadcast_in_dim3A_88 {strides = array<i32>} : memref<6304xi32, #tpu.memory_space<vmem>>, vector<16xi32>,
      %add3A_128 = arith.constant 80 : i32
      %add3A_129 = arith.addi %scan3A_65, %add3A_128 : i32
      %swap3A_130 = arith.index_cast %add3A_129 : i32 to index
      %swap3A_131 = tpu.vector_load %arg8[%swap3A_130] {strides = array<i32>} : memref<6304xi32, #tpu.memory_space<vmem>>, vector<16xi32>,
      tpu.vector_store %arg8[%swap3A_130], %broadcast_in_dim3A_87 {strides = array<i32>} : memref<6304xi32, #tpu.memory_space<vmem>>, vector<16xi32>,
      %add3A_132 = arith.constant 80 : i32
      %add3A_133 = arith.addi %scan3A_65, %add3A_132 : i32
      %swap3A_134 = arith.index_cast %add3A_133 : i32 to index
      %swap3A_135 = tpu.vector_load %arg9[%swap3A_134] {strides = array<i32>} : memref<6304xi32, #tpu.memory_space<vmem>>, vector<16xi32>,
      tpu.vector_store %arg9[%swap3A_134], %broadcast_in_dim3A_88 {strides = array<i32>} : memref<6304xi32, #tpu.memory_space<vmem>>, vector<16xi32>,
      %add3A_136 = arith.constant 96 : i32
      %add3A_137 = arith.addi %scan3A_65, %add3A_136 : i32
      %swap3A_138 = arith.index_cast %add3A_137 : i32 to index
      %swap3A_139 = tpu.vector_load %arg8[%swap3A_138] {strides = array<i32>} : memref<6304xi32, #tpu.memory_space<vmem>>, vector<16xi32>,
      tpu.vector_store %arg8[%swap3A_138], %broadcast_in_dim3A_87 {strides = array<i32>} : memref<6304xi32, #tpu.memory_space<vmem>>, vector<16xi32>,
      %add3A_140 = arith.constant 96 : i32
      %add3A_141 = arith.addi %scan3A_65, %add3A_140 : i32
      %swap3A_142 = arith.index_cast %add3A_141 : i32 to index
      %swap3A_143 = tpu.vector_load %arg9[%swap3A_142] {strides = array<i32>} : memref<6304xi32, #tpu.memory_space<vmem>>, vector<16xi32>,
      tpu.vector_store %arg9[%swap3A_142], %broadcast_in_dim3A_88 {strides = array<i32>} : memref<6304xi32, #tpu.memory_space<vmem>>, vector<16xi32>,
      %add3A_144 = arith.constant 112 : i32
      %add3A_145 = arith.addi %scan3A_65, %add3A_144 : i32
      %swap3A_146 = arith.index_cast %add3A_145 : i32 to index
      %swap3A_147 = tpu.vector_load %arg8[%swap3A_146] {strides = array<i32>} : memref<6304xi32, #tpu.memory_space<vmem>>, vector<16xi32>,
      tpu.vector_store %arg8[%swap3A_146], %broadcast_in_dim3A_87 {strides = array<i32>} : memref<6304xi32, #tpu.memory_space<vmem>>, vector<16xi32>,
      %add3A_148 = arith.constant 112 : i32
      %add3A_149 = arith.addi %scan3A_65, %add3A_148 : i32
      %swap3A_150 = arith.index_cast %add3A_149 : i32 to index
      %swap3A_151 = tpu.vector_load %arg9[%swap3A_150] {strides = array<i32>} : memref<6304xi32, #tpu.memory_space<vmem>>, vector<16xi32>,
      tpu.vector_store %arg9[%swap3A_150], %broadcast_in_dim3A_88 {strides = array<i32>} : memref<6304xi32, #tpu.memory_space<vmem>>, vector<16xi32>,
      %add3A_152 = arith.constant 128 : i32
      %add3A_153 = arith.addi %scan3A_65, %add3A_152 : i32
      %sub3A_154 = arith.constant 1 : i32
      %sub3A_155 = arith.subi %add3A_153, %sub3A_154 : i32
      %jit3A = arith.constant 128 : i32
      %div3A = arith.divsi %sub3A_155, %jit3A : i32
      %sign3A = arith.constant 0 : i32
      %sign3A_156 = arith.cmpi sgt, %sub3A_155, %sign3A : i32
      %sign3A_157 = arith.extui %sign3A_156 : i1 to i32
      %sign3A_158 = arith.constant 0 : i32
      %sign3A_159 = arith.cmpi slt, %sub3A_155, %sign3A_158 : i32
      %sign3A_160 = arith.extui %sign3A_159 : i1 to i32
      %sign3A_161 = arith.subi %sign3A_157, %sign3A_160 : i32
      %sign3A_162 = arith.constant 0 : i32
      %sign3A_163 = arith.cmpi sgt, %jit3A, %sign3A_162 : i32
      %sign3A_164 = arith.extui %sign3A_163 : i1 to i32
      %sign3A_165 = arith.constant 0 : i32
      %sign3A_166 = arith.cmpi slt, %jit3A, %sign3A_165 : i32
      %sign3A_167 = arith.extui %sign3A_166 : i1 to i32
      %sign3A_168 = arith.subi %sign3A_164, %sign3A_167 : i32
      %ne3A_169 = arith.cmpi ne, %sign3A_161, %sign3A_168 : i32
      %rem3A = arith.remsi %sub3A_155, %jit3A : i32
      %ne3A_170 = arith.constant 0 : i32
      %ne3A_171 = arith.cmpi ne, %rem3A, %ne3A_170 : i32
      %and3A = arith.andi %ne3A_169, %ne3A_171 : i1
      %sub3A_172 = arith.constant 1 : i32
      %sub3A_173 = arith.subi %div3A, %sub3A_172 : i32
      %select_n3A = arith.select %and3A, %sub3A_173, %div3A : i32
      %while3A_174 = arith.constant 0 : i32
      %while3A_175 = arith.constant 0 : i32
      %while3A_176 = arith.subi %select_n3A, %while3A_174 : i32
      %while3A_177 = arith.addi %while3A_174, %while3A_176 : i32
      %while3A_178 = arith.constant 1 : i32
      %while3A_179 = arith.divsi %while3A_176, %while3A_178 : i32
      %while3A_180 = arith.muli %while3A_179, %while3A_178 : i32
      %while3A_181 = arith.addi %while3A_174, %while3A_180 : i32
      %while3A_182 = arith.constant 1 : i32
      %while3A_183 = scf.for %while3A_198 = %while3A_174 to %while3A_181 step %while3A_182 iter_args(%while3A_199 = %while3A_175) -> (i32)  : i32 {
        %mul3A_200 = arith.constant 128 : i32
        %mul3A_201 = arith.muli %while3A_198, %mul3A_200 : i32
        %add3A_202 = arith.constant 0 : i32
        %add3A_203 = arith.addi %mul3A_201, %add3A_202 : i32
        %get3A_204 = arith.index_cast %add3A_203 : i32 to index
        %get3A_205 = tpu.vector_load %arg8[%get3A_204] {strides = array<i32>} : memref<6304xi32, #tpu.memory_space<vmem>>, vector<16xi32>,
        %swap3A_206 = arith.index_cast %while3A_198 : i32 to index
        %swap3A_207 = arith.constant 0 : index
        %swap3A_208 = tpu.vector_load %arg10[%swap3A_206, %swap3A_207] {strides = array<i32>} : memref<49x128xi32, #tpu.memory_space<vmem>>, vector<16xi32>,
        tpu.vector_store %arg10[%swap3A_206, %swap3A_207], %get3A_205 {strides = array<i32>} : memref<49x128xi32, #tpu.memory_space<vmem>>, vector<16xi32>,
        %mul3A_209 = arith.constant 128 : i32
        %mul3A_210 = arith.muli %while3A_198, %mul3A_209 : i32
        %add3A_211 = arith.constant 0 : i32
        %add3A_212 = arith.addi %mul3A_210, %add3A_211 : i32
        %get3A_213 = arith.index_cast %add3A_212 : i32 to index
        %get3A_214 = tpu.vector_load %arg9[%get3A_213] {strides = array<i32>} : memref<6304xi32, #tpu.memory_space<vmem>>, vector<16xi32>,
        %swap3A_215 = arith.index_cast %while3A_198 : i32 to index
        %swap3A_216 = arith.constant 0 : index
        %swap3A_217 = tpu.vector_load %arg11[%swap3A_215, %swap3A_216] {strides = array<i32>} : memref<49x128xi32, #tpu.memory_space<vmem>>, vector<16xi32>,
        tpu.vector_store %arg11[%swap3A_215, %swap3A_216], %get3A_214 {strides = array<i32>} : memref<49x128xi32, #tpu.memory_space<vmem>>, vector<16xi32>,
        %mul3A_218 = arith.constant 128 : i32
        %mul3A_219 = arith.muli %while3A_198, %mul3A_218 : i32
        %add3A_220 = arith.constant 16 : i32
        %add3A_221 = arith.addi %mul3A_219, %add3A_220 : i32
        %get3A_222 = arith.index_cast %add3A_221 : i32 to index
        %get3A_223 = tpu.vector_load %arg8[%get3A_222] {strides = array<i32>} : memref<6304xi32, #tpu.memory_space<vmem>>, vector<16xi32>,
        %swap3A_224 = arith.index_cast %while3A_198 : i32 to index
        %swap3A_225 = arith.constant 16 : index
        %swap3A_226 = tpu.vector_load %arg10[%swap3A_224, %swap3A_225] {strides = array<i32>} : memref<49x128xi32, #tpu.memory_space<vmem>>, vector<16xi32>,
        tpu.vector_store %arg10[%swap3A_224, %swap3A_225], %get3A_223 {strides = array<i32>} : memref<49x128xi32, #tpu.memory_space<vmem>>, vector<16xi32>,
        %mul3A_227 = arith.constant 128 : i32
        %mul3A_228 = arith.muli %while3A_198, %mul3A_227 : i32
        %add3A_229 = arith.constant 16 : i32
        %add3A_230 = arith.addi %mul3A_228, %add3A_229 : i32
        %get3A_231 = arith.index_cast %add3A_230 : i32 to index
        %get3A_232 = tpu.vector_load %arg9[%get3A_231] {strides = array<i32>} : memref<6304xi32, #tpu.memory_space<vmem>>, vector<16xi32>,
        %swap3A_233 = arith.index_cast %while3A_198 : i32 to index
        %swap3A_234 = arith.constant 16 : index
        %swap3A_235 = tpu.vector_load %arg11[%swap3A_233, %swap3A_234] {strides = array<i32>} : memref<49x128xi32, #tpu.memory_space<vmem>>, vector<16xi32>,
        tpu.vector_store %arg11[%swap3A_233, %swap3A_234], %get3A_232 {strides = array<i32>} : memref<49x128xi32, #tpu.memory_space<vmem>>, vector<16xi32>,
        %mul3A_236 = arith.constant 128 : i32
        %mul3A_237 = arith.muli %while3A_198, %mul3A_236 : i32
        %add3A_238 = arith.constant 32 : i32
        %add3A_239 = arith.addi %mul3A_237, %add3A_238 : i32
        %get3A_240 = arith.index_cast %add3A_239 : i32 to index
        %get3A_241 = tpu.vector_load %arg8[%get3A_240] {strides = array<i32>} : memref<6304xi32, #tpu.memory_space<vmem>>, vector<16xi32>,
        %swap3A_242 = arith.index_cast %while3A_198 : i32 to index
        %swap3A_243 = arith.constant 32 : index
        %swap3A_244 = tpu.vector_load %arg10[%swap3A_242, %swap3A_243] {strides = array<i32>} : memref<49x128xi32, #tpu.memory_space<vmem>>, vector<16xi32>,
        tpu.vector_store %arg10[%swap3A_242, %swap3A_243], %get3A_241 {strides = array<i32>} : memref<49x128xi32, #tpu.memory_space<vmem>>, vector<16xi32>,
        %mul3A_245 = arith.constant 128 : i32
        %mul3A_246 = arith.muli %while3A_198, %mul3A_245 : i32
        %add3A_247 = arith.constant 32 : i32
        %add3A_248 = arith.addi %mul3A_246, %add3A_247 : i32
        %get3A_249 = arith.index_cast %add3A_248 : i32 to index
        %get3A_250 = tpu.vector_load %arg9[%get3A_249] {strides = array<i32>} : memref<6304xi32, #tpu.memory_space<vmem>>, vector<16xi32>,
        %swap3A_251 = arith.index_cast %while3A_198 : i32 to index
        %swap3A_252 = arith.constant 32 : index
        %swap3A_253 = tpu.vector_load %arg11[%swap3A_251, %swap3A_252] {strides = array<i32>} : memref<49x128xi32, #tpu.memory_space<vmem>>, vector<16xi32>,
        tpu.vector_store %arg11[%swap3A_251, %swap3A_252], %get3A_250 {strides = array<i32>} : memref<49x128xi32, #tpu.memory_space<vmem>>, vector<16xi32>,
        %mul3A_254 = arith.constant 128 : i32
        %mul3A_255 = arith.muli %while3A_198, %mul3A_254 : i32
        %add3A_256 = arith.constant 48 : i32
        %add3A_257 = arith.addi %mul3A_255, %add3A_256 : i32
        %get3A_258 = arith.index_cast %add3A_257 : i32 to index
        %get3A_259 = tpu.vector_load %arg8[%get3A_258] {strides = array<i32>} : memref<6304xi32, #tpu.memory_space<vmem>>, vector<16xi32>,
        %swap3A_260 = arith.index_cast %while3A_198 : i32 to index
        %swap3A_261 = arith.constant 48 : index
        %swap3A_262 = tpu.vector_load %arg10[%swap3A_260, %swap3A_261] {strides = array<i32>} : memref<49x128xi32, #tpu.memory_space<vmem>>, vector<16xi32>,
        tpu.vector_store %arg10[%swap3A_260, %swap3A_261], %get3A_259 {strides = array<i32>} : memref<49x128xi32, #tpu.memory_space<vmem>>, vector<16xi32>,
        %mul3A_263 = arith.constant 128 : i32
        %mul3A_264 = arith.muli %while3A_198, %mul3A_263 : i32
        %add3A_265 = arith.constant 48 : i32
        %add3A_266 = arith.addi %mul3A_264, %add3A_265 : i32
        %get3A_267 = arith.index_cast %add3A_266 : i32 to index
        %get3A_268 = tpu.vector_load %arg9[%get3A_267] {strides = array<i32>} : memref<6304xi32, #tpu.memory_space<vmem>>, vector<16xi32>,
        %swap3A_269 = arith.index_cast %while3A_198 : i32 to index
        %swap3A_270 = arith.constant 48 : index
        %swap3A_271 = tpu.vector_load %arg11[%swap3A_269, %swap3A_270] {strides = array<i32>} : memref<49x128xi32, #tpu.memory_space<vmem>>, vector<16xi32>,
        tpu.vector_store %arg11[%swap3A_269, %swap3A_270], %get3A_268 {strides = array<i32>} : memref<49x128xi32, #tpu.memory_space<vmem>>, vector<16xi32>,
        %mul3A_272 = arith.constant 128 : i32
        %mul3A_273 = arith.muli %while3A_198, %mul3A_272 : i32
        %add3A_274 = arith.constant 64 : i32
        %add3A_275 = arith.addi %mul3A_273, %add3A_274 : i32
        %get3A_276 = arith.index_cast %add3A_275 : i32 to index
        %get3A_277 = tpu.vector_load %arg8[%get3A_276] {strides = array<i32>} : memref<6304xi32, #tpu.memory_space<vmem>>, vector<16xi32>,
        %swap3A_278 = arith.index_cast %while3A_198 : i32 to index
        %swap3A_279 = arith.constant 64 : index
        %swap3A_280 = tpu.vector_load %arg10[%swap3A_278, %swap3A_279] {strides = array<i32>} : memref<49x128xi32, #tpu.memory_space<vmem>>, vector<16xi32>,
        tpu.vector_store %arg10[%swap3A_278, %swap3A_279], %get3A_277 {strides = array<i32>} : memref<49x128xi32, #tpu.memory_space<vmem>>, vector<16xi32>,
        %mul3A_281 = arith.constant 128 : i32
        %mul3A_282 = arith.muli %while3A_198, %mul3A_281 : i32
        %add3A_283 = arith.constant 64 : i32
        %add3A_284 = arith.addi %mul3A_282, %add3A_283 : i32
        %get3A_285 = arith.index_cast %add3A_284 : i32 to index
        %get3A_286 = tpu.vector_load %arg9[%get3A_285] {strides = array<i32>} : memref<6304xi32, #tpu.memory_space<vmem>>, vector<16xi32>,
        %swap3A_287 = arith.index_cast %while3A_198 : i32 to index
        %swap3A_288 = arith.constant 64 : index
        %swap3A_289 = tpu.vector_load %arg11[%swap3A_287, %swap3A_288] {strides = array<i32>} : memref<49x128xi32, #tpu.memory_space<vmem>>, vector<16xi32>,
        tpu.vector_store %arg11[%swap3A_287, %swap3A_288], %get3A_286 {strides = array<i32>} : memref<49x128xi32, #tpu.memory_space<vmem>>, vector<16xi32>,
        %mul3A_290 = arith.constant 128 : i32
        %mul3A_291 = arith.muli %while3A_198, %mul3A_290 : i32
        %add3A_292 = arith.constant 80 : i32
        %add3A_293 = arith.addi %mul3A_291, %add3A_292 : i32
        %get3A_294 = arith.index_cast %add3A_293 : i32 to index
        %get3A_295 = tpu.vector_load %arg8[%get3A_294] {strides = array<i32>} : memref<6304xi32, #tpu.memory_space<vmem>>, vector<16xi32>,
        %swap3A_296 = arith.index_cast %while3A_198 : i32 to index
        %swap3A_297 = arith.constant 80 : index
        %swap3A_298 = tpu.vector_load %arg10[%swap3A_296, %swap3A_297] {strides = array<i32>} : memref<49x128xi32, #tpu.memory_space<vmem>>, vector<16xi32>,
        tpu.vector_store %arg10[%swap3A_296, %swap3A_297], %get3A_295 {strides = array<i32>} : memref<49x128xi32, #tpu.memory_space<vmem>>, vector<16xi32>,
        %mul3A_299 = arith.constant 128 : i32
        %mul3A_300 = arith.muli %while3A_198, %mul3A_299 : i32
        %add3A_301 = arith.constant 80 : i32
        %add3A_302 = arith.addi %mul3A_300, %add3A_301 : i32
        %get3A_303 = arith.index_cast %add3A_302 : i32 to index
        %get3A_304 = tpu.vector_load %arg9[%get3A_303] {strides = array<i32>} : memref<6304xi32, #tpu.memory_space<vmem>>, vector<16xi32>,
        %swap3A_305 = arith.index_cast %while3A_198 : i32 to index
        %swap3A_306 = arith.constant 80 : index
        %swap3A_307 = tpu.vector_load %arg11[%swap3A_305, %swap3A_306] {strides = array<i32>} : memref<49x128xi32, #tpu.memory_space<vmem>>, vector<16xi32>,
        tpu.vector_store %arg11[%swap3A_305, %swap3A_306], %get3A_304 {strides = array<i32>} : memref<49x128xi32, #tpu.memory_space<vmem>>, vector<16xi32>,
        %mul3A_308 = arith.constant 128 : i32
        %mul3A_309 = arith.muli %while3A_198, %mul3A_308 : i32
        %add3A_310 = arith.constant 96 : i32
        %add3A_311 = arith.addi %mul3A_309, %add3A_310 : i32
        %get3A_312 = arith.index_cast %add3A_311 : i32 to index
        %get3A_313 = tpu.vector_load %arg8[%get3A_312] {strides = array<i32>} : memref<6304xi32, #tpu.memory_space<vmem>>, vector<16xi32>,
        %swap3A_314 = arith.index_cast %while3A_198 : i32 to index
        %swap3A_315 = arith.constant 96 : index
        %swap3A_316 = tpu.vector_load %arg10[%swap3A_314, %swap3A_315] {strides = array<i32>} : memref<49x128xi32, #tpu.memory_space<vmem>>, vector<16xi32>,
        tpu.vector_store %arg10[%swap3A_314, %swap3A_315], %get3A_313 {strides = array<i32>} : memref<49x128xi32, #tpu.memory_space<vmem>>, vector<16xi32>,
        %mul3A_317 = arith.constant 128 : i32
        %mul3A_318 = arith.muli %while3A_198, %mul3A_317 : i32
        %add3A_319 = arith.constant 96 : i32
        %add3A_320 = arith.addi %mul3A_318, %add3A_319 : i32
        %get3A_321 = arith.index_cast %add3A_320 : i32 to index
        %get3A_322 = tpu.vector_load %arg9[%get3A_321] {strides = array<i32>} : memref<6304xi32, #tpu.memory_space<vmem>>, vector<16xi32>,
        %swap3A_323 = arith.index_cast %while3A_198 : i32 to index
        %swap3A_324 = arith.constant 96 : index
        %swap3A_325 = tpu.vector_load %arg11[%swap3A_323, %swap3A_324] {strides = array<i32>} : memref<49x128xi32, #tpu.memory_space<vmem>>, vector<16xi32>,
        tpu.vector_store %arg11[%swap3A_323, %swap3A_324], %get3A_322 {strides = array<i32>} : memref<49x128xi32, #tpu.memory_space<vmem>>, vector<16xi32>,
        %mul3A_326 = arith.constant 128 : i32
        %mul3A_327 = arith.muli %while3A_198, %mul3A_326 : i32
        %add3A_328 = arith.constant 112 : i32
        %add3A_329 = arith.addi %mul3A_327, %add3A_328 : i32
        %get3A_330 = arith.index_cast %add3A_329 : i32 to index
        %get3A_331 = tpu.vector_load %arg8[%get3A_330] {strides = array<i32>} : memref<6304xi32, #tpu.memory_space<vmem>>, vector<16xi32>,
        %swap3A_332 = arith.index_cast %while3A_198 : i32 to index
        %swap3A_333 = arith.constant 112 : index
        %swap3A_334 = tpu.vector_load %arg10[%swap3A_332, %swap3A_333] {strides = array<i32>} : memref<49x128xi32, #tpu.memory_space<vmem>>, vector<16xi32>,
        tpu.vector_store %arg10[%swap3A_332, %swap3A_333], %get3A_331 {strides = array<i32>} : memref<49x128xi32, #tpu.memory_space<vmem>>, vector<16xi32>,
        %mul3A_335 = arith.constant 128 : i32
        %mul3A_336 = arith.muli %while3A_198, %mul3A_335 : i32
        %add3A_337 = arith.constant 112 : i32
        %add3A_338 = arith.addi %mul3A_336, %add3A_337 : i32
        %get3A_339 = arith.index_cast %add3A_338 : i32 to index
        %get3A_340 = tpu.vector_load %arg9[%get3A_339] {strides = array<i32>} : memref<6304xi32, #tpu.memory_space<vmem>>, vector<16xi32>,
        %swap3A_341 = arith.index_cast %while3A_198 : i32 to index
        %swap3A_342 = arith.constant 112 : index
        %swap3A_343 = tpu.vector_load %arg11[%swap3A_341, %swap3A_342] {strides = array<i32>} : memref<49x128xi32, #tpu.memory_space<vmem>>, vector<16xi32>,
        tpu.vector_store %arg11[%swap3A_341, %swap3A_342], %get3A_340 {strides = array<i32>} : memref<49x128xi32, #tpu.memory_space<vmem>>, vector<16xi32>,
        %while3A_344 = arith.constant 0 : i32
        scf.yield %while3A_344 : i32
      }
      %while3A_184 = arith.constant 1 : i32
      %while3A_185 = scf.for %while3A_198 = %while3A_181 to %while3A_177 step %while3A_184 iter_args(%while3A_199 = %while3A_183) -> (i32)  : i32 {
        %mul3A_200 = arith.constant 128 : i32
        %mul3A_201 = arith.muli %while3A_198, %mul3A_200 : i32
        %add3A_202 = arith.constant 0 : i32
        %add3A_203 = arith.addi %mul3A_201, %add3A_202 : i32
        %get3A_204 = arith.index_cast %add3A_203 : i32 to index
        %get3A_205 = tpu.vector_load %arg8[%get3A_204] {strides = array<i32>} : memref<6304xi32, #tpu.memory_space<vmem>>, vector<16xi32>,
        %swap3A_206 = arith.index_cast %while3A_198 : i32 to index
        %swap3A_207 = arith.constant 0 : index
        %swap3A_208 = tpu.vector_load %arg10[%swap3A_206, %swap3A_207] {strides = array<i32>} : memref<49x128xi32, #tpu.memory_space<vmem>>, vector<16xi32>,
        tpu.vector_store %arg10[%swap3A_206, %swap3A_207], %get3A_205 {strides = array<i32>} : memref<49x128xi32, #tpu.memory_space<vmem>>, vector<16xi32>,
        %mul3A_209 = arith.constant 128 : i32
        %mul3A_210 = arith.muli %while3A_198, %mul3A_209 : i32
        %add3A_211 = arith.constant 0 : i32
        %add3A_212 = arith.addi %mul3A_210, %add3A_211 : i32
        %get3A_213 = arith.index_cast %add3A_212 : i32 to index
        %get3A_214 = tpu.vector_load %arg9[%get3A_213] {strides = array<i32>} : memref<6304xi32, #tpu.memory_space<vmem>>, vector<16xi32>,
        %swap3A_215 = arith.index_cast %while3A_198 : i32 to index
        %swap3A_216 = arith.constant 0 : index
        %swap3A_217 = tpu.vector_load %arg11[%swap3A_215, %swap3A_216] {strides = array<i32>} : memref<49x128xi32, #tpu.memory_space<vmem>>, vector<16xi32>,
        tpu.vector_store %arg11[%swap3A_215, %swap3A_216], %get3A_214 {strides = array<i32>} : memref<49x128xi32, #tpu.memory_space<vmem>>, vector<16xi32>,
        %mul3A_218 = arith.constant 128 : i32
        %mul3A_219 = arith.muli %while3A_198, %mul3A_218 : i32
        %add3A_220 = arith.constant 16 : i32
        %add3A_221 = arith.addi %mul3A_219, %add3A_220 : i32
        %get3A_222 = arith.index_cast %add3A_221 : i32 to index
        %get3A_223 = tpu.vector_load %arg8[%get3A_222] {strides = array<i32>} : memref<6304xi32, #tpu.memory_space<vmem>>, vector<16xi32>,
        %swap3A_224 = arith.index_cast %while3A_198 : i32 to index
        %swap3A_225 = arith.constant 16 : index
        %swap3A_226 = tpu.vector_load %arg10[%swap3A_224, %swap3A_225] {strides = array<i32>} : memref<49x128xi32, #tpu.memory_space<vmem>>, vector<16xi32>,
        tpu.vector_store %arg10[%swap3A_224, %swap3A_225], %get3A_223 {strides = array<i32>} : memref<49x128xi32, #tpu.memory_space<vmem>>, vector<16xi32>,
        %mul3A_227 = arith.constant 128 : i32
        %mul3A_228 = arith.muli %while3A_198, %mul3A_227 : i32
        %add3A_229 = arith.constant 16 : i32
        %add3A_230 = arith.addi %mul3A_228, %add3A_229 : i32
        %get3A_231 = arith.index_cast %add3A_230 : i32 to index
        %get3A_232 = tpu.vector_load %arg9[%get3A_231] {strides = array<i32>} : memref<6304xi32, #tpu.memory_space<vmem>>, vector<16xi32>,
        %swap3A_233 = arith.index_cast %while3A_198 : i32 to index
        %swap3A_234 = arith.constant 16 : index
        %swap3A_235 = tpu.vector_load %arg11[%swap3A_233, %swap3A_234] {strides = array<i32>} : memref<49x128xi32, #tpu.memory_space<vmem>>, vector<16xi32>,
        tpu.vector_store %arg11[%swap3A_233, %swap3A_234], %get3A_232 {strides = array<i32>} : memref<49x128xi32, #tpu.memory_space<vmem>>, vector<16xi32>,
        %mul3A_236 = arith.constant 128 : i32
        %mul3A_237 = arith.muli %while3A_198, %mul3A_236 : i32
        %add3A_238 = arith.constant 32 : i32
        %add3A_239 = arith.addi %mul3A_237, %add3A_238 : i32
        %get3A_240 = arith.index_cast %add3A_239 : i32 to index
        %get3A_241 = tpu.vector_load %arg8[%get3A_240] {strides = array<i32>} : memref<6304xi32, #tpu.memory_space<vmem>>, vector<16xi32>,
        %swap3A_242 = arith.index_cast %while3A_198 : i32 to index
        %swap3A_243 = arith.constant 32 : index
        %swap3A_244 = tpu.vector_load %arg10[%swap3A_242, %swap3A_243] {strides = array<i32>} : memref<49x128xi32, #tpu.memory_space<vmem>>, vector<16xi32>,
        tpu.vector_store %arg10[%swap3A_242, %swap3A_243], %get3A_241 {strides = array<i32>} : memref<49x128xi32, #tpu.memory_space<vmem>>, vector<16xi32>,
        %mul3A_245 = arith.constant 128 : i32
        %mul3A_246 = arith.muli %while3A_198, %mul3A_245 : i32
        %add3A_247 = arith.constant 32 : i32
        %add3A_248 = arith.addi %mul3A_246, %add3A_247 : i32
        %get3A_249 = arith.index_cast %add3A_248 : i32 to index
        %get3A_250 = tpu.vector_load %arg9[%get3A_249] {strides = array<i32>} : memref<6304xi32, #tpu.memory_space<vmem>>, vector<16xi32>,
        %swap3A_251 = arith.index_cast %while3A_198 : i32 to index
        %swap3A_252 = arith.constant 32 : index
        %swap3A_253 = tpu.vector_load %arg11[%swap3A_251, %swap3A_252] {strides = array<i32>} : memref<49x128xi32, #tpu.memory_space<vmem>>, vector<16xi32>,
        tpu.vector_store %arg11[%swap3A_251, %swap3A_252], %get3A_250 {strides = array<i32>} : memref<49x128xi32, #tpu.memory_space<vmem>>, vector<16xi32>,
        %mul3A_254 = arith.constant 128 : i32
        %mul3A_255 = arith.muli %while3A_198, %mul3A_254 : i32
        %add3A_256 = arith.constant 48 : i32
        %add3A_257 = arith.addi %mul3A_255, %add3A_256 : i32
        %get3A_258 = arith.index_cast %add3A_257 : i32 to index
        %get3A_259 = tpu.vector_load %arg8[%get3A_258] {strides = array<i32>} : memref<6304xi32, #tpu.memory_space<vmem>>, vector<16xi32>,
        %swap3A_260 = arith.index_cast %while3A_198 : i32 to index
        %swap3A_261 = arith.constant 48 : index
        %swap3A_262 = tpu.vector_load %arg10[%swap3A_260, %swap3A_261] {strides = array<i32>} : memref<49x128xi32, #tpu.memory_space<vmem>>, vector<16xi32>,
        tpu.vector_store %arg10[%swap3A_260, %swap3A_261], %get3A_259 {strides = array<i32>} : memref<49x128xi32, #tpu.memory_space<vmem>>, vector<16xi32>,
        %mul3A_263 = arith.constant 128 : i32
        %mul3A_264 = arith.muli %while3A_198, %mul3A_263 : i32
        %add3A_265 = arith.constant 48 : i32
        %add3A_266 = arith.addi %mul3A_264, %add3A_265 : i32
        %get3A_267 = arith.index_cast %add3A_266 : i32 to index
        %get3A_268 = tpu.vector_load %arg9[%get3A_267] {strides = array<i32>} : memref<6304xi32, #tpu.memory_space<vmem>>, vector<16xi32>,
        %swap3A_269 = arith.index_cast %while3A_198 : i32 to index
        %swap3A_270 = arith.constant 48 : index
        %swap3A_271 = tpu.vector_load %arg11[%swap3A_269, %swap3A_270] {strides = array<i32>} : memref<49x128xi32, #tpu.memory_space<vmem>>, vector<16xi32>,
        tpu.vector_store %arg11[%swap3A_269, %swap3A_270], %get3A_268 {strides = array<i32>} : memref<49x128xi32, #tpu.memory_space<vmem>>, vector<16xi32>,
        %mul3A_272 = arith.constant 128 : i32
        %mul3A_273 = arith.muli %while3A_198, %mul3A_272 : i32
        %add3A_274 = arith.constant 64 : i32
        %add3A_275 = arith.addi %mul3A_273, %add3A_274 : i32
        %get3A_276 = arith.index_cast %add3A_275 : i32 to index
        %get3A_277 = tpu.vector_load %arg8[%get3A_276] {strides = array<i32>} : memref<6304xi32, #tpu.memory_space<vmem>>, vector<16xi32>,
        %swap3A_278 = arith.index_cast %while3A_198 : i32 to index
        %swap3A_279 = arith.constant 64 : index
        %swap3A_280 = tpu.vector_load %arg10[%swap3A_278, %swap3A_279] {strides = array<i32>} : memref<49x128xi32, #tpu.memory_space<vmem>>, vector<16xi32>,
        tpu.vector_store %arg10[%swap3A_278, %swap3A_279], %get3A_277 {strides = array<i32>} : memref<49x128xi32, #tpu.memory_space<vmem>>, vector<16xi32>,
        %mul3A_281 = arith.constant 128 : i32
        %mul3A_282 = arith.muli %while3A_198, %mul3A_281 : i32
        %add3A_283 = arith.constant 64 : i32
        %add3A_284 = arith.addi %mul3A_282, %add3A_283 : i32
        %get3A_285 = arith.index_cast %add3A_284 : i32 to index
        %get3A_286 = tpu.vector_load %arg9[%get3A_285] {strides = array<i32>} : memref<6304xi32, #tpu.memory_space<vmem>>, vector<16xi32>,
        %swap3A_287 = arith.index_cast %while3A_198 : i32 to index
        %swap3A_288 = arith.constant 64 : index
        %swap3A_289 = tpu.vector_load %arg11[%swap3A_287, %swap3A_288] {strides = array<i32>} : memref<49x128xi32, #tpu.memory_space<vmem>>, vector<16xi32>,
        tpu.vector_store %arg11[%swap3A_287, %swap3A_288], %get3A_286 {strides = array<i32>} : memref<49x128xi32, #tpu.memory_space<vmem>>, vector<16xi32>,
        %mul3A_290 = arith.constant 128 : i32
        %mul3A_291 = arith.muli %while3A_198, %mul3A_290 : i32
        %add3A_292 = arith.constant 80 : i32
        %add3A_293 = arith.addi %mul3A_291, %add3A_292 : i32
        %get3A_294 = arith.index_cast %add3A_293 : i32 to index
        %get3A_295 = tpu.vector_load %arg8[%get3A_294] {strides = array<i32>} : memref<6304xi32, #tpu.memory_space<vmem>>, vector<16xi32>,
        %swap3A_296 = arith.index_cast %while3A_198 : i32 to index
        %swap3A_297 = arith.constant 80 : index
        %swap3A_298 = tpu.vector_load %arg10[%swap3A_296, %swap3A_297] {strides = array<i32>} : memref<49x128xi32, #tpu.memory_space<vmem>>, vector<16xi32>,
        tpu.vector_store %arg10[%swap3A_296, %swap3A_297], %get3A_295 {strides = array<i32>} : memref<49x128xi32, #tpu.memory_space<vmem>>, vector<16xi32>,
        %mul3A_299 = arith.constant 128 : i32
        %mul3A_300 = arith.muli %while3A_198, %mul3A_299 : i32
        %add3A_301 = arith.constant 80 : i32
        %add3A_302 = arith.addi %mul3A_300, %add3A_301 : i32
        %get3A_303 = arith.index_cast %add3A_302 : i32 to index
        %get3A_304 = tpu.vector_load %arg9[%get3A_303] {strides = array<i32>} : memref<6304xi32, #tpu.memory_space<vmem>>, vector<16xi32>,
        %swap3A_305 = arith.index_cast %while3A_198 : i32 to index
        %swap3A_306 = arith.constant 80 : index
        %swap3A_307 = tpu.vector_load %arg11[%swap3A_305, %swap3A_306] {strides = array<i32>} : memref<49x128xi32, #tpu.memory_space<vmem>>, vector<16xi32>,
        tpu.vector_store %arg11[%swap3A_305, %swap3A_306], %get3A_304 {strides = array<i32>} : memref<49x128xi32, #tpu.memory_space<vmem>>, vector<16xi32>,
        %mul3A_308 = arith.constant 128 : i32
        %mul3A_309 = arith.muli %while3A_198, %mul3A_308 : i32
        %add3A_310 = arith.constant 96 : i32
        %add3A_311 = arith.addi %mul3A_309, %add3A_310 : i32
        %get3A_312 = arith.index_cast %add3A_311 : i32 to index
        %get3A_313 = tpu.vector_load %arg8[%get3A_312] {strides = array<i32>} : memref<6304xi32, #tpu.memory_space<vmem>>, vector<16xi32>,
        %swap3A_314 = arith.index_cast %while3A_198 : i32 to index
        %swap3A_315 = arith.constant 96 : index
        %swap3A_316 = tpu.vector_load %arg10[%swap3A_314, %swap3A_315] {strides = array<i32>} : memref<49x128xi32, #tpu.memory_space<vmem>>, vector<16xi32>,
        tpu.vector_store %arg10[%swap3A_314, %swap3A_315], %get3A_313 {strides = array<i32>} : memref<49x128xi32, #tpu.memory_space<vmem>>, vector<16xi32>,
        %mul3A_317 = arith.constant 128 : i32
        %mul3A_318 = arith.muli %while3A_198, %mul3A_317 : i32
        %add3A_319 = arith.constant 96 : i32
        %add3A_320 = arith.addi %mul3A_318, %add3A_319 : i32
        %get3A_321 = arith.index_cast %add3A_320 : i32 to index
        %get3A_322 = tpu.vector_load %arg9[%get3A_321] {strides = array<i32>} : memref<6304xi32, #tpu.memory_space<vmem>>, vector<16xi32>,
        %swap3A_323 = arith.index_cast %while3A_198 : i32 to index
        %swap3A_324 = arith.constant 96 : index
        %swap3A_325 = tpu.vector_load %arg11[%swap3A_323, %swap3A_324] {strides = array<i32>} : memref<49x128xi32, #tpu.memory_space<vmem>>, vector<16xi32>,
        tpu.vector_store %arg11[%swap3A_323, %swap3A_324], %get3A_322 {strides = array<i32>} : memref<49x128xi32, #tpu.memory_space<vmem>>, vector<16xi32>,
        %mul3A_326 = arith.constant 128 : i32
        %mul3A_327 = arith.muli %while3A_198, %mul3A_326 : i32
        %add3A_328 = arith.constant 112 : i32
        %add3A_329 = arith.addi %mul3A_327, %add3A_328 : i32
        %get3A_330 = arith.index_cast %add3A_329 : i32 to index
        %get3A_331 = tpu.vector_load %arg8[%get3A_330] {strides = array<i32>} : memref<6304xi32, #tpu.memory_space<vmem>>, vector<16xi32>,
        %swap3A_332 = arith.index_cast %while3A_198 : i32 to index
        %swap3A_333 = arith.constant 112 : index
        %swap3A_334 = tpu.vector_load %arg10[%swap3A_332, %swap3A_333] {strides = array<i32>} : memref<49x128xi32, #tpu.memory_space<vmem>>, vector<16xi32>,
        tpu.vector_store %arg10[%swap3A_332, %swap3A_333], %get3A_331 {strides = array<i32>} : memref<49x128xi32, #tpu.memory_space<vmem>>, vector<16xi32>,
        %mul3A_335 = arith.constant 128 : i32
        %mul3A_336 = arith.muli %while3A_198, %mul3A_335 : i32
        %add3A_337 = arith.constant 112 : i32
        %add3A_338 = arith.addi %mul3A_336, %add3A_337 : i32
        %get3A_339 = arith.index_cast %add3A_338 : i32 to index
        %get3A_340 = tpu.vector_load %arg9[%get3A_339] {strides = array<i32>} : memref<6304xi32, #tpu.memory_space<vmem>>, vector<16xi32>,
        %swap3A_341 = arith.index_cast %while3A_198 : i32 to index
        %swap3A_342 = arith.constant 112 : index
        %swap3A_343 = tpu.vector_load %arg11[%swap3A_341, %swap3A_342] {strides = array<i32>} : memref<49x128xi32, #tpu.memory_space<vmem>>, vector<16xi32>,
        tpu.vector_store %arg11[%swap3A_341, %swap3A_342], %get3A_340 {strides = array<i32>} : memref<49x128xi32, #tpu.memory_space<vmem>>, vector<16xi32>,
        %while3A_344 = arith.constant 0 : i32
        scf.yield %while3A_344 : i32
      }
      %while3A_186 = arith.constant 0 : i32
      %while3A_187 = arith.constant 0 : i32
      %while3A_188 = arith.subi %select_n3A, %while3A_186 : i32
      %while3A_189 = arith.addi %while3A_186, %while3A_188 : i32
      %while3A_190 = arith.constant 1 : i32
      %while3A_191 = arith.divsi %while3A_188, %while3A_190 : i32
      %while3A_192 = arith.muli %while3A_191, %while3A_190 : i32
      %while3A_193 = arith.addi %while3A_186, %while3A_192 : i32
      %while3A_194 = arith.constant 1 : i32
      %while3A_195 = scf.for %while3A_198 = %while3A_186 to %while3A_193 step %while3A_194 iter_args(%while3A_199 = %while3A_187) -> (i32)  : i32 {
        %dma_start3A = arith.constant 0 : i32
        %dma_start3A_200 = tpu.memref_slice %arg11[%while3A_198, %dma_start3A] : memref<49x128xi32, #tpu.memory_space<vmem>> -> memref<1x128xi32, #tpu.memory_space<vmem>>
        %dma_start3A_201 = tpu.memref_squeeze %dma_start3A_200 : memref<1x128xi32, #tpu.memory_space<vmem>> -> memref<128xi32, #tpu.memory_space<vmem>>
        %dma_start3A_202 = arith.constant 0 : i32
        %dma_start3A_203 = arith.constant 0 : i32
        %dma_start3A_204 = tpu.memref_slice %arg3[%dma_start3A_202, %dma_start3A_203] : memref<32768x256xf32, #tpu.memory_space<hbm>> -> memref<32768x256xf32, #tpu.memory_space<hbm>>
        tpu.enqueue_indirect_dma source(%dma_start3A_204 : memref<32768x256xf32, #tpu.memory_space<hbm>>) target(%arg12 : memref<128x256xf32, #tpu.memory_space<vmem>>) offsets(%dma_start3A_201 : memref<128xi32, #tpu.memory_space<vmem>>) semaphore(%arg15 : memref<!tpu.dma_semaphore, #tpu.memory_space<semaphore_mem>>)
        %dma_wait3A = arith.constant 0 : i32
        %dma_wait3A_205 = tpu.memref_slice %arg11[%while3A_198, %dma_wait3A] : memref<49x128xi32, #tpu.memory_space<vmem>> -> memref<1x128xi32, #tpu.memory_space<vmem>>
        %dma_wait3A_206 = tpu.memref_squeeze %dma_wait3A_205 : memref<1x128xi32, #tpu.memory_space<vmem>> -> memref<128xi32, #tpu.memory_space<vmem>>
        %dma_wait3A_207 = arith.constant 0 : i32
        %dma_wait3A_208 = arith.constant 0 : i32
        %dma_wait3A_209 = tpu.memref_slice %arg3[%dma_wait3A_207, %dma_wait3A_208] : memref<32768x256xf32, #tpu.memory_space<hbm>> -> memref<32768x256xf32, #tpu.memory_space<hbm>>
        tpu.wait_indirect_dma semaphore(%arg15 : memref<!tpu.dma_semaphore, #tpu.memory_space<semaphore_mem>>) src(%dma_wait3A_209 : memref<32768x256xf32, #tpu.memory_space<hbm>>) dst(%arg12 : memref<128x256xf32, #tpu.memory_space<vmem>>)
        %dma_start3A_210 = arith.constant 0 : i32
        %dma_start3A_211 = tpu.memref_slice %arg10[%while3A_198, %dma_start3A_210] : memref<49x128xi32, #tpu.memory_space<vmem>> -> memref<1x128xi32, #tpu.memory_space<vmem>>
        %dma_start3A_212 = tpu.memref_squeeze %dma_start3A_211 : memref<1x128xi32, #tpu.memory_space<vmem>> -> memref<128xi32, #tpu.memory_space<vmem>>
        %dma_start3A_213 = arith.constant 0 : i32
        %dma_start3A_214 = arith.constant 0 : i32
        %dma_start3A_215 = tpu.memref_slice %arg5[%dma_start3A_213, %dma_start3A_214] : memref<200000x256xf32, #tpu.memory_space<hbm>> -> memref<200000x256xf32, #tpu.memory_space<hbm>>
        tpu.enqueue_indirect_dma source(%arg12 : memref<128x256xf32, #tpu.memory_space<vmem>>) target(%dma_start3A_215 : memref<200000x256xf32, #tpu.memory_space<hbm>>) offsets(%dma_start3A_212 : memref<128xi32, #tpu.memory_space<vmem>>) semaphore(%arg15 : memref<!tpu.dma_semaphore, #tpu.memory_space<semaphore_mem>>)
        %dma_wait3A_216 = arith.constant 0 : i32
        %dma_wait3A_217 = tpu.memref_slice %arg10[%while3A_198, %dma_wait3A_216] : memref<49x128xi32, #tpu.memory_space<vmem>> -> memref<1x128xi32, #tpu.memory_space<vmem>>
        %dma_wait3A_218 = tpu.memref_squeeze %dma_wait3A_217 : memref<1x128xi32, #tpu.memory_space<vmem>> -> memref<128xi32, #tpu.memory_space<vmem>>
        %dma_wait3A_219 = arith.constant 0 : i32
        %dma_wait3A_220 = arith.constant 0 : i32
        %dma_wait3A_221 = tpu.memref_slice %arg5[%dma_wait3A_219, %dma_wait3A_220] : memref<200000x256xf32, #tpu.memory_space<hbm>> -> memref<200000x256xf32, #tpu.memory_space<hbm>>
        tpu.wait_indirect_dma semaphore(%arg15 : memref<!tpu.dma_semaphore, #tpu.memory_space<semaphore_mem>>) src(%arg12 : memref<128x256xf32, #tpu.memory_space<vmem>>) dst(%dma_wait3A_221 : memref<200000x256xf32, #tpu.memory_space<hbm>>)
        %while3A_222 = arith.constant 0 : i32
        scf.yield %while3A_222 : i32
      }
      %while3A_196 = arith.constant 1 : i32
      %while3A_197 = scf.for %while3A_198 = %while3A_193 to %while3A_189 step %while3A_196 iter_args(%while3A_199 = %while3A_195) -> (i32)  : i32 {
        %dma_start3A = arith.constant 0 : i32
        %dma_start3A_200 = tpu.memref_slice %arg11[%while3A_198, %dma_start3A] : memref<49x128xi32, #tpu.memory_space<vmem>> -> memref<1x128xi32, #tpu.memory_space<vmem>>
        %dma_start3A_201 = tpu.memref_squeeze %dma_start3A_200 : memref<1x128xi32, #tpu.memory_space<vmem>> -> memref<128xi32, #tpu.memory_space<vmem>>
        %dma_start3A_202 = arith.constant 0 : i32
        %dma_start3A_203 = arith.constant 0 : i32
        %dma_start3A_204 = tpu.memref_slice %arg3[%dma_start3A_202, %dma_start3A_203] : memref<32768x256xf32, #tpu.memory_space<hbm>> -> memref<32768x256xf32, #tpu.memory_space<hbm>>
        tpu.enqueue_indirect_dma source(%dma_start3A_204 : memref<32768x256xf32, #tpu.memory_space<hbm>>) target(%arg12 : memref<128x256xf32, #tpu.memory_space<vmem>>) offsets(%dma_start3A_201 : memref<128xi32, #tpu.memory_space<vmem>>) semaphore(%arg15 : memref<!tpu.dma_semaphore, #tpu.memory_space<semaphore_mem>>)
        %dma_wait3A = arith.constant 0 : i32
        %dma_wait3A_205 = tpu.memref_slice %arg11[%while3A_198, %dma_wait3A] : memref<49x128xi32, #tpu.memory_space<vmem>> -> memref<1x128xi32, #tpu.memory_space<vmem>>
        %dma_wait3A_206 = tpu.memref_squeeze %dma_wait3A_205 : memref<1x128xi32, #tpu.memory_space<vmem>> -> memref<128xi32, #tpu.memory_space<vmem>>
        %dma_wait3A_207 = arith.constant 0 : i32
        %dma_wait3A_208 = arith.constant 0 : i32
        %dma_wait3A_209 = tpu.memref_slice %arg3[%dma_wait3A_207, %dma_wait3A_208] : memref<32768x256xf32, #tpu.memory_space<hbm>> -> memref<32768x256xf32, #tpu.memory_space<hbm>>
        tpu.wait_indirect_dma semaphore(%arg15 : memref<!tpu.dma_semaphore, #tpu.memory_space<semaphore_mem>>) src(%dma_wait3A_209 : memref<32768x256xf32, #tpu.memory_space<hbm>>) dst(%arg12 : memref<128x256xf32, #tpu.memory_space<vmem>>)
        %dma_start3A_210 = arith.constant 0 : i32
        %dma_start3A_211 = tpu.memref_slice %arg10[%while3A_198, %dma_start3A_210] : memref<49x128xi32, #tpu.memory_space<vmem>> -> memref<1x128xi32, #tpu.memory_space<vmem>>
        %dma_start3A_212 = tpu.memref_squeeze %dma_start3A_211 : memref<1x128xi32, #tpu.memory_space<vmem>> -> memref<128xi32, #tpu.memory_space<vmem>>
        %dma_start3A_213 = arith.constant 0 : i32
        %dma_start3A_214 = arith.constant 0 : i32
        %dma_start3A_215 = tpu.memref_slice %arg5[%dma_start3A_213, %dma_start3A_214] : memref<200000x256xf32, #tpu.memory_space<hbm>> -> memref<200000x256xf32, #tpu.memory_space<hbm>>
        tpu.enqueue_indirect_dma source(%arg12 : memref<128x256xf32, #tpu.memory_space<vmem>>) target(%dma_start3A_215 : memref<200000x256xf32, #tpu.memory_space<hbm>>) offsets(%dma_start3A_212 : memref<128xi32, #tpu.memory_space<vmem>>) semaphore(%arg15 : memref<!tpu.dma_semaphore, #tpu.memory_space<semaphore_mem>>)
        %dma_wait3A_216 = arith.constant 0 : i32
        %dma_wait3A_217 = tpu.memref_slice %arg10[%while3A_198, %dma_wait3A_216] : memref<49x128xi32, #tpu.memory_space<vmem>> -> memref<1x128xi32, #tpu.memory_space<vmem>>
        %dma_wait3A_218 = tpu.memref_squeeze %dma_wait3A_217 : memref<1x128xi32, #tpu.memory_space<vmem>> -> memref<128xi32, #tpu.memory_space<vmem>>
        %dma_wait3A_219 = arith.constant 0 : i32
        %dma_wait3A_220 = arith.constant 0 : i32
        %dma_wait3A_221 = tpu.memref_slice %arg5[%dma_wait3A_219, %dma_wait3A_220] : memref<200000x256xf32, #tpu.memory_space<hbm>> -> memref<200000x256xf32, #tpu.memory_space<hbm>>
        tpu.wait_indirect_dma semaphore(%arg15 : memref<!tpu.dma_semaphore, #tpu.memory_space<semaphore_mem>>) src(%arg12 : memref<128x256xf32, #tpu.memory_space<vmem>>) dst(%dma_wait3A_221 : memref<200000x256xf32, #tpu.memory_space<hbm>>)
        %while3A_222 = arith.constant 0 : i32
        scf.yield %while3A_222 : i32
      }
    } else {
    }
    return
  }
}

module attributes {stable_mosaic.version = 14 : i64} {
  func.func @_ctx_kernel_body(%arg0: i32, %arg1: memref<2048x256xf32, #tpu.memory_space<vmem>>, %arg2: memref<2048x1xf32, #tpu.memory_space<vmem>>, %arg3: memref<256x512xf32, #tpu.memory_space<vmem>>, %arg4: memref<1x512xf32, #tpu.memory_space<vmem>>, %arg5: memref<512x256xf32, #tpu.memory_space<vmem>>, %arg6: memref<1x256xf32, #tpu.memory_space<vmem>>, %arg7: memref<1x256xf32, #tpu.memory_space<vmem>>, %arg8: memref<1x256xf32, #tpu.memory_space<vmem>>) attributes {dimension_semantics = [#tpu.dimension_semantics<arbitrary>], iteration_bounds = array<i64: 16>, scalar_prefetch = 0 : i64, scratch_operands = 1 : i64, tpu.core_type = #tpu.core_type<tc>, window_params = [{transform_indices = @transform_0, window_bounds = array<i64: 2048, 256>}, {transform_indices = @transform_1, window_bounds = array<i64: 2048, 1>}, {pipeline_mode = #tpu.pipeline_mode<synchronous>, transform_indices = @transform_2, window_bounds = array<i64: 256, 512>}, {pipeline_mode = #tpu.pipeline_mode<synchronous>, transform_indices = @transform_3, window_bounds = array<i64: 1, 512>}, {pipeline_mode = #tpu.pipeline_mode<synchronous>, transform_indices = @transform_4, window_bounds = array<i64: 512, 256>}, {pipeline_mode = #tpu.pipeline_mode<synchronous>, transform_indices = @transform_5, window_bounds = array<i64: 1, 256>}, {pipeline_mode = #tpu.pipeline_mode<synchronous>, transform_indices = @transform_6, window_bounds = array<i64: 1, 256>}]} {
    %eq3A = arith.constant 0 : i32
    %eq3A_0 = arith.cmpi eq, %arg0, %eq3A : i32
    %convert_element_type3A = arith.extui %eq3A_0 : i1 to i32
    %cond3A = arith.constant 0 : i32
    %cond3A_1 = arith.cmpi ne, %convert_element_type3A, %cond3A : i32
    scf.if %cond3A_1 {
      %broadcast_in_dim3A_19 = arith.constant 0.000000e+00 : f32
      %broadcast_in_dim3A_20 = vector.broadcast %broadcast_in_dim3A_19 : f32 to vector<1x256xf32>
      %swap3A_21 = arith.constant 0 : index
      %swap3A_22 = arith.constant 0 : index
      %swap3A_23 = vector.load %arg8[%swap3A_21, %swap3A_22] : memref<1x256xf32, #tpu.memory_space<vmem>>, vector<1x256xf32>
      tpu.vector_store %arg8[%swap3A_21, %swap3A_22], %broadcast_in_dim3A_20 {strides = array<i32>} : memref<1x256xf32, #tpu.memory_space<vmem>>, vector<1x256xf32>,
    } else {
    }
    %get3A = arith.constant 0 : index
    %get3A_2 = arith.constant 0 : index
    %get3A_3 = vector.load %arg8[%get3A, %get3A_2] : memref<1x256xf32, #tpu.memory_space<vmem>>, vector<1x256xf32>
    %get3A_4 = arith.constant 0 : index
    %get3A_5 = arith.constant 0 : index
    %get3A_6 = vector.load %arg1[%get3A_4, %get3A_5] : memref<2048x256xf32, #tpu.memory_space<vmem>>, vector<2048x256xf32>
    %get3A_7 = arith.constant 0 : index
    %get3A_8 = arith.constant 0 : index
    %get3A_9 = vector.load %arg2[%get3A_7, %get3A_8] : memref<2048x1xf32, #tpu.memory_space<vmem>>, vector<2048x1xf32>
    %mul3A = vector.broadcast %get3A_9 : vector<2048x1xf32> to vector<2048x256xf32>
    %mul3A_10 = arith.mulf %get3A_6, %mul3A : vector<2048x256xf32>
    %reduce_sum3A = arith.constant dense<0.000000e+00> : vector<256xf32>
    %reduce_sum3A_11 = vector.multi_reduction <add>, %mul3A_10, %reduce_sum3A [0] : vector<2048x256xf32> to vector<256xf32>
    %broadcast_in_dim3A = vector.shape_cast %reduce_sum3A_11 : vector<256xf32> to vector<1x256xf32>
    %add3A = arith.addf %get3A_3, %broadcast_in_dim3A : vector<1x256xf32>
    %swap3A = arith.constant 0 : index
    %swap3A_12 = arith.constant 0 : index
    %swap3A_13 = vector.load %arg8[%swap3A, %swap3A_12] : memref<1x256xf32, #tpu.memory_space<vmem>>, vector<1x256xf32>
    tpu.vector_store %arg8[%swap3A, %swap3A_12], %add3A {strides = array<i32>} : memref<1x256xf32, #tpu.memory_space<vmem>>, vector<1x256xf32>,
    %eq3A_14 = arith.constant 15 : i32
    %eq3A_15 = arith.cmpi eq, %arg0, %eq3A_14 : i32
    %convert_element_type3A_16 = arith.extui %eq3A_15 : i1 to i32
    %cond3A_17 = arith.constant 0 : i32
    %cond3A_18 = arith.cmpi ne, %convert_element_type3A_16, %cond3A_17 : i32
    scf.if %cond3A_18 {
      %get3A_19 = arith.constant 0 : index
      %get3A_20 = arith.constant 0 : index
      %get3A_21 = vector.load %arg8[%get3A_19, %get3A_20] : memref<1x256xf32, #tpu.memory_space<vmem>>, vector<1x256xf32>
      %div3A = arith.constant 3.276800e+04 : f32
      %div3A_22 = vector.broadcast %div3A : f32 to vector<1x256xf32>
      %div3A_23 = arith.divf %get3A_21, %div3A_22 : vector<1x256xf32>
      %get3A_24 = arith.constant 0 : index
      %get3A_25 = arith.constant 0 : index
      %get3A_26 = vector.load %arg3[%get3A_24, %get3A_25] : memref<256x512xf32, #tpu.memory_space<vmem>>, vector<256x512xf32>
      %dot_general3A = arith.constant dense<0.000000e+00> : vector<1x512xf32>
      %dot_general3A_27 = tpu.matmul %div3A_23, %get3A_26, %dot_general3A {dimension_numbers = #tpu.dot_dimension_numbers<[1], [0], [0], [1], [0, 0, 1, 1], [], []>, transpose_lhs_hint = false} : vector<1x256xf32>, vector<256x512xf32>, vector<1x512xf32> -> vector<1x512xf32>
      %get3A_28 = arith.constant 0 : index
      %get3A_29 = arith.constant 0 : index
      %get3A_30 = vector.load %arg4[%get3A_28, %get3A_29] : memref<1x512xf32, #tpu.memory_space<vmem>>, vector<1x512xf32>
      %add3A_31 = arith.addf %dot_general3A_27, %get3A_30 : vector<1x512xf32>
      %get3A_32 = arith.constant 0 : index
      %get3A_33 = arith.constant 0 : index
      %get3A_34 = vector.load %arg5[%get3A_32, %get3A_33] : memref<512x256xf32, #tpu.memory_space<vmem>>, vector<512x256xf32>
      %dot_general3A_35 = arith.constant dense<0.000000e+00> : vector<1x256xf32>
      %dot_general3A_36 = tpu.matmul %add3A_31, %get3A_34, %dot_general3A_35 {dimension_numbers = #tpu.dot_dimension_numbers<[1], [0], [0], [1], [0, 0, 1, 1], [], []>, transpose_lhs_hint = false} : vector<1x512xf32>, vector<512x256xf32>, vector<1x256xf32> -> vector<1x256xf32>
      %get3A_37 = arith.constant 0 : index
      %get3A_38 = arith.constant 0 : index
      %get3A_39 = vector.load %arg6[%get3A_37, %get3A_38] : memref<1x256xf32, #tpu.memory_space<vmem>>, vector<1x256xf32>
      %add3A_40 = arith.addf %dot_general3A_36, %get3A_39 : vector<1x256xf32>
      %swap3A_41 = arith.constant 0 : index
      %swap3A_42 = arith.constant 0 : index
      %swap3A_43 = vector.load %arg7[%swap3A_41, %swap3A_42] : memref<1x256xf32, #tpu.memory_space<vmem>>, vector<1x256xf32>
      tpu.vector_store %arg7[%swap3A_41, %swap3A_42], %add3A_40 {strides = array<i32>} : memref<1x256xf32, #tpu.memory_space<vmem>>, vector<1x256xf32>,
    } else {
    }
    return
  }
  func.func @transform_0(%arg0: i32) -> (i32, i32) {
    %c0_i32 = arith.constant 0 : i32
    %c0_i32_0 = arith.constant 0 : i32
    return %arg0, %c0_i32 : i32, i32
  }
  func.func @transform_1(%arg0: i32) -> (i32, i32) {
    %c0_i32 = arith.constant 0 : i32
    %c0_i32_0 = arith.constant 0 : i32
    return %arg0, %c0_i32 : i32, i32
  }
  func.func @transform_2(%arg0: i32) -> (i32, i32) {
    %c0_i32 = arith.constant 0 : i32
    %c0_i32_0 = arith.constant 0 : i32
    %c0_i32_1 = arith.constant 0 : i32
    return %c0_i32, %c0_i32_0 : i32, i32
  }
  func.func @transform_3(%arg0: i32) -> (i32, i32) {
    %c0_i32 = arith.constant 0 : i32
    %c0_i32_0 = arith.constant 0 : i32
    %c0_i32_1 = arith.constant 0 : i32
    return %c0_i32, %c0_i32_0 : i32, i32
  }
  func.func @transform_4(%arg0: i32) -> (i32, i32) {
    %c0_i32 = arith.constant 0 : i32
    %c0_i32_0 = arith.constant 0 : i32
    %c0_i32_1 = arith.constant 0 : i32
    return %c0_i32, %c0_i32_0 : i32, i32
  }
  func.func @transform_5(%arg0: i32) -> (i32, i32) {
    %c0_i32 = arith.constant 0 : i32
    %c0_i32_0 = arith.constant 0 : i32
    %c0_i32_1 = arith.constant 0 : i32
    return %c0_i32, %c0_i32_0 : i32, i32
  }
  func.func @transform_6(%arg0: i32) -> (i32, i32) {
    %c0_i32 = arith.constant 0 : i32
    %c0_i32_0 = arith.constant 0 : i32
    %c0_i32_1 = arith.constant 0 : i32
    return %c0_i32, %c0_i32_0 : i32, i32
  }
}

module attributes {stable_mosaic.version = 14 : i64} {
  func.func @_node_kernel_body(%arg0: i32, %arg1: memref<512x256xf32, #tpu.memory_space<vmem>>, %arg2: memref<256x256xf32, #tpu.memory_space<vmem>>, %arg3: memref<1x256xf32, #tpu.memory_space<vmem>>, %arg4: memref<2048x256xbf16, #tpu.memory_space<vmem>>, %arg5: memref<512x256xf32, #tpu.memory_space<vmem>>) attributes {dimension_semantics = [#tpu.dimension_semantics<arbitrary>], iteration_bounds = array<i64: 32>, scalar_prefetch = 0 : i64, scratch_operands = 0 : i64, tpu.core_type = #tpu.core_type<tc>, window_params = [{transform_indices = @transform_0, window_bounds = array<i64: 512, 256>}, {pipeline_mode = #tpu.pipeline_mode<synchronous>, transform_indices = @transform_1, window_bounds = array<i64: 256, 256>}, {pipeline_mode = #tpu.pipeline_mode<synchronous>, transform_indices = @transform_2, window_bounds = array<i64: 1, 256>}, {pipeline_mode = #tpu.pipeline_mode<synchronous>, transform_indices = @transform_3, window_bounds = array<i64: 2048, 256>}, {transform_indices = @transform_4, window_bounds = array<i64: 512, 256>}]} {
    %get3A = arith.constant 0 : index
    %get3A_0 = arith.constant 0 : index
    %get3A_1 = vector.load %arg1[%get3A, %get3A_0] : memref<512x256xf32, #tpu.memory_space<vmem>>, vector<512x256xf32>
    %get3A_2 = arith.constant 0 : index
    %get3A_3 = arith.constant 0 : index
    %get3A_4 = vector.load %arg2[%get3A_2, %get3A_3] : memref<256x256xf32, #tpu.memory_space<vmem>>, vector<256x256xf32>
    %dot_general3A = arith.constant dense<0.000000e+00> : vector<512x256xf32>
    %dot_general3A_5 = tpu.matmul %get3A_1, %get3A_4, %dot_general3A {dimension_numbers = #tpu.dot_dimension_numbers<[1], [0], [0], [1], [0, 0, 1, 1], [], []>, transpose_lhs_hint = false} : vector<512x256xf32>, vector<256x256xf32>, vector<512x256xf32> -> vector<512x256xf32>
    %get3A_6 = arith.constant 0 : index
    %get3A_7 = arith.constant 0 : index
    %get3A_8 = vector.load %arg3[%get3A_6, %get3A_7] : memref<1x256xf32, #tpu.memory_space<vmem>>, vector<1x256xf32>
    %add3A = vector.broadcast %get3A_8 : vector<1x256xf32> to vector<512x256xf32>
    %add3A_9 = arith.addf %dot_general3A_5, %add3A : vector<512x256xf32>
    %logistic3A = arith.negf %add3A_9 : vector<512x256xf32>
    %logistic3A_10 = math.exp %logistic3A : vector<512x256xf32>
    %logistic3A_11 = arith.constant 1.000000e+00 : f32
    %logistic3A_12 = vector.broadcast %logistic3A_11 : f32 to vector<512x256xf32>
    %logistic3A_13 = arith.addf %logistic3A_12, %logistic3A_10 : vector<512x256xf32>
    %logistic3A_14 = arith.divf %logistic3A_12, %logistic3A_13 : vector<512x256xf32>
    %mul3A = arith.mulf %add3A_9, %logistic3A_14 : vector<512x256xf32>
    %convert_element_type3A = arith.truncf %mul3A : vector<512x256xf32> to vector<512x256xbf16>
    %sub3A = arith.constant -2.500000e+00 : f32
    %sub3A_15 = vector.broadcast %sub3A : f32 to vector<512x256xf32>
    %sub3A_16 = arith.subf %add3A_9, %sub3A_15 : vector<512x256xf32>
    %mul3A_17 = arith.constant 2.000000e+00 : f32
    %mul3A_18 = vector.broadcast %mul3A_17 : f32 to vector<512x256xf32>
    %mul3A_19 = arith.mulf %sub3A_16, %mul3A_18 : vector<512x256xf32>
    %floor3A = math.floor %mul3A_19 : vector<512x256xf32>
    %sub3A_20 = arith.subf %mul3A_19, %floor3A : vector<512x256xf32>
    %convert_element_type3A_21 = arith.truncf %sub3A_20 : vector<512x256xf32> to vector<512x256xbf16>
    %mul3A_22 = arith.mulf %convert_element_type3A_21, %convert_element_type3A_21 : vector<512x256xbf16>
    %mul3A_23 = arith.mulf %mul3A_22, %convert_element_type3A_21 : vector<512x256xbf16>
    %mul3A_24 = arith.constant 1.669920e-01 : bf16
    %mul3A_25 = vector.broadcast %mul3A_24 : bf16 to vector<512x256xbf16>
    %mul3A_26 = arith.mulf %mul3A_23, %mul3A_25 : vector<512x256xbf16>
    %mul3A_27 = arith.constant -3.000000e+00 : bf16
    %mul3A_28 = vector.broadcast %mul3A_27 : bf16 to vector<512x256xbf16>
    %mul3A_29 = arith.mulf %mul3A_28, %mul3A_23 : vector<512x256xbf16>
    %mul3A_30 = arith.constant 3.000000e+00 : bf16
    %mul3A_31 = vector.broadcast %mul3A_30 : bf16 to vector<512x256xbf16>
    %mul3A_32 = arith.mulf %mul3A_31, %mul3A_22 : vector<512x256xbf16>
    %add3A_33 = arith.addf %mul3A_29, %mul3A_32 : vector<512x256xbf16>
    %mul3A_34 = arith.constant 3.000000e+00 : bf16
    %mul3A_35 = vector.broadcast %mul3A_34 : bf16 to vector<512x256xbf16>
    %mul3A_36 = arith.mulf %mul3A_35, %convert_element_type3A_21 : vector<512x256xbf16>
    %add3A_37 = arith.addf %add3A_33, %mul3A_36 : vector<512x256xbf16>
    %add3A_38 = arith.constant 1.000000e+00 : bf16
    %add3A_39 = vector.broadcast %add3A_38 : bf16 to vector<512x256xbf16>
    %add3A_40 = arith.addf %add3A_37, %add3A_39 : vector<512x256xbf16>
    %mul3A_41 = arith.constant 1.669920e-01 : bf16
    %mul3A_42 = vector.broadcast %mul3A_41 : bf16 to vector<512x256xbf16>
    %mul3A_43 = arith.mulf %add3A_40, %mul3A_42 : vector<512x256xbf16>
    %mul3A_44 = arith.constant 3.000000e+00 : bf16
    %mul3A_45 = vector.broadcast %mul3A_44 : bf16 to vector<512x256xbf16>
    %mul3A_46 = arith.mulf %mul3A_45, %mul3A_23 : vector<512x256xbf16>
    %mul3A_47 = arith.constant 6.000000e+00 : bf16
    %mul3A_48 = vector.broadcast %mul3A_47 : bf16 to vector<512x256xbf16>
    %mul3A_49 = arith.mulf %mul3A_48, %mul3A_22 : vector<512x256xbf16>
    %sub3A_50 = arith.subf %mul3A_46, %mul3A_49 : vector<512x256xbf16>
    %add3A_51 = arith.constant 4.000000e+00 : bf16
    %add3A_52 = vector.broadcast %add3A_51 : bf16 to vector<512x256xbf16>
    %add3A_53 = arith.addf %sub3A_50, %add3A_52 : vector<512x256xbf16>
    %mul3A_54 = arith.constant 1.669920e-01 : bf16
    %mul3A_55 = vector.broadcast %mul3A_54 : bf16 to vector<512x256xbf16>
    %mul3A_56 = arith.mulf %add3A_53, %mul3A_55 : vector<512x256xbf16>
    %sub3A_57 = arith.constant 1.000000e+00 : bf16
    %sub3A_58 = vector.broadcast %sub3A_57 : bf16 to vector<512x256xbf16>
    %sub3A_59 = arith.subf %sub3A_58, %convert_element_type3A_21 : vector<512x256xbf16>
    %mul3A_60 = arith.mulf %sub3A_59, %sub3A_59 : vector<512x256xbf16>
    %mul3A_61 = arith.mulf %mul3A_60, %sub3A_59 : vector<512x256xbf16>
    %mul3A_62 = arith.constant 1.669920e-01 : bf16
    %mul3A_63 = vector.broadcast %mul3A_62 : bf16 to vector<512x256xbf16>
    %mul3A_64 = arith.mulf %mul3A_61, %mul3A_63 : vector<512x256xbf16>
    %convert_element_type3A_65 = arith.truncf %floor3A : vector<512x256xf32> to vector<512x256xbf16>
    %broadcast_in_dim3A = arith.constant 0.000000e+00 : bf16
    %broadcast_in_dim3A_66 = vector.broadcast %broadcast_in_dim3A : bf16 to vector<512x256xbf16>
    %eq3A = arith.constant 0.000000e+00 : bf16
    %eq3A_67 = vector.broadcast %eq3A : bf16 to vector<512x256xbf16>
    %eq3A_68 = arith.cmpf oeq, %convert_element_type3A_65, %eq3A_67 : vector<512x256xbf16>
    %select_n3A = arith.select %eq3A_68, %mul3A_26, %broadcast_in_dim3A_66 : vector<512x256xi1>, vector<512x256xbf16>
    %eq3A_69 = arith.constant 1.000000e+00 : bf16
    %eq3A_70 = vector.broadcast %eq3A_69 : bf16 to vector<512x256xbf16>
    %eq3A_71 = arith.cmpf oeq, %convert_element_type3A_65, %eq3A_70 : vector<512x256xbf16>
    %select_n3A_72 = arith.select %eq3A_71, %mul3A_43, %select_n3A : vector<512x256xi1>, vector<512x256xbf16>
    %eq3A_73 = arith.constant 2.000000e+00 : bf16
    %eq3A_74 = vector.broadcast %eq3A_73 : bf16 to vector<512x256xbf16>
    %eq3A_75 = arith.cmpf oeq, %convert_element_type3A_65, %eq3A_74 : vector<512x256xbf16>
    %select_n3A_76 = arith.select %eq3A_75, %mul3A_56, %select_n3A_72 : vector<512x256xi1>, vector<512x256xbf16>
    %eq3A_77 = arith.constant 3.000000e+00 : bf16
    %eq3A_78 = vector.broadcast %eq3A_77 : bf16 to vector<512x256xbf16>
    %eq3A_79 = arith.cmpf oeq, %convert_element_type3A_65, %eq3A_78 : vector<512x256xbf16>
    %select_n3A_80 = arith.select %eq3A_79, %mul3A_64, %select_n3A_76 : vector<512x256xi1>, vector<512x256xbf16>
    %eq3A_81 = arith.constant 1.000000e+00 : bf16
    %eq3A_82 = vector.broadcast %eq3A_81 : bf16 to vector<512x256xbf16>
    %eq3A_83 = arith.cmpf oeq, %convert_element_type3A_65, %eq3A_82 : vector<512x256xbf16>
    %select_n3A_84 = arith.select %eq3A_83, %mul3A_26, %broadcast_in_dim3A_66 : vector<512x256xi1>, vector<512x256xbf16>
    %eq3A_85 = arith.constant 2.000000e+00 : bf16
    %eq3A_86 = vector.broadcast %eq3A_85 : bf16 to vector<512x256xbf16>
    %eq3A_87 = arith.cmpf oeq, %convert_element_type3A_65, %eq3A_86 : vector<512x256xbf16>
    %select_n3A_88 = arith.select %eq3A_87, %mul3A_43, %select_n3A_84 : vector<512x256xi1>, vector<512x256xbf16>
    %eq3A_89 = arith.constant 3.000000e+00 : bf16
    %eq3A_90 = vector.broadcast %eq3A_89 : bf16 to vector<512x256xbf16>
    %eq3A_91 = arith.cmpf oeq, %convert_element_type3A_65, %eq3A_90 : vector<512x256xbf16>
    %select_n3A_92 = arith.select %eq3A_91, %mul3A_56, %select_n3A_88 : vector<512x256xi1>, vector<512x256xbf16>
    %eq3A_93 = arith.constant 4.000000e+00 : bf16
    %eq3A_94 = vector.broadcast %eq3A_93 : bf16 to vector<512x256xbf16>
    %eq3A_95 = arith.cmpf oeq, %convert_element_type3A_65, %eq3A_94 : vector<512x256xbf16>
    %select_n3A_96 = arith.select %eq3A_95, %mul3A_64, %select_n3A_92 : vector<512x256xi1>, vector<512x256xbf16>
    %eq3A_97 = arith.constant 2.000000e+00 : bf16
    %eq3A_98 = vector.broadcast %eq3A_97 : bf16 to vector<512x256xbf16>
    %eq3A_99 = arith.cmpf oeq, %convert_element_type3A_65, %eq3A_98 : vector<512x256xbf16>
    %select_n3A_100 = arith.select %eq3A_99, %mul3A_26, %broadcast_in_dim3A_66 : vector<512x256xi1>, vector<512x256xbf16>
    %eq3A_101 = arith.constant 3.000000e+00 : bf16
    %eq3A_102 = vector.broadcast %eq3A_101 : bf16 to vector<512x256xbf16>
    %eq3A_103 = arith.cmpf oeq, %convert_element_type3A_65, %eq3A_102 : vector<512x256xbf16>
    %select_n3A_104 = arith.select %eq3A_103, %mul3A_43, %select_n3A_100 : vector<512x256xi1>, vector<512x256xbf16>
    %eq3A_105 = arith.constant 4.000000e+00 : bf16
    %eq3A_106 = vector.broadcast %eq3A_105 : bf16 to vector<512x256xbf16>
    %eq3A_107 = arith.cmpf oeq, %convert_element_type3A_65, %eq3A_106 : vector<512x256xbf16>
    %select_n3A_108 = arith.select %eq3A_107, %mul3A_56, %select_n3A_104 : vector<512x256xi1>, vector<512x256xbf16>
    %eq3A_109 = arith.constant 5.000000e+00 : bf16
    %eq3A_110 = vector.broadcast %eq3A_109 : bf16 to vector<512x256xbf16>
    %eq3A_111 = arith.cmpf oeq, %convert_element_type3A_65, %eq3A_110 : vector<512x256xbf16>
    %select_n3A_112 = arith.select %eq3A_111, %mul3A_64, %select_n3A_108 : vector<512x256xi1>, vector<512x256xbf16>
    %eq3A_113 = arith.constant 3.000000e+00 : bf16
    %eq3A_114 = vector.broadcast %eq3A_113 : bf16 to vector<512x256xbf16>
    %eq3A_115 = arith.cmpf oeq, %convert_element_type3A_65, %eq3A_114 : vector<512x256xbf16>
    %select_n3A_116 = arith.select %eq3A_115, %mul3A_26, %broadcast_in_dim3A_66 : vector<512x256xi1>, vector<512x256xbf16>
    %eq3A_117 = arith.constant 4.000000e+00 : bf16
    %eq3A_118 = vector.broadcast %eq3A_117 : bf16 to vector<512x256xbf16>
    %eq3A_119 = arith.cmpf oeq, %convert_element_type3A_65, %eq3A_118 : vector<512x256xbf16>
    %select_n3A_120 = arith.select %eq3A_119, %mul3A_43, %select_n3A_116 : vector<512x256xi1>, vector<512x256xbf16>
    %eq3A_121 = arith.constant 5.000000e+00 : bf16
    %eq3A_122 = vector.broadcast %eq3A_121 : bf16 to vector<512x256xbf16>
    %eq3A_123 = arith.cmpf oeq, %convert_element_type3A_65, %eq3A_122 : vector<512x256xbf16>
    %select_n3A_124 = arith.select %eq3A_123, %mul3A_56, %select_n3A_120 : vector<512x256xi1>, vector<512x256xbf16>
    %eq3A_125 = arith.constant 6.000000e+00 : bf16
    %eq3A_126 = vector.broadcast %eq3A_125 : bf16 to vector<512x256xbf16>
    %eq3A_127 = arith.cmpf oeq, %convert_element_type3A_65, %eq3A_126 : vector<512x256xbf16>
    %select_n3A_128 = arith.select %eq3A_127, %mul3A_64, %select_n3A_124 : vector<512x256xi1>, vector<512x256xbf16>
    %eq3A_129 = arith.constant 4.000000e+00 : bf16
    %eq3A_130 = vector.broadcast %eq3A_129 : bf16 to vector<512x256xbf16>
    %eq3A_131 = arith.cmpf oeq, %convert_element_type3A_65, %eq3A_130 : vector<512x256xbf16>
    %select_n3A_132 = arith.select %eq3A_131, %mul3A_26, %broadcast_in_dim3A_66 : vector<512x256xi1>, vector<512x256xbf16>
    %eq3A_133 = arith.constant 5.000000e+00 : bf16
    %eq3A_134 = vector.broadcast %eq3A_133 : bf16 to vector<512x256xbf16>
    %eq3A_135 = arith.cmpf oeq, %convert_element_type3A_65, %eq3A_134 : vector<512x256xbf16>
    %select_n3A_136 = arith.select %eq3A_135, %mul3A_43, %select_n3A_132 : vector<512x256xi1>, vector<512x256xbf16>
    %eq3A_137 = arith.constant 6.000000e+00 : bf16
    %eq3A_138 = vector.broadcast %eq3A_137 : bf16 to vector<512x256xbf16>
    %eq3A_139 = arith.cmpf oeq, %convert_element_type3A_65, %eq3A_138 : vector<512x256xbf16>
    %select_n3A_140 = arith.select %eq3A_139, %mul3A_56, %select_n3A_136 : vector<512x256xi1>, vector<512x256xbf16>
    %eq3A_141 = arith.constant 7.000000e+00 : bf16
    %eq3A_142 = vector.broadcast %eq3A_141 : bf16 to vector<512x256xbf16>
    %eq3A_143 = arith.cmpf oeq, %convert_element_type3A_65, %eq3A_142 : vector<512x256xbf16>
    %select_n3A_144 = arith.select %eq3A_143, %mul3A_64, %select_n3A_140 : vector<512x256xi1>, vector<512x256xbf16>
    %eq3A_145 = arith.constant 5.000000e+00 : bf16
    %eq3A_146 = vector.broadcast %eq3A_145 : bf16 to vector<512x256xbf16>
    %eq3A_147 = arith.cmpf oeq, %convert_element_type3A_65, %eq3A_146 : vector<512x256xbf16>
    %select_n3A_148 = arith.select %eq3A_147, %mul3A_26, %broadcast_in_dim3A_66 : vector<512x256xi1>, vector<512x256xbf16>
    %eq3A_149 = arith.constant 6.000000e+00 : bf16
    %eq3A_150 = vector.broadcast %eq3A_149 : bf16 to vector<512x256xbf16>
    %eq3A_151 = arith.cmpf oeq, %convert_element_type3A_65, %eq3A_150 : vector<512x256xbf16>
    %select_n3A_152 = arith.select %eq3A_151, %mul3A_43, %select_n3A_148 : vector<512x256xi1>, vector<512x256xbf16>
    %eq3A_153 = arith.constant 7.000000e+00 : bf16
    %eq3A_154 = vector.broadcast %eq3A_153 : bf16 to vector<512x256xbf16>
    %eq3A_155 = arith.cmpf oeq, %convert_element_type3A_65, %eq3A_154 : vector<512x256xbf16>
    %select_n3A_156 = arith.select %eq3A_155, %mul3A_56, %select_n3A_152 : vector<512x256xi1>, vector<512x256xbf16>
    %eq3A_157 = arith.constant 8.000000e+00 : bf16
    %eq3A_158 = vector.broadcast %eq3A_157 : bf16 to vector<512x256xbf16>
    %eq3A_159 = arith.cmpf oeq, %convert_element_type3A_65, %eq3A_158 : vector<512x256xbf16>
    %select_n3A_160 = arith.select %eq3A_159, %mul3A_64, %select_n3A_156 : vector<512x256xi1>, vector<512x256xbf16>
    %eq3A_161 = arith.constant 6.000000e+00 : bf16
    %eq3A_162 = vector.broadcast %eq3A_161 : bf16 to vector<512x256xbf16>
    %eq3A_163 = arith.cmpf oeq, %convert_element_type3A_65, %eq3A_162 : vector<512x256xbf16>
    %select_n3A_164 = arith.select %eq3A_163, %mul3A_26, %broadcast_in_dim3A_66 : vector<512x256xi1>, vector<512x256xbf16>
    %eq3A_165 = arith.constant 7.000000e+00 : bf16
    %eq3A_166 = vector.broadcast %eq3A_165 : bf16 to vector<512x256xbf16>
    %eq3A_167 = arith.cmpf oeq, %convert_element_type3A_65, %eq3A_166 : vector<512x256xbf16>
    %select_n3A_168 = arith.select %eq3A_167, %mul3A_43, %select_n3A_164 : vector<512x256xi1>, vector<512x256xbf16>
    %eq3A_169 = arith.constant 8.000000e+00 : bf16
    %eq3A_170 = vector.broadcast %eq3A_169 : bf16 to vector<512x256xbf16>
    %eq3A_171 = arith.cmpf oeq, %convert_element_type3A_65, %eq3A_170 : vector<512x256xbf16>
    %select_n3A_172 = arith.select %eq3A_171, %mul3A_56, %select_n3A_168 : vector<512x256xi1>, vector<512x256xbf16>
    %eq3A_173 = arith.constant 9.000000e+00 : bf16
    %eq3A_174 = vector.broadcast %eq3A_173 : bf16 to vector<512x256xbf16>
    %eq3A_175 = arith.cmpf oeq, %convert_element_type3A_65, %eq3A_174 : vector<512x256xbf16>
    %select_n3A_176 = arith.select %eq3A_175, %mul3A_64, %select_n3A_172 : vector<512x256xi1>, vector<512x256xbf16>
    %concatenate3A = tpu.concatenate %convert_element_type3A, %select_n3A_80, %select_n3A_96, %select_n3A_112, %select_n3A_128, %select_n3A_144, %select_n3A_160, %select_n3A_176 in 1 : vector<512x256xbf16>, vector<512x256xbf16>, vector<512x256xbf16>, vector<512x256xbf16>, vector<512x256xbf16>, vector<512x256xbf16>, vector<512x256xbf16>, vector<512x256xbf16> -> vector<512x2048xbf16>
    %get3A_177 = arith.constant 0 : index
    %get3A_178 = arith.constant 0 : index
    %get3A_179 = vector.load %arg4[%get3A_177, %get3A_178] : memref<2048x256xbf16, #tpu.memory_space<vmem>>, vector<2048x256xbf16>
    %dot_general3A_180 = arith.constant dense<0.000000e+00> : vector<512x256xf32>
    %dot_general3A_181 = tpu.matmul %concatenate3A, %get3A_179, %dot_general3A_180 {dimension_numbers = #tpu.dot_dimension_numbers<[1], [0], [0], [1], [0, 0, 1, 1], [], []>, transpose_lhs_hint = false} : vector<512x2048xbf16>, vector<2048x256xbf16>, vector<512x256xf32> -> vector<512x256xf32>
    %swap3A = arith.constant 0 : index
    %swap3A_182 = arith.constant 0 : index
    %swap3A_183 = vector.load %arg5[%swap3A, %swap3A_182] : memref<512x256xf32, #tpu.memory_space<vmem>>, vector<512x256xf32>
    tpu.vector_store %arg5[%swap3A, %swap3A_182], %dot_general3A_181 {strides = array<i32>} : memref<512x256xf32, #tpu.memory_space<vmem>>, vector<512x256xf32>,
    return
  }
  func.func @transform_0(%arg0: i32) -> (i32, i32) {
    %c0_i32 = arith.constant 0 : i32
    %c0_i32_0 = arith.constant 0 : i32
    return %arg0, %c0_i32 : i32, i32
  }
  func.func @transform_1(%arg0: i32) -> (i32, i32) {
    %c0_i32 = arith.constant 0 : i32
    %c0_i32_0 = arith.constant 0 : i32
    %c0_i32_1 = arith.constant 0 : i32
    return %c0_i32, %c0_i32_0 : i32, i32
  }
  func.func @transform_2(%arg0: i32) -> (i32, i32) {
    %c0_i32 = arith.constant 0 : i32
    %c0_i32_0 = arith.constant 0 : i32
    %c0_i32_1 = arith.constant 0 : i32
    return %c0_i32, %c0_i32_0 : i32, i32
  }
  func.func @transform_3(%arg0: i32) -> (i32, i32) {
    %c0_i32 = arith.constant 0 : i32
    %c0_i32_0 = arith.constant 0 : i32
    %c0_i32_1 = arith.constant 0 : i32
    return %c0_i32, %c0_i32_0 : i32, i32
  }
  func.func @transform_4(%arg0: i32) -> (i32, i32) {
    %c0_i32 = arith.constant 0 : i32
    %c0_i32_0 = arith.constant 0 : i32
    return %arg0, %c0_i32 : i32, i32
  }
}

module attributes {stable_mosaic.version = 14 : i64} {
  func.func @_pair_kernel_body(%arg0: i32, %arg1: memref<512x256xf32, #tpu.memory_space<vmem>>, %arg2: memref<512x256xf32, #tpu.memory_space<vmem>>, %arg3: memref<512x256xf32, #tpu.memory_space<vmem>>, %arg4: memref<256x256xf32, #tpu.memory_space<vmem>>, %arg5: memref<1x256xf32, #tpu.memory_space<vmem>>, %arg6: memref<6144x256xbf16, #tpu.memory_space<vmem>>, %arg7: memref<512x256xf32, #tpu.memory_space<vmem>>) attributes {dimension_semantics = [#tpu.dimension_semantics<arbitrary>], iteration_bounds = array<i64: 64>, scalar_prefetch = 0 : i64, scratch_operands = 0 : i64, tpu.core_type = #tpu.core_type<tc>, window_params = [{transform_indices = @transform_0, window_bounds = array<i64: 512, 256>}, {transform_indices = @transform_1, window_bounds = array<i64: 512, 256>}, {transform_indices = @transform_2, window_bounds = array<i64: 512, 256>}, {pipeline_mode = #tpu.pipeline_mode<synchronous>, transform_indices = @transform_3, window_bounds = array<i64: 256, 256>}, {pipeline_mode = #tpu.pipeline_mode<synchronous>, transform_indices = @transform_4, window_bounds = array<i64: 1, 256>}, {pipeline_mode = #tpu.pipeline_mode<synchronous>, transform_indices = @transform_5, window_bounds = array<i64: 6144, 256>}, {transform_indices = @transform_6, window_bounds = array<i64: 512, 256>}]} {
    %get3A = arith.constant 0 : index
    %get3A_0 = arith.constant 0 : index
    %get3A_1 = vector.load %arg3[%get3A, %get3A_0] : memref<512x256xf32, #tpu.memory_space<vmem>>, vector<512x256xf32>
    %get3A_2 = arith.constant 0 : index
    %get3A_3 = arith.constant 0 : index
    %get3A_4 = vector.load %arg4[%get3A_2, %get3A_3] : memref<256x256xf32, #tpu.memory_space<vmem>>, vector<256x256xf32>
    %dot_general3A = arith.constant dense<0.000000e+00> : vector<512x256xf32>
    %dot_general3A_5 = tpu.matmul %get3A_1, %get3A_4, %dot_general3A {dimension_numbers = #tpu.dot_dimension_numbers<[1], [0], [0], [1], [0, 0, 1, 1], [], []>, transpose_lhs_hint = false} : vector<512x256xf32>, vector<256x256xf32>, vector<512x256xf32> -> vector<512x256xf32>
    %get3A_6 = arith.constant 0 : index
    %get3A_7 = arith.constant 0 : index
    %get3A_8 = vector.load %arg5[%get3A_6, %get3A_7] : memref<1x256xf32, #tpu.memory_space<vmem>>, vector<1x256xf32>
    %add3A = vector.broadcast %get3A_8 : vector<1x256xf32> to vector<512x256xf32>
    %add3A_9 = arith.addf %dot_general3A_5, %add3A : vector<512x256xf32>
    %get3A_10 = arith.constant 0 : index
    %get3A_11 = arith.constant 0 : index
    %get3A_12 = vector.load %arg1[%get3A_10, %get3A_11] : memref<512x256xf32, #tpu.memory_space<vmem>>, vector<512x256xf32>
    %get3A_13 = arith.constant 0 : index
    %get3A_14 = arith.constant 0 : index
    %get3A_15 = vector.load %arg2[%get3A_13, %get3A_14] : memref<512x256xf32, #tpu.memory_space<vmem>>, vector<512x256xf32>
    %concatenate3A = tpu.concatenate %get3A_12, %get3A_15, %add3A_9 in 1 : vector<512x256xf32>, vector<512x256xf32>, vector<512x256xf32> -> vector<512x768xf32>
    %logistic3A = arith.negf %concatenate3A : vector<512x768xf32>
    %logistic3A_16 = math.exp %logistic3A : vector<512x768xf32>
    %logistic3A_17 = arith.constant 1.000000e+00 : f32
    %logistic3A_18 = vector.broadcast %logistic3A_17 : f32 to vector<512x768xf32>
    %logistic3A_19 = arith.addf %logistic3A_18, %logistic3A_16 : vector<512x768xf32>
    %logistic3A_20 = arith.divf %logistic3A_18, %logistic3A_19 : vector<512x768xf32>
    %mul3A = arith.mulf %concatenate3A, %logistic3A_20 : vector<512x768xf32>
    %convert_element_type3A = arith.truncf %mul3A : vector<512x768xf32> to vector<512x768xbf16>
    %sub3A = arith.constant -2.500000e+00 : f32
    %sub3A_21 = vector.broadcast %sub3A : f32 to vector<512x768xf32>
    %sub3A_22 = arith.subf %concatenate3A, %sub3A_21 : vector<512x768xf32>
    %mul3A_23 = arith.constant 2.000000e+00 : f32
    %mul3A_24 = vector.broadcast %mul3A_23 : f32 to vector<512x768xf32>
    %mul3A_25 = arith.mulf %sub3A_22, %mul3A_24 : vector<512x768xf32>
    %floor3A = math.floor %mul3A_25 : vector<512x768xf32>
    %sub3A_26 = arith.subf %mul3A_25, %floor3A : vector<512x768xf32>
    %convert_element_type3A_27 = arith.truncf %sub3A_26 : vector<512x768xf32> to vector<512x768xbf16>
    %mul3A_28 = arith.mulf %convert_element_type3A_27, %convert_element_type3A_27 : vector<512x768xbf16>
    %mul3A_29 = arith.mulf %mul3A_28, %convert_element_type3A_27 : vector<512x768xbf16>
    %mul3A_30 = arith.constant 1.669920e-01 : bf16
    %mul3A_31 = vector.broadcast %mul3A_30 : bf16 to vector<512x768xbf16>
    %mul3A_32 = arith.mulf %mul3A_29, %mul3A_31 : vector<512x768xbf16>
    %mul3A_33 = arith.constant -3.000000e+00 : bf16
    %mul3A_34 = vector.broadcast %mul3A_33 : bf16 to vector<512x768xbf16>
    %mul3A_35 = arith.mulf %mul3A_34, %mul3A_29 : vector<512x768xbf16>
    %mul3A_36 = arith.constant 3.000000e+00 : bf16
    %mul3A_37 = vector.broadcast %mul3A_36 : bf16 to vector<512x768xbf16>
    %mul3A_38 = arith.mulf %mul3A_37, %mul3A_28 : vector<512x768xbf16>
    %add3A_39 = arith.addf %mul3A_35, %mul3A_38 : vector<512x768xbf16>
    %mul3A_40 = arith.constant 3.000000e+00 : bf16
    %mul3A_41 = vector.broadcast %mul3A_40 : bf16 to vector<512x768xbf16>
    %mul3A_42 = arith.mulf %mul3A_41, %convert_element_type3A_27 : vector<512x768xbf16>
    %add3A_43 = arith.addf %add3A_39, %mul3A_42 : vector<512x768xbf16>
    %add3A_44 = arith.constant 1.000000e+00 : bf16
    %add3A_45 = vector.broadcast %add3A_44 : bf16 to vector<512x768xbf16>
    %add3A_46 = arith.addf %add3A_43, %add3A_45 : vector<512x768xbf16>
    %mul3A_47 = arith.constant 1.669920e-01 : bf16
    %mul3A_48 = vector.broadcast %mul3A_47 : bf16 to vector<512x768xbf16>
    %mul3A_49 = arith.mulf %add3A_46, %mul3A_48 : vector<512x768xbf16>
    %mul3A_50 = arith.constant 3.000000e+00 : bf16
    %mul3A_51 = vector.broadcast %mul3A_50 : bf16 to vector<512x768xbf16>
    %mul3A_52 = arith.mulf %mul3A_51, %mul3A_29 : vector<512x768xbf16>
    %mul3A_53 = arith.constant 6.000000e+00 : bf16
    %mul3A_54 = vector.broadcast %mul3A_53 : bf16 to vector<512x768xbf16>
    %mul3A_55 = arith.mulf %mul3A_54, %mul3A_28 : vector<512x768xbf16>
    %sub3A_56 = arith.subf %mul3A_52, %mul3A_55 : vector<512x768xbf16>
    %add3A_57 = arith.constant 4.000000e+00 : bf16
    %add3A_58 = vector.broadcast %add3A_57 : bf16 to vector<512x768xbf16>
    %add3A_59 = arith.addf %sub3A_56, %add3A_58 : vector<512x768xbf16>
    %mul3A_60 = arith.constant 1.669920e-01 : bf16
    %mul3A_61 = vector.broadcast %mul3A_60 : bf16 to vector<512x768xbf16>
    %mul3A_62 = arith.mulf %add3A_59, %mul3A_61 : vector<512x768xbf16>
    %sub3A_63 = arith.constant 1.000000e+00 : bf16
    %sub3A_64 = vector.broadcast %sub3A_63 : bf16 to vector<512x768xbf16>
    %sub3A_65 = arith.subf %sub3A_64, %convert_element_type3A_27 : vector<512x768xbf16>
    %mul3A_66 = arith.mulf %sub3A_65, %sub3A_65 : vector<512x768xbf16>
    %mul3A_67 = arith.mulf %mul3A_66, %sub3A_65 : vector<512x768xbf16>
    %mul3A_68 = arith.constant 1.669920e-01 : bf16
    %mul3A_69 = vector.broadcast %mul3A_68 : bf16 to vector<512x768xbf16>
    %mul3A_70 = arith.mulf %mul3A_67, %mul3A_69 : vector<512x768xbf16>
    %convert_element_type3A_71 = arith.truncf %floor3A : vector<512x768xf32> to vector<512x768xbf16>
    %broadcast_in_dim3A = arith.constant 0.000000e+00 : bf16
    %broadcast_in_dim3A_72 = vector.broadcast %broadcast_in_dim3A : bf16 to vector<512x768xbf16>
    %eq3A = arith.constant 0.000000e+00 : bf16
    %eq3A_73 = vector.broadcast %eq3A : bf16 to vector<512x768xbf16>
    %eq3A_74 = arith.cmpf oeq, %convert_element_type3A_71, %eq3A_73 : vector<512x768xbf16>
    %select_n3A = arith.select %eq3A_74, %mul3A_32, %broadcast_in_dim3A_72 : vector<512x768xi1>, vector<512x768xbf16>
    %eq3A_75 = arith.constant 1.000000e+00 : bf16
    %eq3A_76 = vector.broadcast %eq3A_75 : bf16 to vector<512x768xbf16>
    %eq3A_77 = arith.cmpf oeq, %convert_element_type3A_71, %eq3A_76 : vector<512x768xbf16>
    %select_n3A_78 = arith.select %eq3A_77, %mul3A_49, %select_n3A : vector<512x768xi1>, vector<512x768xbf16>
    %eq3A_79 = arith.constant 2.000000e+00 : bf16
    %eq3A_80 = vector.broadcast %eq3A_79 : bf16 to vector<512x768xbf16>
    %eq3A_81 = arith.cmpf oeq, %convert_element_type3A_71, %eq3A_80 : vector<512x768xbf16>
    %select_n3A_82 = arith.select %eq3A_81, %mul3A_62, %select_n3A_78 : vector<512x768xi1>, vector<512x768xbf16>
    %eq3A_83 = arith.constant 3.000000e+00 : bf16
    %eq3A_84 = vector.broadcast %eq3A_83 : bf16 to vector<512x768xbf16>
    %eq3A_85 = arith.cmpf oeq, %convert_element_type3A_71, %eq3A_84 : vector<512x768xbf16>
    %select_n3A_86 = arith.select %eq3A_85, %mul3A_70, %select_n3A_82 : vector<512x768xi1>, vector<512x768xbf16>
    %eq3A_87 = arith.constant 1.000000e+00 : bf16
    %eq3A_88 = vector.broadcast %eq3A_87 : bf16 to vector<512x768xbf16>
    %eq3A_89 = arith.cmpf oeq, %convert_element_type3A_71, %eq3A_88 : vector<512x768xbf16>
    %select_n3A_90 = arith.select %eq3A_89, %mul3A_32, %broadcast_in_dim3A_72 : vector<512x768xi1>, vector<512x768xbf16>
    %eq3A_91 = arith.constant 2.000000e+00 : bf16
    %eq3A_92 = vector.broadcast %eq3A_91 : bf16 to vector<512x768xbf16>
    %eq3A_93 = arith.cmpf oeq, %convert_element_type3A_71, %eq3A_92 : vector<512x768xbf16>
    %select_n3A_94 = arith.select %eq3A_93, %mul3A_49, %select_n3A_90 : vector<512x768xi1>, vector<512x768xbf16>
    %eq3A_95 = arith.constant 3.000000e+00 : bf16
    %eq3A_96 = vector.broadcast %eq3A_95 : bf16 to vector<512x768xbf16>
    %eq3A_97 = arith.cmpf oeq, %convert_element_type3A_71, %eq3A_96 : vector<512x768xbf16>
    %select_n3A_98 = arith.select %eq3A_97, %mul3A_62, %select_n3A_94 : vector<512x768xi1>, vector<512x768xbf16>
    %eq3A_99 = arith.constant 4.000000e+00 : bf16
    %eq3A_100 = vector.broadcast %eq3A_99 : bf16 to vector<512x768xbf16>
    %eq3A_101 = arith.cmpf oeq, %convert_element_type3A_71, %eq3A_100 : vector<512x768xbf16>
    %select_n3A_102 = arith.select %eq3A_101, %mul3A_70, %select_n3A_98 : vector<512x768xi1>, vector<512x768xbf16>
    %eq3A_103 = arith.constant 2.000000e+00 : bf16
    %eq3A_104 = vector.broadcast %eq3A_103 : bf16 to vector<512x768xbf16>
    %eq3A_105 = arith.cmpf oeq, %convert_element_type3A_71, %eq3A_104 : vector<512x768xbf16>
    %select_n3A_106 = arith.select %eq3A_105, %mul3A_32, %broadcast_in_dim3A_72 : vector<512x768xi1>, vector<512x768xbf16>
    %eq3A_107 = arith.constant 3.000000e+00 : bf16
    %eq3A_108 = vector.broadcast %eq3A_107 : bf16 to vector<512x768xbf16>
    %eq3A_109 = arith.cmpf oeq, %convert_element_type3A_71, %eq3A_108 : vector<512x768xbf16>
    %select_n3A_110 = arith.select %eq3A_109, %mul3A_49, %select_n3A_106 : vector<512x768xi1>, vector<512x768xbf16>
    %eq3A_111 = arith.constant 4.000000e+00 : bf16
    %eq3A_112 = vector.broadcast %eq3A_111 : bf16 to vector<512x768xbf16>
    %eq3A_113 = arith.cmpf oeq, %convert_element_type3A_71, %eq3A_112 : vector<512x768xbf16>
    %select_n3A_114 = arith.select %eq3A_113, %mul3A_62, %select_n3A_110 : vector<512x768xi1>, vector<512x768xbf16>
    %eq3A_115 = arith.constant 5.000000e+00 : bf16
    %eq3A_116 = vector.broadcast %eq3A_115 : bf16 to vector<512x768xbf16>
    %eq3A_117 = arith.cmpf oeq, %convert_element_type3A_71, %eq3A_116 : vector<512x768xbf16>
    %select_n3A_118 = arith.select %eq3A_117, %mul3A_70, %select_n3A_114 : vector<512x768xi1>, vector<512x768xbf16>
    %eq3A_119 = arith.constant 3.000000e+00 : bf16
    %eq3A_120 = vector.broadcast %eq3A_119 : bf16 to vector<512x768xbf16>
    %eq3A_121 = arith.cmpf oeq, %convert_element_type3A_71, %eq3A_120 : vector<512x768xbf16>
    %select_n3A_122 = arith.select %eq3A_121, %mul3A_32, %broadcast_in_dim3A_72 : vector<512x768xi1>, vector<512x768xbf16>
    %eq3A_123 = arith.constant 4.000000e+00 : bf16
    %eq3A_124 = vector.broadcast %eq3A_123 : bf16 to vector<512x768xbf16>
    %eq3A_125 = arith.cmpf oeq, %convert_element_type3A_71, %eq3A_124 : vector<512x768xbf16>
    %select_n3A_126 = arith.select %eq3A_125, %mul3A_49, %select_n3A_122 : vector<512x768xi1>, vector<512x768xbf16>
    %eq3A_127 = arith.constant 5.000000e+00 : bf16
    %eq3A_128 = vector.broadcast %eq3A_127 : bf16 to vector<512x768xbf16>
    %eq3A_129 = arith.cmpf oeq, %convert_element_type3A_71, %eq3A_128 : vector<512x768xbf16>
    %select_n3A_130 = arith.select %eq3A_129, %mul3A_62, %select_n3A_126 : vector<512x768xi1>, vector<512x768xbf16>
    %eq3A_131 = arith.constant 6.000000e+00 : bf16
    %eq3A_132 = vector.broadcast %eq3A_131 : bf16 to vector<512x768xbf16>
    %eq3A_133 = arith.cmpf oeq, %convert_element_type3A_71, %eq3A_132 : vector<512x768xbf16>
    %select_n3A_134 = arith.select %eq3A_133, %mul3A_70, %select_n3A_130 : vector<512x768xi1>, vector<512x768xbf16>
    %eq3A_135 = arith.constant 4.000000e+00 : bf16
    %eq3A_136 = vector.broadcast %eq3A_135 : bf16 to vector<512x768xbf16>
    %eq3A_137 = arith.cmpf oeq, %convert_element_type3A_71, %eq3A_136 : vector<512x768xbf16>
    %select_n3A_138 = arith.select %eq3A_137, %mul3A_32, %broadcast_in_dim3A_72 : vector<512x768xi1>, vector<512x768xbf16>
    %eq3A_139 = arith.constant 5.000000e+00 : bf16
    %eq3A_140 = vector.broadcast %eq3A_139 : bf16 to vector<512x768xbf16>
    %eq3A_141 = arith.cmpf oeq, %convert_element_type3A_71, %eq3A_140 : vector<512x768xbf16>
    %select_n3A_142 = arith.select %eq3A_141, %mul3A_49, %select_n3A_138 : vector<512x768xi1>, vector<512x768xbf16>
    %eq3A_143 = arith.constant 6.000000e+00 : bf16
    %eq3A_144 = vector.broadcast %eq3A_143 : bf16 to vector<512x768xbf16>
    %eq3A_145 = arith.cmpf oeq, %convert_element_type3A_71, %eq3A_144 : vector<512x768xbf16>
    %select_n3A_146 = arith.select %eq3A_145, %mul3A_62, %select_n3A_142 : vector<512x768xi1>, vector<512x768xbf16>
    %eq3A_147 = arith.constant 7.000000e+00 : bf16
    %eq3A_148 = vector.broadcast %eq3A_147 : bf16 to vector<512x768xbf16>
    %eq3A_149 = arith.cmpf oeq, %convert_element_type3A_71, %eq3A_148 : vector<512x768xbf16>
    %select_n3A_150 = arith.select %eq3A_149, %mul3A_70, %select_n3A_146 : vector<512x768xi1>, vector<512x768xbf16>
    %eq3A_151 = arith.constant 5.000000e+00 : bf16
    %eq3A_152 = vector.broadcast %eq3A_151 : bf16 to vector<512x768xbf16>
    %eq3A_153 = arith.cmpf oeq, %convert_element_type3A_71, %eq3A_152 : vector<512x768xbf16>
    %select_n3A_154 = arith.select %eq3A_153, %mul3A_32, %broadcast_in_dim3A_72 : vector<512x768xi1>, vector<512x768xbf16>
    %eq3A_155 = arith.constant 6.000000e+00 : bf16
    %eq3A_156 = vector.broadcast %eq3A_155 : bf16 to vector<512x768xbf16>
    %eq3A_157 = arith.cmpf oeq, %convert_element_type3A_71, %eq3A_156 : vector<512x768xbf16>
    %select_n3A_158 = arith.select %eq3A_157, %mul3A_49, %select_n3A_154 : vector<512x768xi1>, vector<512x768xbf16>
    %eq3A_159 = arith.constant 7.000000e+00 : bf16
    %eq3A_160 = vector.broadcast %eq3A_159 : bf16 to vector<512x768xbf16>
    %eq3A_161 = arith.cmpf oeq, %convert_element_type3A_71, %eq3A_160 : vector<512x768xbf16>
    %select_n3A_162 = arith.select %eq3A_161, %mul3A_62, %select_n3A_158 : vector<512x768xi1>, vector<512x768xbf16>
    %eq3A_163 = arith.constant 8.000000e+00 : bf16
    %eq3A_164 = vector.broadcast %eq3A_163 : bf16 to vector<512x768xbf16>
    %eq3A_165 = arith.cmpf oeq, %convert_element_type3A_71, %eq3A_164 : vector<512x768xbf16>
    %select_n3A_166 = arith.select %eq3A_165, %mul3A_70, %select_n3A_162 : vector<512x768xi1>, vector<512x768xbf16>
    %eq3A_167 = arith.constant 6.000000e+00 : bf16
    %eq3A_168 = vector.broadcast %eq3A_167 : bf16 to vector<512x768xbf16>
    %eq3A_169 = arith.cmpf oeq, %convert_element_type3A_71, %eq3A_168 : vector<512x768xbf16>
    %select_n3A_170 = arith.select %eq3A_169, %mul3A_32, %broadcast_in_dim3A_72 : vector<512x768xi1>, vector<512x768xbf16>
    %eq3A_171 = arith.constant 7.000000e+00 : bf16
    %eq3A_172 = vector.broadcast %eq3A_171 : bf16 to vector<512x768xbf16>
    %eq3A_173 = arith.cmpf oeq, %convert_element_type3A_71, %eq3A_172 : vector<512x768xbf16>
    %select_n3A_174 = arith.select %eq3A_173, %mul3A_49, %select_n3A_170 : vector<512x768xi1>, vector<512x768xbf16>
    %eq3A_175 = arith.constant 8.000000e+00 : bf16
    %eq3A_176 = vector.broadcast %eq3A_175 : bf16 to vector<512x768xbf16>
    %eq3A_177 = arith.cmpf oeq, %convert_element_type3A_71, %eq3A_176 : vector<512x768xbf16>
    %select_n3A_178 = arith.select %eq3A_177, %mul3A_62, %select_n3A_174 : vector<512x768xi1>, vector<512x768xbf16>
    %eq3A_179 = arith.constant 9.000000e+00 : bf16
    %eq3A_180 = vector.broadcast %eq3A_179 : bf16 to vector<512x768xbf16>
    %eq3A_181 = arith.cmpf oeq, %convert_element_type3A_71, %eq3A_180 : vector<512x768xbf16>
    %select_n3A_182 = arith.select %eq3A_181, %mul3A_70, %select_n3A_178 : vector<512x768xi1>, vector<512x768xbf16>
    %concatenate3A_183 = tpu.concatenate %convert_element_type3A, %select_n3A_86, %select_n3A_102, %select_n3A_118, %select_n3A_134, %select_n3A_150, %select_n3A_166, %select_n3A_182 in 1 : vector<512x768xbf16>, vector<512x768xbf16>, vector<512x768xbf16>, vector<512x768xbf16>, vector<512x768xbf16>, vector<512x768xbf16>, vector<512x768xbf16>, vector<512x768xbf16> -> vector<512x6144xbf16>
    %get3A_184 = arith.constant 0 : index
    %get3A_185 = arith.constant 0 : index
    %get3A_186 = vector.load %arg6[%get3A_184, %get3A_185] : memref<6144x256xbf16, #tpu.memory_space<vmem>>, vector<6144x256xbf16>
    %dot_general3A_187 = arith.constant dense<0.000000e+00> : vector<512x256xf32>
    %dot_general3A_188 = tpu.matmul %concatenate3A_183, %get3A_186, %dot_general3A_187 {dimension_numbers = #tpu.dot_dimension_numbers<[1], [0], [0], [1], [0, 0, 1, 1], [], []>, transpose_lhs_hint = false} : vector<512x6144xbf16>, vector<6144x256xbf16>, vector<512x256xf32> -> vector<512x256xf32>
    %swap3A = arith.constant 0 : index
    %swap3A_189 = arith.constant 0 : index
    %swap3A_190 = vector.load %arg7[%swap3A, %swap3A_189] : memref<512x256xf32, #tpu.memory_space<vmem>>, vector<512x256xf32>
    tpu.vector_store %arg7[%swap3A, %swap3A_189], %dot_general3A_188 {strides = array<i32>} : memref<512x256xf32, #tpu.memory_space<vmem>>, vector<512x256xf32>,
    return
  }
  func.func @transform_0(%arg0: i32) -> (i32, i32) {
    %c0_i32 = arith.constant 0 : i32
    %c0_i32_0 = arith.constant 0 : i32
    return %arg0, %c0_i32 : i32, i32
  }
  func.func @transform_1(%arg0: i32) -> (i32, i32) {
    %c0_i32 = arith.constant 0 : i32
    %c0_i32_0 = arith.constant 0 : i32
    return %arg0, %c0_i32 : i32, i32
  }
  func.func @transform_2(%arg0: i32) -> (i32, i32) {
    %c0_i32 = arith.constant 0 : i32
    %c0_i32_0 = arith.constant 0 : i32
    return %arg0, %c0_i32 : i32, i32
  }
  func.func @transform_3(%arg0: i32) -> (i32, i32) {
    %c0_i32 = arith.constant 0 : i32
    %c0_i32_0 = arith.constant 0 : i32
    %c0_i32_1 = arith.constant 0 : i32
    return %c0_i32, %c0_i32_0 : i32, i32
  }
  func.func @transform_4(%arg0: i32) -> (i32, i32) {
    %c0_i32 = arith.constant 0 : i32
    %c0_i32_0 = arith.constant 0 : i32
    %c0_i32_1 = arith.constant 0 : i32
    return %c0_i32, %c0_i32_0 : i32, i32
  }
  func.func @transform_5(%arg0: i32) -> (i32, i32) {
    %c0_i32 = arith.constant 0 : i32
    %c0_i32_0 = arith.constant 0 : i32
    %c0_i32_1 = arith.constant 0 : i32
    return %c0_i32, %c0_i32_0 : i32, i32
  }
  func.func @transform_6(%arg0: i32) -> (i32, i32) {
    %c0_i32 = arith.constant 0 : i32
    %c0_i32_0 = arith.constant 0 : i32
    return %arg0, %c0_i32 : i32, i32
  }
}

</mosaic_0001>

<sc_bundles>
// kernel: kernel.12.cloned.1.call-start
scs
__scs_entry_jumppad:
0x0: {  	(pc) =	sbr.rel $0x88, $3  }
0x1: {  	(tag) =	ssettag $0x0;
	lr =	simm.s32 $0x1  }
0x2: {  	[smem:$0x3F8E] =	sst lr;
	_ =	strace $0xD0000000  }
0x3: {  	_ = 	snop  }
0x4: {  	_ = 	snop  }
0x5: {  	_ = 	snop  }
0x6: {  	_ = 	snop  }
0x7: {  	_ = 	snop  }
__scs_overlays_trampoline_lowered:
0x8: {  	[smem:$0x3F9D] =	sst s0  }
0x9: {  	[smem:$0x3F9E] =	sst s1  }
0xa: {  	[smem:$0x3F9F] =	sst s2  }
0xb: {  	[smem:$0x3FA0] =	sst s3  }
0xc: {  	[smem:$0x3FA1] =	sst s4  }
0xd: {  	[smem:$0x3FA2] =	sst s5  }
0xe: {  	[smem:$0x3FA3] =	sst s6  }
0xf: {  	[smem:$0x3FA4] =	sst s7  }
0x10: {  	[smem:$0x3FA5] =	sst s8  }
0x11: {  	[smem:$0x3FA6] =	sst s9;
	s0 =	simm.s32 @!p0 $0x0  }
0x12: {  	s1 =	sld [smem:$0x3F8C];
	s0 =	simm.s32 @p0 $0x1  }
0x13: {  	[smem:$0x3FA7] =	sst s0;
	s0 =	simm.s32 @!p1 $0x0  }
0x14: {  	s2 =	sld [smem:$0x3F8B];
	s0 =	simm.s32 @p1 $0x1  }
0x15: {  	[smem:$0x3FA8] =	sst s0;
	s0 =	simm.s32 @!p2 $0x0  }
0x16: {  	s3 =	sld [smem:$0x3FDB];
	s0 =	simm.s32 @p2 $0x1  }
0x17: {  	s4 =	simm.s32 $0x1BF5;
	[smem:$0x3FAA] =	sst s0  }
0x18: {  	s0 =	sld [smem:$0x3F8D];
	_ =	swait.ge [sflag:s4], $0x0  }
0x19: {  	s7 =	sld [smem:$0x3F8E]  }
0x1a: {  	s8 =	sadd.s32 $0xFFFFE003, lr  }
0x1b: {  	s9 =	sadd.s32 $0xFFFFFEF7, lr;
	s5 =	simm.s32 $0xFFFFFFFF;
	p2 =	slt.u32 s8, $0xFFFFF086  }
0x1c: {  	p1 =	slt.u32 s9, $0xF7A;
	s5 =	simm.s32 @!p2 $0x0  }
0x1d: {  	s5 =	simm.s32 @p1 $0x1;
	p0 =	seq.s32 s7, s2  }
0x1e: {  	s7 =	smul.u32 @!p0 $0xF7A, s2;
	p2 =	seq.s32 @!p0 s5, $0x0  }
0x1f: {  	s9 =	smul.u32 $0xF7A, s1;
	s8 =	simm.s32 @!p0 $0x1BF5;
	p2 =	por !p2, p0  }
0x20: {  	[sflag:s8] =	ssyncset.s32 @!p0 $0xFFFFF086;
	s6 =	sadd.s32 @!p0 s3, s7;
	s7 =	simm.s32 @!p0 $0x108  }
0x21: {  	s3 =	sadd.s32 s3, s9;
	s6 =	sadd.s32 @!p0 $0x88, s6;
	s7 =	simm.s32 @p2 $0x1082  }
0x22: {  	[simem:s7], [sflag:s8] =	dma.local @!p0 [hbm:s6], $0xF7A  }
0x23: {  	s9 =	sor.u32 $0xD0000000, s2;
	s6 =	simm.s32 $0x108;
	_ =	swait.ge @!p0 [sflag:s8], $0x0  }
0x24: {  	s3 =	sadd.s32 $0x88, s3;
	s6 =	simm.s32 @!p1 $0x1082;
	[sflag:s4] =	ssyncset.s32 $0xFFFFF086  }
0x25: {  	[simem:s6], [sflag:s4] =	dma.local [hbm:s3], $0xF7A  }
0x26: {  	[smem:$0x3F8E] =	sst s1;
	(tag) =	ssettag s2;
	_ =	strace s9  }
0x27: {  	s1 =	sld [smem:$0x3F9E]  }
0x28: {  	s2 =	sld [smem:$0x3F9F]  }
0x29: {  	s4 =	sld [smem:$0x3FA1]  }
0x2a: {  	p0 =	seq.s32 s5, $0x0;
	s5 =	sld [smem:$0x3FA2]  }
0x2b: {  	s6 =	sld [smem:$0x3FA3]  }
0x2c: {  	s7 =	sld [smem:$0x3FA4]  }
0x2d: {  	s3 =	simm.s32 $0x108;
	s8 =	sld [smem:$0x3FA5]  }
0x2e: {  	s3 =	simm.s32 @!p0 $0x1082;
	s9 =	sld [smem:$0x3FA6]  }
0x2f: {  	lr =	sadd.s32 s0, s3;
	s0 =	sld [smem:$0x3F9D]  }
0x30: {  	s3 =	sld [smem:$0x3FA0]  }
0x31: {  	[smem:$0x3FA9] =	sst s10  }
0x32: {  	s10 =	sld [smem:$0x3FA7];
	_ =	sdelay $0x3  }
0x33: {  	p0 =	seq.s32 s10, $0x1;
	s10 =	sld [smem:$0x3FA9];
	_ =	sdelay $0x3  }
0x34: {  	[smem:$0x3FA9] =	sst s10  }
0x35: {  	s10 =	sld [smem:$0x3FA8];
	_ =	sdelay $0x3  }
0x36: {  	p1 =	seq.s32 s10, $0x1;
	s10 =	sld [smem:$0x3FA9];
	_ =	sdelay $0x3  }
0x37: {  	[smem:$0x3FA9] =	sst s10  }
0x38: {  	s10 =	sld [smem:$0x3FAA]  }
0x39: {  	_ = 	snop;
	(pc) =	sbr.ind lr, $3  }
0x3a: {  	_ = 	snop  }
0x3b: {  	_ = 	snop  }
0x3c: {  	p2 =	seq.s32 s10, $0x1;
	s10 =	sld [smem:$0x3FA9]  }
0x3d: {  	_ =	shalt  }
0x3e: {  	_ =	shalt  }
0x3f: {  	_ =	shalt  }
0x40: {  	_ =	shalt  }
0x41: {  	_ =	shalt  }
0x42: {  	_ =	shalt  }
0x43: {  	_ =	shalt  }
0x44: {  	_ =	shalt  }
0x45: {  	_ =	shalt  }
0x46: {  	_ =	shalt  }
0x47: {  	_ =	shalt  }
0x48: {  	_ =	shalt  }
0x49: {  	_ =	shalt  }
0x4a: {  	_ =	shalt  }
0x4b: {  	_ =	shalt  }
0x4c: {  	_ =	shalt  }
0x4d: {  	_ =	shalt  }
0x4e: {  	_ =	shalt  }
0x4f: {  	_ =	shalt  }
0x50: {  	_ =	shalt  }
0x51: {  	_ =	shalt  }
0x52: {  	_ =	shalt  }
0x53: {  	_ =	shalt  }
0x54: {  	_ =	shalt  }
0x55: {  	_ =	shalt  }
0x56: {  	_ =	shalt  }
0x57: {  	_ =	shalt  }
0x58: {  	_ =	shalt  }
0x59: {  	_ =	shalt  }
0x5a: {  	_ =	shalt  }
0x5b: {  	_ =	shalt  }
0x5c: {  	_ =	shalt  }
0x5d: {  	_ =	shalt  }
0x5e: {  	_ =	shalt  }
0x5f: {  	_ =	shalt  }
0x60: {  	_ =	shalt  }
0x61: {  	_ =	shalt  }
0x62: {  	_ =	shalt  }
0x63: {  	_ =	shalt  }
0x64: {  	_ =	shalt  }
0x65: {  	_ =	shalt  }
0x66: {  	_ =	shalt  }
0x67: {  	_ =	shalt  }
0x68: {  	_ =	shalt  }
0x69: {  	_ =	shalt  }
0x6a: {  	_ =	shalt  }
0x6b: {  	_ =	shalt  }
0x6c: {  	_ =	shalt  }
0x6d: {  	_ =	shalt  }
0x6e: {  	_ =	shalt  }
0x6f: {  	_ =	shalt  }
0x70: {  	_ =	shalt  }
0x71: {  	_ =	shalt  }
0x72: {  	_ =	shalt  }
0x73: {  	_ =	shalt  }
0x74: {  	_ =	shalt  }
0x75: {  	_ =	shalt  }
0x76: {  	_ =	shalt  }
0x77: {  	_ =	shalt  }
0x78: {  	_ =	shalt  }
0x79: {  	_ =	shalt  }
0x7a: {  	_ =	shalt  }
0x7b: {  	_ =	shalt  }
0x7c: {  	_ =	shalt  }
0x7d: {  	_ =	shalt  }
0x7e: {  	_ =	shalt  }
0x7f: {  	_ =	shalt  }
0x80: {  	_ =	shalt  }
0x81: {  	_ =	shalt  }
0x82: {  	_ =	shalt  }
0x83: {  	_ =	shalt  }
0x84: {  	_ =	shalt  }
0x85: {  	_ =	shalt  }
0x86: {  	_ =	shalt  }
0x87: {  	_ =	shalt  }
.Lfunc_end0:
.L_simem_size_0:
called_computation.1_lowered:
.L_overlay_start_0:
0x88: {  	s2 =	sld [smem:$0x3FD9]  }
0x89: {  	s3 =	sld [smem:$0x3FFE];
	_ =	sdelay $0x1  }
0x8a: {  	s1 =	srdreg.scid  }
0x8b: {  	s0 =	sand.u32 $0x1, s1  }
0x8c: {  	s16 =	sshll.u32 s0, $0xA;
	s2 =	sadd.s32 s3, s2  }
0x8d: {  	s2 =	sadd.s32 s2, s16  }
0x8e: {  	[smem:$0x3FB5] =	sst s2  }
0x8f: {  	_ = 	snop  }
0x90: {  	s4 =	sld [smem:$0x3FD0];
	_ =	sdelay $0x1  }
0x91: {  	s2 =	sld [smem:$0x3FC9]  }
0x92: {  	s5 =	simm.s32 $0xB;
	s6 =	simm.s32 $0x10;
	s17 =	sld [smem:$0x3FC4]  }
0x93: {  	[smem:s6], [sflag:s5] =	dma.local [hbm:s4], $0x1  }
0x94: {  	_ =	swait.eq [sflag:s5], $0x1  }
0x95: {  	[sflag:s5] =	ssyncset.done $0x0  }
0x96: {  	s18 =	sld [smem:$0x10];
	[sflag:s5] =	ssyncadd.s32 $0xFFFFFFFF  }
0x97: {  	s19 =	sld [smem:$0x12];
	(tm) =	ssettm $0x1  }
0x98: {  	s20 =	sld [smem:$0x3FFB];
	_ =	sdelay $0x3  }
0x99: {  	_ =	strace s20  }
0x9a: {  	s4 =	sld [smem:$0x3FFC];
	_ =	sdelay $0x3  }
0x9b: {  	_ =	strace s4  }
0x9c: {  	s4 =	sld [smem:$0x3FFD];
	_ =	sdelay $0x3  }
0x9d: {  	_ =	strace s4  }
0x9e: {  	_ =	strace $0x8FFFFFFF  }
0x9f: {  	s21 =	sld [smem:$0x3FDB];
	_ =	sdelay $0x1  }
0xa0: {  	s7 =	simm.s32 $_scs_section_size  }
0xa1: {  	s8 =	simm.s32 $_size__tile_overlayer_lowered;
	s9 =	simm.s32 $_tile_overlayer_lowered  }
0xa2: {  	s10 =	simm.s32 $0x1BFF;
	s22 =	sshll.u32 s9, $0x1;
	s7 =	sadd.s32 s7, s21  }
0xa3: {  	s23 =	simm.s32 $0x0;
	s8 =	sshll.u32 s8, $0x1;
	s9 =	sadd.s32 s22, s7  }
0xa4: {  	[timem:s23], [sflag:s10] =	dma.local [hbm:s9], s8  }
0xa5: {  	_ =	swait.ge [sflag:s10], s8  }
0xa6: {  	s8 =	ssub.s32 $0x0, s8;
	[sflag:s10] =	ssyncset.done $0x0  }
0xa7: {  	[sflag:s10] =	ssyncadd.s32 s8;
	_ =	sdelay $0x1  }
0xa8: {  	s24 =	simm.s32 $0x1B8B  }
0xa9: {  	_ =	swait.ge [sflag:s24], $0x1  }
0xaa: {  	[sflag:s24] =	ssyncset.done $0x0  }
0xab: {  	[sflag:s24] =	ssyncadd.s32 $0xFFFFFFFF  }
0xac: {  	s8 =	sld [smem:$0x0]  }
0xad: {  	s9 =	sand.u32 $0xFFFFFFFE, s1  }
0xae: {  	p0 =	sne.s32 s1, s9  }
0xaf: {  	s9 =	sshll.u32 @p0 s9, $0xE  }
0xb0: {  	s9 =	sadd.s32 @p0 $0x11B8D, s9;
	s10 =	sshll.u32 @p0 s8, $0x11  }
0xb1: {  	s9 =	sor.u32 @p0 s10, s9  }
0xb2: {  	[sflag:s9] =	ssyncadd.remote.s32 @p0 $0x1;
	_ =	sdelay $0x1  }
0xb3: {  	s9 =	simm.s32 @p0 $0x1B8D  }
0xb4: {  	_ =	swait.eq @p0 [sflag:s9], $0x1  }
0xb5: {  	[sflag:s9] =	ssyncadd.s32 @p0 $0xFFFFFFFF  }
0xb6: {  	s10 =	sshll.u32 @!p0 s1, $0xE  }
0xb7: {  	s10 =	sor.u32 @!p0 $0x4000, s10;
	s9 =	simm.s32 @!p0 $0x1B8D  }
0xb8: {  	s8 =	sshll.u32 @!p0 s8, $0x11;
	s10 =	sadd.s32 @!p0 $0x11B8D, s10;
	_ =	swait.eq @!p0 [sflag:s9], $0x1  }
0xb9: {  	s8 =	sor.u32 @!p0 s8, s10;
	[sflag:s9] =	ssyncadd.s32 @!p0 $0xFFFFFFFF  }
0xba: {  	s25 =	simm.s32 $0x1B8E;
	[sflag:s8] =	ssyncadd.remote.s32 @!p0 $0x1  }
0xbb: {  	s26 =	simm.s32 $execute0_lowered;
	[smem:$0x3FD2] =	sst s25  }
0xbc: {  	s8 =	sshll.u32 s26, $0x1;
	_ =	strace $0x8000004C;
	[dreg:$0x1] =	wrdreg $0xFFFFFFFF  }
0xbd: {  	s28 =	simm.s32 $_size_execute0_lowered;
	s7 =	sadd.s32 s7, s8;
	[dreg:$0x0] =	wrdreg $0x0  }
0xbe: {  	s8 =	sshll.u32 s28, $0x1;
	[dreg:$0x2] =	wrdreg s7  }
0xbf: {  	[dreg:$0x3] =	wrdreg s8  }
0xc0: {  	[dreg:$0x4] =	wrdreg $0xC0  }
0xc1: {  	_ =	task [dreg:s23], $0x5FFFF  }
0xc2: {  	[dreg:$0x1] =	wrdreg $0xFFFFFFFF  }
0xc3: {  	[dreg:$0x0] =	wrdreg $0x60  }
0xc4: {  	[dreg:$0x2] =	wrdreg s17  }
0xc5: {  	[dreg:$0x3] =	wrdreg s18  }
0xc6: {  	[dreg:$0x4] =	wrdreg s2  }
0xc7: {  	[dreg:$0x5] =	wrdreg s19  }
0xc8: {  	[dreg:$0x6] =	wrdreg $0x9  }
0xc9: {  	_ =	task.clear_ibuf [dreg:s23], $0x7FFFF;
	_ =	strace $0x9000004C  }
0xca: {  	s29 =	simm.s32 $0x9;
	_ =	strace $0x8000004E  }
0xcb: {  	_ =	swait.ge [sflag:s29], $0x1  }
0xcc: {  	[sflag:s29] =	ssyncadd.s32 $0xFFFFFFFF  }
0xcd: {  	_ =	strace $0x9000004E  }
0xce: {  	_ =	sfence  }
0xcf: {  	s30 =	sld [smem:$0x0];
	_ =	sdelay $0x2  }
0xd0: {  	s31 =	sshll.u32 s1, $0xD;
	s1 =	sshrl.u32 s1, $0x2  }
0xd1: {  	s3 =	sand.u32 $0x4000, s31;
	s1 =	sadd.s32 s1, s30  }
0xd2: {  	s0 =	sor.u32 s3, s0;
	s1 =	sshll.u32 s1, $0x11  }
0xd3: {  	s0 =	sor.u32 s1, s0  }
0xd4: {  	s0 =	sadd.s32 $0x8F2B, s0  }
0xd5: {  	[sflag:s0] =	ssyncadd.remote.s32 $0x1  }
0xd6: {  	_ =	sfence.sel $0xFFFF  }
0xd7: {  	[dreg:$0x0] =	wrdreg $0xFFFFFFFF;
	(pc) =	sbr.abs _section_cstart, $3  }
0xd8: {  	[dreg:$0x1] =	wrdreg $0xFFFFFFFF  }
0xd9: {  	_ =	task.clear_ibuf [dreg:s23], $0x2FFFF;
	_ =	strace $0x9FFFFFFF  }
0xda: {  	(tm) =	ssettm $0x7FFFFFFF  }
0xdb: {  	_ =	shalt  }
tec
execute0_lowered:
.L_overlay_start_1:
0x0: {  	(tag) =	ssettag $0x1  }
0x1: {  	s0 =	srdreg.scid;
	s12 =	stileid.u32  }
0x2: {  	s8 =	sand.u32 $0x1, s0;
	s19 =	sshll.u32 s12, $0x1  }
0x3: {  	s0 =	sor.u32 s8, s19  }
0x4: {  	s2 =	rddreg [dreg:$0x0];
	s3 =	smul.u32 $0x186, s0  }
0x5: {  	s1 =	rddreg [dreg:$0x1];
	s6 =	ssub.s32 $0x2, s8;
	s9 =	smin.u32 s0, $0x14  }
0x6: {  	s4 =	rddreg [dreg:$0x3];
	s20 =	sshrl.u32 s6, $0x1;
	s7 =	sadd.s32 s9, s3  }
0x7: {  	s5 =	simm.s32 $0x0;
	s3 =	ssub.s32 s6, s20;
	s6 =	sshll.u32 s7, $0x8  }
0x8: {  	[smem:$0x7FF] =	sst s5;
	s13 =	smul.u32 $0x30C, s12;
	s10 =	sadd.s32 $0x1000, s6  }
0x9: {  	_ =	strace $0x8000004D;
	s8 =	smul.u32 $0x186, s8;
	s11 =	sadd.s32 s2, s10  }
0xa: {  	s21 =	sadd.s32 $0x2000, s6;
	s10 =	sadd.s32 s4, s10;
	[dreg:$0x5] =	wrdreg s11  }
0xb: {  	s23 =	sadd.s32 $0x3000, s6;
	s22 =	sadd.s32 s2, s21;
	[dreg:$0x6] =	wrdreg s10  }
0xc: {  	s25 =	sadd.s32 $0x4000, s6;
	s24 =	sadd.s32 s2, s23;
	[dreg:$0x7] =	wrdreg s22  }
0xd: {  	s28 =	sadd.s32 $0x5000, s6;
	s26 =	sadd.s32 s2, s25;
	[dreg:$0x9] =	wrdreg s24  }
0xe: {  	s14 =	sadd.s32 $0x6000, s6;
	s30 =	sadd.s32 s2, s28;
	[dreg:$0xb] =	wrdreg s26  }
0xf: {  	s16 =	sadd.s32 $0x7000, s6;
	s15 =	sadd.s32 s2, s14;
	[dreg:$0xd] =	wrdreg s30  }
0x10: {  	s9 =	sadd.s32 s13, s9;
	s17 =	sadd.s32 s2, s16;
	[dreg:$0xf] =	wrdreg s15  }
0x11: {  	s19 =	sadd.s32 $0x8000, s6;
	s18 =	sadd.s32 s4, s16;
	[dreg:$0x11] =	wrdreg s17  }
0x12: {  	s8 =	sadd.s32 s8, s9;
	s9 =	sadd.s32 s4, s19;
	[dreg:$0x12] =	wrdreg s18  }
0x13: {  	s11 =	sadd.s32 s4, s21;
	[dreg:$0x14] =	wrdreg s9  }
0x14: {  	s10 =	sadd.s32 s4, s23;
	[dreg:$0x8] =	wrdreg s11  }
0x15: {  	s20 =	sadd.s32 $0x9000, s6;
	s21 =	sadd.s32 s2, s19;
	[dreg:$0xa] =	wrdreg s10  }
0x16: {  	p0 =	slt.u32 s12, $0xA;
	s22 =	sadd.s32 s2, s20;
	[dreg:$0x13] =	wrdreg s21  }
0x17: {  	s12 =	sadd.s32 $0xD000, s6;
	s23 =	sadd.s32 s4, s20;
	[dreg:$0x15] =	wrdreg s22  }
0x18: {  	s16 =	sadd.s32 $0xE000, s6;
	s15 =	sadd.s32 s4, s12;
	[dreg:$0x16] =	wrdreg s23  }
0x19: {  	s18 =	sadd.s32 s2, s16;
	[dreg:$0x1e] =	wrdreg s15  }
0x1a: {  	s11 =	sadd.s32 s4, s25;
	[dreg:$0x1f] =	wrdreg s18  }
0x1b: {  	s24 =	sadd.s32 $0xA000, s6;
	s10 =	sadd.s32 s4, s28;
	[dreg:$0xc] =	wrdreg s11  }
0x1c: {  	s26 =	sadd.s32 s2, s24;
	[dreg:$0xe] =	wrdreg s10  }
0x1d: {  	s17 =	sadd.s32 $0xF000, s6;
	s9 =	sadd.s32 s4, s24;
	[dreg:$0x17] =	wrdreg s26  }
0x1e: {  	s19 =	sadd.s32 s2, s17;
	[dreg:$0x18] =	wrdreg s9  }
0x1f: {  	s31 =	simm.s32 $0x8680;
	s20 =	sadd.s32 s4, s17;
	[smem:$0x7E6] =	sst s19  }
0x20: {  	s25 =	sadd.s32 $0xB000, s6;
	s10 =	sadd.s32 s4, s14;
	[smem:$0x7E7] =	sst s20  }
0x21: {  	s29 =	simm.s32 $0x0;
	s28 =	sadd.s32 s2, s25;
	[dreg:$0x10] =	wrdreg s10  }
0x22: {  	s0 =	sshll.u32 s7, $0x3;
	s30 =	sadd.s32 s4, s25;
	[dreg:$0x19] =	wrdreg s28  }
0x23: {  	s21 =	sadd.s32 $0x10000, s6;
	s14 =	sadd.s32 s2, s12;
	[dreg:$0x1a] =	wrdreg s30  }
0x24: {  	s22 =	sadd.s32 $0x11000, s6;
	s23 =	sadd.s32 s2, s21;
	[dreg:$0x1d] =	wrdreg s14  }
0x25: {  	s7 =	simm.s32 $0xC38;
	s24 =	sadd.s32 s2, s22;
	[smem:$0x7E8] =	sst s23  }
0x26: {  	s7 =	simm.s32 @!p0 $0xC30;
	s25 =	sadd.s32 s4, s22;
	[smem:$0x7EA] =	sst s24  }
0x27: {  	v0 =	vimm.s32 $0xFFEDCBA9;
	v1 =	vimm.s32 $0x87654321;
	s18 =	sadd.s32 s7, s0;
	s19 =	sadd.s32 s2, s6;
	[smem:$0x7EB] =	sst s25  }
0x28: {  	v0 =	vunpack.c.l.s4.s8 v0;
	v1 =	vunpack.c.l.s4.s8 v1;
	s26 =	sadd.s32 $0x12000, s6;
	s20 =	sadd.s32 s4, s6;
	[smem:$0x7F4] =	sst s19  }
0x29: {  	s10 =	sadd.s32 $0xC000, s6;
	s30 =	sadd.s32 s2, s26;
	[smem:$0x7F5] =	sst s20  }
0x2a: {  	v0 =	vunpack.c.0.s8.s32 v0;
	v1 =	vunpack.c.0.s8.s32 v1;
	s22 =	sshll.u32 s18, $0x8;
	s13 =	sadd.s32 s2, s10;
	[smem:$0x7EC] =	sst s30  }
0x2b: {  	s28 =	sadd.s32 $0x13000, s6;
	s9 =	sadd.s32 s4, s10;
	[dreg:$0x1b] =	wrdreg s13  }
0x2c: {  	v4 =	vcombine.low v1, v0;
	v1 =	vmov s18;
	s18 =	simm.s32 $0xCE80;
	s11 =	sadd.s32 s2, s28;
	[dreg:$0x1c] =	wrdreg s9  }
0x2d: {  	s14 =	sadd.s32 $0x15000, s6;
	s12 =	sadd.s32 s4, s28;
	[smem:$0x7EE] =	sst s11  }
0x2e: {  	s19 =	simm.s32 $0xD680;
	s17 =	sadd.s32 s4, s14;
	[smem:$0x7EF] =	sst s12  }
0x2f: {  	s20 =	simm.s32 $0xDE80;
	s28 =	smax.u32 s3, $0x1;
	[smem:$0x7F3] =	sst s17  }
0x30: {  	s30 =	sshll.u32 s8, $0x3;
	s3 =	simm.s32 $0x2;
	[smem:$0x7FC] =	sst s28  }
0x31: {  	s8 =	simm.s32 $0x4C80;
	s9 =	sadd.s32 s4, s16;
	[smem:$0x7FD] =	sst s30  }
0x32: {  	s13 =	sadd.s32 $0x14000, s6;
	s16 =	sadd.s32 s2, s14;
	[smem:$0x7E5] =	sst s9  }
0x33: {  	s14 =	simm.s32 $0xAE80;
	s9 =	sadd.s32 s4, s21;
	[smem:$0x7F2] =	sst s16  }
0x34: {  	s17 =	simm.s32 $0xC680;
	s15 =	sadd.s32 s2, s13;
	[smem:$0x7E9] =	sst s9  }
0x35: {  	s21 =	sadd.s32 $0x16000, s6;
	s9 =	sadd.s32 s4, s26;
	[smem:$0x7F0] =	sst s15  }
0x36: {  	s6 =	sadd.s32 $0x17000, s6;
	s23 =	sadd.s32 s2, s21;
	[smem:$0x7ED] =	sst s9  }
0x37: {  	s16 =	simm.s32 $0xBE80;
	s7 =	sadd.s32 s4, s21;
	[smem:$0x7F6] =	sst s23  }
0x38: {  	s25 =	sadd.s32 s2, s6;
	s6 =	sadd.s32 s4, s6;
	[smem:$0x7F7] =	sst s7  }
0x39: {  	s15 =	simm.s32 $0xB680;
	s21 =	simm.s32 $0xE680;
	[smem:$0x7F8] =	sst s25  }
0x3a: {  	s9 =	sadd.s32 s4, s13;
	[smem:$0x7F9] =	sst s6;
	s6 =	simm.s32 $0x18680  }
.Ltmp0:
0x3b: {  	[smem:$0x7F1] =	sst s9;
	s9 =	sadd.s32 $0xFFFF8000, s22;
	(pc) =	sbr.rel .LBB2_1-.Ltmp0, $4  }
0x3c: {  	v2 =	vimm.s32 $0xFFFFFFFF;
	v3 =	vlaneseq.u32;
	s7 =	simm.s32 $0x4000;
	s23 =	simm.s32 $0xF680;
	s24 =	sshrl.u32 s9, $0x3  }
0x3d: {  	vm0 =	vcmask $0x3F3C;
	v5 =	vimm.s32 $0x0;
	vm1 =	vmmov $0xffff;
	s25 =	simm.s32 $0x1;
	s22 =	simm.s32 $0xEE80;
	s2 =	sadd.s32 s2, s24  }
0x3e: {  	v6 =	vand.u32 $0x7, v3;
	v7 =	vshrl.u32 v3, $0x3;
	v8 =	vor.u32 $0x8, v3;
	s9 =	simm.s32 $0x5980;
	s26 =	sadd.s32 s4, s24;
	[smem:$0x7FA] =	sst s2  }
0x3f: {  	v7 =	vmul.u32 $0x8, v7;
	v0 =	vmov s0;
	v4 =	vand.u32 $0xF, v4;
	s24 =	simm.s32 $0xFE80;
	[smem:$0x7FB] =	sst s26;
	s2 =	simm.s32 $0x3  }
.LBB2_15:
0x40: {  	s0 =	sld [smem:$0x7FC];
	_ =	sdelay $0x1  }
0x41: {  	s29 =	sadd.s32 $0x1, s29  }
0x42: {  	p0 =	sne.s32 s29, s0  }
.Ltmp1:
0x43: {  	_ = 	snop;
	(pc) =	sbr.rel @!p0 .LBB2_16-.Ltmp1, $1  }
0x44: {  	_ =	sdelay $0x3  }
.LBB2_1:
0x45: {  	s0 =	sld [smem:$0x7F4];
	_ =	sdelay $0x2  }
0x46: {  	[tilespmem:s31], [sflag:$0x3] =	stream.linear.gather [hbm4b:s0+s5], $0x8000, $0x38;
	[tilespmem:$0x18700] =	vst v63  }
0x47: {  	_ =	swait.ge [sflag:s2], $0x8000  }
0x48: {  	s28 =	sld [smem:$0x7F5]  }
0x49: {  	[sflag:s2] =	ssyncset.done $0x0  }
0x4a: {  	[sflag:s2] =	ssyncadd.s32 $0xFFFF8000  }
0x4b: {  	[hbm4b:s28+s5] =	stream.linear.scatter [tilespmem:s31], [sflag:$0x2], $0x8000, $0x38;
	[tilespmem:$0x18700] =	vst v63  }
0x4c: {  	s10 =	simm.s32 $0x10680;
	s30 =	rddreg [dreg:$0x5]  }
0x4d: {  	[tilespmem:s10], [sflag:$0x3] =	stream.linear.gather [hbm4b:s30+s5], $0x8000, $0x38;
	[tilespmem:$0x18700] =	vst v63  }
0x4e: {  	_ =	swait.ge [sflag:s2], $0x8000  }
0x4f: {  	[sflag:s2] =	ssyncset.done $0x0  }
0x50: {  	s11 =	rddreg [dreg:$0x6];
	[sflag:s2] =	ssyncadd.s32 $0xFFFF8000  }
0x51: {  	[hbm4b:s11+s5] =	stream.linear.scatter [tilespmem:s10], [sflag:$0x2], $0x8000, $0x38;
	[tilespmem:$0x18700] =	vst v63  }
0x52: {  	_ =	swait.ge [sflag:s3], $0x8000  }
0x53: {  	[sflag:s3] =	ssyncset.done $0x0  }
0x54: {  	s12 =	rddreg [dreg:$0x7];
	[sflag:s3] =	ssyncadd.s32 $0xFFFF8000  }
0x55: {  	[tilespmem:s31], [sflag:$0x3] =	stream.linear.gather [hbm4b:s12+s5], $0x8000, $0x38;
	[tilespmem:$0x18700] =	vst v63  }
0x56: {  	_ =	swait.ge [sflag:s2], $0x8000  }
0x57: {  	[sflag:s2] =	ssyncset.done $0x0  }
0x58: {  	s13 =	rddreg [dreg:$0x8];
	[sflag:s2] =	ssyncadd.s32 $0xFFFF8000  }
0x59: {  	[hbm4b:s13+s5] =	stream.linear.scatter [tilespmem:s31], [sflag:$0x2], $0x8000, $0x38;
	[tilespmem:$0x18700] =	vst v63  }
0x5a: {  	_ =	swait.ge [sflag:s3], $0x8000  }
0x5b: {  	[sflag:s3] =	ssyncset.done $0x0  }
0x5c: {  	s26 =	rddreg [dreg:$0x9];
	[sflag:s3] =	ssyncadd.s32 $0xFFFF8000  }
0x5d: {  	[tilespmem:s10], [sflag:$0x3] =	stream.linear.gather [hbm4b:s26+s5], $0x8000, $0x38;
	[tilespmem:$0x18700] =	vst v63  }
0x5e: {  	_ =	swait.ge [sflag:s2], $0x8000  }
0x5f: {  	[sflag:s2] =	ssyncset.done $0x0  }
0x60: {  	s28 =	rddreg [dreg:$0xa];
	[sflag:s2] =	ssyncadd.s32 $0xFFFF8000  }
0x61: {  	[hbm4b:s28+s5] =	stream.linear.scatter [tilespmem:s10], [sflag:$0x2], $0x8000, $0x38;
	[tilespmem:$0x18700] =	vst v63  }
0x62: {  	_ =	swait.ge [sflag:s3], $0x8000  }
0x63: {  	[sflag:s3] =	ssyncset.done $0x0  }
0x64: {  	s30 =	rddreg [dreg:$0xb];
	[sflag:s3] =	ssyncadd.s32 $0xFFFF8000  }
0x65: {  	[tilespmem:s31], [sflag:$0x3] =	stream.linear.gather [hbm4b:s30+s5], $0x8000, $0x38;
	[tilespmem:$0x18700] =	vst v63  }
0x66: {  	_ =	swait.ge [sflag:s2], $0x8000  }
0x67: {  	[sflag:s2] =	ssyncset.done $0x0  }
0x68: {  	s11 =	rddreg [dreg:$0xc];
	[sflag:s2] =	ssyncadd.s32 $0xFFFF8000  }
0x69: {  	[hbm4b:s11+s5] =	stream.linear.scatter [tilespmem:s31], [sflag:$0x2], $0x8000, $0x38;
	[tilespmem:$0x18700] =	vst v63  }
0x6a: {  	_ =	swait.ge [sflag:s3], $0x8000  }
0x6b: {  	[sflag:s3] =	ssyncset.done $0x0  }
0x6c: {  	s12 =	rddreg [dreg:$0xd];
	[sflag:s3] =	ssyncadd.s32 $0xFFFF8000  }
0x6d: {  	[tilespmem:s10], [sflag:$0x3] =	stream.linear.gather [hbm4b:s12+s5], $0x8000, $0x38;
	[tilespmem:$0x18700] =	vst v63  }
0x6e: {  	_ =	swait.ge [sflag:s2], $0x8000  }
0x6f: {  	[sflag:s2] =	ssyncset.done $0x0  }
0x70: {  	s13 =	rddreg [dreg:$0xe];
	[sflag:s2] =	ssyncadd.s32 $0xFFFF8000  }
0x71: {  	[hbm4b:s13+s5] =	stream.linear.scatter [tilespmem:s10], [sflag:$0x2], $0x8000, $0x38;
	[tilespmem:$0x18700] =	vst v63  }
0x72: {  	_ =	swait.ge [sflag:s3], $0x8000  }
0x73: {  	[sflag:s3] =	ssyncset.done $0x0  }
0x74: {  	s26 =	rddreg [dreg:$0xf];
	[sflag:s3] =	ssyncadd.s32 $0xFFFF8000  }
0x75: {  	[tilespmem:s31], [sflag:$0x3] =	stream.linear.gather [hbm4b:s26+s5], $0x8000, $0x38;
	[tilespmem:$0x18700] =	vst v63  }
0x76: {  	_ =	swait.ge [sflag:s2], $0x8000  }
0x77: {  	[sflag:s2] =	ssyncset.done $0x0  }
0x78: {  	s28 =	rddreg [dreg:$0x10];
	[sflag:s2] =	ssyncadd.s32 $0xFFFF8000  }
0x79: {  	[hbm4b:s28+s5] =	stream.linear.scatter [tilespmem:s31], [sflag:$0x2], $0x8000, $0x38;
	[tilespmem:$0x18700] =	vst v63  }
0x7a: {  	_ =	swait.ge [sflag:s3], $0x8000  }
0x7b: {  	[sflag:s3] =	ssyncset.done $0x0  }
0x7c: {  	s30 =	rddreg [dreg:$0x11];
	[sflag:s3] =	ssyncadd.s32 $0xFFFF8000  }
0x7d: {  	[tilespmem:s10], [sflag:$0x3] =	stream.linear.gather [hbm4b:s30+s5], $0x8000, $0x38;
	[tilespmem:$0x18700] =	vst v63  }
0x7e: {  	_ =	swait.ge [sflag:s2], $0x8000  }
0x7f: {  	[sflag:s2] =	ssyncset.done $0x0  }
0x80: {  	s11 =	rddreg [dreg:$0x12];
	[sflag:s2] =	ssyncadd.s32 $0xFFFF8000  }
0x81: {  	[hbm4b:s11+s5] =	stream.linear.scatter [tilespmem:s10], [sflag:$0x2], $0x8000, $0x38;
	[tilespmem:$0x18700] =	vst v63  }
0x82: {  	_ =	swait.ge [sflag:s3], $0x8000  }
0x83: {  	[sflag:s3] =	ssyncset.done $0x0  }
0x84: {  	s12 =	rddreg [dreg:$0x13];
	[sflag:s3] =	ssyncadd.s32 $0xFFFF8000  }
0x85: {  	[tilespmem:s31], [sflag:$0x3] =	stream.linear.gather [hbm4b:s12+s5], $0x8000, $0x38;
	[tilespmem:$0x18700] =	vst v63  }
0x86: {  	_ =	swait.ge [sflag:s2], $0x8000  }
0x87: {  	[sflag:s2] =	ssyncset.done $0x0  }
0x88: {  	s13 =	rddreg [dreg:$0x14];
	[sflag:s2] =	ssyncadd.s32 $0xFFFF8000  }
0x89: {  	[hbm4b:s13+s5] =	stream.linear.scatter [tilespmem:s31], [sflag:$0x2], $0x8000, $0x38;
	[tilespmem:$0x18700] =	vst v63  }
0x8a: {  	_ =	swait.ge [sflag:s3], $0x8000  }
0x8b: {  	[sflag:s3] =	ssyncset.done $0x0  }
0x8c: {  	s26 =	rddreg [dreg:$0x15];
	[sflag:s3] =	ssyncadd.s32 $0xFFFF8000  }
0x8d: {  	[tilespmem:s10], [sflag:$0x3] =	stream.linear.gather [hbm4b:s26+s5], $0x8000, $0x38;
	[tilespmem:$0x18700] =	vst v63  }
0x8e: {  	_ =	swait.ge [sflag:s2], $0x8000  }
0x8f: {  	[sflag:s2] =	ssyncset.done $0x0  }
0x90: {  	s28 =	rddreg [dreg:$0x16];
	[sflag:s2] =	ssyncadd.s32 $0xFFFF8000  }
0x91: {  	[hbm4b:s28+s5] =	stream.linear.scatter [tilespmem:s10], [sflag:$0x2], $0x8000, $0x38;
	[tilespmem:$0x18700] =	vst v63  }
0x92: {  	_ =	swait.ge [sflag:s3], $0x8000  }
0x93: {  	[sflag:s3] =	ssyncset.done $0x0  }
0x94: {  	s30 =	rddreg [dreg:$0x17];
	[sflag:s3] =	ssyncadd.s32 $0xFFFF8000  }
0x95: {  	[tilespmem:s31], [sflag:$0x3] =	stream.linear.gather [hbm4b:s30+s5], $0x8000, $0x38;
	[tilespmem:$0x18700] =	vst v63  }
0x96: {  	_ =	swait.ge [sflag:s2], $0x8000  }
0x97: {  	[sflag:s2] =	ssyncset.done $0x0  }
0x98: {  	s11 =	rddreg [dreg:$0x18];
	[sflag:s2] =	ssyncadd.s32 $0xFFFF8000  }
0x99: {  	[hbm4b:s11+s5] =	stream.linear.scatter [tilespmem:s31], [sflag:$0x2], $0x8000, $0x38;
	[tilespmem:$0x18700] =	vst v63  }
0x9a: {  	_ =	swait.ge [sflag:s3], $0x8000  }
0x9b: {  	[sflag:s3] =	ssyncset.done $0x0  }
0x9c: {  	s12 =	rddreg [dreg:$0x19];
	[sflag:s3] =	ssyncadd.s32 $0xFFFF8000  }
0x9d: {  	[tilespmem:s10], [sflag:$0x3] =	stream.linear.gather [hbm4b:s12+s5], $0x8000, $0x38;
	[tilespmem:$0x18700] =	vst v63  }
0x9e: {  	_ =	swait.ge [sflag:s2], $0x8000  }
0x9f: {  	[sflag:s2] =	ssyncset.done $0x0  }
0xa0: {  	s13 =	rddreg [dreg:$0x1a];
	[sflag:s2] =	ssyncadd.s32 $0xFFFF8000  }
0xa1: {  	[hbm4b:s13+s5] =	stream.linear.scatter [tilespmem:s10], [sflag:$0x2], $0x8000, $0x38;
	[tilespmem:$0x18700] =	vst v63  }
0xa2: {  	_ =	swait.ge [sflag:s3], $0x8000  }
0xa3: {  	[sflag:s3] =	ssyncset.done $0x0  }
0xa4: {  	s26 =	rddreg [dreg:$0x1b];
	[sflag:s3] =	ssyncadd.s32 $0xFFFF8000  }
0xa5: {  	[tilespmem:s31], [sflag:$0x3] =	stream.linear.gather [hbm4b:s26+s5], $0x8000, $0x38;
	[tilespmem:$0x18700] =	vst v63  }
0xa6: {  	_ =	swait.ge [sflag:s2], $0x8000  }
0xa7: {  	[sflag:s2] =	ssyncset.done $0x0  }
0xa8: {  	s28 =	rddreg [dreg:$0x1c];
	[sflag:s2] =	ssyncadd.s32 $0xFFFF8000  }
0xa9: {  	[hbm4b:s28+s5] =	stream.linear.scatter [tilespmem:s31], [sflag:$0x2], $0x8000, $0x38;
	[tilespmem:$0x18700] =	vst v63  }
0xaa: {  	_ =	swait.ge [sflag:s3], $0x8000  }
0xab: {  	[sflag:s3] =	ssyncset.done $0x0  }
0xac: {  	s30 =	rddreg [dreg:$0x1d];
	[sflag:s3] =	ssyncadd.s32 $0xFFFF8000  }
0xad: {  	[tilespmem:s10], [sflag:$0x3] =	stream.linear.gather [hbm4b:s30+s5], $0x8000, $0x38;
	[tilespmem:$0x18700] =	vst v63  }
0xae: {  	_ =	swait.ge [sflag:s2], $0x8000  }
0xaf: {  	[sflag:s2] =	ssyncset.done $0x0  }
0xb0: {  	s11 =	rddreg [dreg:$0x1e];
	[sflag:s2] =	ssyncadd.s32 $0xFFFF8000  }
0xb1: {  	[hbm4b:s11+s5] =	stream.linear.scatter [tilespmem:s10], [sflag:$0x2], $0x8000, $0x38;
	[tilespmem:$0x18700] =	vst v63  }
0xb2: {  	_ =	swait.ge [sflag:s3], $0x8000  }
0xb3: {  	[sflag:s3] =	ssyncset.done $0x0  }
0xb4: {  	s12 =	rddreg [dreg:$0x1f];
	[sflag:s3] =	ssyncadd.s32 $0xFFFF8000  }
0xb5: {  	[tilespmem:s31], [sflag:$0x3] =	stream.linear.gather [hbm4b:s12+s5], $0x8000, $0x38;
	[tilespmem:$0x18700] =	vst v63  }
0xb6: {  	_ =	swait.ge [sflag:s2], $0x8000  }
0xb7: {  	s13 =	sld [smem:$0x7E5]  }
0xb8: {  	[sflag:s2] =	ssyncset.done $0x0  }
0xb9: {  	[sflag:s2] =	ssyncadd.s32 $0xFFFF8000  }
0xba: {  	[hbm4b:s13+s5] =	stream.linear.scatter [tilespmem:s31], [sflag:$0x2], $0x8000, $0x38;
	[tilespmem:$0x18700] =	vst v63  }
0xbb: {  	_ =	swait.ge [sflag:s3], $0x8000  }
0xbc: {  	s26 =	sld [smem:$0x7E6]  }
0xbd: {  	[sflag:s3] =	ssyncset.done $0x0  }
0xbe: {  	[sflag:s3] =	ssyncadd.s32 $0xFFFF8000  }
0xbf: {  	[tilespmem:s10], [sflag:$0x3] =	stream.linear.gather [hbm4b:s26+s5], $0x8000, $0x38;
	[tilespmem:$0x18700] =	vst v63  }
0xc0: {  	_ =	swait.ge [sflag:s2], $0x8000  }
0xc1: {  	s28 =	sld [smem:$0x7E7]  }
0xc2: {  	[sflag:s2] =	ssyncset.done $0x0  }
0xc3: {  	[sflag:s2] =	ssyncadd.s32 $0xFFFF8000  }
0xc4: {  	[hbm4b:s28+s5] =	stream.linear.scatter [tilespmem:s10], [sflag:$0x2], $0x8000, $0x38;
	[tilespmem:$0x18700] =	vst v63  }
0xc5: {  	_ =	swait.ge [sflag:s3], $0x8000  }
0xc6: {  	s30 =	sld [smem:$0x7E8]  }
0xc7: {  	[sflag:s3] =	ssyncset.done $0x0  }
0xc8: {  	[sflag:s3] =	ssyncadd.s32 $0xFFFF8000  }
0xc9: {  	[tilespmem:s31], [sflag:$0x3] =	stream.linear.gather [hbm4b:s30+s5], $0x8000, $0x38;
	[tilespmem:$0x18700] =	vst v63  }
0xca: {  	_ =	swait.ge [sflag:s2], $0x8000  }
0xcb: {  	s11 =	sld [smem:$0x7E9]  }
0xcc: {  	[sflag:s2] =	ssyncset.done $0x0  }
0xcd: {  	[sflag:s2] =	ssyncadd.s32 $0xFFFF8000  }
0xce: {  	[hbm4b:s11+s5] =	stream.linear.scatter [tilespmem:s31], [sflag:$0x2], $0x8000, $0x38;
	[tilespmem:$0x18700] =	vst v63  }
0xcf: {  	_ =	swait.ge [sflag:s3], $0x8000  }
0xd0: {  	s12 =	sld [smem:$0x7EA]  }
0xd1: {  	[sflag:s3] =	ssyncset.done $0x0  }
0xd2: {  	[sflag:s3] =	ssyncadd.s32 $0xFFFF8000  }
0xd3: {  	[tilespmem:s10], [sflag:$0x3] =	stream.linear.gather [hbm4b:s12+s5], $0x8000, $0x38;
	[tilespmem:$0x18700] =	vst v63  }
0xd4: {  	_ =	swait.ge [sflag:s2], $0x8000  }
0xd5: {  	s13 =	sld [smem:$0x7EB]  }
0xd6: {  	[sflag:s2] =	ssyncset.done $0x0  }
0xd7: {  	[sflag:s2] =	ssyncadd.s32 $0xFFFF8000  }
0xd8: {  	[hbm4b:s13+s5] =	stream.linear.scatter [tilespmem:s10], [sflag:$0x2], $0x8000, $0x38;
	[tilespmem:$0x18700] =	vst v63  }
0xd9: {  	_ =	swait.ge [sflag:s3], $0x8000  }
0xda: {  	s26 =	sld [smem:$0x7EC]  }
0xdb: {  	[sflag:s3] =	ssyncset.done $0x0  }
0xdc: {  	[sflag:s3] =	ssyncadd.s32 $0xFFFF8000  }
0xdd: {  	[tilespmem:s31], [sflag:$0x3] =	stream.linear.gather [hbm4b:s26+s5], $0x8000, $0x38;
	[tilespmem:$0x18700] =	vst v63  }
0xde: {  	_ =	swait.ge [sflag:s2], $0x8000  }
0xdf: {  	s28 =	sld [smem:$0x7ED]  }
0xe0: {  	[sflag:s2] =	ssyncset.done $0x0  }
0xe1: {  	[sflag:s2] =	ssyncadd.s32 $0xFFFF8000  }
0xe2: {  	[hbm4b:s28+s5] =	stream.linear.scatter [tilespmem:s31], [sflag:$0x2], $0x8000, $0x38;
	[tilespmem:$0x18700] =	vst v63  }
0xe3: {  	_ =	swait.ge [sflag:s3], $0x8000  }
0xe4: {  	s30 =	sld [smem:$0x7EE]  }
0xe5: {  	[sflag:s3] =	ssyncset.done $0x0  }
0xe6: {  	[sflag:s3] =	ssyncadd.s32 $0xFFFF8000  }
0xe7: {  	[tilespmem:s10], [sflag:$0x3] =	stream.linear.gather [hbm4b:s30+s5], $0x8000, $0x38;
	[tilespmem:$0x18700] =	vst v63  }
0xe8: {  	_ =	swait.ge [sflag:s2], $0x8000  }
0xe9: {  	s11 =	sld [smem:$0x7EF]  }
0xea: {  	[sflag:s2] =	ssyncset.done $0x0  }
0xeb: {  	[sflag:s2] =	ssyncadd.s32 $0xFFFF8000  }
0xec: {  	[hbm4b:s11+s5] =	stream.linear.scatter [tilespmem:s10], [sflag:$0x2], $0x8000, $0x38;
	[tilespmem:$0x18700] =	vst v63  }
0xed: {  	_ =	swait.ge [sflag:s3], $0x8000  }
0xee: {  	s12 =	sld [smem:$0x7F0]  }
0xef: {  	[sflag:s3] =	ssyncset.done $0x0  }
0xf0: {  	[sflag:s3] =	ssyncadd.s32 $0xFFFF8000  }
0xf1: {  	[tilespmem:s31], [sflag:$0x3] =	stream.linear.gather [hbm4b:s12+s5], $0x8000, $0x38;
	[tilespmem:$0x18700] =	vst v63  }
0xf2: {  	_ =	swait.ge [sflag:s2], $0x8000  }
0xf3: {  	s13 =	sld [smem:$0x7F1]  }
0xf4: {  	[sflag:s2] =	ssyncset.done $0x0  }
0xf5: {  	[sflag:s2] =	ssyncadd.s32 $0xFFFF8000  }
0xf6: {  	[hbm4b:s13+s5] =	stream.linear.scatter [tilespmem:s31], [sflag:$0x2], $0x8000, $0x38;
	[tilespmem:$0x18700] =	vst v63  }
0xf7: {  	_ =	swait.ge [sflag:s3], $0x8000  }
0xf8: {  	s26 =	sld [smem:$0x7F2]  }
0xf9: {  	[sflag:s3] =	ssyncset.done $0x0  }
0xfa: {  	[sflag:s3] =	ssyncadd.s32 $0xFFFF8000  }
0xfb: {  	[tilespmem:s10], [sflag:$0x3] =	stream.linear.gather [hbm4b:s26+s5], $0x8000, $0x38;
	[tilespmem:$0x18700] =	vst v63  }
0xfc: {  	_ =	swait.ge [sflag:s2], $0x8000  }
0xfd: {  	s28 =	sld [smem:$0x7F3]  }
0xfe: {  	[sflag:s2] =	ssyncset.done $0x0  }
0xff: {  	[sflag:s2] =	ssyncadd.s32 $0xFFFF8000  }
0x100: {  	[hbm4b:s28+s5] =	stream.linear.scatter [tilespmem:s10], [sflag:$0x2], $0x8000, $0x38;
	[tilespmem:$0x18700] =	vst v63  }
0x101: {  	_ =	swait.ge [sflag:s3], $0x8000  }
0x102: {  	s30 =	sld [smem:$0x7F6]  }
0x103: {  	[sflag:s3] =	ssyncset.done $0x0  }
0x104: {  	[sflag:s3] =	ssyncadd.s32 $0xFFFF8000  }
0x105: {  	[tilespmem:s31], [sflag:$0x3] =	stream.linear.gather [hbm4b:s30+s5], $0x8000, $0x38;
	[tilespmem:$0x18700] =	vst v63  }
0x106: {  	_ =	swait.ge [sflag:s2], $0x8000  }
0x107: {  	s11 =	sld [smem:$0x7F7]  }
0x108: {  	[sflag:s2] =	ssyncset.done $0x0  }
0x109: {  	[sflag:s2] =	ssyncadd.s32 $0xFFFF8000  }
0x10a: {  	[hbm4b:s11+s5] =	stream.linear.scatter [tilespmem:s31], [sflag:$0x2], $0x8000, $0x38;
	[tilespmem:$0x18700] =	vst v63  }
0x10b: {  	_ =	swait.ge [sflag:s3], $0x8000  }
0x10c: {  	s12 =	sld [smem:$0x7F8]  }
0x10d: {  	[sflag:s3] =	ssyncset.done $0x0  }
0x10e: {  	[sflag:s3] =	ssyncadd.s32 $0xFFFF8000  }
0x10f: {  	[tilespmem:s10], [sflag:$0x3] =	stream.linear.gather [hbm4b:s12+s5], $0x8000, $0x38;
	[tilespmem:$0x18700] =	vst v63  }
0x110: {  	_ =	swait.ge [sflag:s2], $0x8000  }
0x111: {  	s13 =	sld [smem:$0x7F9]  }
0x112: {  	[sflag:s2] =	ssyncset.done $0x0  }
0x113: {  	[sflag:s2] =	ssyncadd.s32 $0xFFFF8000  }
0x114: {  	[hbm4b:s13+s5] =	stream.linear.scatter [tilespmem:s10], [sflag:$0x2], $0x8000, $0x38;
	[tilespmem:$0x18700] =	vst v63  }
0x115: {  	_ =	swait.ge [sflag:s3], $0x8000  }
0x116: {  	s26 =	sld [smem:$0x7FA]  }
0x117: {  	[sflag:s3] =	ssyncset.done $0x0  }
0x118: {  	[sflag:s3] =	ssyncadd.s32 $0xFFFF8000  }
0x119: {  	[tilespmem:s31], [sflag:$0x3] =	stream.linear.gather [hbm4b:s26+s5], $0x8000, $0x38;
	[tilespmem:$0x18700] =	vst v63  }
0x11a: {  	_ =	swait.ge [sflag:s2], $0x8000  }
0x11b: {  	s28 =	sld [smem:$0x7FB]  }
0x11c: {  	[sflag:s2] =	ssyncset.done $0x0  }
0x11d: {  	[sflag:s2] =	ssyncadd.s32 $0xFFFF8000  }
0x11e: {  	[hbm4b:s28+s5] =	stream.linear.scatter [tilespmem:s31], [sflag:$0x2], $0x8000, $0x38;
	[tilespmem:$0x18700] =	vst v63  }
0x11f: {  	s30 =	rddreg [dreg:$0x2]  }
0x120: {  	[tilespmem:s5], [sflag:$0x3] =	stream.linear.gather [hbm4b:s30+s5], $0x4000, $0x38;
	[tilespmem:$0x18700] =	vst v63  }
0x121: {  	_ =	swait.ge [sflag:s2], $0x4000  }
0x122: {  	[sflag:s2] =	ssyncset.done $0x0  }
0x123: {  	s0 =	simm.s32 $0x40;
	s10 =	simm.s32 $0x0;
	[sflag:s2] =	ssyncadd.s32 $0xFFFFC000  }
.LBB2_2:
0x124: {  	p0 =	sne.s32 s0, $0x30C0;
	[tilespmem:s10+$0x4000] =	vst v2;
	s10 =	smov.u32 s0;
	s0 =	sadd.s32 $0x40, s0  }
.Ltmp2:
0x125: {  	(pc) =	sbr.rel @p0 .LBB2_2-.Ltmp2, $2  }
0x126: {  	_ =	sdelay $0x2  }
0x127: {  	s10 =	sshra.s32 s10, $0x2  }
0x128: {  	[tilespmem:s10+$0x4000] =	vst v2;
	s0 =	simm.s32 $0x0  }
0x129: {  	v9 =	vld [tilespmem:s0+$0x0];
	_ =	sdelay $0x4  }
0x12a: {  	v10 =	vsub.s32 v9, v0  }
0x12b: {  	v10 =	vshll.u32 v10, $0xF  }
0x12c: {  	vm2 =	vge.s32 v9, v0;
	vm3 =	vlt.s32 v9, v1;
	v9 =	vadd.s32 s0, v10  }
0x12d: {  	vm2 =	vmand vm2, vm3;
	v9 =	vadd.s32 v3, v9  }
0x12e: {  	v9 =	vnsel vm2, $0x7FFFFFFF, v9  }
0x12f: {  	v10 =	vxor.u32 $0x80000000, v9  }
0x130: {  	(xrf1) =	vsort.ascd.msk.u32 $0xffff, v10, v9;
	_ =	sdelay $0xd  }
0x131: {  	v10, _, _ =	vpop (xrf1)  }
0x132: {  	v9 =	vxor.u32 $0x80000000, v10  }
0x133: {  	[tilespmem:$0x18680] =	vst v9  }
0x134: {  	v11 =	vld.idx.msk [tilespmem:v4+s6+$0x0], $0xffff;
	_ =	sdelay $0x4  }
0x135: {  	v9 =	vshrl.u32 v9, $0xF;
	v11 =	vshrl.u32 v11, $0xF  }
0x136: {  	vm2 =	vne.s32 v11, v9  }
0x137: {  	vm3 =	vne.s32 v10, $0xFFFFFFFF;
	vm2 =	vmor vm2, vm0  }
0x138: {  	vm2 =	vmand vm3, vm2;
	_ =	sdelay $0x3  }
0x139: {  	s10 =	simm.s32 $0x10;
	s11 =	simm.s32 $0x0;
	v10 =	vand.u32 $0x7FFF, v10  }
.LBB2_4:
0x13a: {  	p0 =	seq.s32 s10, $0x3FF0  }
0x13b: {  	[tilespmem:v9+s7+$0x0] =	vst.idx.msk vm2, v10;
	s11 =	sadd.s32 $0x10, s11;
	s12 =	smov.u32 s10;
	s10 =	sadd.s32 $0x10, s10  }
0x13c: {  	v9 =	vld [tilespmem:s11+$0x0];
	_ =	sdelay $0x4  }
0x13d: {  	vm2 =	vge.s32 v9, v0;
	vm3 =	vlt.s32 v9, v1;
	v9 =	vsub.s32 v9, v0  }
0x13e: {  	vm2 =	vmand vm2, vm3;
	v9 =	vshll.u32 v9, $0xF  }
0x13f: {  	v9 =	vadd.s32 s12, v9  }
0x140: {  	v9 =	vadd.s32 v3, v9  }
0x141: {  	v9 =	vnsel vm2, $0x7FFFFFFF, v9  }
0x142: {  	v10 =	vxor.u32 $0x80000000, v9  }
0x143: {  	(xrf1) =	vsort.ascd.msk.u32 $0xffff, v10, v9;
	_ =	sdelay $0xd  }
0x144: {  	v10, _, _ =	vpop (xrf1)  }
0x145: {  	v9 =	vxor.u32 $0x80000000, v10  }
0x146: {  	[tilespmem:$0x18680] =	vst v9  }
0x147: {  	v11 =	vld.idx.msk [tilespmem:v4+s6+$0x0], $0xffff;
	_ =	sdelay $0x5  }
0x148: {  	v9 =	vshrl.u32 v9, $0xF;
	v11 =	vshrl.u32 v11, $0xF  }
0x149: {  	vm2 =	vne.s32 v11, v9  }
0x14a: {  	vm3 =	vne.s32 v10, $0xFFFFFFFF;
	vm2 =	vmor vm2, vm0  }
0x14b: {  	vm2 =	vmand vm3, vm2  }
.Ltmp3:
0x14c: {  	(pc) =	sbr.rel @!p0 .LBB2_4-.Ltmp3, $2  }
0x14d: {  	_ =	sdelay $0x2  }
0x14e: {  	v10 =	vand.u32 $0x7FFF, v10  }
0x14f: {  	_ =	sdelay $0x4  }
0x150: {  	[tilespmem:v9+s7+$0x0] =	vst.idx.msk vm2, v10;
	s10 =	simm.s32 $0x0  }
0x151: {  	v9 =	vld [tilespmem:s10+$0x4000];
	_ =	sdelay $0x4  }
0x152: {  	vm2 =	vgt.s32 v9, $0xFFFFFFFF  }
0x153: {  	v10 =	vsel vm2, $0x1, v5  }
0x154: {  	(xrf0) =	vadd.scan.msk.s32 $0xffff, v10;
	_ =	sdelay $0x2  }
0x155: {  	v10 =	vmov s0  }
0x156: {  	v10 =	vadd.s32 $0xFFFFFFFF, v10  }
0x157: {  	v10 =	vbroadcast v10, $0x0  }
0x158: {  	v11, _, _ =	vpop (xrf0)  }
0x159: {  	v10 =	vadd.s32 v11, v10;
	(v2sf) =	vpush v11, $0xF  }
0x15a: {  	s10 =	sld [smem:$0x7FD];
	_ =	sdelay $0x2  }
0x15b: {  	v12 =	vadd.s32 s10, v3  }
0x15c: {  	[tilespmem:v10+s8+$0x0] =	vst.idx.msk vm2, v12  }
0x15d: {  	s12 =	simm.s32 $0x10;
	s11 =	simm.s32 $0x80;
	[tilespmem:v10+s9+$0x0] =	vst.idx.msk vm2, v9  }
.LBB2_6:
0x15e: {  	p0 =	seq.s32 s11, $0x30C0;
	v9 =	vld [tilespmem:s12+$0x4000];
	_ =	sdelay $0x4  }
0x15f: {  	vm2 =	vgt.s32 v9, $0xFFFFFFFF  }
0x160: {  	v10 =	vsel vm2, $0x1, v5  }
0x161: {  	(xrf0) =	vadd.scan.msk.s32 $0xffff, v10  }
0x162: {  	s12 =	spop (v2sf)  }
0x163: {  	s0 =	sadd.s32 s0, s12  }
0x164: {  	v10 =	vmov s0  }
0x165: {  	v10 =	vadd.s32 $0xFFFFFFFF, v10  }
0x166: {  	v10 =	vbroadcast v10, $0x0  }
0x167: {  	v11, _, _ =	vpop (xrf0)  }
0x168: {  	v10 =	vadd.s32 v11, v10;
	(v2sf) =	vpush v11, $0xF;
	_ =	sdelay $0x1  }
.Ltmp4:
0x169: {  	(pc) =	sbr.rel @!p0 .LBB2_6-.Ltmp4, $4  }
0x16a: {  	s10 =	sadd.s32 $0x10, s10  }
0x16b: {  	v11 =	vadd.s32 s10, v3  }
0x16c: {  	[tilespmem:v10+s8+$0x0] =	vst.idx.msk vm2, v11  }
0x16d: {  	s12 =	sshra.s32 s11, $0x2;
	s11 =	sadd.s32 $0x40, s11;
	[tilespmem:v10+s9+$0x0] =	vst.idx.msk vm2, v9  }
0x16e: {  	v9 =	vld [tilespmem:s12+$0x4000];
	_ =	sdelay $0x4  }
0x16f: {  	vm2 =	vgt.s32 v9, $0xFFFFFFFF  }
0x170: {  	v10 =	vsel vm2, $0x1, v5  }
0x171: {  	(xrf0) =	vadd.scan.msk.s32 $0xffff, v10;
	_ =	sdelay $0x5  }
0x172: {  	v10, _, _ =	vpop (xrf0)  }
0x173: {  	(v2sf) =	vpush v10, $0xF;
	_ =	sdelay $0x2  }
0x174: {  	s11 =	spop (v2sf)  }
0x175: {  	s0 =	sadd.s32 s0, s11  }
0x176: {  	v11 =	vmov s0  }
0x177: {  	v11 =	vadd.s32 $0xFFFFFFFF, v11  }
0x178: {  	v11 =	vbroadcast v11, $0x0;
	_ =	sdelay $0x1  }
0x179: {  	v10 =	vadd.s32 v10, v11;
	_ =	sdelay $0x2  }
0x17a: {  	s10 =	sadd.s32 $0x10, s10  }
0x17b: {  	v11 =	vadd.s32 s10, v3  }
0x17c: {  	[tilespmem:v10+s8+$0x0] =	vst.idx.msk vm2, v11  }
0x17d: {  	[tilespmem:v10+s9+$0x0] =	vst.idx.msk vm2, v9;
	s30 =	spop (v2sf)  }
0x17e: {  	_ =	swait.ge [sflag:s3], $0x8000  }
0x17f: {  	[sflag:s3] =	ssyncset.done $0x0  }
0x180: {  	[sflag:s3] =	ssyncadd.s32 $0xFFFF8000  }
0x181: {  	_ =	swait.ge [sflag:s3], $0x8000  }
0x182: {  	s0 =	sadd.s32 s0, s30;
	[sflag:s3] =	ssyncset.done $0x0  }
0x183: {  	p0 =	sgt.s32 s0, $0x0;
	[sflag:s3] =	ssyncadd.s32 $0xFFFF8000  }
0x184: {  	v9 =	vld.msk @p0 [tilespmem:$0x4C80 ss:$0x0], $0xffff  }
0x185: {  	v10 =	vld.msk @p0 [tilespmem:$0x5980 ss:$0x0], $0xffff;
	_ =	sdelay $0x3  }
0x186: {  	[tilespmem:s0+$0x4C80] =	vst @p0 v9  }
0x187: {  	s10 =	sadd.s32 @p0 $0x7F, s0;
	[tilespmem:s0+$0x5980] =	vst @p0 v10  }
0x188: {  	s11 =	sand.u32 @p0 $0x7F, s10;
	[tilespmem:s0+$0x4C90] =	vst @p0 v9  }
0x189: {  	p1 =	slt.s32 @p0 s10, $0x0;
	p2 =	sne.s32 @p0 s11, $0x0;
	[tilespmem:s0+$0x5990] =	vst @p0 v10  }
0x18a: {  	s11 =	sshra.s32 @p0 s10, $0x1F;
	p1 =	por @p0 !p1, !p2;
	[tilespmem:s0+$0x4CA0] =	vst @p0 v9  }
0x18b: {  	s11 =	sshrl.u32 @p0 s11, $0x19;
	p1 =	por @p0 !p1, !p1;
	[tilespmem:s0+$0x59A0] =	vst @p0 v10  }
0x18c: {  	s10 =	sadd.s32 @p0 s11, s10;
	s11 =	simm.s32 @p0 $0x1;
	p1 =	por !p1, !p0;
	[tilespmem:s0+$0x4CB0] =	vst @p0 v9  }
0x18d: {  	s10 =	sshra.s32 @p0 s10, $0x7;
	s11 =	simm.s32 @p1 $0x0;
	[tilespmem:s0+$0x59B0] =	vst @p0 v10  }
0x18e: {  	s28 =	ssub.s32 @p0 s10, s11;
	[tilespmem:s0+$0x4CC0] =	vst @p0 v9  }
0x18f: {  	p1 =	slt.s32 @p0 s28, $0x1;
	[tilespmem:s0+$0x59C0] =	vst @p0 v10  }
0x190: {  	[tilespmem:s0+$0x4CD0] =	vst @p0 v9;
	p1 =	por !p0, p1  }
.Ltmp5:
0x191: {  	[tilespmem:s0+$0x59D0] =	vst @p0 v10;
	(pc) =	sbr.rel @p1 .LBB2_15-.Ltmp5, $4  }
0x192: {  	[tilespmem:s0+$0x4CE0] =	vst @p0 v9  }
0x193: {  	[tilespmem:s0+$0x59E0] =	vst @p0 v10  }
0x194: {  	[tilespmem:s0+$0x4CF0] =	vst @p0 v9  }
0x195: {  	[tilespmem:s0+$0x59F0] =	vst @p0 v10  }
0x196: {  	p1 =	sne.s32 s28, $0x1  }
.Ltmp6:
0x197: {  	_ = 	snop;
	(pc) =	sbr.rel @!p1 .LBB2_9-.Ltmp6, $4  }
0x198: {  	_ = 	snop  }
0x199: {  	s11 =	simm.s32 @p0 $0x76C0  }
0x19a: {  	s10 =	simm.s32 @p0 $0x66C0;
	s12 =	simm.s32 @p0 $0x59C0;
	s0 =	simm.s32 @p0 $0x4CC0  }
0x19b: {  	[smem:$0x7E4] =	sst s29;
	s13 =	sadd.s32 $0xFFFFFFFF, s28;
	p0 =	por $0x0, $0x0;
	v9 =	vld [tilespmem:s0+$0xFFFFFFC0]  }
0x19c: {  	_ =	sdelay $0x3  }
0x19d: {  	[tilespmem:s10+$0xFFFFFFC0] =	vst v9  }
0x19e: {  	v9 =	vld [tilespmem:s12+$0xFFFFFFC0];
	_ =	sdelay $0x4  }
0x19f: {  	[tilespmem:s11+$0xFFFFFFC0] =	vst v9  }
0x1a0: {  	v9 =	vld [tilespmem:s0+$0xFFFFFFD0];
	_ =	sdelay $0x4  }
0x1a1: {  	[tilespmem:s10+$0xFFFFFFD0] =	vst v9  }
0x1a2: {  	v9 =	vld [tilespmem:s12+$0xFFFFFFD0];
	_ =	sdelay $0x4  }
0x1a3: {  	[tilespmem:s11+$0xFFFFFFD0] =	vst v9  }
0x1a4: {  	v9 =	vld [tilespmem:s0+$0xFFFFFFE0];
	_ =	sdelay $0x4  }
0x1a5: {  	[tilespmem:s10+$0xFFFFFFE0] =	vst v9  }
0x1a6: {  	v9 =	vld [tilespmem:s12+$0xFFFFFFE0];
	_ =	sdelay $0x4  }
0x1a7: {  	[tilespmem:s11+$0xFFFFFFE0] =	vst v9  }
0x1a8: {  	v9 =	vld [tilespmem:s0+$0xFFFFFFF0];
	_ =	sdelay $0x4  }
0x1a9: {  	[tilespmem:s10+$0xFFFFFFF0] =	vst v9  }
0x1aa: {  	v9 =	vld [tilespmem:s12+$0xFFFFFFF0];
	_ =	sdelay $0x4  }
0x1ab: {  	[tilespmem:s11+$0xFFFFFFF0] =	vst v9  }
0x1ac: {  	v9 =	vld [tilespmem:s0+$0x0];
	_ =	sdelay $0x4  }
0x1ad: {  	[tilespmem:s10+$0x0] =	vst v9  }
0x1ae: {  	v9 =	vld [tilespmem:s12+$0x0];
	_ =	sdelay $0x4  }
0x1af: {  	[tilespmem:s11+$0x0] =	vst v9  }
0x1b0: {  	v9 =	vld [tilespmem:s0+$0x10];
	_ =	sdelay $0x4  }
0x1b1: {  	[tilespmem:s10+$0x10] =	vst v9  }
0x1b2: {  	v9 =	vld [tilespmem:s12+$0x10];
	_ =	sdelay $0x4  }
0x1b3: {  	[tilespmem:s11+$0x10] =	vst v9  }
0x1b4: {  	v9 =	vld [tilespmem:s0+$0x20];
	_ =	sdelay $0x4  }
0x1b5: {  	[tilespmem:s10+$0x20] =	vst v9  }
0x1b6: {  	v9 =	vld [tilespmem:s12+$0x20];
	_ =	sdelay $0x4  }
0x1b7: {  	[tilespmem:s11+$0x20] =	vst v9  }
0x1b8: {  	v9 =	vld [tilespmem:s0+$0x30];
	_ =	sdelay $0x4  }
0x1b9: {  	[tilespmem:s10+$0x30] =	vst v9  }
0x1ba: {  	v9 =	vld [tilespmem:s12+$0x30]  }
0x1bb: {  	p1 =	sne.s32 s13, $0x1  }
.Ltmp7:
0x1bc: {  	_ = 	snop;
	(pc) =	sbr.rel @!p1 .LBB2_11-.Ltmp7, $3  }
0x1bd: {  	_ =	sdelay $0x1  }
0x1be: {  	s13 =	sadd.s32 $0xFFFFFFFF, s13;
	p0 =	por $0x1, $0x1;
	s0 =	simm.s32 $0x4D40;
	[tilespmem:s11+$0x30] =	vst v9  }
0x1bf: {  	s30 =	smov.u32 s10;
	s26 =	smov.u32 s12;
	s29 =	smov.u32 s11;
	v9 =	vld [tilespmem:s0+$0xFFFFFFC0]  }
.LBB2_12:
0x1c0: {  	p1 =	sne.s32 s13, $0x1;
	_ =	sdelay $0x2  }
0x1c1: {  	s30 =	sadd.s32 $0x80, s30  }
0x1c2: {  	s26 =	sadd.s32 $0x80, s26;
	[tilespmem:s30+$0xFFFFFFC0] =	vst v9  }
0x1c3: {  	v9 =	vld [tilespmem:s26+$0xFFFFFFC0];
	_ =	sdelay $0x3  }
0x1c4: {  	s29 =	sadd.s32 $0x80, s29  }
0x1c5: {  	[tilespmem:s29+$0xFFFFFFC0] =	vst v9  }
0x1c6: {  	v9 =	vld [tilespmem:s0+$0xFFFFFFD0];
	_ =	sdelay $0x4  }
0x1c7: {  	[tilespmem:s30+$0xFFFFFFD0] =	vst v9  }
0x1c8: {  	v9 =	vld [tilespmem:s26+$0xFFFFFFD0];
	_ =	sdelay $0x4  }
0x1c9: {  	[tilespmem:s29+$0xFFFFFFD0] =	vst v9  }
0x1ca: {  	v9 =	vld [tilespmem:s0+$0xFFFFFFE0];
	_ =	sdelay $0x4  }
0x1cb: {  	[tilespmem:s30+$0xFFFFFFE0] =	vst v9  }
0x1cc: {  	v9 =	vld [tilespmem:s26+$0xFFFFFFE0];
	_ =	sdelay $0x4  }
0x1cd: {  	[tilespmem:s29+$0xFFFFFFE0] =	vst v9  }
0x1ce: {  	v9 =	vld [tilespmem:s0+$0xFFFFFFF0];
	_ =	sdelay $0x4  }
0x1cf: {  	[tilespmem:s30+$0xFFFFFFF0] =	vst v9  }
0x1d0: {  	v9 =	vld [tilespmem:s26+$0xFFFFFFF0];
	_ =	sdelay $0x4  }
0x1d1: {  	[tilespmem:s29+$0xFFFFFFF0] =	vst v9  }
0x1d2: {  	v9 =	vld [tilespmem:s0+$0x0];
	_ =	sdelay $0x4  }
0x1d3: {  	[tilespmem:s30+$0x0] =	vst v9  }
0x1d4: {  	v9 =	vld [tilespmem:s26+$0x0];
	_ =	sdelay $0x4  }
0x1d5: {  	[tilespmem:s29+$0x0] =	vst v9  }
0x1d6: {  	v9 =	vld [tilespmem:s0+$0x10];
	_ =	sdelay $0x4  }
0x1d7: {  	[tilespmem:s30+$0x10] =	vst v9  }
0x1d8: {  	v9 =	vld [tilespmem:s26+$0x10];
	_ =	sdelay $0x4  }
0x1d9: {  	[tilespmem:s29+$0x10] =	vst v9  }
0x1da: {  	v9 =	vld [tilespmem:s0+$0x20];
	_ =	sdelay $0x4  }
0x1db: {  	[tilespmem:s30+$0x20] =	vst v9  }
0x1dc: {  	v9 =	vld [tilespmem:s26+$0x20];
	_ =	sdelay $0x4  }
0x1dd: {  	[tilespmem:s29+$0x20] =	vst v9  }
0x1de: {  	v9 =	vld [tilespmem:s0+$0x30];
	_ =	sdelay $0x4  }
0x1df: {  	[tilespmem:s30+$0x30] =	vst v9  }
0x1e0: {  	v9 =	vld [tilespmem:s26+$0x30];
	_ =	sdelay $0x1  }
.Ltmp8:
0x1e1: {  	(pc) =	sbr.rel @p1 .LBB2_12-.Ltmp8, $3  }
0x1e2: {  	_ =	sdelay $0x1  }
0x1e3: {  	s0 =	sadd.s32 $0x80, s0;
	[tilespmem:s29+$0x30] =	vst v9  }
0x1e4: {  	s13 =	sadd.s32 $0xFFFFFFFF, s13;
	v9 =	vld [tilespmem:s0+$0xFFFFFFC0]  }
.LBB2_13:
0x1e5: {  	_ =	sdelay $0x1  }
0x1e6: {  	s13 =	sadd.s32 @p0 $0x80, s30  }
0x1e7: {  	s10 =	smov.u32 @p0 s13;
	s13 =	sadd.s32 @p0 $0x80, s26  }
0x1e8: {  	s12 =	smov.u32 @p0 s13;
	[tilespmem:s10+$0xFFFFFFC0] =	vst v9  }
0x1e9: {  	v9 =	vld [tilespmem:s12+$0xFFFFFFC0];
	_ =	sdelay $0x2  }
0x1ea: {  	s13 =	sadd.s32 @p0 $0x80, s29  }
0x1eb: {  	s11 =	smov.u32 @p0 s13  }
0x1ec: {  	[tilespmem:s11+$0xFFFFFFC0] =	vst v9  }
0x1ed: {  	v9 =	vld [tilespmem:s0+$0xFFFFFFD0];
	_ =	sdelay $0x4  }
0x1ee: {  	[tilespmem:s10+$0xFFFFFFD0] =	vst v9  }
0x1ef: {  	v9 =	vld [tilespmem:s12+$0xFFFFFFD0];
	_ =	sdelay $0x4  }
0x1f0: {  	[tilespmem:s11+$0xFFFFFFD0] =	vst v9  }
0x1f1: {  	v9 =	vld [tilespmem:s0+$0xFFFFFFE0];
	_ =	sdelay $0x4  }
0x1f2: {  	[tilespmem:s10+$0xFFFFFFE0] =	vst v9  }
0x1f3: {  	v9 =	vld [tilespmem:s12+$0xFFFFFFE0];
	_ =	sdelay $0x4  }
0x1f4: {  	[tilespmem:s11+$0xFFFFFFE0] =	vst v9  }
0x1f5: {  	v9 =	vld [tilespmem:s0+$0xFFFFFFF0];
	_ =	sdelay $0x4  }
0x1f6: {  	[tilespmem:s10+$0xFFFFFFF0] =	vst v9  }
0x1f7: {  	v9 =	vld [tilespmem:s12+$0xFFFFFFF0];
	_ =	sdelay $0x4  }
0x1f8: {  	[tilespmem:s11+$0xFFFFFFF0] =	vst v9  }
0x1f9: {  	v9 =	vld [tilespmem:s0+$0x0];
	_ =	sdelay $0x4  }
0x1fa: {  	[tilespmem:s10+$0x0] =	vst v9  }
0x1fb: {  	v9 =	vld [tilespmem:s12+$0x0];
	_ =	sdelay $0x4  }
0x1fc: {  	[tilespmem:s11+$0x0] =	vst v9  }
0x1fd: {  	v9 =	vld [tilespmem:s0+$0x10];
	_ =	sdelay $0x4  }
0x1fe: {  	[tilespmem:s10+$0x10] =	vst v9  }
0x1ff: {  	v9 =	vld [tilespmem:s12+$0x10];
	_ =	sdelay $0x4  }
0x200: {  	[tilespmem:s11+$0x10] =	vst v9  }
0x201: {  	v9 =	vld [tilespmem:s0+$0x20];
	_ =	sdelay $0x4  }
0x202: {  	[tilespmem:s10+$0x20] =	vst v9  }
0x203: {  	v9 =	vld [tilespmem:s12+$0x20];
	_ =	sdelay $0x4  }
0x204: {  	[tilespmem:s11+$0x20] =	vst v9  }
0x205: {  	v9 =	vld [tilespmem:s0+$0x30];
	_ =	sdelay $0x4  }
0x206: {  	[tilespmem:s10+$0x30] =	vst v9  }
0x207: {  	v9 =	vld [tilespmem:s12+$0x30];
	_ =	sdelay $0x2  }
0x208: {  	s26 =	simm.s32 $0x76C0  }
0x209: {  	s29 =	sld [smem:$0x7E4];
	s13 =	simm.s32 $0xA680;
	s0 =	simm.s32 $0x66C0  }
0x20a: {  	s10 =	simm.s32 $0x8E80;
	s12 =	simm.s32 $0x9E80;
	[tilespmem:s11+$0x30] =	vst v9;
	s11 =	simm.s32 $0x9680  }
.LBB2_14:
0x20b: {  	v9 =	vld [tilespmem:s26+$0xFFFFFFC0];
	_ =	sdelay $0x4  }
0x20c: {  	v10 =	vshll.u32 v9, $0x1  }
0x20d: {  	v9 =	vand.u32 $0x7, v9;
	v10 =	vand.u32 $0xFFFFFFF0, v10  }
0x20e: {  	v9 =	vor.u32 v9, v10  }
0x20f: {  	v10 =	vperm.xlane v9, v6;
	_ =	sdelay $0x1  }
0x210: {  	v9 =	vperm.xlane v9, v8;
	v10 =	vadd.s32 v7, v10;
	_ =	sdelay $0x1  }
0x211: {  	v9 =	vadd.s32 v7, v9;
	_ =	sdelay $0x2  }
0x212: {  	[tilespmem:s31], [sflag:$0x1] =	stream.indirect_vreg.gather [hbm4b:s1+s5], $0x80, v10, vm1, $0xb8;
	[tilespmem:$0x18700] =	vst v63  }
0x213: {  	_ = 	snop  }
0x214: {  	[tilespmem:s10], [sflag:$0x1] =	stream.indirect_vreg.gather [hbm4b:s1+s5], $0x80, v9, vm1, $0xb8;
	[tilespmem:$0x18700] =	vst v63  }
0x215: {  	v9 =	vld [tilespmem:s26+$0xFFFFFFD0];
	_ =	sdelay $0x4  }
0x216: {  	v10 =	vshll.u32 v9, $0x1  }
0x217: {  	v9 =	vand.u32 $0x7, v9;
	v10 =	vand.u32 $0xFFFFFFF0, v10  }
0x218: {  	v9 =	vor.u32 v9, v10  }
0x219: {  	v10 =	vperm.xlane v9, v6;
	_ =	sdelay $0x1  }
0x21a: {  	v9 =	vperm.xlane v9, v8;
	v10 =	vadd.s32 v7, v10;
	_ =	sdelay $0x1  }
0x21b: {  	v9 =	vadd.s32 v7, v9;
	_ =	sdelay $0x2  }
0x21c: {  	[tilespmem:s11], [sflag:$0x1] =	stream.indirect_vreg.gather [hbm4b:s1+s5], $0x80, v10, vm1, $0xb8;
	[tilespmem:$0x18700] =	vst v63  }
0x21d: {  	_ = 	snop  }
0x21e: {  	[tilespmem:s12], [sflag:$0x1] =	stream.indirect_vreg.gather [hbm4b:s1+s5], $0x80, v9, vm1, $0xb8;
	[tilespmem:$0x18700] =	vst v63  }
0x21f: {  	v9 =	vld [tilespmem:s26+$0xFFFFFFE0];
	_ =	sdelay $0x4  }
0x220: {  	v10 =	vshll.u32 v9, $0x1  }
0x221: {  	v9 =	vand.u32 $0x7, v9;
	v10 =	vand.u32 $0xFFFFFFF0, v10  }
0x222: {  	v9 =	vor.u32 v9, v10  }
0x223: {  	v10 =	vperm.xlane v9, v6;
	_ =	sdelay $0x1  }
0x224: {  	v9 =	vperm.xlane v9, v8;
	v10 =	vadd.s32 v7, v10;
	_ =	sdelay $0x1  }
0x225: {  	v9 =	vadd.s32 v7, v9;
	_ =	sdelay $0x2  }
0x226: {  	[tilespmem:s13], [sflag:$0x1] =	stream.indirect_vreg.gather [hbm4b:s1+s5], $0x80, v10, vm1, $0xb8;
	[tilespmem:$0x18700] =	vst v63  }
0x227: {  	_ = 	snop  }
0x228: {  	[tilespmem:s14], [sflag:$0x1] =	stream.indirect_vreg.gather [hbm4b:s1+s5], $0x80, v9, vm1, $0xb8;
	[tilespmem:$0x18700] =	vst v63  }
0x229: {  	v9 =	vld [tilespmem:s26+$0xFFFFFFF0];
	_ =	sdelay $0x4  }
0x22a: {  	v10 =	vshll.u32 v9, $0x1  }
0x22b: {  	v9 =	vand.u32 $0x7, v9;
	v10 =	vand.u32 $0xFFFFFFF0, v10  }
0x22c: {  	v9 =	vor.u32 v9, v10  }
0x22d: {  	v10 =	vperm.xlane v9, v6;
	_ =	sdelay $0x1  }
0x22e: {  	v9 =	vperm.xlane v9, v8;
	v10 =	vadd.s32 v7, v10;
	_ =	sdelay $0x1  }
0x22f: {  	v9 =	vadd.s32 v7, v9;
	_ =	sdelay $0x2  }
0x230: {  	[tilespmem:s15], [sflag:$0x1] =	stream.indirect_vreg.gather [hbm4b:s1+s5], $0x80, v10, vm1, $0xb8;
	[tilespmem:$0x18700] =	vst v63  }
0x231: {  	_ = 	snop  }
0x232: {  	[tilespmem:s16], [sflag:$0x1] =	stream.indirect_vreg.gather [hbm4b:s1+s5], $0x80, v9, vm1, $0xb8;
	[tilespmem:$0x18700] =	vst v63  }
0x233: {  	v9 =	vld [tilespmem:s26+$0x0];
	_ =	sdelay $0x4  }
0x234: {  	v10 =	vshll.u32 v9, $0x1  }
0x235: {  	v9 =	vand.u32 $0x7, v9;
	v10 =	vand.u32 $0xFFFFFFF0, v10  }
0x236: {  	v9 =	vor.u32 v9, v10  }
0x237: {  	v10 =	vperm.xlane v9, v6;
	_ =	sdelay $0x1  }
0x238: {  	v9 =	vperm.xlane v9, v8;
	v10 =	vadd.s32 v7, v10;
	_ =	sdelay $0x1  }
0x239: {  	v9 =	vadd.s32 v7, v9;
	_ =	sdelay $0x2  }
0x23a: {  	[tilespmem:s17], [sflag:$0x1] =	stream.indirect_vreg.gather [hbm4b:s1+s5], $0x80, v10, vm1, $0xb8;
	[tilespmem:$0x18700] =	vst v63  }
0x23b: {  	_ = 	snop  }
0x23c: {  	[tilespmem:s18], [sflag:$0x1] =	stream.indirect_vreg.gather [hbm4b:s1+s5], $0x80, v9, vm1, $0xb8;
	[tilespmem:$0x18700] =	vst v63  }
0x23d: {  	v9 =	vld [tilespmem:s26+$0x10];
	_ =	sdelay $0x4  }
0x23e: {  	v10 =	vshll.u32 v9, $0x1  }
0x23f: {  	v9 =	vand.u32 $0x7, v9;
	v10 =	vand.u32 $0xFFFFFFF0, v10  }
0x240: {  	v9 =	vor.u32 v9, v10  }
0x241: {  	v10 =	vperm.xlane v9, v6;
	_ =	sdelay $0x1  }
0x242: {  	v9 =	vperm.xlane v9, v8;
	v10 =	vadd.s32 v7, v10;
	_ =	sdelay $0x1  }
0x243: {  	v9 =	vadd.s32 v7, v9;
	_ =	sdelay $0x2  }
0x244: {  	[tilespmem:s19], [sflag:$0x1] =	stream.indirect_vreg.gather [hbm4b:s1+s5], $0x80, v10, vm1, $0xb8;
	[tilespmem:$0x18700] =	vst v63  }
0x245: {  	_ = 	snop  }
0x246: {  	[tilespmem:s20], [sflag:$0x1] =	stream.indirect_vreg.gather [hbm4b:s1+s5], $0x80, v9, vm1, $0xb8;
	[tilespmem:$0x18700] =	vst v63  }
0x247: {  	v9 =	vld [tilespmem:s26+$0x20];
	_ =	sdelay $0x4  }
0x248: {  	v10 =	vshll.u32 v9, $0x1  }
0x249: {  	v9 =	vand.u32 $0x7, v9;
	v10 =	vand.u32 $0xFFFFFFF0, v10  }
0x24a: {  	v9 =	vor.u32 v9, v10  }
0x24b: {  	v10 =	vperm.xlane v9, v6;
	_ =	sdelay $0x1  }
0x24c: {  	v9 =	vperm.xlane v9, v8;
	v10 =	vadd.s32 v7, v10;
	_ =	sdelay $0x1  }
0x24d: {  	v9 =	vadd.s32 v7, v9;
	_ =	sdelay $0x2  }
0x24e: {  	[tilespmem:s21], [sflag:$0x1] =	stream.indirect_vreg.gather [hbm4b:s1+s5], $0x80, v10, vm1, $0xb8;
	[tilespmem:$0x18700] =	vst v63  }
0x24f: {  	_ = 	snop  }
0x250: {  	[tilespmem:s22], [sflag:$0x1] =	stream.indirect_vreg.gather [hbm4b:s1+s5], $0x80, v9, vm1, $0xb8;
	[tilespmem:$0x18700] =	vst v63  }
0x251: {  	v9 =	vld [tilespmem:s26+$0x30];
	_ =	sdelay $0x4  }
0x252: {  	v10 =	vshll.u32 v9, $0x1  }
0x253: {  	v9 =	vand.u32 $0x7, v9;
	v10 =	vand.u32 $0xFFFFFFF0, v10  }
0x254: {  	v9 =	vor.u32 v9, v10  }
0x255: {  	v10 =	vperm.xlane v9, v6;
	_ =	sdelay $0x1  }
0x256: {  	v9 =	vperm.xlane v9, v8;
	v10 =	vadd.s32 v7, v10;
	_ =	sdelay $0x1  }
0x257: {  	v9 =	vadd.s32 v7, v9;
	_ =	sdelay $0x2  }
0x258: {  	[tilespmem:s23], [sflag:$0x1] =	stream.indirect_vreg.gather [hbm4b:s1+s5], $0x80, v10, vm1, $0xb8;
	[tilespmem:$0x18700] =	vst v63  }
0x259: {  	_ = 	snop  }
0x25a: {  	[tilespmem:s24], [sflag:$0x1] =	stream.indirect_vreg.gather [hbm4b:s1+s5], $0x80, v9, vm1, $0xb8;
	[tilespmem:$0x18700] =	vst v63  }
0x25b: {  	_ =	swait.ge [sflag:s25], $0x8000  }
0x25c: {  	[sflag:s25] =	ssyncset.done $0x0  }
0x25d: {  	[sflag:s25] =	ssyncadd.s32 $0xFFFF8000  }
0x25e: {  	v9 =	vld [tilespmem:s0+$0xFFFFFFC0];
	_ =	sdelay $0x4  }
0x25f: {  	v10 =	vshll.u32 v9, $0x1  }
0x260: {  	v9 =	vand.u32 $0x7, v9;
	v10 =	vand.u32 $0xFFFFFFF0, v10  }
0x261: {  	v9 =	vor.u32 v9, v10  }
0x262: {  	v10 =	vperm.xlane v9, v6;
	_ =	sdelay $0x1  }
0x263: {  	v9 =	vperm.xlane v9, v8;
	v10 =	vadd.s32 v7, v10;
	_ =	sdelay $0x1  }
0x264: {  	v9 =	vadd.s32 v7, v9;
	_ =	sdelay $0x2  }
0x265: {  	[hbm4b:s4+s5] =	stream.indirect_vreg.scatter [tilespmem:s31], [sflag:$0x1], $0x80, v10, vm1, $0xb8;
	[tilespmem:$0x18700] =	vst v63  }
0x266: {  	_ = 	snop  }
0x267: {  	[hbm4b:s4+s5] =	stream.indirect_vreg.scatter [tilespmem:s10], [sflag:$0x1], $0x80, v9, vm1, $0xb8;
	[tilespmem:$0x18700] =	vst v63  }
0x268: {  	v9 =	vld [tilespmem:s0+$0xFFFFFFD0];
	_ =	sdelay $0x4  }
0x269: {  	v10 =	vshll.u32 v9, $0x1  }
0x26a: {  	v9 =	vand.u32 $0x7, v9;
	v10 =	vand.u32 $0xFFFFFFF0, v10  }
0x26b: {  	v9 =	vor.u32 v9, v10  }
0x26c: {  	v10 =	vperm.xlane v9, v6;
	_ =	sdelay $0x1  }
0x26d: {  	v9 =	vperm.xlane v9, v8;
	v10 =	vadd.s32 v7, v10;
	_ =	sdelay $0x1  }
0x26e: {  	v9 =	vadd.s32 v7, v9;
	_ =	sdelay $0x2  }
0x26f: {  	[hbm4b:s4+s5] =	stream.indirect_vreg.scatter [tilespmem:s11], [sflag:$0x1], $0x80, v10, vm1, $0xb8;
	[tilespmem:$0x18700] =	vst v63  }
0x270: {  	_ = 	snop  }
0x271: {  	[hbm4b:s4+s5] =	stream.indirect_vreg.scatter [tilespmem:s12], [sflag:$0x1], $0x80, v9, vm1, $0xb8;
	[tilespmem:$0x18700] =	vst v63  }
0x272: {  	v9 =	vld [tilespmem:s0+$0xFFFFFFE0];
	_ =	sdelay $0x4  }
0x273: {  	v10 =	vshll.u32 v9, $0x1  }
0x274: {  	v9 =	vand.u32 $0x7, v9;
	v10 =	vand.u32 $0xFFFFFFF0, v10  }
0x275: {  	v9 =	vor.u32 v9, v10  }
0x276: {  	v10 =	vperm.xlane v9, v6;
	_ =	sdelay $0x1  }
0x277: {  	v9 =	vperm.xlane v9, v8;
	v10 =	vadd.s32 v7, v10;
	_ =	sdelay $0x1  }
0x278: {  	v9 =	vadd.s32 v7, v9;
	_ =	sdelay $0x2  }
0x279: {  	[hbm4b:s4+s5] =	stream.indirect_vreg.scatter [tilespmem:s13], [sflag:$0x1], $0x80, v10, vm1, $0xb8;
	[tilespmem:$0x18700] =	vst v63  }
0x27a: {  	_ = 	snop  }
0x27b: {  	[hbm4b:s4+s5] =	stream.indirect_vreg.scatter [tilespmem:s14], [sflag:$0x1], $0x80, v9, vm1, $0xb8;
	[tilespmem:$0x18700] =	vst v63  }
0x27c: {  	v9 =	vld [tilespmem:s0+$0xFFFFFFF0];
	_ =	sdelay $0x4  }
0x27d: {  	v10 =	vshll.u32 v9, $0x1  }
0x27e: {  	v9 =	vand.u32 $0x7, v9;
	v10 =	vand.u32 $0xFFFFFFF0, v10  }
0x27f: {  	v9 =	vor.u32 v9, v10  }
0x280: {  	v10 =	vperm.xlane v9, v6;
	_ =	sdelay $0x1  }
0x281: {  	v9 =	vperm.xlane v9, v8;
	v10 =	vadd.s32 v7, v10;
	_ =	sdelay $0x1  }
0x282: {  	v9 =	vadd.s32 v7, v9;
	_ =	sdelay $0x2  }
0x283: {  	[hbm4b:s4+s5] =	stream.indirect_vreg.scatter [tilespmem:s15], [sflag:$0x1], $0x80, v10, vm1, $0xb8;
	[tilespmem:$0x18700] =	vst v63  }
0x284: {  	_ = 	snop  }
0x285: {  	[hbm4b:s4+s5] =	stream.indirect_vreg.scatter [tilespmem:s16], [sflag:$0x1], $0x80, v9, vm1, $0xb8;
	[tilespmem:$0x18700] =	vst v63  }
0x286: {  	v9 =	vld [tilespmem:s0+$0x0];
	_ =	sdelay $0x4  }
0x287: {  	v10 =	vshll.u32 v9, $0x1  }
0x288: {  	v9 =	vand.u32 $0x7, v9;
	v10 =	vand.u32 $0xFFFFFFF0, v10  }
0x289: {  	v9 =	vor.u32 v9, v10  }
0x28a: {  	v10 =	vperm.xlane v9, v6;
	_ =	sdelay $0x1  }
0x28b: {  	v9 =	vperm.xlane v9, v8;
	v10 =	vadd.s32 v7, v10;
	_ =	sdelay $0x1  }
0x28c: {  	v9 =	vadd.s32 v7, v9;
	_ =	sdelay $0x2  }
0x28d: {  	[hbm4b:s4+s5] =	stream.indirect_vreg.scatter [tilespmem:s17], [sflag:$0x1], $0x80, v10, vm1, $0xb8;
	[tilespmem:$0x18700] =	vst v63  }
0x28e: {  	_ = 	snop  }
0x28f: {  	[hbm4b:s4+s5] =	stream.indirect_vreg.scatter [tilespmem:s18], [sflag:$0x1], $0x80, v9, vm1, $0xb8;
	[tilespmem:$0x18700] =	vst v63  }
0x290: {  	v9 =	vld [tilespmem:s0+$0x10];
	_ =	sdelay $0x4  }
0x291: {  	v10 =	vshll.u32 v9, $0x1  }
0x292: {  	v9 =	vand.u32 $0x7, v9;
	v10 =	vand.u32 $0xFFFFFFF0, v10  }
0x293: {  	v9 =	vor.u32 v9, v10  }
0x294: {  	v10 =	vperm.xlane v9, v6;
	_ =	sdelay $0x1  }
0x295: {  	v9 =	vperm.xlane v9, v8;
	v10 =	vadd.s32 v7, v10;
	_ =	sdelay $0x1  }
0x296: {  	v9 =	vadd.s32 v7, v9;
	_ =	sdelay $0x2  }
0x297: {  	[hbm4b:s4+s5] =	stream.indirect_vreg.scatter [tilespmem:s19], [sflag:$0x1], $0x80, v10, vm1, $0xb8;
	[tilespmem:$0x18700] =	vst v63  }
0x298: {  	_ = 	snop  }
0x299: {  	[hbm4b:s4+s5] =	stream.indirect_vreg.scatter [tilespmem:s20], [sflag:$0x1], $0x80, v9, vm1, $0xb8;
	[tilespmem:$0x18700] =	vst v63  }
0x29a: {  	v9 =	vld [tilespmem:s0+$0x20];
	_ =	sdelay $0x4  }
0x29b: {  	v10 =	vshll.u32 v9, $0x1  }
0x29c: {  	v9 =	vand.u32 $0x7, v9;
	v10 =	vand.u32 $0xFFFFFFF0, v10  }
0x29d: {  	v9 =	vor.u32 v9, v10  }
0x29e: {  	v10 =	vperm.xlane v9, v6;
	_ =	sdelay $0x1  }
0x29f: {  	v9 =	vperm.xlane v9, v8;
	v10 =	vadd.s32 v7, v10;
	_ =	sdelay $0x1  }
0x2a0: {  	v9 =	vadd.s32 v7, v9;
	_ =	sdelay $0x2  }
0x2a1: {  	[hbm4b:s4+s5] =	stream.indirect_vreg.scatter [tilespmem:s21], [sflag:$0x1], $0x80, v10, vm1, $0xb8;
	[tilespmem:$0x18700] =	vst v63  }
0x2a2: {  	_ = 	snop  }
0x2a3: {  	[hbm4b:s4+s5] =	stream.indirect_vreg.scatter [tilespmem:s22], [sflag:$0x1], $0x80, v9, vm1, $0xb8;
	[tilespmem:$0x18700] =	vst v63  }
0x2a4: {  	v9 =	vld [tilespmem:s0+$0x30];
	_ =	sdelay $0x4  }
0x2a5: {  	v10 =	vshll.u32 v9, $0x1  }
0x2a6: {  	v9 =	vand.u32 $0x7, v9;
	v10 =	vand.u32 $0xFFFFFFF0, v10  }
0x2a7: {  	v9 =	vor.u32 v9, v10  }
0x2a8: {  	v10 =	vperm.xlane v9, v6;
	_ =	sdelay $0x1  }
0x2a9: {  	v9 =	vperm.xlane v9, v8;
	v10 =	vadd.s32 v7, v10;
	_ =	sdelay $0x1  }
0x2aa: {  	v9 =	vadd.s32 v7, v9;
	_ =	sdelay $0x1  }
0x2ab: {  	p0 =	sne.s32 s28, $0x1  }
0x2ac: {  	[hbm4b:s4+s5] =	stream.indirect_vreg.scatter [tilespmem:s23], [sflag:$0x1], $0x80, v10, vm1, $0xb8;
	[tilespmem:$0x18700] =	vst v63  }
.Ltmp9:
0x2ad: {  	_ = 	snop;
	(pc) =	sbr.rel @p0 .LBB2_14-.Ltmp9, $4  }
0x2ae: {  	[hbm4b:s4+s5] =	stream.indirect_vreg.scatter [tilespmem:s24], [sflag:$0x1], $0x80, v9, vm1, $0xb8;
	[tilespmem:$0x18700] =	vst v63  }
0x2af: {  	_ =	swait.ge [sflag:s25], $0x8000  }
0x2b0: {  	s28 =	sadd.s32 $0xFFFFFFFF, s28;
	[sflag:s25] =	ssyncset.done $0x0  }
0x2b1: {  	s26 =	sadd.s32 $0x80, s26;
	s0 =	sadd.s32 $0x80, s0;
	[sflag:s25] =	ssyncadd.s32 $0xFFFF8000  }
.Ltmp10:
0x2b2: {  	_ = 	snop;
	(pc) =	sbr.rel .LBB2_15-.Ltmp10, $1  }
0x2b3: {  	_ =	sdelay $0x3  }
.LBB2_9:
.Ltmp11:
0x2b4: {  	(pc) =	sbr.rel .LBB2_13-.Ltmp11, $2  }
0x2b5: {  	_ =	sdelay $0x2  }
0x2b6: {  	s30 =	smov.u32 s10;
	s26 =	smov.u32 s12;
	s29 =	smov.u32 s11  }
.LBB2_11:
.Ltmp12:
0x2b7: {  	(pc) =	sbr.rel .LBB2_13-.Ltmp12, $2  }
0x2b8: {  	_ =	sdelay $0x2  }
0x2b9: {  	s30 =	smov.u32 s10;
	s26 =	smov.u32 s12;
	s29 =	smov.u32 s11  }
.LBB2_16:
0x2ba: {  	_ =	sfence.sel $0x180000  }
0x2bb: {  	[bflag:$0x0] =	sbarrier.arrive $0xFFFF  }
0x2bc: {  	_ =	strace $0x9000004D  }
0x2bd: {  	s0 =	stileid.u32;
	[bflag:$0x2] =	sbarrier.arrive $0xFFFF  }
0x2be: {  	p0 =	sne.s32 s0, $0x0;
	s0 =	rddreg [dreg:$0x4]  }
0x2bf: {  	s0 =	sadd.s32 @!p0 $0x100000, s0  }
0x2c0: {  	[sflag:s0] =	ssyncadd.tile.s32 @!p0 $0x1;
	_ =	shalt  }
.Lfunc_end2:
_tile_overlayer_lowered:
.L_overlay_start_2:
0x2c1: {  	(tag) =	ssettag $0x2  }
0x2c2: {  	s0 =	rddreg [dreg:$0x0];
	s2 =	stileid.u32  }
0x2c3: {  	s1 =	rddreg [dreg:$0x1];
	p0 =	sne.s32 s2, $0x0  }
0x2c4: {  	s3 =	rddreg [dreg:$0x2];
	[bflag:$0x3] =	sbarrier.arrive $0xFFFF;
	s2 =	simm.s32 @!p0 $0x1C03  }
0x2c5: {  	[timem:s3], [sflag:s2] =	dma.local @!p0 [hbm:s0], s1  }
0x2c6: {  	s0 =	simm.s32 @!p0 $0x3  }
0x2c7: {  	_ =	swait.ge @!p0 [sflag:s0], s1  }
0x2c8: {  	s1 =	ssub.s32 @!p0 $0x0, s1;
	[sflag:s0] =	ssyncset.done @!p0 $0x0  }
0x2c9: {  	[sflag:s0] =	ssyncadd.s32 @!p0 s1  }
0x2ca: {  	[bflag:$0x3] =	sbarrier.arrive $0xFFFF  }
0x2cb: {  	_ =	shalt  }

// kernel: kernel.15.cloned.1.call-start
scs
__scs_entry_jumppad:
0x0: {  	(pc) =	sbr.rel $0x88, $3  }
0x1: {  	(tag) =	ssettag $0x0;
	lr =	simm.s32 $0x1  }
0x2: {  	[smem:$0x3F8E] =	sst lr;
	_ =	strace $0xD0000000  }
0x3: {  	_ = 	snop  }
0x4: {  	_ = 	snop  }
0x5: {  	_ = 	snop  }
0x6: {  	_ = 	snop  }
0x7: {  	_ = 	snop  }
__scs_overlays_trampoline_lowered:
0x8: {  	[smem:$0x3F9D] =	sst s0  }
0x9: {  	[smem:$0x3F9E] =	sst s1  }
0xa: {  	[smem:$0x3F9F] =	sst s2  }
0xb: {  	[smem:$0x3FA0] =	sst s3  }
0xc: {  	[smem:$0x3FA1] =	sst s4  }
0xd: {  	[smem:$0x3FA2] =	sst s5  }
0xe: {  	[smem:$0x3FA3] =	sst s6  }
0xf: {  	[smem:$0x3FA4] =	sst s7  }
0x10: {  	[smem:$0x3FA5] =	sst s8  }
0x11: {  	[smem:$0x3FA6] =	sst s9;
	s0 =	simm.s32 @!p0 $0x0  }
0x12: {  	s1 =	sld [smem:$0x3F8C];
	s0 =	simm.s32 @p0 $0x1  }
0x13: {  	[smem:$0x3FA7] =	sst s0;
	s0 =	simm.s32 @!p1 $0x0  }
0x14: {  	s2 =	sld [smem:$0x3F8B];
	s0 =	simm.s32 @p1 $0x1  }
0x15: {  	[smem:$0x3FA8] =	sst s0;
	s0 =	simm.s32 @!p2 $0x0  }
0x16: {  	s3 =	sld [smem:$0x3FDB];
	s0 =	simm.s32 @p2 $0x1  }
0x17: {  	s4 =	simm.s32 $0x1BF5;
	[smem:$0x3FAA] =	sst s0  }
0x18: {  	s0 =	sld [smem:$0x3F8D];
	_ =	swait.ge [sflag:s4], $0x0  }
0x19: {  	s7 =	sld [smem:$0x3F8E]  }
0x1a: {  	s8 =	sadd.s32 $0xFFFFE003, lr  }
0x1b: {  	s9 =	sadd.s32 $0xFFFFFEF7, lr;
	s5 =	simm.s32 $0xFFFFFFFF;
	p2 =	slt.u32 s8, $0xFFFFF086  }
0x1c: {  	p1 =	slt.u32 s9, $0xF7A;
	s5 =	simm.s32 @!p2 $0x0  }
0x1d: {  	s5 =	simm.s32 @p1 $0x1;
	p0 =	seq.s32 s7, s2  }
0x1e: {  	s7 =	smul.u32 @!p0 $0xF7A, s2;
	p2 =	seq.s32 @!p0 s5, $0x0  }
0x1f: {  	s9 =	smul.u32 $0xF7A, s1;
	s8 =	simm.s32 @!p0 $0x1BF5;
	p2 =	por !p2, p0  }
0x20: {  	[sflag:s8] =	ssyncset.s32 @!p0 $0xFFFFF086;
	s6 =	sadd.s32 @!p0 s3, s7;
	s7 =	simm.s32 @!p0 $0x108  }
0x21: {  	s3 =	sadd.s32 s3, s9;
	s6 =	sadd.s32 @!p0 $0x88, s6;
	s7 =	simm.s32 @p2 $0x1082  }
0x22: {  	[simem:s7], [sflag:s8] =	dma.local @!p0 [hbm:s6], $0xF7A  }
0x23: {  	s9 =	sor.u32 $0xD0000000, s2;
	s6 =	simm.s32 $0x108;
	_ =	swait.ge @!p0 [sflag:s8], $0x0  }
0x24: {  	s3 =	sadd.s32 $0x88, s3;
	s6 =	simm.s32 @!p1 $0x1082;
	[sflag:s4] =	ssyncset.s32 $0xFFFFF086  }
0x25: {  	[simem:s6], [sflag:s4] =	dma.local [hbm:s3], $0xF7A  }
0x26: {  	[smem:$0x3F8E] =	sst s1;
	(tag) =	ssettag s2;
	_ =	strace s9  }
0x27: {  	s1 =	sld [smem:$0x3F9E]  }
0x28: {  	s2 =	sld [smem:$0x3F9F]  }
0x29: {  	s4 =	sld [smem:$0x3FA1]  }
0x2a: {  	p0 =	seq.s32 s5, $0x0;
	s5 =	sld [smem:$0x3FA2]  }
0x2b: {  	s6 =	sld [smem:$0x3FA3]  }
0x2c: {  	s7 =	sld [smem:$0x3FA4]  }
0x2d: {  	s3 =	simm.s32 $0x108;
	s8 =	sld [smem:$0x3FA5]  }
0x2e: {  	s3 =	simm.s32 @!p0 $0x1082;
	s9 =	sld [smem:$0x3FA6]  }
0x2f: {  	lr =	sadd.s32 s0, s3;
	s0 =	sld [smem:$0x3F9D]  }
0x30: {  	s3 =	sld [smem:$0x3FA0]  }
0x31: {  	[smem:$0x3FA9] =	sst s10  }
0x32: {  	s10 =	sld [smem:$0x3FA7];
	_ =	sdelay $0x3  }
0x33: {  	p0 =	seq.s32 s10, $0x1;
	s10 =	sld [smem:$0x3FA9];
	_ =	sdelay $0x3  }
0x34: {  	[smem:$0x3FA9] =	sst s10  }
0x35: {  	s10 =	sld [smem:$0x3FA8];
	_ =	sdelay $0x3  }
0x36: {  	p1 =	seq.s32 s10, $0x1;
	s10 =	sld [smem:$0x3FA9];
	_ =	sdelay $0x3  }
0x37: {  	[smem:$0x3FA9] =	sst s10  }
0x38: {  	s10 =	sld [smem:$0x3FAA]  }
0x39: {  	_ = 	snop;
	(pc) =	sbr.ind lr, $3  }
0x3a: {  	_ = 	snop  }
0x3b: {  	_ = 	snop  }
0x3c: {  	p2 =	seq.s32 s10, $0x1;
	s10 =	sld [smem:$0x3FA9]  }
0x3d: {  	_ =	shalt  }
0x3e: {  	_ =	shalt  }
0x3f: {  	_ =	shalt  }
0x40: {  	_ =	shalt  }
0x41: {  	_ =	shalt  }
0x42: {  	_ =	shalt  }
0x43: {  	_ =	shalt  }
0x44: {  	_ =	shalt  }
0x45: {  	_ =	shalt  }
0x46: {  	_ =	shalt  }
0x47: {  	_ =	shalt  }
0x48: {  	_ =	shalt  }
0x49: {  	_ =	shalt  }
0x4a: {  	_ =	shalt  }
0x4b: {  	_ =	shalt  }
0x4c: {  	_ =	shalt  }
0x4d: {  	_ =	shalt  }
0x4e: {  	_ =	shalt  }
0x4f: {  	_ =	shalt  }
0x50: {  	_ =	shalt  }
0x51: {  	_ =	shalt  }
0x52: {  	_ =	shalt  }
0x53: {  	_ =	shalt  }
0x54: {  	_ =	shalt  }
0x55: {  	_ =	shalt  }
0x56: {  	_ =	shalt  }
0x57: {  	_ =	shalt  }
0x58: {  	_ =	shalt  }
0x59: {  	_ =	shalt  }
0x5a: {  	_ =	shalt  }
0x5b: {  	_ =	shalt  }
0x5c: {  	_ =	shalt  }
0x5d: {  	_ =	shalt  }
0x5e: {  	_ =	shalt  }
0x5f: {  	_ =	shalt  }
0x60: {  	_ =	shalt  }
0x61: {  	_ =	shalt  }
0x62: {  	_ =	shalt  }
0x63: {  	_ =	shalt  }
0x64: {  	_ =	shalt  }
0x65: {  	_ =	shalt  }
0x66: {  	_ =	shalt  }
0x67: {  	_ =	shalt  }
0x68: {  	_ =	shalt  }
0x69: {  	_ =	shalt  }
0x6a: {  	_ =	shalt  }
0x6b: {  	_ =	shalt  }
0x6c: {  	_ =	shalt  }
0x6d: {  	_ =	shalt  }
0x6e: {  	_ =	shalt  }
0x6f: {  	_ =	shalt  }
0x70: {  	_ =	shalt  }
0x71: {  	_ =	shalt  }
0x72: {  	_ =	shalt  }
0x73: {  	_ =	shalt  }
0x74: {  	_ =	shalt  }
0x75: {  	_ =	shalt  }
0x76: {  	_ =	shalt  }
0x77: {  	_ =	shalt  }
0x78: {  	_ =	shalt  }
0x79: {  	_ =	shalt  }
0x7a: {  	_ =	shalt  }
0x7b: {  	_ =	shalt  }
0x7c: {  	_ =	shalt  }
0x7d: {  	_ =	shalt  }
0x7e: {  	_ =	shalt  }
0x7f: {  	_ =	shalt  }
0x80: {  	_ =	shalt  }
0x81: {  	_ =	shalt  }
0x82: {  	_ =	shalt  }
0x83: {  	_ =	shalt  }
0x84: {  	_ =	shalt  }
0x85: {  	_ =	shalt  }
0x86: {  	_ =	shalt  }
0x87: {  	_ =	shalt  }
.Lfunc_end0:
.L_simem_size_0:
called_computation.2_lowered:
.L_overlay_start_0:
0x88: {  	s2 =	sld [smem:$0x3FD9]  }
0x89: {  	s3 =	sld [smem:$0x3FFE];
	_ =	sdelay $0x1  }
0x8a: {  	s1 =	srdreg.scid  }
0x8b: {  	s0 =	sand.u32 $0x1, s1  }
0x8c: {  	s14 =	sshll.u32 s0, $0xA;
	s2 =	sadd.s32 s3, s2  }
0x8d: {  	s2 =	sadd.s32 s2, s14  }
0x8e: {  	[smem:$0x3FB5] =	sst s2  }
0x8f: {  	_ = 	snop  }
0x90: {  	s2 =	sld [smem:$0x3FD0];
	_ =	sdelay $0x2  }
0x91: {  	s15 =	simm.s32 $0xB;
	s4 =	simm.s32 $0x10  }
0x92: {  	[smem:s4], [sflag:s15] =	dma.local [hbm:s2], $0x1  }
0x93: {  	_ =	swait.eq [sflag:s15], $0x1  }
0x94: {  	s16 =	sld [smem:$0x10];
	[sflag:s15] =	ssyncset.done $0x0  }
0x95: {  	s17 =	sld [smem:$0x11];
	[sflag:s15] =	ssyncadd.s32 $0xFFFFFFFF  }
0x96: {  	s18 =	sld [smem:$0x13];
	(tm) =	ssettm $0x1  }
0x97: {  	s5 =	sld [smem:$0x3FFB];
	_ =	sdelay $0x3  }
0x98: {  	_ =	strace s5  }
0x99: {  	s5 =	sld [smem:$0x3FFC];
	_ =	sdelay $0x3  }
0x9a: {  	_ =	strace s5  }
0x9b: {  	s5 =	sld [smem:$0x3FFD];
	_ =	sdelay $0x3  }
0x9c: {  	_ =	strace s5  }
0x9d: {  	_ =	strace $0x8FFFFFFF  }
0x9e: {  	s19 =	sld [smem:$0x3FDB];
	_ =	sdelay $0x1  }
0x9f: {  	s6 =	simm.s32 $_scs_section_size  }
0xa0: {  	s7 =	simm.s32 $_size__tile_overlayer_lowered;
	s8 =	simm.s32 $_tile_overlayer_lowered  }
0xa1: {  	s22 =	simm.s32 $0x1BFF;
	s21 =	sshll.u32 s8, $0x1;
	s5 =	sadd.s32 s6, s19  }
0xa2: {  	s9 =	simm.s32 $0x0;
	s20 =	sshll.u32 s7, $0x1;
	s7 =	sadd.s32 s21, s5  }
0xa3: {  	[timem:s9], [sflag:s22] =	dma.local [hbm:s7], s20  }
0xa4: {  	_ =	swait.ge [sflag:s22], s20  }
0xa5: {  	s6 =	ssub.s32 $0x0, s20;
	[sflag:s22] =	ssyncset.done $0x0  }
0xa6: {  	[sflag:s22] =	ssyncadd.s32 s6;
	_ =	sdelay $0x1  }
0xa7: {  	s23 =	simm.s32 $0x1B8B  }
0xa8: {  	_ =	swait.ge [sflag:s23], $0x1  }
0xa9: {  	[sflag:s23] =	ssyncset.done $0x0  }
0xaa: {  	s25 =	simm.s32 $0x1B8E;
	s24 =	sld [smem:$0x3FFE];
	[sflag:s23] =	ssyncadd.s32 $0xFFFFFFFF  }
0xab: {  	s26 =	simm.s32 $execute0_lowered;
	[smem:$0x3FD2] =	sst s25  }
0xac: {  	s7 =	sshll.u32 s26, $0x1;
	_ =	strace $0x80000049;
	[dreg:$0x1] =	wrdreg $0xFFFFFFFF  }
0xad: {  	s28 =	simm.s32 $_size_execute0_lowered;
	s5 =	sadd.s32 s5, s7;
	[dreg:$0x0] =	wrdreg $0x0  }
0xae: {  	s7 =	sshll.u32 s28, $0x1;
	[dreg:$0x2] =	wrdreg s5  }
0xaf: {  	[dreg:$0x3] =	wrdreg s7  }
0xb0: {  	[dreg:$0x4] =	wrdreg $0xC0  }
0xb1: {  	_ =	task [dreg:s9], $0x5FFFF  }
0xb2: {  	[dreg:$0x1] =	wrdreg $0xFFFFFFFF  }
0xb3: {  	[dreg:$0x0] =	wrdreg $0x60  }
0xb4: {  	[dreg:$0x2] =	wrdreg s16  }
0xb5: {  	[dreg:$0x3] =	wrdreg s24  }
0xb6: {  	[dreg:$0x4] =	wrdreg s17  }
0xb7: {  	[dreg:$0x5] =	wrdreg s18  }
0xb8: {  	[dreg:$0x6] =	wrdreg $0xA  }
0xb9: {  	_ =	task.clear_ibuf [dreg:s9], $0x7FFFF;
	_ =	strace $0x90000049  }
0xba: {  	s29 =	simm.s32 $0xA;
	_ =	strace $0x8000004B  }
0xbb: {  	_ =	swait.ge [sflag:s29], $0x1  }
0xbc: {  	[sflag:s29] =	ssyncadd.s32 $0xFFFFFFFF  }
0xbd: {  	_ =	strace $0x9000004B  }
0xbe: {  	_ =	sfence  }
0xbf: {  	s30 =	sld [smem:$0x0];
	_ =	sdelay $0x2  }
0xc0: {  	s31 =	sshll.u32 s1, $0xD;
	s1 =	sshrl.u32 s1, $0x2  }
0xc1: {  	s3 =	sand.u32 $0x4000, s31;
	s1 =	sadd.s32 s1, s30  }
0xc2: {  	s0 =	sor.u32 s3, s0;
	s1 =	sshll.u32 s1, $0x11  }
0xc3: {  	s0 =	sor.u32 s1, s0  }
0xc4: {  	s0 =	sadd.s32 $0x8F2B, s0  }
0xc5: {  	[sflag:s0] =	ssyncadd.remote.s32 $0x1  }
0xc6: {  	_ =	sfence.sel $0xFFFF  }
0xc7: {  	[dreg:$0x0] =	wrdreg $0xFFFFFFFF;
	(pc) =	sbr.abs _section_cstart, $3  }
0xc8: {  	[dreg:$0x1] =	wrdreg $0xFFFFFFFF  }
0xc9: {  	_ =	task.clear_ibuf [dreg:s9], $0x2FFFF;
	_ =	strace $0x9FFFFFFF  }
0xca: {  	(tm) =	ssettm $0x7FFFFFFF  }
0xcb: {  	_ =	shalt  }
tec
execute0_lowered:
.L_overlay_start_1:
0x0: {  	(tag) =	ssettag $0x1  }
0x1: {  	s1 =	rddreg [dreg:$0x0]  }
0x2: {  	s4 =	rddreg [dreg:$0x1]  }
0x3: {  	s8 =	rddreg [dreg:$0x2]  }
0x4: {  	s5 =	rddreg [dreg:$0x3];
	s6 =	srdreg.scid  }
0x5: {  	s3 =	simm.s32 $0x0;
	s2 =	stileid.u32;
	s14 =	simm.s32 $0x2080  }
0x6: {  	s15 =	simm.s32 $0x2880;
	s16 =	simm.s32 $0x3080;
	s17 =	simm.s32 $0x3880  }
0x7: {  	s18 =	simm.s32 $0x4080;
	s19 =	simm.s32 $0x4880;
	s20 =	simm.s32 $0x5080  }
0x8: {  	s21 =	simm.s32 $0x5880;
	s22 =	simm.s32 $0x6080;
	s23 =	simm.s32 $0x6880  }
0x9: {  	s24 =	simm.s32 $0x7080;
	s25 =	simm.s32 $0x7880;
	s28 =	simm.s32 $0x0  }
0xa: {  	s6 =	sand.u32 $0x1, s6;
	[smem:$0x7FF] =	sst s3;
	s7 =	sshll.u32 s2, $0xB  }
0xb: {  	s29 =	sshll.u32 s2, $0x10;
	s9 =	sshll.u32 s6, $0xA;
	_ =	strace $0x8000004A  }
0xc: {  	s26 =	ssub.s32 $0x2, s6;
	s13 =	sadd.s32 s29, s4;
	s5 =	sadd.s32 s29, s5  }
0xd: {  	s31 =	sshll.u32 s6, $0xF;
	s7 =	sor.u32 s9, s7;
	s11 =	sshrl.u32 s26, $0x1  }
0xe: {  	s5 =	sadd.s32 s31, s5;
	s9 =	simm.s32 $0x2;
	s10 =	sshrl.u32 s7, $0x3  }
0xf: {  	s30 =	ssub.s32 s26, s11;
	s7 =	sadd.s32 s31, s13;
	s11 =	simm.s32 $0x880  }
0x10: {  	v2 =	vlaneseq.u32;
	s13 =	simm.s32 $0x1880;
	s26 =	simm.s32 $0x1;
	s12 =	sadd.s32 s10, s4  }
0x11: {  	vm0 =	vmmov $0xffff;
	v1 =	vshrl.u32 v2, $0x3;
	s4 =	smax.u32 s30, $0x1;
	s7 =	sadd.s32 $0x4600, s7;
	s8 =	sadd.s32 s10, s8  }
0x12: {  	v0 =	vand.u32 $0x7, v2;
	v2 =	vor.u32 $0x8, v2;
	v1 =	vmul.u32 $0x8, v1;
	s10 =	simm.s32 $0x80;
	s6 =	sadd.s32 $0x3600, s12;
	s12 =	simm.s32 $0x1080  }
.LBB2_1:
0x13: {  	s30 =	smov.u32 s5;
	s31 =	simm.s32 $0x0  }
.LBB2_2:
0x14: {  	s0 =	sadd.s32 s31, s6;
	s29 =	simm.s32 $0x0  }
0x15: {  	[tilespmem:s29], [sflag:$0x2] =	stream.linear.gather [hbm4b:s0+s29], $0x80, $0x38;
	[tilespmem:$0x8080] =	vst v63  }
0x16: {  	_ =	swait.ge [sflag:s9], $0x80  }
0x17: {  	[sflag:s9] =	ssyncset.done $0x0  }
0x18: {  	[sflag:s9] =	ssyncadd.s32 $0xFFFFFF80  }
0x19: {  	v3 =	vld [tilespmem:$0x0];
	_ =	sdelay $0x4  }
0x1a: {  	v4 =	vshll.u32 v3, $0x1  }
0x1b: {  	v3 =	vand.u32 $0x7, v3;
	v4 =	vand.u32 $0xFFFFFFF0, v4  }
0x1c: {  	v3 =	vor.u32 v3, v4  }
0x1d: {  	v4 =	vperm.xlane v3, v0;
	_ =	sdelay $0x1  }
0x1e: {  	v3 =	vperm.xlane v3, v2;
	v4 =	vadd.s32 v1, v4;
	_ =	sdelay $0x1  }
0x1f: {  	v3 =	vadd.s32 v1, v3;
	_ =	sdelay $0x2  }
0x20: {  	[tilespmem:s10], [sflag:$0x1] =	stream.indirect_vreg.gather [hbm4b:s1+s29], $0x80, v4, vm0, $0xb8;
	[tilespmem:$0x8080] =	vst v63  }
0x21: {  	_ = 	snop  }
0x22: {  	[tilespmem:s11], [sflag:$0x1] =	stream.indirect_vreg.gather [hbm4b:s1+s29], $0x80, v3, vm0, $0xb8;
	[tilespmem:$0x8080] =	vst v63  }
0x23: {  	v3 =	vld [tilespmem:$0x10];
	_ =	sdelay $0x4  }
0x24: {  	v57 =	vshll.u32 v3, $0x1  }
0x25: {  	v3 =	vand.u32 $0x7, v3;
	v4 =	vand.u32 $0xFFFFFFF0, v57  }
0x26: {  	v3 =	vor.u32 v3, v4  }
0x27: {  	v4 =	vperm.xlane v3, v0;
	_ =	sdelay $0x1  }
0x28: {  	v3 =	vperm.xlane v3, v2;
	v4 =	vadd.s32 v1, v4;
	_ =	sdelay $0x1  }
0x29: {  	v3 =	vadd.s32 v1, v3;
	_ =	sdelay $0x2  }
0x2a: {  	[tilespmem:s12], [sflag:$0x1] =	stream.indirect_vreg.gather [hbm4b:s1+s29], $0x80, v4, vm0, $0xb8;
	[tilespmem:$0x8080] =	vst v63  }
0x2b: {  	_ = 	snop  }
0x2c: {  	[tilespmem:s13], [sflag:$0x1] =	stream.indirect_vreg.gather [hbm4b:s1+s29], $0x80, v3, vm0, $0xb8;
	[tilespmem:$0x8080] =	vst v63  }
0x2d: {  	v3 =	vld [tilespmem:$0x20];
	_ =	sdelay $0x4  }
0x2e: {  	v58 =	vshll.u32 v3, $0x1  }
0x2f: {  	v3 =	vand.u32 $0x7, v3;
	v4 =	vand.u32 $0xFFFFFFF0, v58  }
0x30: {  	v3 =	vor.u32 v3, v4  }
0x31: {  	v4 =	vperm.xlane v3, v0;
	_ =	sdelay $0x1  }
0x32: {  	v3 =	vperm.xlane v3, v2;
	v4 =	vadd.s32 v1, v4;
	_ =	sdelay $0x1  }
0x33: {  	v3 =	vadd.s32 v1, v3;
	_ =	sdelay $0x2  }
0x34: {  	[tilespmem:s14], [sflag:$0x1] =	stream.indirect_vreg.gather [hbm4b:s1+s29], $0x80, v4, vm0, $0xb8;
	[tilespmem:$0x8080] =	vst v63  }
0x35: {  	_ = 	snop  }
0x36: {  	[tilespmem:s15], [sflag:$0x1] =	stream.indirect_vreg.gather [hbm4b:s1+s29], $0x80, v3, vm0, $0xb8;
	[tilespmem:$0x8080] =	vst v63  }
0x37: {  	v3 =	vld [tilespmem:$0x30];
	_ =	sdelay $0x4  }
0x38: {  	v59 =	vshll.u32 v3, $0x1  }
0x39: {  	v3 =	vand.u32 $0x7, v3;
	v4 =	vand.u32 $0xFFFFFFF0, v59  }
0x3a: {  	v3 =	vor.u32 v3, v4  }
0x3b: {  	v4 =	vperm.xlane v3, v0;
	_ =	sdelay $0x1  }
0x3c: {  	v3 =	vperm.xlane v3, v2;
	v4 =	vadd.s32 v1, v4;
	_ =	sdelay $0x1  }
0x3d: {  	v3 =	vadd.s32 v1, v3;
	_ =	sdelay $0x2  }
0x3e: {  	[tilespmem:s16], [sflag:$0x1] =	stream.indirect_vreg.gather [hbm4b:s1+s29], $0x80, v4, vm0, $0xb8;
	[tilespmem:$0x8080] =	vst v63  }
0x3f: {  	_ = 	snop  }
0x40: {  	[tilespmem:s17], [sflag:$0x1] =	stream.indirect_vreg.gather [hbm4b:s1+s29], $0x80, v3, vm0, $0xb8;
	[tilespmem:$0x8080] =	vst v63  }
0x41: {  	v3 =	vld [tilespmem:$0x40];
	_ =	sdelay $0x4  }
0x42: {  	v60 =	vshll.u32 v3, $0x1  }
0x43: {  	v3 =	vand.u32 $0x7, v3;
	v4 =	vand.u32 $0xFFFFFFF0, v60  }
0x44: {  	v3 =	vor.u32 v3, v4  }
0x45: {  	v4 =	vperm.xlane v3, v0;
	_ =	sdelay $0x1  }
0x46: {  	v3 =	vperm.xlane v3, v2;
	v4 =	vadd.s32 v1, v4;
	_ =	sdelay $0x1  }
0x47: {  	v3 =	vadd.s32 v1, v3;
	_ =	sdelay $0x2  }
0x48: {  	[tilespmem:s18], [sflag:$0x1] =	stream.indirect_vreg.gather [hbm4b:s1+s29], $0x80, v4, vm0, $0xb8;
	[tilespmem:$0x8080] =	vst v63  }
0x49: {  	_ = 	snop  }
0x4a: {  	[tilespmem:s19], [sflag:$0x1] =	stream.indirect_vreg.gather [hbm4b:s1+s29], $0x80, v3, vm0, $0xb8;
	[tilespmem:$0x8080] =	vst v63  }
0x4b: {  	v3 =	vld [tilespmem:$0x50];
	_ =	sdelay $0x4  }
0x4c: {  	v61 =	vshll.u32 v3, $0x1  }
0x4d: {  	v3 =	vand.u32 $0x7, v3;
	v4 =	vand.u32 $0xFFFFFFF0, v61  }
0x4e: {  	v3 =	vor.u32 v3, v4  }
0x4f: {  	v4 =	vperm.xlane v3, v0;
	_ =	sdelay $0x1  }
0x50: {  	v3 =	vperm.xlane v3, v2;
	v4 =	vadd.s32 v1, v4;
	_ =	sdelay $0x1  }
0x51: {  	v3 =	vadd.s32 v1, v3;
	_ =	sdelay $0x2  }
0x52: {  	[tilespmem:s20], [sflag:$0x1] =	stream.indirect_vreg.gather [hbm4b:s1+s29], $0x80, v4, vm0, $0xb8;
	[tilespmem:$0x8080] =	vst v63  }
0x53: {  	_ = 	snop  }
0x54: {  	[tilespmem:s21], [sflag:$0x1] =	stream.indirect_vreg.gather [hbm4b:s1+s29], $0x80, v3, vm0, $0xb8;
	[tilespmem:$0x8080] =	vst v63  }
0x55: {  	v3 =	vld [tilespmem:$0x60];
	_ =	sdelay $0x4  }
0x56: {  	v62 =	vshll.u32 v3, $0x1  }
0x57: {  	v3 =	vand.u32 $0x7, v3;
	v4 =	vand.u32 $0xFFFFFFF0, v62  }
0x58: {  	v3 =	vor.u32 v3, v4  }
0x59: {  	v4 =	vperm.xlane v3, v0;
	_ =	sdelay $0x1  }
0x5a: {  	v3 =	vperm.xlane v3, v2;
	v4 =	vadd.s32 v1, v4;
	_ =	sdelay $0x1  }
0x5b: {  	v3 =	vadd.s32 v1, v3;
	_ =	sdelay $0x2  }
0x5c: {  	[tilespmem:s22], [sflag:$0x1] =	stream.indirect_vreg.gather [hbm4b:s1+s29], $0x80, v4, vm0, $0xb8;
	[tilespmem:$0x8080] =	vst v63  }
0x5d: {  	_ = 	snop  }
0x5e: {  	[tilespmem:s23], [sflag:$0x1] =	stream.indirect_vreg.gather [hbm4b:s1+s29], $0x80, v3, vm0, $0xb8;
	[tilespmem:$0x8080] =	vst v63  }
0x5f: {  	v3 =	vld [tilespmem:$0x70];
	_ =	sdelay $0x4  }
0x60: {  	v63 =	vshll.u32 v3, $0x1  }
0x61: {  	v3 =	vand.u32 $0x7, v3;
	v4 =	vand.u32 $0xFFFFFFF0, v63  }
0x62: {  	v3 =	vor.u32 v3, v4  }
0x63: {  	v4 =	vperm.xlane v3, v0;
	_ =	sdelay $0x1  }
0x64: {  	v3 =	vperm.xlane v3, v2;
	v4 =	vadd.s32 v1, v4;
	_ =	sdelay $0x1  }
0x65: {  	v3 =	vadd.s32 v1, v3;
	_ =	sdelay $0x2  }
0x66: {  	[tilespmem:s24], [sflag:$0x1] =	stream.indirect_vreg.gather [hbm4b:s1+s29], $0x80, v4, vm0, $0xb8;
	[tilespmem:$0x8080] =	vst v63  }
0x67: {  	_ = 	snop  }
0x68: {  	[tilespmem:s25], [sflag:$0x1] =	stream.indirect_vreg.gather [hbm4b:s1+s29], $0x80, v3, vm0, $0xb8;
	[tilespmem:$0x8080] =	vst v63  }
0x69: {  	_ =	swait.ge [sflag:s26], $0x8000  }
0x6a: {  	p0 =	sne.s32 s31, $0x70;
	[sflag:s26] =	ssyncset.done $0x0  }
.Ltmp0:
0x6b: {  	[sflag:s26] =	ssyncadd.s32 $0xFFFF8000;
	(pc) =	sbr.rel @p0 .LBB2_2-.Ltmp0, $4  }
0x6c: {  	[hbm4b:s30+s29] =	stream.linear.scatter [tilespmem:s10], [sflag:$0x2], $0x8000, $0x38;
	[tilespmem:$0x8080] =	vst v63  }
0x6d: {  	_ =	swait.ge [sflag:s9], $0x8000  }
0x6e: {  	[sflag:s9] =	ssyncset.done $0x0  }
0x6f: {  	s31 =	sadd.s32 $0x10, s31;
	s30 =	sadd.s32 $0x1000, s30;
	[sflag:s9] =	ssyncadd.s32 $0xFFFF8000  }
0x70: {  	s30 =	smov.u32 s7  }
.LBB2_4:
0x71: {  	s0 =	sadd.s32 s29, s8  }
0x72: {  	[tilespmem:s3], [sflag:$0x2] =	stream.linear.gather [hbm4b:s0+s3], $0x80, $0x38;
	[tilespmem:$0x8080] =	vst v63  }
0x73: {  	_ =	swait.ge [sflag:s9], $0x80  }
0x74: {  	[sflag:s9] =	ssyncset.done $0x0  }
0x75: {  	[sflag:s9] =	ssyncadd.s32 $0xFFFFFF80  }
0x76: {  	v3 =	vld [tilespmem:$0x0];
	_ =	sdelay $0x4  }
0x77: {  	v4 =	vshll.u32 v3, $0x1  }
0x78: {  	v3 =	vand.u32 $0x7, v3;
	v4 =	vand.u32 $0xFFFFFFF0, v4  }
0x79: {  	v3 =	vor.u32 v3, v4  }
0x7a: {  	v4 =	vperm.xlane v3, v0;
	_ =	sdelay $0x1  }
0x7b: {  	v3 =	vperm.xlane v3, v2;
	v4 =	vadd.s32 v1, v4;
	_ =	sdelay $0x1  }
0x7c: {  	v3 =	vadd.s32 v1, v3;
	_ =	sdelay $0x2  }
0x7d: {  	[tilespmem:s10], [sflag:$0x1] =	stream.indirect_vreg.gather [hbm4b:s1+s3], $0x80, v4, vm0, $0xb8;
	[tilespmem:$0x8080] =	vst v63  }
0x7e: {  	_ = 	snop  }
0x7f: {  	[tilespmem:s11], [sflag:$0x1] =	stream.indirect_vreg.gather [hbm4b:s1+s3], $0x80, v3, vm0, $0xb8;
	[tilespmem:$0x8080] =	vst v63  }
0x80: {  	v3 =	vld [tilespmem:$0x10];
	_ =	sdelay $0x4  }
0x81: {  	v57 =	vshll.u32 v3, $0x1  }
0x82: {  	v3 =	vand.u32 $0x7, v3;
	v4 =	vand.u32 $0xFFFFFFF0, v57  }
0x83: {  	v3 =	vor.u32 v3, v4  }
0x84: {  	v4 =	vperm.xlane v3, v0;
	_ =	sdelay $0x1  }
0x85: {  	v3 =	vperm.xlane v3, v2;
	v4 =	vadd.s32 v1, v4;
	_ =	sdelay $0x1  }
0x86: {  	v3 =	vadd.s32 v1, v3;
	_ =	sdelay $0x2  }
0x87: {  	[tilespmem:s12], [sflag:$0x1] =	stream.indirect_vreg.gather [hbm4b:s1+s3], $0x80, v4, vm0, $0xb8;
	[tilespmem:$0x8080] =	vst v63  }
0x88: {  	_ = 	snop  }
0x89: {  	[tilespmem:s13], [sflag:$0x1] =	stream.indirect_vreg.gather [hbm4b:s1+s3], $0x80, v3, vm0, $0xb8;
	[tilespmem:$0x8080] =	vst v63  }
0x8a: {  	v3 =	vld [tilespmem:$0x20];
	_ =	sdelay $0x4  }
0x8b: {  	v58 =	vshll.u32 v3, $0x1  }
0x8c: {  	v3 =	vand.u32 $0x7, v3;
	v4 =	vand.u32 $0xFFFFFFF0, v58  }
0x8d: {  	v3 =	vor.u32 v3, v4  }
0x8e: {  	v4 =	vperm.xlane v3, v0;
	_ =	sdelay $0x1  }
0x8f: {  	v3 =	vperm.xlane v3, v2;
	v4 =	vadd.s32 v1, v4;
	_ =	sdelay $0x1  }
0x90: {  	v3 =	vadd.s32 v1, v3;
	_ =	sdelay $0x2  }
0x91: {  	[tilespmem:s14], [sflag:$0x1] =	stream.indirect_vreg.gather [hbm4b:s1+s3], $0x80, v4, vm0, $0xb8;
	[tilespmem:$0x8080] =	vst v63  }
0x92: {  	_ = 	snop  }
0x93: {  	[tilespmem:s15], [sflag:$0x1] =	stream.indirect_vreg.gather [hbm4b:s1+s3], $0x80, v3, vm0, $0xb8;
	[tilespmem:$0x8080] =	vst v63  }
0x94: {  	v3 =	vld [tilespmem:$0x30];
	_ =	sdelay $0x4  }
0x95: {  	v59 =	vshll.u32 v3, $0x1  }
0x96: {  	v3 =	vand.u32 $0x7, v3;
	v4 =	vand.u32 $0xFFFFFFF0, v59  }
0x97: {  	v3 =	vor.u32 v3, v4  }
0x98: {  	v4 =	vperm.xlane v3, v0;
	_ =	sdelay $0x1  }
0x99: {  	v3 =	vperm.xlane v3, v2;
	v4 =	vadd.s32 v1, v4;
	_ =	sdelay $0x1  }
0x9a: {  	v3 =	vadd.s32 v1, v3;
	_ =	sdelay $0x2  }
0x9b: {  	[tilespmem:s16], [sflag:$0x1] =	stream.indirect_vreg.gather [hbm4b:s1+s3], $0x80, v4, vm0, $0xb8;
	[tilespmem:$0x8080] =	vst v63  }
0x9c: {  	_ = 	snop  }
0x9d: {  	[tilespmem:s17], [sflag:$0x1] =	stream.indirect_vreg.gather [hbm4b:s1+s3], $0x80, v3, vm0, $0xb8;
	[tilespmem:$0x8080] =	vst v63  }
0x9e: {  	v3 =	vld [tilespmem:$0x40];
	_ =	sdelay $0x4  }
0x9f: {  	v60 =	vshll.u32 v3, $0x1  }
0xa0: {  	v3 =	vand.u32 $0x7, v3;
	v4 =	vand.u32 $0xFFFFFFF0, v60  }
0xa1: {  	v3 =	vor.u32 v3, v4  }
0xa2: {  	v4 =	vperm.xlane v3, v0;
	_ =	sdelay $0x1  }
0xa3: {  	v3 =	vperm.xlane v3, v2;
	v4 =	vadd.s32 v1, v4;
	_ =	sdelay $0x1  }
0xa4: {  	v3 =	vadd.s32 v1, v3;
	_ =	sdelay $0x2  }
0xa5: {  	[tilespmem:s18], [sflag:$0x1] =	stream.indirect_vreg.gather [hbm4b:s1+s3], $0x80, v4, vm0, $0xb8;
	[tilespmem:$0x8080] =	vst v63  }
0xa6: {  	_ = 	snop  }
0xa7: {  	[tilespmem:s19], [sflag:$0x1] =	stream.indirect_vreg.gather [hbm4b:s1+s3], $0x80, v3, vm0, $0xb8;
	[tilespmem:$0x8080] =	vst v63  }
0xa8: {  	v3 =	vld [tilespmem:$0x50];
	_ =	sdelay $0x4  }
0xa9: {  	v61 =	vshll.u32 v3, $0x1  }
0xaa: {  	v3 =	vand.u32 $0x7, v3;
	v4 =	vand.u32 $0xFFFFFFF0, v61  }
0xab: {  	v3 =	vor.u32 v3, v4  }
0xac: {  	v4 =	vperm.xlane v3, v0;
	_ =	sdelay $0x1  }
0xad: {  	v3 =	vperm.xlane v3, v2;
	v4 =	vadd.s32 v1, v4;
	_ =	sdelay $0x1  }
0xae: {  	v3 =	vadd.s32 v1, v3;
	_ =	sdelay $0x2  }
0xaf: {  	[tilespmem:s20], [sflag:$0x1] =	stream.indirect_vreg.gather [hbm4b:s1+s3], $0x80, v4, vm0, $0xb8;
	[tilespmem:$0x8080] =	vst v63  }
0xb0: {  	_ = 	snop  }
0xb1: {  	[tilespmem:s21], [sflag:$0x1] =	stream.indirect_vreg.gather [hbm4b:s1+s3], $0x80, v3, vm0, $0xb8;
	[tilespmem:$0x8080] =	vst v63  }
0xb2: {  	v3 =	vld [tilespmem:$0x60];
	_ =	sdelay $0x4  }
0xb3: {  	v62 =	vshll.u32 v3, $0x1  }
0xb4: {  	v3 =	vand.u32 $0x7, v3;
	v4 =	vand.u32 $0xFFFFFFF0, v62  }
0xb5: {  	v3 =	vor.u32 v3, v4  }
0xb6: {  	v4 =	vperm.xlane v3, v0;
	_ =	sdelay $0x1  }
0xb7: {  	v3 =	vperm.xlane v3, v2;
	v4 =	vadd.s32 v1, v4;
	_ =	sdelay $0x1  }
0xb8: {  	v3 =	vadd.s32 v1, v3;
	_ =	sdelay $0x2  }
0xb9: {  	[tilespmem:s22], [sflag:$0x1] =	stream.indirect_vreg.gather [hbm4b:s1+s3], $0x80, v4, vm0, $0xb8;
	[tilespmem:$0x8080] =	vst v63  }
0xba: {  	_ = 	snop  }
0xbb: {  	[tilespmem:s23], [sflag:$0x1] =	stream.indirect_vreg.gather [hbm4b:s1+s3], $0x80, v3, vm0, $0xb8;
	[tilespmem:$0x8080] =	vst v63  }
0xbc: {  	v3 =	vld [tilespmem:$0x70];
	_ =	sdelay $0x4  }
0xbd: {  	v63 =	vshll.u32 v3, $0x1  }
0xbe: {  	v3 =	vand.u32 $0x7, v3;
	v4 =	vand.u32 $0xFFFFFFF0, v63  }
0xbf: {  	v3 =	vor.u32 v3, v4  }
0xc0: {  	v4 =	vperm.xlane v3, v0;
	_ =	sdelay $0x1  }
0xc1: {  	v3 =	vperm.xlane v3, v2;
	v4 =	vadd.s32 v1, v4;
	_ =	sdelay $0x1  }
0xc2: {  	v3 =	vadd.s32 v1, v3;
	_ =	sdelay $0x2  }
0xc3: {  	[tilespmem:s24], [sflag:$0x1] =	stream.indirect_vreg.gather [hbm4b:s1+s3], $0x80, v4, vm0, $0xb8;
	[tilespmem:$0x8080] =	vst v63  }
0xc4: {  	_ = 	snop  }
0xc5: {  	[tilespmem:s25], [sflag:$0x1] =	stream.indirect_vreg.gather [hbm4b:s1+s3], $0x80, v3, vm0, $0xb8;
	[tilespmem:$0x8080] =	vst v63  }
0xc6: {  	_ =	swait.ge [sflag:s26], $0x8000  }
0xc7: {  	p0 =	sne.s32 s29, $0x70;
	[sflag:s26] =	ssyncset.done $0x0  }
.Ltmp1:
0xc8: {  	[sflag:s26] =	ssyncadd.s32 $0xFFFF8000;
	(pc) =	sbr.rel @p0 .LBB2_4-.Ltmp1, $4  }
0xc9: {  	[hbm4b:s30+s3] =	stream.linear.scatter [tilespmem:s10], [sflag:$0x2], $0x8000, $0x38;
	[tilespmem:$0x8080] =	vst v63  }
0xca: {  	_ =	swait.ge [sflag:s9], $0x8000  }
0xcb: {  	[sflag:s9] =	ssyncset.done $0x0  }
0xcc: {  	s29 =	sadd.s32 $0x10, s29;
	s30 =	sadd.s32 $0x1000, s30;
	[sflag:s9] =	ssyncadd.s32 $0xFFFF8000  }
0xcd: {  	s28 =	sadd.s32 $0x1, s28  }
0xce: {  	p0 =	sne.s32 s28, s4  }
.Ltmp2:
0xcf: {  	_ = 	snop;
	(pc) =	sbr.rel @p0 .LBB2_1-.Ltmp2, $1  }
0xd0: {  	_ =	sdelay $0x3  }
0xd1: {  	_ =	sfence.sel $0x180000  }
0xd2: {  	[bflag:$0x0] =	sbarrier.arrive $0xFFFF  }
0xd3: {  	_ =	strace $0x9000004A  }
0xd4: {  	[bflag:$0x2] =	sbarrier.arrive $0xFFFF  }
0xd5: {  	p0 =	sne.s32 s2, $0x0;
	s0 =	rddreg [dreg:$0x4]  }
0xd6: {  	s0 =	sadd.s32 @!p0 $0x100000, s0  }
0xd7: {  	[sflag:s0] =	ssyncadd.tile.s32 @!p0 $0x1;
	_ =	shalt  }
.Lfunc_end2:
_tile_overlayer_lowered:
.L_overlay_start_2:
0xd8: {  	(tag) =	ssettag $0x2  }
0xd9: {  	s0 =	rddreg [dreg:$0x0];
	s2 =	stileid.u32  }
0xda: {  	s1 =	rddreg [dreg:$0x1];
	p0 =	sne.s32 s2, $0x0  }
0xdb: {  	s3 =	rddreg [dreg:$0x2];
	[bflag:$0x3] =	sbarrier.arrive $0xFFFF;
	s2 =	simm.s32 @!p0 $0x1C02  }
0xdc: {  	[timem:s3], [sflag:s2] =	dma.local @!p0 [hbm:s0], s1  }
0xdd: {  	s0 =	simm.s32 @!p0 $0x2  }
0xde: {  	_ =	swait.ge @!p0 [sflag:s0], s1  }
0xdf: {  	s1 =	ssub.s32 @!p0 $0x0, s1;
	[sflag:s0] =	ssyncset.done @!p0 $0x0  }
0xe0: {  	[sflag:s0] =	ssyncadd.s32 @!p0 s1  }
0xe1: {  	[bflag:$0x3] =	sbarrier.arrive $0xFFFF  }
0xe2: {  	_ =	shalt  }

// kernel: kernel.18.cloned.1.call-start
scs
__scs_entry_jumppad:
0x0: {  	(pc) =	sbr.rel $0x88, $3  }
0x1: {  	(tag) =	ssettag $0x0;
	lr =	simm.s32 $0x1  }
0x2: {  	[smem:$0x3F8E] =	sst lr;
	_ =	strace $0xD0000000  }
0x3: {  	_ = 	snop  }
0x4: {  	_ = 	snop  }
0x5: {  	_ = 	snop  }
0x6: {  	_ = 	snop  }
0x7: {  	_ = 	snop  }
__scs_overlays_trampoline_lowered:
0x8: {  	[smem:$0x3F9D] =	sst s0  }
0x9: {  	[smem:$0x3F9E] =	sst s1  }
0xa: {  	[smem:$0x3F9F] =	sst s2  }
0xb: {  	[smem:$0x3FA0] =	sst s3  }
0xc: {  	[smem:$0x3FA1] =	sst s4  }
0xd: {  	[smem:$0x3FA2] =	sst s5  }
0xe: {  	[smem:$0x3FA3] =	sst s6  }
0xf: {  	[smem:$0x3FA4] =	sst s7  }
0x10: {  	[smem:$0x3FA5] =	sst s8  }
0x11: {  	[smem:$0x3FA6] =	sst s9;
	s0 =	simm.s32 @!p0 $0x0  }
0x12: {  	s1 =	sld [smem:$0x3F8C];
	s0 =	simm.s32 @p0 $0x1  }
0x13: {  	[smem:$0x3FA7] =	sst s0;
	s0 =	simm.s32 @!p1 $0x0  }
0x14: {  	s2 =	sld [smem:$0x3F8B];
	s0 =	simm.s32 @p1 $0x1  }
0x15: {  	[smem:$0x3FA8] =	sst s0;
	s0 =	simm.s32 @!p2 $0x0  }
0x16: {  	s3 =	sld [smem:$0x3FDB];
	s0 =	simm.s32 @p2 $0x1  }
0x17: {  	s4 =	simm.s32 $0x1BF5;
	[smem:$0x3FAA] =	sst s0  }
0x18: {  	s0 =	sld [smem:$0x3F8D];
	_ =	swait.ge [sflag:s4], $0x0  }
0x19: {  	s7 =	sld [smem:$0x3F8E]  }
0x1a: {  	s8 =	sadd.s32 $0xFFFFE003, lr  }
0x1b: {  	s9 =	sadd.s32 $0xFFFFFEF7, lr;
	s5 =	simm.s32 $0xFFFFFFFF;
	p2 =	slt.u32 s8, $0xFFFFF086  }
0x1c: {  	p1 =	slt.u32 s9, $0xF7A;
	s5 =	simm.s32 @!p2 $0x0  }
0x1d: {  	s5 =	simm.s32 @p1 $0x1;
	p0 =	seq.s32 s7, s2  }
0x1e: {  	s7 =	smul.u32 @!p0 $0xF7A, s2;
	p2 =	seq.s32 @!p0 s5, $0x0  }
0x1f: {  	s9 =	smul.u32 $0xF7A, s1;
	s8 =	simm.s32 @!p0 $0x1BF5;
	p2 =	por !p2, p0  }
0x20: {  	[sflag:s8] =	ssyncset.s32 @!p0 $0xFFFFF086;
	s6 =	sadd.s32 @!p0 s3, s7;
	s7 =	simm.s32 @!p0 $0x108  }
0x21: {  	s3 =	sadd.s32 s3, s9;
	s6 =	sadd.s32 @!p0 $0x88, s6;
	s7 =	simm.s32 @p2 $0x1082  }
0x22: {  	[simem:s7], [sflag:s8] =	dma.local @!p0 [hbm:s6], $0xF7A  }
0x23: {  	s9 =	sor.u32 $0xD0000000, s2;
	s6 =	simm.s32 $0x108;
	_ =	swait.ge @!p0 [sflag:s8], $0x0  }
0x24: {  	s3 =	sadd.s32 $0x88, s3;
	s6 =	simm.s32 @!p1 $0x1082;
	[sflag:s4] =	ssyncset.s32 $0xFFFFF086  }
0x25: {  	[simem:s6], [sflag:s4] =	dma.local [hbm:s3], $0xF7A  }
0x26: {  	[smem:$0x3F8E] =	sst s1;
	(tag) =	ssettag s2;
	_ =	strace s9  }
0x27: {  	s1 =	sld [smem:$0x3F9E]  }
0x28: {  	s2 =	sld [smem:$0x3F9F]  }
0x29: {  	s4 =	sld [smem:$0x3FA1]  }
0x2a: {  	p0 =	seq.s32 s5, $0x0;
	s5 =	sld [smem:$0x3FA2]  }
0x2b: {  	s6 =	sld [smem:$0x3FA3]  }
0x2c: {  	s7 =	sld [smem:$0x3FA4]  }
0x2d: {  	s3 =	simm.s32 $0x108;
	s8 =	sld [smem:$0x3FA5]  }
0x2e: {  	s3 =	simm.s32 @!p0 $0x1082;
	s9 =	sld [smem:$0x3FA6]  }
0x2f: {  	lr =	sadd.s32 s0, s3;
	s0 =	sld [smem:$0x3F9D]  }
0x30: {  	s3 =	sld [smem:$0x3FA0]  }
0x31: {  	[smem:$0x3FA9] =	sst s10  }
0x32: {  	s10 =	sld [smem:$0x3FA7];
	_ =	sdelay $0x3  }
0x33: {  	p0 =	seq.s32 s10, $0x1;
	s10 =	sld [smem:$0x3FA9];
	_ =	sdelay $0x3  }
0x34: {  	[smem:$0x3FA9] =	sst s10  }
0x35: {  	s10 =	sld [smem:$0x3FA8];
	_ =	sdelay $0x3  }
0x36: {  	p1 =	seq.s32 s10, $0x1;
	s10 =	sld [smem:$0x3FA9];
	_ =	sdelay $0x3  }
0x37: {  	[smem:$0x3FA9] =	sst s10  }
0x38: {  	s10 =	sld [smem:$0x3FAA]  }
0x39: {  	_ = 	snop;
	(pc) =	sbr.ind lr, $3  }
0x3a: {  	_ = 	snop  }
0x3b: {  	_ = 	snop  }
0x3c: {  	p2 =	seq.s32 s10, $0x1;
	s10 =	sld [smem:$0x3FA9]  }
0x3d: {  	_ =	shalt  }
0x3e: {  	_ =	shalt  }
0x3f: {  	_ =	shalt  }
0x40: {  	_ =	shalt  }
0x41: {  	_ =	shalt  }
0x42: {  	_ =	shalt  }
0x43: {  	_ =	shalt  }
0x44: {  	_ =	shalt  }
0x45: {  	_ =	shalt  }
0x46: {  	_ =	shalt  }
0x47: {  	_ =	shalt  }
0x48: {  	_ =	shalt  }
0x49: {  	_ =	shalt  }
0x4a: {  	_ =	shalt  }
0x4b: {  	_ =	shalt  }
0x4c: {  	_ =	shalt  }
0x4d: {  	_ =	shalt  }
0x4e: {  	_ =	shalt  }
0x4f: {  	_ =	shalt  }
0x50: {  	_ =	shalt  }
0x51: {  	_ =	shalt  }
0x52: {  	_ =	shalt  }
0x53: {  	_ =	shalt  }
0x54: {  	_ =	shalt  }
0x55: {  	_ =	shalt  }
0x56: {  	_ =	shalt  }
0x57: {  	_ =	shalt  }
0x58: {  	_ =	shalt  }
0x59: {  	_ =	shalt  }
0x5a: {  	_ =	shalt  }
0x5b: {  	_ =	shalt  }
0x5c: {  	_ =	shalt  }
0x5d: {  	_ =	shalt  }
0x5e: {  	_ =	shalt  }
0x5f: {  	_ =	shalt  }
0x60: {  	_ =	shalt  }
0x61: {  	_ =	shalt  }
0x62: {  	_ =	shalt  }
0x63: {  	_ =	shalt  }
0x64: {  	_ =	shalt  }
0x65: {  	_ =	shalt  }
0x66: {  	_ =	shalt  }
0x67: {  	_ =	shalt  }
0x68: {  	_ =	shalt  }
0x69: {  	_ =	shalt  }
0x6a: {  	_ =	shalt  }
0x6b: {  	_ =	shalt  }
0x6c: {  	_ =	shalt  }
0x6d: {  	_ =	shalt  }
0x6e: {  	_ =	shalt  }
0x6f: {  	_ =	shalt  }
0x70: {  	_ =	shalt  }
0x71: {  	_ =	shalt  }
0x72: {  	_ =	shalt  }
0x73: {  	_ =	shalt  }
0x74: {  	_ =	shalt  }
0x75: {  	_ =	shalt  }
0x76: {  	_ =	shalt  }
0x77: {  	_ =	shalt  }
0x78: {  	_ =	shalt  }
0x79: {  	_ =	shalt  }
0x7a: {  	_ =	shalt  }
0x7b: {  	_ =	shalt  }
0x7c: {  	_ =	shalt  }
0x7d: {  	_ =	shalt  }
0x7e: {  	_ =	shalt  }
0x7f: {  	_ =	shalt  }
0x80: {  	_ =	shalt  }
0x81: {  	_ =	shalt  }
0x82: {  	_ =	shalt  }
0x83: {  	_ =	shalt  }
0x84: {  	_ =	shalt  }
0x85: {  	_ =	shalt  }
0x86: {  	_ =	shalt  }
0x87: {  	_ =	shalt  }
.Lfunc_end0:
.L_simem_size_0:
called_computation.3_lowered:
.L_overlay_start_0:
0x88: {  	s2 =	sld [smem:$0x3FD9]  }
0x89: {  	s3 =	sld [smem:$0x3FFE];
	_ =	sdelay $0x1  }
0x8a: {  	s1 =	srdreg.scid  }
0x8b: {  	s0 =	sand.u32 $0x1, s1  }
0x8c: {  	s16 =	sshll.u32 s0, $0xA;
	s2 =	sadd.s32 s3, s2  }
0x8d: {  	s2 =	sadd.s32 s2, s16  }
0x8e: {  	[smem:$0x3FB5] =	sst s2  }
0x8f: {  	_ = 	snop  }
0x90: {  	s17 =	sld [smem:$0x3FD0];
	_ =	sdelay $0x2  }
0x91: {  	s4 =	simm.s32 $0xB;
	s5 =	simm.s32 $0x10;
	s2 =	sld [smem:$0x3FC7]  }
0x92: {  	[smem:s5], [sflag:s4] =	dma.local [hbm:s17], $0x1  }
0x93: {  	_ =	swait.eq [sflag:s4], $0x1  }
0x94: {  	[sflag:s4] =	ssyncset.done $0x0  }
0x95: {  	s18 =	sld [smem:$0x11];
	[sflag:s4] =	ssyncadd.s32 $0xFFFFFFFF  }
0x96: {  	s19 =	sld [smem:$0x13];
	(tm) =	ssettm $0x1  }
0x97: {  	s20 =	sld [smem:$0x3FFB];
	_ =	sdelay $0x3  }
0x98: {  	_ =	strace s20  }
0x99: {  	s3 =	sld [smem:$0x3FFC];
	_ =	sdelay $0x3  }
0x9a: {  	_ =	strace s3  }
0x9b: {  	s3 =	sld [smem:$0x3FFD];
	_ =	sdelay $0x3  }
0x9c: {  	_ =	strace s3  }
0x9d: {  	_ =	strace $0x8FFFFFFF  }
0x9e: {  	s21 =	sld [smem:$0x3FDB];
	_ =	sdelay $0x1  }
0x9f: {  	s6 =	simm.s32 $_scs_section_size  }
0xa0: {  	s7 =	simm.s32 $_size__tile_overlayer_lowered;
	s8 =	simm.s32 $_tile_overlayer_lowered  }
0xa1: {  	s9 =	simm.s32 $0x1BFF;
	s22 =	sshll.u32 s8, $0x1;
	s6 =	sadd.s32 s6, s21  }
0xa2: {  	s23 =	simm.s32 $0x0;
	s7 =	sshll.u32 s7, $0x1;
	s8 =	sadd.s32 s22, s6  }
0xa3: {  	[timem:s23], [sflag:s9] =	dma.local [hbm:s8], s7  }
0xa4: {  	_ =	swait.ge [sflag:s9], s7  }
0xa5: {  	s7 =	ssub.s32 $0x0, s7;
	[sflag:s9] =	ssyncset.done $0x0  }
0xa6: {  	[sflag:s9] =	ssyncadd.s32 s7;
	_ =	sdelay $0x1  }
0xa7: {  	s24 =	simm.s32 $0x1B8B  }
0xa8: {  	_ =	swait.ge [sflag:s24], $0x1  }
0xa9: {  	[sflag:s24] =	ssyncset.done $0x0  }
0xaa: {  	[sflag:s24] =	ssyncadd.s32 $0xFFFFFFFF  }
0xab: {  	s7 =	sld [smem:$0x0]  }
0xac: {  	s8 =	sand.u32 $0xFFFFFFFE, s1  }
0xad: {  	p0 =	sne.s32 s1, s8  }
0xae: {  	s8 =	sshll.u32 @p0 s8, $0xE  }
0xaf: {  	s8 =	sadd.s32 @p0 $0x11B8D, s8;
	s9 =	sshll.u32 @p0 s7, $0x11  }
0xb0: {  	s8 =	sor.u32 @p0 s9, s8  }
0xb1: {  	[sflag:s8] =	ssyncadd.remote.s32 @p0 $0x1;
	_ =	sdelay $0x1  }
0xb2: {  	s8 =	simm.s32 @p0 $0x1B8D  }
0xb3: {  	_ =	swait.eq @p0 [sflag:s8], $0x1  }
0xb4: {  	[sflag:s8] =	ssyncadd.s32 @p0 $0xFFFFFFFF  }
0xb5: {  	s9 =	sshll.u32 @!p0 s1, $0xE  }
0xb6: {  	s9 =	sor.u32 @!p0 $0x4000, s9;
	s8 =	simm.s32 @!p0 $0x1B8D  }
0xb7: {  	s7 =	sshll.u32 @!p0 s7, $0x11;
	s9 =	sadd.s32 @!p0 $0x11B8D, s9;
	_ =	swait.eq @!p0 [sflag:s8], $0x1  }
0xb8: {  	s7 =	sor.u32 @!p0 s7, s9;
	[sflag:s8] =	ssyncadd.s32 @!p0 $0xFFFFFFFF  }
0xb9: {  	s25 =	simm.s32 $0x1B8E;
	[sflag:s7] =	ssyncadd.remote.s32 @!p0 $0x1  }
0xba: {  	s26 =	simm.s32 $execute0_lowered;
	[smem:$0x3FD2] =	sst s25  }
0xbb: {  	s7 =	sshll.u32 s26, $0x1;
	_ =	strace $0x8000004F;
	[dreg:$0x1] =	wrdreg $0xFFFFFFFF  }
0xbc: {  	s28 =	simm.s32 $_size_execute0_lowered;
	s6 =	sadd.s32 s6, s7;
	[dreg:$0x0] =	wrdreg $0x0  }
0xbd: {  	s7 =	sshll.u32 s28, $0x1;
	[dreg:$0x2] =	wrdreg s6  }
0xbe: {  	[dreg:$0x3] =	wrdreg s7  }
0xbf: {  	[dreg:$0x4] =	wrdreg $0xC0  }
0xc0: {  	_ =	task [dreg:s23], $0x5FFFF  }
0xc1: {  	[dreg:$0x1] =	wrdreg $0xFFFFFFFF  }
0xc2: {  	[dreg:$0x0] =	wrdreg $0x60  }
0xc3: {  	[dreg:$0x2] =	wrdreg s18  }
0xc4: {  	[dreg:$0x3] =	wrdreg s2  }
0xc5: {  	[dreg:$0x4] =	wrdreg s19  }
0xc6: {  	[dreg:$0x5] =	wrdreg $0xA  }
0xc7: {  	_ =	task.clear_ibuf [dreg:s23], $0x6FFFF;
	_ =	strace $0x9000004F  }
0xc8: {  	s29 =	simm.s32 $0xA;
	_ =	strace $0x80000051  }
0xc9: {  	_ =	swait.ge [sflag:s29], $0x1  }
0xca: {  	[sflag:s29] =	ssyncadd.s32 $0xFFFFFFFF  }
0xcb: {  	_ =	strace $0x90000051  }
0xcc: {  	_ =	sfence  }
0xcd: {  	s30 =	sld [smem:$0x0];
	_ =	sdelay $0x2  }
0xce: {  	s31 =	sshll.u32 s1, $0xD;
	s1 =	sshrl.u32 s1, $0x2  }
0xcf: {  	s4 =	sand.u32 $0x4000, s31;
	s1 =	sadd.s32 s1, s30  }
0xd0: {  	s0 =	sor.u32 s4, s0;
	s1 =	sshll.u32 s1, $0x11  }
0xd1: {  	s0 =	sor.u32 s1, s0  }
0xd2: {  	s0 =	sadd.s32 $0x8F2B, s0  }
0xd3: {  	[sflag:s0] =	ssyncadd.remote.s32 $0x1  }
0xd4: {  	_ =	sfence.sel $0xFFFF  }
0xd5: {  	[dreg:$0x0] =	wrdreg $0xFFFFFFFF;
	(pc) =	sbr.abs _section_cstart, $3  }
0xd6: {  	[dreg:$0x1] =	wrdreg $0xFFFFFFFF  }
0xd7: {  	_ =	task.clear_ibuf [dreg:s23], $0x2FFFF;
	_ =	strace $0x9FFFFFFF  }
0xd8: {  	(tm) =	ssettm $0x7FFFFFFF  }
0xd9: {  	_ =	shalt  }
tec
execute0_lowered:
.L_overlay_start_1:
0x0: {  	(tag) =	ssettag $0x1  }
0x1: {  	s0 =	srdreg.scid  }
0x2: {  	s11 =	stileid.u32;
	s1 =	rddreg [dreg:$0x0]  }
0x3: {  	s4 =	rddreg [dreg:$0x2];
	s5 =	simm.s32 $0x0;
	s6 =	simm.s32 $0x1870  }
0x4: {  	s14 =	simm.s32 $0x10280;
	s15 =	simm.s32 $0x2;
	s28 =	simm.s32 $0x13A80  }
0x5: {  	s29 =	simm.s32 $0x14280;
	s30 =	simm.s32 $0x14A80;
	s31 =	simm.s32 $0x15280  }
0x6: {  	s0 =	sand.u32 $0x1, s0;
	s2 =	sshll.u32 s11, $0x1;
	s10 =	smul.u32 $0x61A00, s11  }
0x7: {  	p0 =	slt.u32 s11, $0x4;
	[smem:$0x7FF] =	sst s5;
	s20 =	smul.u32 $0x61A, s11  }
0x8: {  	s2 =	sor.u32 s0, s2;
	s7 =	ssub.s32 $0x2, s0;
	s18 =	smul.u32 $0x30D00, s0  }
0x9: {  	s6 =	simm.s32 @!p0 $0x1868;
	_ =	strace $0x80000050;
	s0 =	smul.u32 $0x30D, s0  }
0xa: {  	s3 =	smul.u32 $0x30D, s2;
	s2 =	smin.u32 s2, $0x8;
	s9 =	sshrl.u32 s7, $0x1  }
0xb: {  	s22 =	sadd.s32 s10, s4;
	s7 =	ssub.s32 s7, s9;
	s23 =	sshll.u32 s2, $0x8  }
0xc: {  	s3 =	sadd.s32 s2, s3;
	s19 =	smax.u32 s7, $0x1;
	s7 =	sadd.s32 s18, s22  }
0xd: {  	s2 =	sadd.s32 s20, s2;
	s22 =	simm.s32 $0x18280;
	s18 =	simm.s32 $0x8000  }
0xe: {  	s20 =	simm.s32 $0xB180;
	s8 =	sshll.u32 s3, $0x3;
	s3 =	sshll.u32 s3, $0x8  }
0xf: {  	v0 =	vimm.s32 $0xFFEDCBA9;
	[dreg:$0x6] =	wrdreg s19;
	s25 =	sadd.s32 s23, s7;
	s0 =	sadd.s32 s0, s2  }
0x10: {  	v0 =	vunpack.c.l.s4.s8 v0;
	s19 =	simm.s32 $0x9880;
	s23 =	simm.s32 $0x11A80;
	s2 =	simm.s32 $0x15A80  }
0x11: {  	s7 =	simm.s32 $0x17280;
	s6 =	sadd.s32 s6, s8;
	s12 =	sadd.s32 s4, s3  }
0x12: {  	v1 =	vimm.s32 $0x87654321;
	v2 =	vunpack.c.0.s8.s32 v0;
	s0 =	sshll.u32 s0, $0x3;
	v0 =	vmov s8;
	s8 =	simm.s32 $0x17A80;
	s16 =	sshll.u32 s6, $0x8  }
0x13: {  	v1 =	vunpack.c.l.s4.s8 v1;
	s21 =	sadd.s32 $0x1000, s12;
	s24 =	sadd.s32 $0x2000, s12;
	[dreg:$0x4] =	wrdreg s12  }
0x14: {  	s26 =	sadd.s32 $0x3000, s12;
	s12 =	sadd.s32 $0x4000, s25;
	[dreg:$0xa] =	wrdreg s0  }
.Ltmp0:
0x15: {  	v3 =	vimm.s32 $0xFFFFFFFF;
	v1 =	vunpack.c.0.s8.s32 v1;
	s25 =	simm.s32 $0x12A80;
	[dreg:$0x7] =	wrdreg s21;
	(pc) =	sbr.rel .LBB2_1-.Ltmp0, $4  }
0x16: {  	v4 =	vlaneseq.u32;
	vm0 =	vcmask $0x3F3C;
	v6 =	vimm.s32 $0x0;
	s0 =	simm.s32 $0x16280;
	s9 =	sadd.s32 $0xFFFF8000, s16;
	[dreg:$0x8] =	wrdreg s24  }
0x17: {  	vm1 =	vmmov $0xffff;
	v8 =	vshrl.u32 v4, $0x3;
	v5 =	vcombine.low v1, v2;
	[dreg:$0x9] =	wrdreg s26;
	s24 =	simm.s32 $0x12280;
	s17 =	sshrl.u32 s9, $0x3  }
0x18: {  	v7 =	vand.u32 $0x7, v4;
	v9 =	vor.u32 $0x8, v4;
	v8 =	vmul.u32 $0x8, v8;
	s26 =	simm.s32 $0x13280;
	s21 =	simm.s32 $0x0;
	s3 =	sadd.s32 s4, s17  }
0x19: {  	v2 =	vimm.f32 $0.0e+00;
	v5 =	vand.u32 $0xF, v5;
	v1 =	vmov s6;
	s9 =	simm.s32 $0x1;
	[dreg:$0x5] =	wrdreg s3;
	s3 =	simm.s32 $0x16A80  }
.LBB2_20:
0x1a: {  	s21 =	sadd.s32 $0x1, s21;
	s6 =	rddreg [dreg:$0x6]  }
0x1b: {  	p0 =	sne.s32 s21, s6  }
.Ltmp1:
0x1c: {  	_ = 	snop;
	(pc) =	sbr.rel @!p0 .LBB2_21-.Ltmp1, $1  }
0x1d: {  	_ =	sdelay $0x3  }
.LBB2_1:
0x1e: {  	s6 =	simm.s32 $0x0  }
0x1f: {  	s10 =	sand.u32 $0x400, s5;
	s11 =	simm.s32 $0x0;
	s6 =	sand.u32 $0x7800, s6  }
0x20: {  	s11 =	sand.u32 $0x380, s11;
	s6 =	sor.u32 s10, s6  }
0x21: {  	s17 =	sand.u32 $0x70, s5;
	s6 =	sor.u32 s6, s11  }
0x22: {  	s10 =	sor.u32 s17, s6  }
0x23: {  	s11 =	simm.s32 $0x0;
	s6 =	simm.s32 $0x1;
	[tilespmem:s10+$0x10280] =	vst v2;
	s10 =	simm.s32 $0x80  }
.LBB2_2:
0x24: {  	s13 =	sshll.u32 s6, $0x4;
	p0 =	sne.s32 s6, $0x7FF  }
0x25: {  	s16 =	smov.u32 s6;
	s6 =	sadd.s32 $0x1, s6;
	s17 =	sand.u32 $0x400, s10  }
.Ltmp2:
0x26: {  	s13 =	sand.u32 $0x7800, s13;
	s16 =	sshll.u32 s16, $0x3;
	(pc) =	sbr.rel @p0 .LBB2_2-.Ltmp2, $4  }
0x27: {  	s11 =	sadd.s32 $0x10, s11;
	s16 =	sand.u32 $0x380, s16;
	s13 =	sor.u32 s17, s13  }
0x28: {  	s17 =	sand.u32 $0x70, s11;
	s13 =	sor.u32 s13, s16  }
0x29: {  	s13 =	sor.u32 s17, s13  }
0x2a: {  	s10 =	sadd.s32 $0x80, s10;
	[tilespmem:s13+$0x10280] =	vst v2  }
0x2b: {  	s6 =	simm.s32 $0x0;
	s10 =	rddreg [dreg:$0x4]  }
0x2c: {  	[hbm4b:s10+s6] =	stream.linear.scatter [tilespmem:s14], [sflag:$0x2], $0x8000, $0x38;
	[tilespmem:$0x18300] =	vst v63  }
0x2d: {  	s13 =	rddreg [dreg:$0x7]  }
0x2e: {  	[hbm4b:s13+s6] =	stream.linear.scatter [tilespmem:s14], [sflag:$0x2], $0x8000, $0x38;
	[tilespmem:$0x18300] =	vst v63  }
0x2f: {  	s16 =	rddreg [dreg:$0x8]  }
0x30: {  	[hbm4b:s16+s6] =	stream.linear.scatter [tilespmem:s14], [sflag:$0x2], $0x8000, $0x38;
	[tilespmem:$0x18300] =	vst v63  }
0x31: {  	s17 =	rddreg [dreg:$0x9]  }
0x32: {  	[hbm4b:s17+s6] =	stream.linear.scatter [tilespmem:s14], [sflag:$0x2], $0x8000, $0x38;
	[tilespmem:$0x18300] =	vst v63  }
0x33: {  	_ =	swait.ge [sflag:s15], $0x8000  }
0x34: {  	[sflag:s15] =	ssyncset.done $0x0  }
0x35: {  	s10 =	sadd.s32 $0x0, s12;
	s6 =	simm.s32 $0x1000;
	[sflag:s15] =	ssyncadd.s32 $0xFFFF8000  }
.LBB2_4:
0x36: {  	[hbm4b:s10+s5] =	stream.linear.scatter [tilespmem:s14], [sflag:$0x2], $0x8000, $0x38;
	[tilespmem:$0x18300] =	vst v63  }
0x37: {  	s10 =	smov.u32 s6;
	p0 =	sne.s32 s6, $0x2B000  }
.Ltmp3:
0x38: {  	s6 =	sadd.s32 $0x1000, s6;
	(pc) =	sbr.rel @p0 .LBB2_4-.Ltmp3, $4  }
0x39: {  	_ = 	snop  }
0x3a: {  	_ =	swait.ge [sflag:s15], $0x8000  }
0x3b: {  	[sflag:s15] =	ssyncset.done $0x0  }
0x3c: {  	s10 =	sadd.s32 s10, s12;
	[sflag:s15] =	ssyncadd.s32 $0xFFFF8000  }
0x3d: {  	[hbm4b:s10+s5] =	stream.linear.scatter [tilespmem:s14], [sflag:$0x2], $0x8000, $0x38;
	[tilespmem:$0x18300] =	vst v63  }
0x3e: {  	s6 =	simm.s32 $0x0;
	s13 =	rddreg [dreg:$0x5]  }
0x3f: {  	[hbm4b:s13+s6] =	stream.linear.scatter [tilespmem:s14], [sflag:$0x2], $0x8000, $0x38;
	[tilespmem:$0x18300] =	vst v63  }
0x40: {  	s16 =	rddreg [dreg:$0x1];
	s17 =	simm.s32 $0x3  }
0x41: {  	[tilespmem:s6], [sflag:$0x3] =	stream.linear.gather [hbm4b:s16+s6], $0x8000, $0x38;
	[tilespmem:$0x18300] =	vst v63  }
0x42: {  	_ =	swait.ge [sflag:s17], $0x8000  }
0x43: {  	[sflag:s17] =	ssyncset.done $0x0  }
0x44: {  	s10 =	simm.s32 $0x40;
	s11 =	simm.s32 $0x0;
	[sflag:s17] =	ssyncadd.s32 $0xFFFF8000  }
.LBB2_6:
0x45: {  	p0 =	sne.s32 s10, $0x6180;
	[tilespmem:s11+$0x8000] =	vst v3;
	s11 =	smov.u32 s10;
	s10 =	sadd.s32 $0x40, s10  }
.Ltmp4:
0x46: {  	(pc) =	sbr.rel @p0 .LBB2_6-.Ltmp4, $2  }
0x47: {  	_ =	sdelay $0x2  }
0x48: {  	s11 =	sshra.s32 s11, $0x2  }
0x49: {  	[tilespmem:s11+$0x8000] =	vst v3;
	s10 =	simm.s32 $0x0  }
.LBB2_8:
0x4a: {  	v10 =	vld [tilespmem:s6+$0x0];
	_ =	sdelay $0x4  }
0x4b: {  	v11 =	vsub.s32 v10, v0  }
0x4c: {  	v11 =	vshll.u32 v11, $0xF  }
0x4d: {  	vm2 =	vge.s32 v10, v0;
	vm3 =	vlt.s32 v10, v1;
	v10 =	vadd.s32 s10, v11  }
0x4e: {  	vm2 =	vmand vm2, vm3;
	v10 =	vadd.s32 v4, v10  }
0x4f: {  	v10 =	vnsel vm2, $0x7FFFFFFF, v10  }
0x50: {  	v11 =	vxor.u32 $0x80000000, v10  }
0x51: {  	(xrf1) =	vsort.ascd.msk.u32 $0xffff, v11, v10;
	_ =	sdelay $0xd  }
0x52: {  	v10, _, _ =	vpop (xrf1)  }
0x53: {  	v11 =	vxor.u32 $0x80000000, v10  }
0x54: {  	[tilespmem:$0x18280] =	vst v11  }
0x55: {  	v12 =	vld.idx.msk [tilespmem:v5+s22+$0x0], $0xffff;
	_ =	sdelay $0x4  }
0x56: {  	v11 =	vshrl.u32 v11, $0xF;
	v12 =	vshrl.u32 v12, $0xF  }
0x57: {  	vm2 =	vne.s32 v12, v11  }
0x58: {  	vm3 =	vne.s32 v10, $0xFFFFFFFF;
	vm2 =	vmor vm2, vm0  }
0x59: {  	vm2 =	vmand vm3, vm2  }
0x5a: {  	p0 =	seq.s32 s10, $0x7FF0  }
.Ltmp5:
0x5b: {  	_ = 	snop;
	(pc) =	sbr.rel @!p0 .LBB2_8-.Ltmp5, $3  }
0x5c: {  	_ =	sdelay $0x1  }
0x5d: {  	v10 =	vand.u32 $0x7FFF, v10  }
0x5e: {  	s6 =	sadd.s32 $0x10, s6;
	s10 =	sadd.s32 $0x10, s10;
	[tilespmem:v11+s18+$0x0] =	vst.idx.msk vm2, v10  }
0x5f: {  	s10 =	simm.s32 $0x0  }
0x60: {  	v10 =	vld [tilespmem:s10+$0x8000];
	_ =	sdelay $0x4  }
0x61: {  	vm2 =	vgt.s32 v10, $0xFFFFFFFF  }
0x62: {  	v11 =	vsel vm2, $0x1, v6  }
0x63: {  	(xrf0) =	vadd.scan.msk.s32 $0xffff, v11;
	_ =	sdelay $0x1  }
0x64: {  	s6 =	simm.s32 $0x0  }
0x65: {  	v11 =	vmov s6  }
0x66: {  	v11 =	vadd.s32 $0xFFFFFFFF, v11  }
0x67: {  	v11 =	vbroadcast v11, $0x0  }
0x68: {  	v12, _, _ =	vpop (xrf0)  }
0x69: {  	v11 =	vadd.s32 v12, v11;
	(v2sf) =	vpush v12, $0xF;
	_ =	sdelay $0x2  }
0x6a: {  	s10 =	rddreg [dreg:$0xa]  }
0x6b: {  	v13 =	vadd.s32 s10, v4  }
0x6c: {  	[tilespmem:v11+s19+$0x0] =	vst.idx.msk vm2, v13  }
0x6d: {  	s13 =	simm.s32 $0x10;
	s11 =	simm.s32 $0x80;
	[tilespmem:v11+s20+$0x0] =	vst.idx.msk vm2, v10  }
.LBB2_10:
0x6e: {  	p0 =	seq.s32 s11, $0x6180;
	v10 =	vld [tilespmem:s13+$0x8000];
	_ =	sdelay $0x4  }
0x6f: {  	vm2 =	vgt.s32 v10, $0xFFFFFFFF  }
0x70: {  	v11 =	vsel vm2, $0x1, v6  }
0x71: {  	(xrf0) =	vadd.scan.msk.s32 $0xffff, v11  }
0x72: {  	s13 =	spop (v2sf)  }
0x73: {  	s6 =	sadd.s32 s6, s13  }
0x74: {  	v11 =	vmov s6  }
0x75: {  	v11 =	vadd.s32 $0xFFFFFFFF, v11  }
0x76: {  	v11 =	vbroadcast v11, $0x0  }
0x77: {  	v12, _, _ =	vpop (xrf0)  }
0x78: {  	v11 =	vadd.s32 v12, v11;
	(v2sf) =	vpush v12, $0xF;
	_ =	sdelay $0x1  }
.Ltmp6:
0x79: {  	(pc) =	sbr.rel @!p0 .LBB2_10-.Ltmp6, $4  }
0x7a: {  	s10 =	sadd.s32 $0x10, s10  }
0x7b: {  	v12 =	vadd.s32 s10, v4  }
0x7c: {  	[tilespmem:v11+s19+$0x0] =	vst.idx.msk vm2, v12  }
0x7d: {  	s13 =	sshra.s32 s11, $0x2;
	s11 =	sadd.s32 $0x40, s11;
	[tilespmem:v11+s20+$0x0] =	vst.idx.msk vm2, v10  }
0x7e: {  	v10 =	vld [tilespmem:s13+$0x8000];
	_ =	sdelay $0x4  }
0x7f: {  	vm2 =	vgt.s32 v10, $0xFFFFFFFF  }
0x80: {  	v11 =	vsel vm2, $0x1, v6  }
0x81: {  	(xrf0) =	vadd.scan.msk.s32 $0xffff, v11;
	_ =	sdelay $0x5  }
0x82: {  	v11, _, _ =	vpop (xrf0)  }
0x83: {  	(v2sf) =	vpush v11, $0xF;
	_ =	sdelay $0x2  }
0x84: {  	s11 =	spop (v2sf)  }
0x85: {  	s6 =	sadd.s32 s6, s11  }
0x86: {  	v12 =	vmov s6  }
0x87: {  	v12 =	vadd.s32 $0xFFFFFFFF, v12  }
0x88: {  	v12 =	vbroadcast v12, $0x0;
	_ =	sdelay $0x1  }
0x89: {  	v11 =	vadd.s32 v11, v12;
	_ =	sdelay $0x2  }
0x8a: {  	s10 =	sadd.s32 $0x10, s10  }
0x8b: {  	v63 =	vadd.s32 s10, v4  }
0x8c: {  	[tilespmem:v11+s19+$0x0] =	vst.idx.msk vm2, v63  }
0x8d: {  	[tilespmem:v11+s20+$0x0] =	vst.idx.msk vm2, v10;
	s17 =	spop (v2sf)  }
0x8e: {  	_ =	swait.ge [sflag:s15], $0x8000  }
0x8f: {  	[sflag:s15] =	ssyncset.done $0x0  }
0x90: {  	[sflag:s15] =	ssyncadd.s32 $0xFFFF8000  }
0x91: {  	_ =	swait.ge [sflag:s15], $0x8000  }
0x92: {  	[sflag:s15] =	ssyncset.done $0x0  }
0x93: {  	[sflag:s15] =	ssyncadd.s32 $0xFFFF8000  }
0x94: {  	_ =	swait.ge [sflag:s15], $0x8000  }
0x95: {  	[sflag:s15] =	ssyncset.done $0x0  }
0x96: {  	[sflag:s15] =	ssyncadd.s32 $0xFFFF8000  }
0x97: {  	_ =	swait.ge [sflag:s15], $0x8000  }
0x98: {  	[sflag:s15] =	ssyncset.done $0x0  }
0x99: {  	[sflag:s15] =	ssyncadd.s32 $0xFFFF8000  }
0x9a: {  	_ =	swait.ge [sflag:s15], $0x8000  }
0x9b: {  	s6 =	sadd.s32 s6, s17;
	[sflag:s15] =	ssyncset.done $0x0  }
0x9c: {  	p0 =	sgt.s32 s6, $0x0;
	[sflag:s15] =	ssyncadd.s32 $0xFFFF8000  }
0x9d: {  	v10 =	vld.msk @p0 [tilespmem:$0x9880 ss:$0x0], $0xffff  }
0x9e: {  	v11 =	vld.msk @p0 [tilespmem:$0xB180 ss:$0x0], $0xffff;
	_ =	sdelay $0x3  }
0x9f: {  	[tilespmem:s6+$0x9880] =	vst @p0 v10  }
0xa0: {  	s10 =	sadd.s32 @p0 $0x7F, s6;
	[tilespmem:s6+$0xB180] =	vst @p0 v11  }
0xa1: {  	s11 =	sand.u32 @p0 $0x7F, s10;
	[tilespmem:s6+$0x9890] =	vst @p0 v10  }
0xa2: {  	p1 =	slt.s32 @p0 s10, $0x0;
	p2 =	sne.s32 @p0 s11, $0x0;
	[tilespmem:s6+$0xB190] =	vst @p0 v11  }
0xa3: {  	s11 =	sshra.s32 @p0 s10, $0x1F;
	p1 =	por @p0 !p1, !p2;
	[tilespmem:s6+$0x98A0] =	vst @p0 v10  }
0xa4: {  	s11 =	sshrl.u32 @p0 s11, $0x19;
	p1 =	por @p0 !p1, !p1;
	[tilespmem:s6+$0xB1A0] =	vst @p0 v11  }
0xa5: {  	s10 =	sadd.s32 @p0 s11, s10;
	s11 =	simm.s32 @p0 $0x1;
	p1 =	por !p1, !p0;
	[tilespmem:s6+$0x98B0] =	vst @p0 v10  }
0xa6: {  	s10 =	sshra.s32 @p0 s10, $0x7;
	s11 =	simm.s32 @p1 $0x0;
	[tilespmem:s6+$0xB1B0] =	vst @p0 v11  }
0xa7: {  	s11 =	ssub.s32 @p0 s10, s11;
	[tilespmem:s6+$0x98C0] =	vst @p0 v10  }
0xa8: {  	p1 =	slt.s32 @p0 s11, $0x1;
	[tilespmem:s6+$0xB1C0] =	vst @p0 v11  }
0xa9: {  	p1 =	por !p0, p1;
	[tilespmem:s6+$0x98D0] =	vst @p0 v10  }
.Ltmp7:
0xaa: {  	[tilespmem:s6+$0xB1D0] =	vst @p0 v11;
	(pc) =	sbr.rel @p1 .LBB2_20-.Ltmp7, $4  }
0xab: {  	[tilespmem:s6+$0x98E0] =	vst @p0 v10  }
0xac: {  	[tilespmem:s6+$0xB1E0] =	vst @p0 v11  }
0xad: {  	[tilespmem:s6+$0x98F0] =	vst @p0 v10  }
0xae: {  	[tilespmem:s6+$0xB1F0] =	vst @p0 v11  }
0xaf: {  	p1 =	sne.s32 s11, $0x1  }
.Ltmp8:
0xb0: {  	_ = 	snop;
	(pc) =	sbr.rel @!p1 .LBB2_13-.Ltmp8, $4  }
0xb1: {  	_ = 	snop  }
0xb2: {  	[dreg:$0xb] =	wrdreg s21  }
0xb3: {  	s18 =	simm.s32 @p0 $0xE6C0;
	s17 =	simm.s32 @p0 $0xCAC0;
	s10 =	simm.s32 @p0 $0x98C0  }
0xb4: {  	s21 =	simm.s32 @p0 $0xB1C0;
	s6 =	sadd.s32 $0xFFFFFFFF, s11;
	p0 =	por $0x0, $0x0;
	v10 =	vld [tilespmem:s10+$0xFFFFFFC0]  }
0xb5: {  	_ =	sdelay $0x3  }
0xb6: {  	[tilespmem:s17+$0xFFFFFFC0] =	vst v10  }
0xb7: {  	v10 =	vld [tilespmem:s21+$0xFFFFFFC0];
	_ =	sdelay $0x4  }
0xb8: {  	[tilespmem:s18+$0xFFFFFFC0] =	vst v10  }
0xb9: {  	v10 =	vld [tilespmem:s10+$0xFFFFFFD0];
	_ =	sdelay $0x4  }
0xba: {  	[tilespmem:s17+$0xFFFFFFD0] =	vst v10  }
0xbb: {  	v10 =	vld [tilespmem:s21+$0xFFFFFFD0];
	_ =	sdelay $0x4  }
0xbc: {  	[tilespmem:s18+$0xFFFFFFD0] =	vst v10  }
0xbd: {  	v10 =	vld [tilespmem:s10+$0xFFFFFFE0];
	_ =	sdelay $0x4  }
0xbe: {  	[tilespmem:s17+$0xFFFFFFE0] =	vst v10  }
0xbf: {  	v10 =	vld [tilespmem:s21+$0xFFFFFFE0];
	_ =	sdelay $0x4  }
0xc0: {  	[tilespmem:s18+$0xFFFFFFE0] =	vst v10  }
0xc1: {  	v10 =	vld [tilespmem:s10+$0xFFFFFFF0];
	_ =	sdelay $0x4  }
0xc2: {  	[tilespmem:s17+$0xFFFFFFF0] =	vst v10  }
0xc3: {  	v10 =	vld [tilespmem:s21+$0xFFFFFFF0];
	_ =	sdelay $0x4  }
0xc4: {  	[tilespmem:s18+$0xFFFFFFF0] =	vst v10  }
0xc5: {  	v10 =	vld [tilespmem:s10+$0x0];
	_ =	sdelay $0x4  }
0xc6: {  	[tilespmem:s17+$0x0] =	vst v10  }
0xc7: {  	v10 =	vld [tilespmem:s21+$0x0];
	_ =	sdelay $0x4  }
0xc8: {  	[tilespmem:s18+$0x0] =	vst v10  }
0xc9: {  	v10 =	vld [tilespmem:s10+$0x10];
	_ =	sdelay $0x4  }
0xca: {  	[tilespmem:s17+$0x10] =	vst v10  }
0xcb: {  	v10 =	vld [tilespmem:s21+$0x10];
	_ =	sdelay $0x4  }
0xcc: {  	[tilespmem:s18+$0x10] =	vst v10  }
0xcd: {  	v10 =	vld [tilespmem:s10+$0x20];
	_ =	sdelay $0x4  }
0xce: {  	[tilespmem:s17+$0x20] =	vst v10  }
0xcf: {  	v10 =	vld [tilespmem:s21+$0x20];
	_ =	sdelay $0x4  }
0xd0: {  	[tilespmem:s18+$0x20] =	vst v10  }
0xd1: {  	v10 =	vld [tilespmem:s10+$0x30];
	_ =	sdelay $0x4  }
0xd2: {  	[tilespmem:s17+$0x30] =	vst v10  }
0xd3: {  	v10 =	vld [tilespmem:s21+$0x30]  }
0xd4: {  	p1 =	sne.s32 s6, $0x1  }
.Ltmp9:
0xd5: {  	_ = 	snop;
	(pc) =	sbr.rel @!p1 .LBB2_15-.Ltmp9, $3  }
0xd6: {  	_ =	sdelay $0x1  }
0xd7: {  	s22 =	sadd.s32 $0xFFFFFFFF, s6;
	p0 =	por $0x1, $0x1;
	s10 =	simm.s32 $0x9940;
	[tilespmem:s18+$0x30] =	vst v10  }
0xd8: {  	s16 =	smov.u32 s17;
	s13 =	smov.u32 s21;
	s6 =	smov.u32 s18;
	v10 =	vld [tilespmem:s10+$0xFFFFFFC0]  }
.LBB2_16:
0xd9: {  	p1 =	sne.s32 s22, $0x1;
	_ =	sdelay $0x2  }
0xda: {  	s16 =	sadd.s32 $0x80, s16  }
0xdb: {  	s13 =	sadd.s32 $0x80, s13;
	[tilespmem:s16+$0xFFFFFFC0] =	vst v10  }
0xdc: {  	v10 =	vld [tilespmem:s13+$0xFFFFFFC0];
	_ =	sdelay $0x3  }
0xdd: {  	s6 =	sadd.s32 $0x80, s6  }
0xde: {  	[tilespmem:s6+$0xFFFFFFC0] =	vst v10  }
0xdf: {  	v10 =	vld [tilespmem:s10+$0xFFFFFFD0];
	_ =	sdelay $0x4  }
0xe0: {  	[tilespmem:s16+$0xFFFFFFD0] =	vst v10  }
0xe1: {  	v10 =	vld [tilespmem:s13+$0xFFFFFFD0];
	_ =	sdelay $0x4  }
0xe2: {  	[tilespmem:s6+$0xFFFFFFD0] =	vst v10  }
0xe3: {  	v10 =	vld [tilespmem:s10+$0xFFFFFFE0];
	_ =	sdelay $0x4  }
0xe4: {  	[tilespmem:s16+$0xFFFFFFE0] =	vst v10  }
0xe5: {  	v10 =	vld [tilespmem:s13+$0xFFFFFFE0];
	_ =	sdelay $0x4  }
0xe6: {  	[tilespmem:s6+$0xFFFFFFE0] =	vst v10  }
0xe7: {  	v10 =	vld [tilespmem:s10+$0xFFFFFFF0];
	_ =	sdelay $0x4  }
0xe8: {  	[tilespmem:s16+$0xFFFFFFF0] =	vst v10  }
0xe9: {  	v10 =	vld [tilespmem:s13+$0xFFFFFFF0];
	_ =	sdelay $0x4  }
0xea: {  	[tilespmem:s6+$0xFFFFFFF0] =	vst v10  }
0xeb: {  	v10 =	vld [tilespmem:s10+$0x0];
	_ =	sdelay $0x4  }
0xec: {  	[tilespmem:s16+$0x0] =	vst v10  }
0xed: {  	v10 =	vld [tilespmem:s13+$0x0];
	_ =	sdelay $0x4  }
0xee: {  	[tilespmem:s6+$0x0] =	vst v10  }
0xef: {  	v10 =	vld [tilespmem:s10+$0x10];
	_ =	sdelay $0x4  }
0xf0: {  	[tilespmem:s16+$0x10] =	vst v10  }
0xf1: {  	v10 =	vld [tilespmem:s13+$0x10];
	_ =	sdelay $0x4  }
0xf2: {  	[tilespmem:s6+$0x10] =	vst v10  }
0xf3: {  	v10 =	vld [tilespmem:s10+$0x20];
	_ =	sdelay $0x4  }
0xf4: {  	[tilespmem:s16+$0x20] =	vst v10  }
0xf5: {  	v10 =	vld [tilespmem:s13+$0x20];
	_ =	sdelay $0x4  }
0xf6: {  	[tilespmem:s6+$0x20] =	vst v10  }
0xf7: {  	v10 =	vld [tilespmem:s10+$0x30];
	_ =	sdelay $0x4  }
0xf8: {  	[tilespmem:s16+$0x30] =	vst v10  }
0xf9: {  	v10 =	vld [tilespmem:s13+$0x30];
	_ =	sdelay $0x1  }
.Ltmp10:
0xfa: {  	(pc) =	sbr.rel @p1 .LBB2_16-.Ltmp10, $3  }
0xfb: {  	_ =	sdelay $0x1  }
0xfc: {  	s10 =	sadd.s32 $0x80, s10;
	[tilespmem:s6+$0x30] =	vst v10  }
0xfd: {  	s22 =	sadd.s32 $0xFFFFFFFF, s22;
	v10 =	vld [tilespmem:s10+$0xFFFFFFC0]  }
0xfe: {  	s22 =	simm.s32 $0x18280  }
.LBB2_18:
0xff: {  	_ = 	snop  }
0x100: {  	s16 =	sadd.s32 @p0 $0x80, s16  }
0x101: {  	s13 =	sadd.s32 @p0 $0x80, s13;
	s17 =	smov.u32 @p0 s16  }
0x102: {  	s21 =	smov.u32 @p0 s13;
	[tilespmem:s17+$0xFFFFFFC0] =	vst v10  }
0x103: {  	v10 =	vld [tilespmem:s21+$0xFFFFFFC0];
	_ =	sdelay $0x2  }
0x104: {  	s6 =	sadd.s32 @p0 $0x80, s6  }
0x105: {  	s18 =	smov.u32 @p0 s6  }
0x106: {  	[tilespmem:s18+$0xFFFFFFC0] =	vst v10  }
0x107: {  	v10 =	vld [tilespmem:s10+$0xFFFFFFD0];
	_ =	sdelay $0x4  }
0x108: {  	[tilespmem:s17+$0xFFFFFFD0] =	vst v10  }
0x109: {  	v10 =	vld [tilespmem:s21+$0xFFFFFFD0];
	_ =	sdelay $0x4  }
0x10a: {  	[tilespmem:s18+$0xFFFFFFD0] =	vst v10  }
0x10b: {  	v10 =	vld [tilespmem:s10+$0xFFFFFFE0];
	_ =	sdelay $0x4  }
0x10c: {  	[tilespmem:s17+$0xFFFFFFE0] =	vst v10  }
0x10d: {  	v10 =	vld [tilespmem:s21+$0xFFFFFFE0];
	_ =	sdelay $0x4  }
0x10e: {  	[tilespmem:s18+$0xFFFFFFE0] =	vst v10  }
0x10f: {  	v10 =	vld [tilespmem:s10+$0xFFFFFFF0];
	_ =	sdelay $0x4  }
0x110: {  	[tilespmem:s17+$0xFFFFFFF0] =	vst v10  }
0x111: {  	v10 =	vld [tilespmem:s21+$0xFFFFFFF0];
	_ =	sdelay $0x4  }
0x112: {  	[tilespmem:s18+$0xFFFFFFF0] =	vst v10  }
0x113: {  	v10 =	vld [tilespmem:s10+$0x0];
	_ =	sdelay $0x4  }
0x114: {  	[tilespmem:s17+$0x0] =	vst v10  }
0x115: {  	v10 =	vld [tilespmem:s21+$0x0];
	_ =	sdelay $0x4  }
0x116: {  	[tilespmem:s18+$0x0] =	vst v10  }
0x117: {  	v10 =	vld [tilespmem:s10+$0x10];
	_ =	sdelay $0x4  }
0x118: {  	[tilespmem:s17+$0x10] =	vst v10  }
0x119: {  	v10 =	vld [tilespmem:s21+$0x10];
	_ =	sdelay $0x4  }
0x11a: {  	[tilespmem:s18+$0x10] =	vst v10  }
0x11b: {  	v10 =	vld [tilespmem:s10+$0x20];
	_ =	sdelay $0x4  }
0x11c: {  	[tilespmem:s17+$0x20] =	vst v10  }
0x11d: {  	v10 =	vld [tilespmem:s21+$0x20];
	_ =	sdelay $0x4  }
0x11e: {  	[tilespmem:s18+$0x20] =	vst v10  }
0x11f: {  	v10 =	vld [tilespmem:s10+$0x30];
	_ =	sdelay $0x4  }
0x120: {  	[tilespmem:s17+$0x30] =	vst v10  }
0x121: {  	v10 =	vld [tilespmem:s21+$0x30];
	_ =	sdelay $0x3  }
0x122: {  	s6 =	simm.s32 $0xCAC0;
	s13 =	simm.s32 $0x10A80;
	s16 =	simm.s32 $0x11280  }
0x123: {  	s10 =	simm.s32 $0xE6C0;
	s21 =	rddreg [dreg:$0xb];
	[tilespmem:s18+$0x30] =	vst v10;
	s18 =	simm.s32 $0x8000  }
.LBB2_19:
0x124: {  	v10 =	vld [tilespmem:s10+$0xFFFFFFC0];
	_ =	sdelay $0x4  }
0x125: {  	v11 =	vshll.u32 v10, $0x1  }
0x126: {  	v10 =	vand.u32 $0x7, v10;
	v11 =	vand.u32 $0xFFFFFFF0, v11  }
0x127: {  	v10 =	vor.u32 v10, v11  }
0x128: {  	v11 =	vperm.xlane v10, v7;
	_ =	sdelay $0x1  }
0x129: {  	v10 =	vperm.xlane v10, v9;
	v11 =	vadd.s32 v8, v11;
	_ =	sdelay $0x1  }
0x12a: {  	v10 =	vadd.s32 v8, v10;
	_ =	sdelay $0x2  }
0x12b: {  	[tilespmem:s14], [sflag:$0x1] =	stream.indirect_vreg.gather [hbm4b:s1+s5], $0x80, v11, vm1, $0xb8;
	[tilespmem:$0x18300] =	vst v63  }
0x12c: {  	_ = 	snop  }
0x12d: {  	[tilespmem:s13], [sflag:$0x1] =	stream.indirect_vreg.gather [hbm4b:s1+s5], $0x80, v10, vm1, $0xb8;
	[tilespmem:$0x18300] =	vst v63  }
0x12e: {  	v10 =	vld [tilespmem:s10+$0xFFFFFFD0];
	_ =	sdelay $0x4  }
0x12f: {  	v11 =	vshll.u32 v10, $0x1  }
0x130: {  	v10 =	vand.u32 $0x7, v10;
	v11 =	vand.u32 $0xFFFFFFF0, v11  }
0x131: {  	v10 =	vor.u32 v10, v11  }
0x132: {  	v11 =	vperm.xlane v10, v7;
	_ =	sdelay $0x1  }
0x133: {  	v10 =	vperm.xlane v10, v9;
	v11 =	vadd.s32 v8, v11;
	_ =	sdelay $0x1  }
0x134: {  	v10 =	vadd.s32 v8, v10;
	_ =	sdelay $0x2  }
0x135: {  	[tilespmem:s16], [sflag:$0x1] =	stream.indirect_vreg.gather [hbm4b:s1+s5], $0x80, v11, vm1, $0xb8;
	[tilespmem:$0x18300] =	vst v63  }
0x136: {  	_ = 	snop  }
0x137: {  	[tilespmem:s23], [sflag:$0x1] =	stream.indirect_vreg.gather [hbm4b:s1+s5], $0x80, v10, vm1, $0xb8;
	[tilespmem:$0x18300] =	vst v63  }
0x138: {  	v10 =	vld [tilespmem:s10+$0xFFFFFFE0];
	_ =	sdelay $0x4  }
0x139: {  	v11 =	vshll.u32 v10, $0x1  }
0x13a: {  	v10 =	vand.u32 $0x7, v10;
	v11 =	vand.u32 $0xFFFFFFF0, v11  }
0x13b: {  	v10 =	vor.u32 v10, v11  }
0x13c: {  	v11 =	vperm.xlane v10, v7;
	_ =	sdelay $0x1  }
0x13d: {  	v10 =	vperm.xlane v10, v9;
	v11 =	vadd.s32 v8, v11;
	_ =	sdelay $0x1  }
0x13e: {  	v10 =	vadd.s32 v8, v10;
	_ =	sdelay $0x2  }
0x13f: {  	[tilespmem:s24], [sflag:$0x1] =	stream.indirect_vreg.gather [hbm4b:s1+s5], $0x80, v11, vm1, $0xb8;
	[tilespmem:$0x18300] =	vst v63  }
0x140: {  	_ = 	snop  }
0x141: {  	[tilespmem:s25], [sflag:$0x1] =	stream.indirect_vreg.gather [hbm4b:s1+s5], $0x80, v10, vm1, $0xb8;
	[tilespmem:$0x18300] =	vst v63  }
0x142: {  	v10 =	vld [tilespmem:s10+$0xFFFFFFF0];
	_ =	sdelay $0x4  }
0x143: {  	v11 =	vshll.u32 v10, $0x1  }
0x144: {  	v10 =	vand.u32 $0x7, v10;
	v11 =	vand.u32 $0xFFFFFFF0, v11  }
0x145: {  	v10 =	vor.u32 v10, v11  }
0x146: {  	v11 =	vperm.xlane v10, v7;
	_ =	sdelay $0x1  }
0x147: {  	v10 =	vperm.xlane v10, v9;
	v11 =	vadd.s32 v8, v11;
	_ =	sdelay $0x1  }
0x148: {  	v10 =	vadd.s32 v8, v10;
	_ =	sdelay $0x2  }
0x149: {  	[tilespmem:s26], [sflag:$0x1] =	stream.indirect_vreg.gather [hbm4b:s1+s5], $0x80, v11, vm1, $0xb8;
	[tilespmem:$0x18300] =	vst v63  }
0x14a: {  	_ = 	snop  }
0x14b: {  	[tilespmem:s28], [sflag:$0x1] =	stream.indirect_vreg.gather [hbm4b:s1+s5], $0x80, v10, vm1, $0xb8;
	[tilespmem:$0x18300] =	vst v63  }
0x14c: {  	v10 =	vld [tilespmem:s10+$0x0];
	_ =	sdelay $0x4  }
0x14d: {  	v11 =	vshll.u32 v10, $0x1  }
0x14e: {  	v10 =	vand.u32 $0x7, v10;
	v11 =	vand.u32 $0xFFFFFFF0, v11  }
0x14f: {  	v10 =	vor.u32 v10, v11  }
0x150: {  	v11 =	vperm.xlane v10, v7;
	_ =	sdelay $0x1  }
0x151: {  	v10 =	vperm.xlane v10, v9;
	v11 =	vadd.s32 v8, v11;
	_ =	sdelay $0x1  }
0x152: {  	v10 =	vadd.s32 v8, v10;
	_ =	sdelay $0x2  }
0x153: {  	[tilespmem:s29], [sflag:$0x1] =	stream.indirect_vreg.gather [hbm4b:s1+s5], $0x80, v11, vm1, $0xb8;
	[tilespmem:$0x18300] =	vst v63  }
0x154: {  	_ = 	snop  }
0x155: {  	[tilespmem:s30], [sflag:$0x1] =	stream.indirect_vreg.gather [hbm4b:s1+s5], $0x80, v10, vm1, $0xb8;
	[tilespmem:$0x18300] =	vst v63  }
0x156: {  	v10 =	vld [tilespmem:s10+$0x10];
	_ =	sdelay $0x4  }
0x157: {  	v11 =	vshll.u32 v10, $0x1  }
0x158: {  	v10 =	vand.u32 $0x7, v10;
	v11 =	vand.u32 $0xFFFFFFF0, v11  }
0x159: {  	v10 =	vor.u32 v10, v11  }
0x15a: {  	v11 =	vperm.xlane v10, v7;
	_ =	sdelay $0x1  }
0x15b: {  	v10 =	vperm.xlane v10, v9;
	v11 =	vadd.s32 v8, v11;
	_ =	sdelay $0x1  }
0x15c: {  	v10 =	vadd.s32 v8, v10;
	_ =	sdelay $0x2  }
0x15d: {  	[tilespmem:s31], [sflag:$0x1] =	stream.indirect_vreg.gather [hbm4b:s1+s5], $0x80, v11, vm1, $0xb8;
	[tilespmem:$0x18300] =	vst v63  }
0x15e: {  	_ = 	snop  }
0x15f: {  	[tilespmem:s2], [sflag:$0x1] =	stream.indirect_vreg.gather [hbm4b:s1+s5], $0x80, v10, vm1, $0xb8;
	[tilespmem:$0x18300] =	vst v63  }
0x160: {  	v10 =	vld [tilespmem:s10+$0x20];
	_ =	sdelay $0x4  }
0x161: {  	v11 =	vshll.u32 v10, $0x1  }
0x162: {  	v10 =	vand.u32 $0x7, v10;
	v11 =	vand.u32 $0xFFFFFFF0, v11  }
0x163: {  	v10 =	vor.u32 v10, v11  }
0x164: {  	v11 =	vperm.xlane v10, v7;
	_ =	sdelay $0x1  }
0x165: {  	v10 =	vperm.xlane v10, v9;
	v11 =	vadd.s32 v8, v11;
	_ =	sdelay $0x1  }
0x166: {  	v10 =	vadd.s32 v8, v10;
	_ =	sdelay $0x2  }
0x167: {  	[tilespmem:s0], [sflag:$0x1] =	stream.indirect_vreg.gather [hbm4b:s1+s5], $0x80, v11, vm1, $0xb8;
	[tilespmem:$0x18300] =	vst v63  }
0x168: {  	_ = 	snop  }
0x169: {  	[tilespmem:s3], [sflag:$0x1] =	stream.indirect_vreg.gather [hbm4b:s1+s5], $0x80, v10, vm1, $0xb8;
	[tilespmem:$0x18300] =	vst v63  }
0x16a: {  	v10 =	vld [tilespmem:s10+$0x30];
	_ =	sdelay $0x4  }
0x16b: {  	v11 =	vshll.u32 v10, $0x1  }
0x16c: {  	v10 =	vand.u32 $0x7, v10;
	v11 =	vand.u32 $0xFFFFFFF0, v11  }
0x16d: {  	v10 =	vor.u32 v10, v11  }
0x16e: {  	v11 =	vperm.xlane v10, v7;
	_ =	sdelay $0x1  }
0x16f: {  	v10 =	vperm.xlane v10, v9;
	v11 =	vadd.s32 v8, v11;
	_ =	sdelay $0x1  }
0x170: {  	v10 =	vadd.s32 v8, v10;
	_ =	sdelay $0x2  }
0x171: {  	[tilespmem:s7], [sflag:$0x1] =	stream.indirect_vreg.gather [hbm4b:s1+s5], $0x80, v11, vm1, $0xb8;
	[tilespmem:$0x18300] =	vst v63  }
0x172: {  	_ = 	snop  }
0x173: {  	[tilespmem:s8], [sflag:$0x1] =	stream.indirect_vreg.gather [hbm4b:s1+s5], $0x80, v10, vm1, $0xb8;
	[tilespmem:$0x18300] =	vst v63  }
0x174: {  	_ =	swait.ge [sflag:s9], $0x8000  }
0x175: {  	[sflag:s9] =	ssyncset.done $0x0  }
0x176: {  	[sflag:s9] =	ssyncadd.s32 $0xFFFF8000  }
0x177: {  	v10 =	vld [tilespmem:s6+$0xFFFFFFC0];
	_ =	sdelay $0x4  }
0x178: {  	v11 =	vshll.u32 v10, $0x1  }
0x179: {  	v10 =	vand.u32 $0x7, v10;
	v11 =	vand.u32 $0xFFFFFFF0, v11  }
0x17a: {  	v10 =	vor.u32 v10, v11  }
0x17b: {  	v11 =	vperm.xlane v10, v7;
	_ =	sdelay $0x1  }
0x17c: {  	v10 =	vperm.xlane v10, v9;
	v11 =	vadd.s32 v8, v11;
	_ =	sdelay $0x1  }
0x17d: {  	v10 =	vadd.s32 v8, v10;
	_ =	sdelay $0x2  }
0x17e: {  	[hbm4b:s4+s5] =	stream.indirect_vreg.scatter [tilespmem:s14], [sflag:$0x1], $0x80, v11, vm1, $0xb8;
	[tilespmem:$0x18300] =	vst v63  }
0x17f: {  	_ = 	snop  }
0x180: {  	[hbm4b:s4+s5] =	stream.indirect_vreg.scatter [tilespmem:s13], [sflag:$0x1], $0x80, v10, vm1, $0xb8;
	[tilespmem:$0x18300] =	vst v63  }
0x181: {  	v10 =	vld [tilespmem:s6+$0xFFFFFFD0];
	_ =	sdelay $0x4  }
0x182: {  	v11 =	vshll.u32 v10, $0x1  }
0x183: {  	v10 =	vand.u32 $0x7, v10;
	v11 =	vand.u32 $0xFFFFFFF0, v11  }
0x184: {  	v10 =	vor.u32 v10, v11  }
0x185: {  	v11 =	vperm.xlane v10, v7;
	_ =	sdelay $0x1  }
0x186: {  	v10 =	vperm.xlane v10, v9;
	v11 =	vadd.s32 v8, v11;
	_ =	sdelay $0x1  }
0x187: {  	v10 =	vadd.s32 v8, v10;
	_ =	sdelay $0x2  }
0x188: {  	[hbm4b:s4+s5] =	stream.indirect_vreg.scatter [tilespmem:s16], [sflag:$0x1], $0x80, v11, vm1, $0xb8;
	[tilespmem:$0x18300] =	vst v63  }
0x189: {  	_ = 	snop  }
0x18a: {  	[hbm4b:s4+s5] =	stream.indirect_vreg.scatter [tilespmem:s23], [sflag:$0x1], $0x80, v10, vm1, $0xb8;
	[tilespmem:$0x18300] =	vst v63  }
0x18b: {  	v10 =	vld [tilespmem:s6+$0xFFFFFFE0];
	_ =	sdelay $0x4  }
0x18c: {  	v11 =	vshll.u32 v10, $0x1  }
0x18d: {  	v10 =	vand.u32 $0x7, v10;
	v11 =	vand.u32 $0xFFFFFFF0, v11  }
0x18e: {  	v10 =	vor.u32 v10, v11  }
0x18f: {  	v11 =	vperm.xlane v10, v7;
	_ =	sdelay $0x1  }
0x190: {  	v10 =	vperm.xlane v10, v9;
	v11 =	vadd.s32 v8, v11;
	_ =	sdelay $0x1  }
0x191: {  	v10 =	vadd.s32 v8, v10;
	_ =	sdelay $0x2  }
0x192: {  	[hbm4b:s4+s5] =	stream.indirect_vreg.scatter [tilespmem:s24], [sflag:$0x1], $0x80, v11, vm1, $0xb8;
	[tilespmem:$0x18300] =	vst v63  }
0x193: {  	_ = 	snop  }
0x194: {  	[hbm4b:s4+s5] =	stream.indirect_vreg.scatter [tilespmem:s25], [sflag:$0x1], $0x80, v10, vm1, $0xb8;
	[tilespmem:$0x18300] =	vst v63  }
0x195: {  	v10 =	vld [tilespmem:s6+$0xFFFFFFF0];
	_ =	sdelay $0x4  }
0x196: {  	v11 =	vshll.u32 v10, $0x1  }
0x197: {  	v10 =	vand.u32 $0x7, v10;
	v11 =	vand.u32 $0xFFFFFFF0, v11  }
0x198: {  	v10 =	vor.u32 v10, v11  }
0x199: {  	v11 =	vperm.xlane v10, v7;
	_ =	sdelay $0x1  }
0x19a: {  	v10 =	vperm.xlane v10, v9;
	v11 =	vadd.s32 v8, v11;
	_ =	sdelay $0x1  }
0x19b: {  	v10 =	vadd.s32 v8, v10;
	_ =	sdelay $0x2  }
0x19c: {  	[hbm4b:s4+s5] =	stream.indirect_vreg.scatter [tilespmem:s26], [sflag:$0x1], $0x80, v11, vm1, $0xb8;
	[tilespmem:$0x18300] =	vst v63  }
0x19d: {  	_ = 	snop  }
0x19e: {  	[hbm4b:s4+s5] =	stream.indirect_vreg.scatter [tilespmem:s28], [sflag:$0x1], $0x80, v10, vm1, $0xb8;
	[tilespmem:$0x18300] =	vst v63  }
0x19f: {  	v10 =	vld [tilespmem:s6+$0x0];
	_ =	sdelay $0x4  }
0x1a0: {  	v11 =	vshll.u32 v10, $0x1  }
0x1a1: {  	v10 =	vand.u32 $0x7, v10;
	v11 =	vand.u32 $0xFFFFFFF0, v11  }
0x1a2: {  	v10 =	vor.u32 v10, v11  }
0x1a3: {  	v11 =	vperm.xlane v10, v7;
	_ =	sdelay $0x1  }
0x1a4: {  	v10 =	vperm.xlane v10, v9;
	v11 =	vadd.s32 v8, v11;
	_ =	sdelay $0x1  }
0x1a5: {  	v10 =	vadd.s32 v8, v10;
	_ =	sdelay $0x2  }
0x1a6: {  	[hbm4b:s4+s5] =	stream.indirect_vreg.scatter [tilespmem:s29], [sflag:$0x1], $0x80, v11, vm1, $0xb8;
	[tilespmem:$0x18300] =	vst v63  }
0x1a7: {  	_ = 	snop  }
0x1a8: {  	[hbm4b:s4+s5] =	stream.indirect_vreg.scatter [tilespmem:s30], [sflag:$0x1], $0x80, v10, vm1, $0xb8;
	[tilespmem:$0x18300] =	vst v63  }
0x1a9: {  	v10 =	vld [tilespmem:s6+$0x10];
	_ =	sdelay $0x4  }
0x1aa: {  	v11 =	vshll.u32 v10, $0x1  }
0x1ab: {  	v10 =	vand.u32 $0x7, v10;
	v11 =	vand.u32 $0xFFFFFFF0, v11  }
0x1ac: {  	v10 =	vor.u32 v10, v11  }
0x1ad: {  	v11 =	vperm.xlane v10, v7;
	_ =	sdelay $0x1  }
0x1ae: {  	v10 =	vperm.xlane v10, v9;
	v11 =	vadd.s32 v8, v11;
	_ =	sdelay $0x1  }
0x1af: {  	v10 =	vadd.s32 v8, v10;
	_ =	sdelay $0x2  }
0x1b0: {  	[hbm4b:s4+s5] =	stream.indirect_vreg.scatter [tilespmem:s31], [sflag:$0x1], $0x80, v11, vm1, $0xb8;
	[tilespmem:$0x18300] =	vst v63  }
0x1b1: {  	_ = 	snop  }
0x1b2: {  	[hbm4b:s4+s5] =	stream.indirect_vreg.scatter [tilespmem:s2], [sflag:$0x1], $0x80, v10, vm1, $0xb8;
	[tilespmem:$0x18300] =	vst v63  }
0x1b3: {  	v10 =	vld [tilespmem:s6+$0x20];
	_ =	sdelay $0x4  }
0x1b4: {  	v11 =	vshll.u32 v10, $0x1  }
0x1b5: {  	v10 =	vand.u32 $0x7, v10;
	v11 =	vand.u32 $0xFFFFFFF0, v11  }
0x1b6: {  	v10 =	vor.u32 v10, v11  }
0x1b7: {  	v11 =	vperm.xlane v10, v7;
	_ =	sdelay $0x1  }
0x1b8: {  	v10 =	vperm.xlane v10, v9;
	v11 =	vadd.s32 v8, v11;
	_ =	sdelay $0x1  }
0x1b9: {  	v10 =	vadd.s32 v8, v10;
	_ =	sdelay $0x2  }
0x1ba: {  	[hbm4b:s4+s5] =	stream.indirect_vreg.scatter [tilespmem:s0], [sflag:$0x1], $0x80, v11, vm1, $0xb8;
	[tilespmem:$0x18300] =	vst v63  }
0x1bb: {  	_ = 	snop  }
0x1bc: {  	[hbm4b:s4+s5] =	stream.indirect_vreg.scatter [tilespmem:s3], [sflag:$0x1], $0x80, v10, vm1, $0xb8;
	[tilespmem:$0x18300] =	vst v63  }
0x1bd: {  	v10 =	vld [tilespmem:s6+$0x30];
	_ =	sdelay $0x4  }
0x1be: {  	v11 =	vshll.u32 v10, $0x1  }
0x1bf: {  	v10 =	vand.u32 $0x7, v10;
	v11 =	vand.u32 $0xFFFFFFF0, v11  }
0x1c0: {  	v10 =	vor.u32 v10, v11  }
0x1c1: {  	v11 =	vperm.xlane v10, v7;
	_ =	sdelay $0x1  }
0x1c2: {  	v10 =	vperm.xlane v10, v9;
	v11 =	vadd.s32 v8, v11;
	_ =	sdelay $0x1  }
0x1c3: {  	v10 =	vadd.s32 v8, v10;
	_ =	sdelay $0x1  }
0x1c4: {  	p0 =	sne.s32 s11, $0x1  }
0x1c5: {  	[hbm4b:s4+s5] =	stream.indirect_vreg.scatter [tilespmem:s7], [sflag:$0x1], $0x80, v11, vm1, $0xb8;
	[tilespmem:$0x18300] =	vst v63  }
.Ltmp11:
0x1c6: {  	_ = 	snop;
	(pc) =	sbr.rel @p0 .LBB2_19-.Ltmp11, $4  }
0x1c7: {  	[hbm4b:s4+s5] =	stream.indirect_vreg.scatter [tilespmem:s8], [sflag:$0x1], $0x80, v10, vm1, $0xb8;
	[tilespmem:$0x18300] =	vst v63  }
0x1c8: {  	_ =	swait.ge [sflag:s9], $0x8000  }
0x1c9: {  	s11 =	sadd.s32 $0xFFFFFFFF, s11;
	[sflag:s9] =	ssyncset.done $0x0  }
0x1ca: {  	s10 =	sadd.s32 $0x80, s10;
	s6 =	sadd.s32 $0x80, s6;
	[sflag:s9] =	ssyncadd.s32 $0xFFFF8000  }
.Ltmp12:
0x1cb: {  	_ = 	snop;
	(pc) =	sbr.rel .LBB2_20-.Ltmp12, $1  }
0x1cc: {  	_ =	sdelay $0x3  }
.LBB2_13:
.Ltmp13:
0x1cd: {  	(pc) =	sbr.rel .LBB2_18-.Ltmp13, $2  }
0x1ce: {  	_ =	sdelay $0x2  }
0x1cf: {  	s16 =	smov.u32 s17;
	s13 =	smov.u32 s21;
	s6 =	smov.u32 s18  }
.LBB2_15:
.Ltmp14:
0x1d0: {  	(pc) =	sbr.rel .LBB2_18-.Ltmp14, $3  }
0x1d1: {  	_ =	sdelay $0x1  }
0x1d2: {  	s16 =	smov.u32 s17  }
0x1d3: {  	s13 =	smov.u32 s21;
	s6 =	smov.u32 s18;
	s22 =	simm.s32 $0x18280  }
.LBB2_21:
0x1d4: {  	_ =	sfence.sel $0x180000  }
0x1d5: {  	[bflag:$0x0] =	sbarrier.arrive $0xFFFF  }
0x1d6: {  	_ =	strace $0x90000050  }
0x1d7: {  	s0 =	stileid.u32;
	[bflag:$0x2] =	sbarrier.arrive $0xFFFF  }
0x1d8: {  	p0 =	sne.s32 s0, $0x0;
	s0 =	rddreg [dreg:$0x3]  }
0x1d9: {  	s0 =	sadd.s32 @!p0 $0x100000, s0  }
0x1da: {  	[sflag:s0] =	ssyncadd.tile.s32 @!p0 $0x1;
	_ =	shalt  }
.Lfunc_end2:
_tile_overlayer_lowered:
.L_overlay_start_2:
0x1db: {  	(tag) =	ssettag $0x2  }
0x1dc: {  	s0 =	rddreg [dreg:$0x0];
	s2 =	stileid.u32  }
0x1dd: {  	s1 =	rddreg [dreg:$0x1];
	p0 =	sne.s32 s2, $0x0  }
0x1de: {  	s3 =	rddreg [dreg:$0x2];
	[bflag:$0x3] =	sbarrier.arrive $0xFFFF;
	s2 =	simm.s32 @!p0 $0x1C03  }
0x1df: {  	[timem:s3], [sflag:s2] =	dma.local @!p0 [hbm:s0], s1  }
0x1e0: {  	s0 =	simm.s32 @!p0 $0x3  }
0x1e1: {  	_ =	swait.ge @!p0 [sflag:s0], s1  }
0x1e2: {  	s1 =	ssub.s32 @!p0 $0x0, s1;
	[sflag:s0] =	ssyncset.done @!p0 $0x0  }
0x1e3: {  	[sflag:s0] =	ssyncadd.s32 @!p0 s1  }
0x1e4: {  	[bflag:$0x3] =	sbarrier.arrive $0xFFFF  }
0x1e5: {  	_ =	shalt  }

// kernel: kernel.9.cloned.1.call-start
scs
__scs_entry_jumppad:
0x0: {  	(pc) =	sbr.rel $0x88, $3  }
0x1: {  	(tag) =	ssettag $0x0;
	lr =	simm.s32 $0x1  }
0x2: {  	[smem:$0x3F8E] =	sst lr;
	_ =	strace $0xD0000000  }
0x3: {  	_ = 	snop  }
0x4: {  	_ = 	snop  }
0x5: {  	_ = 	snop  }
0x6: {  	_ = 	snop  }
0x7: {  	_ = 	snop  }
__scs_overlays_trampoline_lowered:
0x8: {  	[smem:$0x3F9D] =	sst s0  }
0x9: {  	[smem:$0x3F9E] =	sst s1  }
0xa: {  	[smem:$0x3F9F] =	sst s2  }
0xb: {  	[smem:$0x3FA0] =	sst s3  }
0xc: {  	[smem:$0x3FA1] =	sst s4  }
0xd: {  	[smem:$0x3FA2] =	sst s5  }
0xe: {  	[smem:$0x3FA3] =	sst s6  }
0xf: {  	[smem:$0x3FA4] =	sst s7  }
0x10: {  	[smem:$0x3FA5] =	sst s8  }
0x11: {  	[smem:$0x3FA6] =	sst s9;
	s0 =	simm.s32 @!p0 $0x0  }
0x12: {  	s1 =	sld [smem:$0x3F8C];
	s0 =	simm.s32 @p0 $0x1  }
0x13: {  	[smem:$0x3FA7] =	sst s0;
	s0 =	simm.s32 @!p1 $0x0  }
0x14: {  	s2 =	sld [smem:$0x3F8B];
	s0 =	simm.s32 @p1 $0x1  }
0x15: {  	[smem:$0x3FA8] =	sst s0;
	s0 =	simm.s32 @!p2 $0x0  }
0x16: {  	s3 =	sld [smem:$0x3FDB];
	s0 =	simm.s32 @p2 $0x1  }
0x17: {  	s4 =	simm.s32 $0x1BF5;
	[smem:$0x3FAA] =	sst s0  }
0x18: {  	s0 =	sld [smem:$0x3F8D];
	_ =	swait.ge [sflag:s4], $0x0  }
0x19: {  	s7 =	sld [smem:$0x3F8E]  }
0x1a: {  	s8 =	sadd.s32 $0xFFFFE003, lr  }
0x1b: {  	s9 =	sadd.s32 $0xFFFFFEF7, lr;
	s5 =	simm.s32 $0xFFFFFFFF;
	p2 =	slt.u32 s8, $0xFFFFF086  }
0x1c: {  	p1 =	slt.u32 s9, $0xF7A;
	s5 =	simm.s32 @!p2 $0x0  }
0x1d: {  	s5 =	simm.s32 @p1 $0x1;
	p0 =	seq.s32 s7, s2  }
0x1e: {  	s7 =	smul.u32 @!p0 $0xF7A, s2;
	p2 =	seq.s32 @!p0 s5, $0x0  }
0x1f: {  	s9 =	smul.u32 $0xF7A, s1;
	s8 =	simm.s32 @!p0 $0x1BF5;
	p2 =	por !p2, p0  }
0x20: {  	[sflag:s8] =	ssyncset.s32 @!p0 $0xFFFFF086;
	s6 =	sadd.s32 @!p0 s3, s7;
	s7 =	simm.s32 @!p0 $0x108  }
0x21: {  	s3 =	sadd.s32 s3, s9;
	s6 =	sadd.s32 @!p0 $0x88, s6;
	s7 =	simm.s32 @p2 $0x1082  }
0x22: {  	[simem:s7], [sflag:s8] =	dma.local @!p0 [hbm:s6], $0xF7A  }
0x23: {  	s9 =	sor.u32 $0xD0000000, s2;
	s6 =	simm.s32 $0x108;
	_ =	swait.ge @!p0 [sflag:s8], $0x0  }
0x24: {  	s3 =	sadd.s32 $0x88, s3;
	s6 =	simm.s32 @!p1 $0x1082;
	[sflag:s4] =	ssyncset.s32 $0xFFFFF086  }
0x25: {  	[simem:s6], [sflag:s4] =	dma.local [hbm:s3], $0xF7A  }
0x26: {  	[smem:$0x3F8E] =	sst s1;
	(tag) =	ssettag s2;
	_ =	strace s9  }
0x27: {  	s1 =	sld [smem:$0x3F9E]  }
0x28: {  	s2 =	sld [smem:$0x3F9F]  }
0x29: {  	s4 =	sld [smem:$0x3FA1]  }
0x2a: {  	p0 =	seq.s32 s5, $0x0;
	s5 =	sld [smem:$0x3FA2]  }
0x2b: {  	s6 =	sld [smem:$0x3FA3]  }
0x2c: {  	s7 =	sld [smem:$0x3FA4]  }
0x2d: {  	s3 =	simm.s32 $0x108;
	s8 =	sld [smem:$0x3FA5]  }
0x2e: {  	s3 =	simm.s32 @!p0 $0x1082;
	s9 =	sld [smem:$0x3FA6]  }
0x2f: {  	lr =	sadd.s32 s0, s3;
	s0 =	sld [smem:$0x3F9D]  }
0x30: {  	s3 =	sld [smem:$0x3FA0]  }
0x31: {  	[smem:$0x3FA9] =	sst s10  }
0x32: {  	s10 =	sld [smem:$0x3FA7];
	_ =	sdelay $0x3  }
0x33: {  	p0 =	seq.s32 s10, $0x1;
	s10 =	sld [smem:$0x3FA9];
	_ =	sdelay $0x3  }
0x34: {  	[smem:$0x3FA9] =	sst s10  }
0x35: {  	s10 =	sld [smem:$0x3FA8];
	_ =	sdelay $0x3  }
0x36: {  	p1 =	seq.s32 s10, $0x1;
	s10 =	sld [smem:$0x3FA9];
	_ =	sdelay $0x3  }
0x37: {  	[smem:$0x3FA9] =	sst s10  }
0x38: {  	s10 =	sld [smem:$0x3FAA]  }
0x39: {  	_ = 	snop;
	(pc) =	sbr.ind lr, $3  }
0x3a: {  	_ = 	snop  }
0x3b: {  	_ = 	snop  }
0x3c: {  	p2 =	seq.s32 s10, $0x1;
	s10 =	sld [smem:$0x3FA9]  }
0x3d: {  	_ =	shalt  }
0x3e: {  	_ =	shalt  }
0x3f: {  	_ =	shalt  }
0x40: {  	_ =	shalt  }
0x41: {  	_ =	shalt  }
0x42: {  	_ =	shalt  }
0x43: {  	_ =	shalt  }
0x44: {  	_ =	shalt  }
0x45: {  	_ =	shalt  }
0x46: {  	_ =	shalt  }
0x47: {  	_ =	shalt  }
0x48: {  	_ =	shalt  }
0x49: {  	_ =	shalt  }
0x4a: {  	_ =	shalt  }
0x4b: {  	_ =	shalt  }
0x4c: {  	_ =	shalt  }
0x4d: {  	_ =	shalt  }
0x4e: {  	_ =	shalt  }
0x4f: {  	_ =	shalt  }
0x50: {  	_ =	shalt  }
0x51: {  	_ =	shalt  }
0x52: {  	_ =	shalt  }
0x53: {  	_ =	shalt  }
0x54: {  	_ =	shalt  }
0x55: {  	_ =	shalt  }
0x56: {  	_ =	shalt  }
0x57: {  	_ =	shalt  }
0x58: {  	_ =	shalt  }
0x59: {  	_ =	shalt  }
0x5a: {  	_ =	shalt  }
0x5b: {  	_ =	shalt  }
0x5c: {  	_ =	shalt  }
0x5d: {  	_ =	shalt  }
0x5e: {  	_ =	shalt  }
0x5f: {  	_ =	shalt  }
0x60: {  	_ =	shalt  }
0x61: {  	_ =	shalt  }
0x62: {  	_ =	shalt  }
0x63: {  	_ =	shalt  }
0x64: {  	_ =	shalt  }
0x65: {  	_ =	shalt  }
0x66: {  	_ =	shalt  }
0x67: {  	_ =	shalt  }
0x68: {  	_ =	shalt  }
0x69: {  	_ =	shalt  }
0x6a: {  	_ =	shalt  }
0x6b: {  	_ =	shalt  }
0x6c: {  	_ =	shalt  }
0x6d: {  	_ =	shalt  }
0x6e: {  	_ =	shalt  }
0x6f: {  	_ =	shalt  }
0x70: {  	_ =	shalt  }
0x71: {  	_ =	shalt  }
0x72: {  	_ =	shalt  }
0x73: {  	_ =	shalt  }
0x74: {  	_ =	shalt  }
0x75: {  	_ =	shalt  }
0x76: {  	_ =	shalt  }
0x77: {  	_ =	shalt  }
0x78: {  	_ =	shalt  }
0x79: {  	_ =	shalt  }
0x7a: {  	_ =	shalt  }
0x7b: {  	_ =	shalt  }
0x7c: {  	_ =	shalt  }
0x7d: {  	_ =	shalt  }
0x7e: {  	_ =	shalt  }
0x7f: {  	_ =	shalt  }
0x80: {  	_ =	shalt  }
0x81: {  	_ =	shalt  }
0x82: {  	_ =	shalt  }
0x83: {  	_ =	shalt  }
0x84: {  	_ =	shalt  }
0x85: {  	_ =	shalt  }
0x86: {  	_ =	shalt  }
0x87: {  	_ =	shalt  }
.Lfunc_end0:
.L_simem_size_0:
called_computation_lowered:
.L_overlay_start_0:
0x88: {  	s2 =	sld [smem:$0x3FD9]  }
0x89: {  	s3 =	sld [smem:$0x3FFE];
	_ =	sdelay $0x1  }
0x8a: {  	s1 =	srdreg.scid  }
0x8b: {  	s0 =	sand.u32 $0x1, s1  }
0x8c: {  	s15 =	sshll.u32 s0, $0xA;
	s2 =	sadd.s32 s3, s2  }
0x8d: {  	s2 =	sadd.s32 s2, s15  }
0x8e: {  	[smem:$0x3FB5] =	sst s2  }
0x8f: {  	_ = 	snop  }
0x90: {  	s2 =	sld [smem:$0x3FD0];
	_ =	sdelay $0x1  }
0x91: {  	s16 =	sld [smem:$0x3FC9]  }
0x92: {  	s5 =	simm.s32 $0xB;
	s6 =	simm.s32 $0x10;
	s4 =	sld [smem:$0x3FC4]  }
0x93: {  	[smem:s6], [sflag:s5] =	dma.local [hbm:s2], $0x1  }
0x94: {  	_ =	swait.eq [sflag:s5], $0x1  }
0x95: {  	[sflag:s5] =	ssyncset.done $0x0  }
0x96: {  	[sflag:s5] =	ssyncadd.s32 $0xFFFFFFFF  }
0x97: {  	s17 =	sld [smem:$0x10];
	(tm) =	ssettm $0x1  }
0x98: {  	s18 =	sld [smem:$0x3FFB];
	_ =	sdelay $0x3  }
0x99: {  	_ =	strace s18  }
0x9a: {  	s5 =	sld [smem:$0x3FFC];
	_ =	sdelay $0x3  }
0x9b: {  	_ =	strace s5  }
0x9c: {  	s5 =	sld [smem:$0x3FFD];
	_ =	sdelay $0x3  }
0x9d: {  	_ =	strace s5  }
0x9e: {  	_ =	strace $0x8FFFFFFF  }
0x9f: {  	s19 =	sld [smem:$0x3FDB];
	_ =	sdelay $0x1  }
0xa0: {  	s20 =	simm.s32 $_scs_section_size  }
0xa1: {  	s7 =	simm.s32 $_size__tile_overlayer_lowered;
	s8 =	simm.s32 $_tile_overlayer_lowered  }
0xa2: {  	s23 =	simm.s32 $0x1BFF;
	s22 =	sshll.u32 s8, $0x1;
	s5 =	sadd.s32 s20, s19  }
0xa3: {  	s9 =	simm.s32 $0x0;
	s21 =	sshll.u32 s7, $0x1;
	s7 =	sadd.s32 s22, s5  }
0xa4: {  	[timem:s9], [sflag:s23] =	dma.local [hbm:s7], s21  }
0xa5: {  	_ =	swait.ge [sflag:s23], s21  }
0xa6: {  	s6 =	ssub.s32 $0x0, s21;
	[sflag:s23] =	ssyncset.done $0x0  }
0xa7: {  	[sflag:s23] =	ssyncadd.s32 s6;
	_ =	sdelay $0x1  }
0xa8: {  	s24 =	simm.s32 $0x1B8B  }
0xa9: {  	_ =	swait.ge [sflag:s24], $0x1  }
0xaa: {  	[sflag:s24] =	ssyncset.done $0x0  }
0xab: {  	s25 =	simm.s32 $0x1B8E;
	[sflag:s24] =	ssyncadd.s32 $0xFFFFFFFF  }
0xac: {  	s26 =	simm.s32 $execute0_lowered;
	[smem:$0x3FD2] =	sst s25  }
0xad: {  	s6 =	sshll.u32 s26, $0x1;
	_ =	strace $0x80000046;
	[dreg:$0x1] =	wrdreg $0xFFFFFFFF  }
0xae: {  	s28 =	simm.s32 $_size_execute0_lowered;
	s5 =	sadd.s32 s5, s6;
	[dreg:$0x0] =	wrdreg $0x0  }
0xaf: {  	s6 =	sshll.u32 s28, $0x1;
	[dreg:$0x2] =	wrdreg s5  }
0xb0: {  	[dreg:$0x3] =	wrdreg s6  }
0xb1: {  	[dreg:$0x4] =	wrdreg $0xC0  }
0xb2: {  	_ =	task [dreg:s9], $0x5FFFF  }
0xb3: {  	[dreg:$0x1] =	wrdreg $0xFFFFFFFF  }
0xb4: {  	[dreg:$0x0] =	wrdreg $0x60  }
0xb5: {  	[dreg:$0x2] =	wrdreg s4  }
0xb6: {  	[dreg:$0x3] =	wrdreg s16  }
0xb7: {  	[dreg:$0x4] =	wrdreg s17  }
0xb8: {  	[dreg:$0x5] =	wrdreg $0x9  }
0xb9: {  	_ =	task.clear_ibuf [dreg:s9], $0x6FFFF;
	_ =	strace $0x90000046  }
0xba: {  	s29 =	simm.s32 $0x9;
	_ =	strace $0x80000048  }
0xbb: {  	_ =	swait.ge [sflag:s29], $0x1  }
0xbc: {  	[sflag:s29] =	ssyncadd.s32 $0xFFFFFFFF  }
0xbd: {  	_ =	strace $0x90000048  }
0xbe: {  	_ =	sfence  }
0xbf: {  	s30 =	sld [smem:$0x0];
	_ =	sdelay $0x2  }
0xc0: {  	s31 =	sshll.u32 s1, $0xD;
	s1 =	sshrl.u32 s1, $0x2  }
0xc1: {  	s3 =	sand.u32 $0x4000, s31;
	s1 =	sadd.s32 s1, s30  }
0xc2: {  	s0 =	sor.u32 s3, s0;
	s1 =	sshll.u32 s1, $0x11  }
0xc3: {  	s0 =	sor.u32 s1, s0  }
0xc4: {  	s0 =	sadd.s32 $0x8F2B, s0  }
0xc5: {  	[sflag:s0] =	ssyncadd.remote.s32 $0x1  }
0xc6: {  	_ =	sfence.sel $0xFFFF  }
0xc7: {  	[dreg:$0x0] =	wrdreg $0xFFFFFFFF;
	(pc) =	sbr.abs _section_cstart, $3  }
0xc8: {  	[dreg:$0x1] =	wrdreg $0xFFFFFFFF  }
0xc9: {  	_ =	task.clear_ibuf [dreg:s9], $0x2FFFF;
	_ =	strace $0x9FFFFFFF  }
0xca: {  	(tm) =	ssettm $0x7FFFFFFF  }
0xcb: {  	_ =	shalt  }
tec
execute0_lowered:
.L_overlay_start_1:
0x0: {  	(tag) =	ssettag $0x1  }
0x1: {  	s1 =	rddreg [dreg:$0x0]  }
0x2: {  	s6 =	rddreg [dreg:$0x1]  }
0x3: {  	s5 =	rddreg [dreg:$0x2]  }
0x4: {  	s3 =	srdreg.scid;
	s0 =	rddreg [dreg:$0x3];
	s2 =	simm.s32 $0x0  }
0x5: {  	s11 =	simm.s32 $0x1880;
	s12 =	simm.s32 $0x2080;
	s13 =	simm.s32 $0x2880  }
0x6: {  	s14 =	simm.s32 $0x3080;
	s15 =	simm.s32 $0x3880;
	s16 =	simm.s32 $0x4080  }
0x7: {  	s17 =	simm.s32 $0x4880;
	s18 =	simm.s32 $0x5080;
	s19 =	simm.s32 $0x5880  }
0x8: {  	s20 =	simm.s32 $0x6080;
	s21 =	simm.s32 $0x6880;
	s22 =	simm.s32 $0x7080  }
0x9: {  	s23 =	simm.s32 $0x7880;
	s24 =	simm.s32 $0x1;
	s25 =	simm.s32 $0x0  }
0xa: {  	s7 =	sand.u32 $0x1, s3;
	[smem:$0x7FF] =	sst s2;
	s3 =	stileid.u32  }
0xb: {  	s4 =	ssub.s32 $0x2, s7;
	_ =	strace $0x80000047;
	s31 =	sshll.u32 s3, $0xA  }
0xc: {  	s9 =	sshll.u32 s7, $0x9;
	s10 =	sshll.u32 s3, $0xF;
	s7 =	sshll.u32 s7, $0xE  }
0xd: {  	s8 =	sshrl.u32 s4, $0x1;
	s5 =	sadd.s32 s10, s5;
	s10 =	simm.s32 $0x1080  }
0xe: {  	v2 =	vlaneseq.u32;
	s4 =	ssub.s32 s4, s8;
	s8 =	sor.u32 s9, s31;
	s5 =	sadd.s32 s7, s5  }
0xf: {  	vm0 =	vmmov $0xffff;
	v1 =	vshrl.u32 v2, $0x3;
	s7 =	simm.s32 $0x2;
	s9 =	simm.s32 $0x880;
	s8 =	sshrl.u32 s8, $0x3  }
0x10: {  	v0 =	vand.u32 $0x7, v2;
	v2 =	vor.u32 $0x8, v2;
	v1 =	vmul.u32 $0x8, v1;
	s4 =	smax.u32 s4, $0x1;
	s6 =	sadd.s32 s8, s6;
	s8 =	simm.s32 $0x80  }
.LBB2_1:
0x11: {  	s26 =	smov.u32 s5;
	s28 =	simm.s32 $0x0  }
.LBB2_2:
0x12: {  	s29 =	sadd.s32 s28, s6  }
0x13: {  	[tilespmem:s2], [sflag:$0x2] =	stream.linear.gather [hbm4b:s29+s2], $0x80, $0x38;
	[tilespmem:$0x8080] =	vst v63  }
0x14: {  	_ =	swait.ge [sflag:s7], $0x80  }
0x15: {  	[sflag:s7] =	ssyncset.done $0x0  }
0x16: {  	[sflag:s7] =	ssyncadd.s32 $0xFFFFFF80  }
0x17: {  	v3 =	vld [tilespmem:$0x0];
	_ =	sdelay $0x4  }
0x18: {  	v4 =	vshll.u32 v3, $0x1  }
0x19: {  	v3 =	vand.u32 $0x7, v3;
	v4 =	vand.u32 $0xFFFFFFF0, v4  }
0x1a: {  	v3 =	vor.u32 v3, v4  }
0x1b: {  	v4 =	vperm.xlane v3, v0;
	_ =	sdelay $0x1  }
0x1c: {  	v3 =	vperm.xlane v3, v2;
	v4 =	vadd.s32 v1, v4;
	_ =	sdelay $0x1  }
0x1d: {  	v3 =	vadd.s32 v1, v3;
	_ =	sdelay $0x2  }
0x1e: {  	[tilespmem:s8], [sflag:$0x1] =	stream.indirect_vreg.gather [hbm4b:s1+s2], $0x80, v4, vm0, $0xb8;
	[tilespmem:$0x8080] =	vst v63  }
0x1f: {  	_ = 	snop  }
0x20: {  	[tilespmem:s9], [sflag:$0x1] =	stream.indirect_vreg.gather [hbm4b:s1+s2], $0x80, v3, vm0, $0xb8;
	[tilespmem:$0x8080] =	vst v63  }
0x21: {  	v3 =	vld [tilespmem:$0x10];
	_ =	sdelay $0x4  }
0x22: {  	v57 =	vshll.u32 v3, $0x1  }
0x23: {  	v3 =	vand.u32 $0x7, v3;
	v4 =	vand.u32 $0xFFFFFFF0, v57  }
0x24: {  	v3 =	vor.u32 v3, v4  }
0x25: {  	v4 =	vperm.xlane v3, v0;
	_ =	sdelay $0x1  }
0x26: {  	v3 =	vperm.xlane v3, v2;
	v4 =	vadd.s32 v1, v4;
	_ =	sdelay $0x1  }
0x27: {  	v3 =	vadd.s32 v1, v3;
	_ =	sdelay $0x2  }
0x28: {  	[tilespmem:s10], [sflag:$0x1] =	stream.indirect_vreg.gather [hbm4b:s1+s2], $0x80, v4, vm0, $0xb8;
	[tilespmem:$0x8080] =	vst v63  }
0x29: {  	_ = 	snop  }
0x2a: {  	[tilespmem:s11], [sflag:$0x1] =	stream.indirect_vreg.gather [hbm4b:s1+s2], $0x80, v3, vm0, $0xb8;
	[tilespmem:$0x8080] =	vst v63  }
0x2b: {  	v3 =	vld [tilespmem:$0x20];
	_ =	sdelay $0x4  }
0x2c: {  	v58 =	vshll.u32 v3, $0x1  }
0x2d: {  	v3 =	vand.u32 $0x7, v3;
	v4 =	vand.u32 $0xFFFFFFF0, v58  }
0x2e: {  	v3 =	vor.u32 v3, v4  }
0x2f: {  	v4 =	vperm.xlane v3, v0;
	_ =	sdelay $0x1  }
0x30: {  	v3 =	vperm.xlane v3, v2;
	v4 =	vadd.s32 v1, v4;
	_ =	sdelay $0x1  }
0x31: {  	v3 =	vadd.s32 v1, v3;
	_ =	sdelay $0x2  }
0x32: {  	[tilespmem:s12], [sflag:$0x1] =	stream.indirect_vreg.gather [hbm4b:s1+s2], $0x80, v4, vm0, $0xb8;
	[tilespmem:$0x8080] =	vst v63  }
0x33: {  	_ = 	snop  }
0x34: {  	[tilespmem:s13], [sflag:$0x1] =	stream.indirect_vreg.gather [hbm4b:s1+s2], $0x80, v3, vm0, $0xb8;
	[tilespmem:$0x8080] =	vst v63  }
0x35: {  	v3 =	vld [tilespmem:$0x30];
	_ =	sdelay $0x4  }
0x36: {  	v59 =	vshll.u32 v3, $0x1  }
0x37: {  	v3 =	vand.u32 $0x7, v3;
	v4 =	vand.u32 $0xFFFFFFF0, v59  }
0x38: {  	v3 =	vor.u32 v3, v4  }
0x39: {  	v4 =	vperm.xlane v3, v0;
	_ =	sdelay $0x1  }
0x3a: {  	v3 =	vperm.xlane v3, v2;
	v4 =	vadd.s32 v1, v4;
	_ =	sdelay $0x1  }
0x3b: {  	v3 =	vadd.s32 v1, v3;
	_ =	sdelay $0x2  }
0x3c: {  	[tilespmem:s14], [sflag:$0x1] =	stream.indirect_vreg.gather [hbm4b:s1+s2], $0x80, v4, vm0, $0xb8;
	[tilespmem:$0x8080] =	vst v63  }
0x3d: {  	_ = 	snop  }
0x3e: {  	[tilespmem:s15], [sflag:$0x1] =	stream.indirect_vreg.gather [hbm4b:s1+s2], $0x80, v3, vm0, $0xb8;
	[tilespmem:$0x8080] =	vst v63  }
0x3f: {  	v3 =	vld [tilespmem:$0x40];
	_ =	sdelay $0x4  }
0x40: {  	v60 =	vshll.u32 v3, $0x1  }
0x41: {  	v3 =	vand.u32 $0x7, v3;
	v4 =	vand.u32 $0xFFFFFFF0, v60  }
0x42: {  	v3 =	vor.u32 v3, v4  }
0x43: {  	v4 =	vperm.xlane v3, v0;
	_ =	sdelay $0x1  }
0x44: {  	v3 =	vperm.xlane v3, v2;
	v4 =	vadd.s32 v1, v4;
	_ =	sdelay $0x1  }
0x45: {  	v3 =	vadd.s32 v1, v3;
	_ =	sdelay $0x2  }
0x46: {  	[tilespmem:s16], [sflag:$0x1] =	stream.indirect_vreg.gather [hbm4b:s1+s2], $0x80, v4, vm0, $0xb8;
	[tilespmem:$0x8080] =	vst v63  }
0x47: {  	_ = 	snop  }
0x48: {  	[tilespmem:s17], [sflag:$0x1] =	stream.indirect_vreg.gather [hbm4b:s1+s2], $0x80, v3, vm0, $0xb8;
	[tilespmem:$0x8080] =	vst v63  }
0x49: {  	v3 =	vld [tilespmem:$0x50];
	_ =	sdelay $0x4  }
0x4a: {  	v61 =	vshll.u32 v3, $0x1  }
0x4b: {  	v3 =	vand.u32 $0x7, v3;
	v4 =	vand.u32 $0xFFFFFFF0, v61  }
0x4c: {  	v3 =	vor.u32 v3, v4  }
0x4d: {  	v4 =	vperm.xlane v3, v0;
	_ =	sdelay $0x1  }
0x4e: {  	v3 =	vperm.xlane v3, v2;
	v4 =	vadd.s32 v1, v4;
	_ =	sdelay $0x1  }
0x4f: {  	v3 =	vadd.s32 v1, v3;
	_ =	sdelay $0x2  }
0x50: {  	[tilespmem:s18], [sflag:$0x1] =	stream.indirect_vreg.gather [hbm4b:s1+s2], $0x80, v4, vm0, $0xb8;
	[tilespmem:$0x8080] =	vst v63  }
0x51: {  	_ = 	snop  }
0x52: {  	[tilespmem:s19], [sflag:$0x1] =	stream.indirect_vreg.gather [hbm4b:s1+s2], $0x80, v3, vm0, $0xb8;
	[tilespmem:$0x8080] =	vst v63  }
0x53: {  	v3 =	vld [tilespmem:$0x60];
	_ =	sdelay $0x4  }
0x54: {  	v62 =	vshll.u32 v3, $0x1  }
0x55: {  	v3 =	vand.u32 $0x7, v3;
	v4 =	vand.u32 $0xFFFFFFF0, v62  }
0x56: {  	v3 =	vor.u32 v3, v4  }
0x57: {  	v4 =	vperm.xlane v3, v0;
	_ =	sdelay $0x1  }
0x58: {  	v3 =	vperm.xlane v3, v2;
	v4 =	vadd.s32 v1, v4;
	_ =	sdelay $0x1  }
0x59: {  	v3 =	vadd.s32 v1, v3;
	_ =	sdelay $0x2  }
0x5a: {  	[tilespmem:s20], [sflag:$0x1] =	stream.indirect_vreg.gather [hbm4b:s1+s2], $0x80, v4, vm0, $0xb8;
	[tilespmem:$0x8080] =	vst v63  }
0x5b: {  	_ = 	snop  }
0x5c: {  	[tilespmem:s21], [sflag:$0x1] =	stream.indirect_vreg.gather [hbm4b:s1+s2], $0x80, v3, vm0, $0xb8;
	[tilespmem:$0x8080] =	vst v63  }
0x5d: {  	v3 =	vld [tilespmem:$0x70];
	_ =	sdelay $0x4  }
0x5e: {  	v63 =	vshll.u32 v3, $0x1  }
0x5f: {  	v3 =	vand.u32 $0x7, v3;
	v4 =	vand.u32 $0xFFFFFFF0, v63  }
0x60: {  	v3 =	vor.u32 v3, v4  }
0x61: {  	v4 =	vperm.xlane v3, v0;
	_ =	sdelay $0x1  }
0x62: {  	v3 =	vperm.xlane v3, v2;
	v4 =	vadd.s32 v1, v4;
	_ =	sdelay $0x1  }
0x63: {  	v3 =	vadd.s32 v1, v3;
	_ =	sdelay $0x2  }
0x64: {  	[tilespmem:s22], [sflag:$0x1] =	stream.indirect_vreg.gather [hbm4b:s1+s2], $0x80, v4, vm0, $0xb8;
	[tilespmem:$0x8080] =	vst v63  }
0x65: {  	_ = 	snop  }
0x66: {  	[tilespmem:s23], [sflag:$0x1] =	stream.indirect_vreg.gather [hbm4b:s1+s2], $0x80, v3, vm0, $0xb8;
	[tilespmem:$0x8080] =	vst v63  }
0x67: {  	_ =	swait.ge [sflag:s24], $0x8000  }
0x68: {  	p0 =	sne.s32 s28, $0x30;
	[sflag:s24] =	ssyncset.done $0x0  }
.Ltmp0:
0x69: {  	[sflag:s24] =	ssyncadd.s32 $0xFFFF8000;
	(pc) =	sbr.rel @p0 .LBB2_2-.Ltmp0, $4  }
0x6a: {  	[hbm4b:s26+s2] =	stream.linear.scatter [tilespmem:s8], [sflag:$0x2], $0x8000, $0x38;
	[tilespmem:$0x8080] =	vst v63  }
0x6b: {  	_ =	swait.ge [sflag:s7], $0x8000  }
0x6c: {  	[sflag:s7] =	ssyncset.done $0x0  }
0x6d: {  	s28 =	sadd.s32 $0x10, s28;
	s26 =	sadd.s32 $0x1000, s26;
	[sflag:s7] =	ssyncadd.s32 $0xFFFF8000  }
0x6e: {  	s25 =	sadd.s32 $0x1, s25  }
0x6f: {  	p0 =	sne.s32 s25, s4  }
.Ltmp1:
0x70: {  	_ = 	snop;
	(pc) =	sbr.rel @p0 .LBB2_1-.Ltmp1, $1  }
0x71: {  	_ =	sdelay $0x3  }
0x72: {  	_ =	sfence.sel $0x180000  }
0x73: {  	[bflag:$0x0] =	sbarrier.arrive $0xFFFF  }
0x74: {  	p0 =	sne.s32 s3, $0x0;
	_ =	strace $0x90000047  }
0x75: {  	s0 =	sadd.s32 @!p0 $0x100000, s0;
	[bflag:$0x2] =	sbarrier.arrive $0xFFFF  }
0x76: {  	[sflag:s0] =	ssyncadd.tile.s32 @!p0 $0x1;
	_ =	shalt  }
.Lfunc_end2:
_tile_overlayer_lowered:
.L_overlay_start_2:
0x77: {  	(tag) =	ssettag $0x2  }
0x78: {  	s0 =	rddreg [dreg:$0x0];
	s2 =	stileid.u32  }
0x79: {  	s1 =	rddreg [dreg:$0x1];
	p0 =	sne.s32 s2, $0x0  }
0x7a: {  	s3 =	rddreg [dreg:$0x2];
	[bflag:$0x3] =	sbarrier.arrive $0xFFFF;
	s2 =	simm.s32 @!p0 $0x1C02  }
0x7b: {  	[timem:s3], [sflag:s2] =	dma.local @!p0 [hbm:s0], s1  }
0x7c: {  	s0 =	simm.s32 @!p0 $0x2  }
0x7d: {  	_ =	swait.ge @!p0 [sflag:s0], s1  }
0x7e: {  	s1 =	ssub.s32 @!p0 $0x0, s1;
	[sflag:s0] =	ssyncset.done @!p0 $0x0  }
0x7f: {  	[sflag:s0] =	ssyncadd.s32 @!p0 s1  }
0x80: {  	[bflag:$0x3] =	sbarrier.arrive $0xFFFF  }
0x81: {  	_ =	shalt  }

</sc_bundles>
